<compile_context>
chip_gen: v7x
topology: tpu7x:2x2x1
jax: 0.10.2.dev20260603
libtpu: 0.0.44.dev20260713+nightly
codegen_flags: <defaults>
</compile_context>

<pallas_src>
import functools

import jax
import jax.numpy as jnp
from jax import lax
from jax.experimental import pallas as pl
from jax.experimental.pallas import tpu as pltpu
from jax.experimental.pallas import tpu_sc as plsc

VOCAB = 1000000
EMBED = 32
NCLS = 2
BATCH = 4096
SEQ = 200

NC = 2
NS = 16
L = 16
NW = NC * NS
BPW = BATCH // NW
CH = 8
NCHUNK = BPW // CH
HALF = SEQ // 2
UNROLL = 4

_mesh = plsc.VectorSubcoreMesh(core_axis_name="c", subcore_axis_name="s")


@functools.partial(
    pl.kernel,
    mesh=_mesh,
    compiler_params=pltpu.CompilerParams(use_tc_tiling_on_sc=False),
    out_type=jax.ShapeDtypeStruct((BATCH, EMBED), jnp.float32),
    scratch_types=[
        pltpu.VMEM((2 * CH, HALF), jnp.int32),
        pltpu.VMEM((2 * CH, HALF), jnp.int32),
        pltpu.VMEM((2 * CH, HALF, EMBED), jnp.float32),
        pltpu.VMEM((2 * CH, HALF, EMBED), jnp.float32),
        pltpu.VMEM((BPW, EMBED), jnp.float32),
        pltpu.SemaphoreType.DMA,
        pltpu.SemaphoreType.DMA,
    ],
)
def _pooled_sum(x_hbm, table_hbm, out_hbm,
                idx_a, idx_b, rows_a, rows_b, acc_v, sem_a, sem_b):
    wid = lax.axis_index("s") * NC + lax.axis_index("c")
    base = wid * BPW

    def stage(ci, idx_v, rows_v, sem):
        pltpu.sync_copy(
            x_hbm.at[pl.ds((base + ci * CH) * 2, 2 * CH)], idx_v)
        for j in range(2 * CH):
            pltpu.async_copy(table_hbm.at[idx_v.at[j]], rows_v.at[j], sem)

    def drain(rows_v, sem):
        for j in range(2 * CH):
            pltpu.make_async_copy(
                table_hbm.at[pl.ds(0, HALF)], rows_v.at[j], sem).wait()

    def consume(ci, rows_v):
        for r in range(CH):
            def sbody(i, acc, _r=r):
                a0, a1 = acc
                for k in range(UNROLL):
                    s = i * UNROLL + k
                    a0 = a0 + rows_v[2 * _r, s, pl.ds(0, L)]
                    a1 = a1 + rows_v[2 * _r, s, pl.ds(L, L)]
                    a0 = a0 + rows_v[2 * _r + 1, s, pl.ds(0, L)]
                    a1 = a1 + rows_v[2 * _r + 1, s, pl.ds(L, L)]
                return a0, a1
            z = jnp.zeros((L,), jnp.float32)
            a0, a1 = lax.fori_loop(0, HALF // UNROLL, sbody, (z, z))
            acc_v[ci * CH + r, pl.ds(0, L)] = a0
            acc_v[ci * CH + r, pl.ds(L, L)] = a1

    stage(0, idx_a, rows_a, sem_a)

    def pair_body(j, carry):
        stage(2 * j + 1, idx_b, rows_b, sem_b)
        drain(rows_a, sem_a)
        consume(2 * j, rows_a)

        @pl.when(j + 1 < NCHUNK // 2)
        def _():
            stage(2 * j + 2, idx_a, rows_a, sem_a)

        drain(rows_b, sem_b)
        consume(2 * j + 1, rows_b)
        return carry

    lax.fori_loop(0, NCHUNK // 2, pair_body, 0)
    pltpu.sync_copy(acc_v, out_hbm.at[pl.ds(base, BPW)])


def _head_body(p_ref, w_ref, b_ref, o_ref):
    pooled = p_ref[...] * (1.0 / SEQ)
    o_ref[...] = (
        jnp.dot(pooled, w_ref[...], preferred_element_type=jnp.float32,
                precision=lax.Precision.HIGHEST)
        + b_ref[...]
    )


_head = pl.pallas_call(
    _head_body,
    out_shape=jax.ShapeDtypeStruct((BATCH, NCLS), jnp.float32),
)


def kernel(x, table, W, b):
    x2 = x.astype(jnp.int32).reshape(BATCH * 2, HALF)
    pooled = _pooled_sum(x2, table)
    return _head(pooled, W, b.reshape(1, NCLS))

# --- scband reference (transcript-rebuilt; emitter-appended) ---
"""Pipeline reference for scband-sentiment-classifier-40759239639385 (READ-ONLY COPY).

The authoritative reference and input builder live on the scoring server;
editing this copy changes nothing except your own understanding.
"""

import jax, jax.numpy as jnp
import numpy as np

VOCAB = 1000000
EMBED = 32
NUM_CLASSES = 2
BATCH = 4096
SEQ = 200

def setup_inputs(seed: int = 0) -> dict:
    key = jax.random.key(seed)
    k1, k2, k3, k4 = jax.random.split(key, 4)
    x = jax.random.randint(k1, (BATCH, SEQ), 0, VOCAB, dtype=jnp.int64 if jax.config.jax_enable_x64 else jnp.int32)
    table = jax.random.normal(k2, (VOCAB, EMBED), dtype=jnp.float32) * 0.02
    W = jax.random.normal(k3, (EMBED, NUM_CLASSES), dtype=jnp.float32) * (1.0 / np.sqrt(EMBED))
    b = jnp.zeros((NUM_CLASSES,), dtype=jnp.float32)
    return {"x": x, "table": table, "W": W, "b": b}

def reference(x, table, W, b):
    # nn.Embedding lookup -> gather
    embedded = jnp.take(table, x, axis=0)            # [B, S, D]
    # mean-pool over sequence dim
    pooled = jnp.mean(embedded, axis=1)              # [B, D]
    # dropout is identity in eval mode
    logits = pooled @ W + b                          # [B, C]
    return logits

if __name__ == "__main__":
    import jax
    _d = setup_inputs()
    print(jax.jit(kernel)(*tuple(_d.values())))

</pallas_src>

<mosaic_0001>
#map = affine_map<(d0, d1) -> (0, 0)>
module attributes {stable_mosaic.version = 14 : i64} {
  func.func @_pooled_sum(%arg0: i32, %arg1: i32, %arg2: memref<8192x100xi32, #tpu.memory_space<hbm>>, %arg3: memref<1000000x32xf32, #tpu.memory_space<hbm>>, %arg4: memref<4096x32xf32, #tpu.memory_space<hbm>>, %arg5: memref<16x100xi32, #tpu.memory_space<vmem>>, %arg6: memref<16x100xi32, #tpu.memory_space<vmem>>, %arg7: memref<16x100x32xf32, #tpu.memory_space<vmem>>, %arg8: memref<16x100x32xf32, #tpu.memory_space<vmem>>, %arg9: memref<128x32xf32, #tpu.memory_space<vmem>>, %arg10: memref<!tpu.dma_semaphore, #tpu.memory_space<semaphore_mem>>, %arg11: memref<!tpu.dma_semaphore, #tpu.memory_space<semaphore_mem>>) attributes {dimension_semantics = [#tpu.dimension_semantics<core_parallel>, #tpu.dimension_semantics<subcore_parallel>], iteration_bounds = array<i64: 2, 16>, scalar_prefetch = 0 : i64, scratch_operands = 7 : i64, tpu.core_type = #tpu.core_type<sc_vector_subcore>, window_params = [{transform_indices = #map}, {transform_indices = #map}, {transform_indices = #map}]} {
    %mul3A = arith.constant 2 : i32
    %mul3A_0 = arith.muli %arg1, %mul3A : i32
    %add3A = arith.addi %mul3A_0, %arg0 : i32
    %mul3A_1 = arith.constant 128 : i32
    %mul3A_2 = arith.muli %add3A, %mul3A_1 : i32
    %add3A_3 = arith.constant 0 : i32
    %add3A_4 = arith.addi %mul3A_2, %add3A_3 : i32
    %mul3A_5 = arith.constant 2 : i32
    %mul3A_6 = arith.muli %add3A_4, %mul3A_5 : i32
    "tpu.region"() ({
      %run_scoped3A = tpu.sem_alloc : memref<!tpu.dma_semaphore, #tpu.memory_space<semaphore_mem>>
      %dma_start3A_203 = arith.constant 0 : i32
      %dma_start3A_204 = tpu.memref_slice %arg2[%mul3A_6, %dma_start3A_203] : memref<8192x100xi32, #tpu.memory_space<hbm>> -> memref<16x100xi32, #tpu.memory_space<hbm>>
      %dma_start3A_205 = arith.constant 0 : i32
      %dma_start3A_206 = tpu.memref_slice %arg2[%mul3A_6, %dma_start3A_205] : memref<8192x100xi32, #tpu.memory_space<hbm>> -> memref<16x100xi32, #tpu.memory_space<hbm>>
      tpu.enqueue_dma source(%dma_start3A_206 : memref<16x100xi32, #tpu.memory_space<hbm>>) target(%arg5 : memref<16x100xi32, #tpu.memory_space<vmem>>) target_semaphore(%run_scoped3A : memref<!tpu.dma_semaphore, #tpu.memory_space<semaphore_mem>>)
      %dma_wait3A = arith.constant 0 : i32
      %dma_wait3A_207 = tpu.memref_slice %arg2[%mul3A_6, %dma_wait3A] : memref<8192x100xi32, #tpu.memory_space<hbm>> -> memref<16x100xi32, #tpu.memory_space<hbm>>
      %dma_wait3A_208 = arith.constant 0 : i32
      %dma_wait3A_209 = tpu.memref_slice %arg2[%mul3A_6, %dma_wait3A_208] : memref<8192x100xi32, #tpu.memory_space<hbm>> -> memref<16x100xi32, #tpu.memory_space<hbm>>
      tpu.wait_dma2 semaphore(%run_scoped3A : memref<!tpu.dma_semaphore, #tpu.memory_space<semaphore_mem>>) src(%dma_wait3A_209 : memref<16x100xi32, #tpu.memory_space<hbm>>) dst(%arg5 : memref<16x100xi32, #tpu.memory_space<vmem>>)
      tpu.yield
    }) : () -> ()
    %dma_start3A = arith.constant 0 : i32
    %dma_start3A_7 = arith.constant 0 : i32
    %dma_start3A_8 = arith.constant 0 : i32
    %dma_start3A_9 = arith.constant 0 : i32
    %dma_start3A_10 = tpu.memref_slice %arg7[%dma_start3A_7, %dma_start3A_8, %dma_start3A_9] : memref<16x100x32xf32, #tpu.memory_space<vmem>> -> memref<1x100x32xf32, #tpu.memory_space<vmem>>
    %dma_start3A_11 = tpu.memref_squeeze %dma_start3A_10 : memref<1x100x32xf32, #tpu.memory_space<vmem>> -> memref<100x32xf32, #tpu.memory_space<vmem>>
    %dma_start3A_12 = arith.constant 0 : i32
    %dma_start3A_13 = tpu.memref_slice %arg5[%dma_start3A, %dma_start3A_12] : memref<16x100xi32, #tpu.memory_space<vmem>> -> memref<1x100xi32, #tpu.memory_space<vmem>>
    %dma_start3A_14 = tpu.memref_squeeze %dma_start3A_13 : memref<1x100xi32, #tpu.memory_space<vmem>> -> memref<100xi32, #tpu.memory_space<vmem>>
    %dma_start3A_15 = arith.constant 0 : i32
    %dma_start3A_16 = arith.constant 0 : i32
    %dma_start3A_17 = tpu.memref_slice %arg3[%dma_start3A_15, %dma_start3A_16] : memref<1000000x32xf32, #tpu.memory_space<hbm>> -> memref<1000000x32xf32, #tpu.memory_space<hbm>>
    tpu.enqueue_indirect_dma source(%dma_start3A_17 : memref<1000000x32xf32, #tpu.memory_space<hbm>>) target(%dma_start3A_11 : memref<100x32xf32, #tpu.memory_space<vmem>>) offsets(%dma_start3A_14 : memref<100xi32, #tpu.memory_space<vmem>>) semaphore(%arg10 : memref<!tpu.dma_semaphore, #tpu.memory_space<semaphore_mem>>)
    %dma_start3A_18 = arith.constant 1 : i32
    %dma_start3A_19 = arith.constant 1 : i32
    %dma_start3A_20 = arith.constant 0 : i32
    %dma_start3A_21 = arith.constant 0 : i32
    %dma_start3A_22 = tpu.memref_slice %arg7[%dma_start3A_19, %dma_start3A_20, %dma_start3A_21] : memref<16x100x32xf32, #tpu.memory_space<vmem>> -> memref<1x100x32xf32, #tpu.memory_space<vmem>>
    %dma_start3A_23 = tpu.memref_squeeze %dma_start3A_22 : memref<1x100x32xf32, #tpu.memory_space<vmem>> -> memref<100x32xf32, #tpu.memory_space<vmem>>
    %dma_start3A_24 = arith.constant 0 : i32
    %dma_start3A_25 = tpu.memref_slice %arg5[%dma_start3A_18, %dma_start3A_24] : memref<16x100xi32, #tpu.memory_space<vmem>> -> memref<1x100xi32, #tpu.memory_space<vmem>>
    %dma_start3A_26 = tpu.memref_squeeze %dma_start3A_25 : memref<1x100xi32, #tpu.memory_space<vmem>> -> memref<100xi32, #tpu.memory_space<vmem>>
    %dma_start3A_27 = arith.constant 0 : i32
    %dma_start3A_28 = arith.constant 0 : i32
    %dma_start3A_29 = tpu.memref_slice %arg3[%dma_start3A_27, %dma_start3A_28] : memref<1000000x32xf32, #tpu.memory_space<hbm>> -> memref<1000000x32xf32, #tpu.memory_space<hbm>>
    tpu.enqueue_indirect_dma source(%dma_start3A_29 : memref<1000000x32xf32, #tpu.memory_space<hbm>>) target(%dma_start3A_23 : memref<100x32xf32, #tpu.memory_space<vmem>>) offsets(%dma_start3A_26 : memref<100xi32, #tpu.memory_space<vmem>>) semaphore(%arg10 : memref<!tpu.dma_semaphore, #tpu.memory_space<semaphore_mem>>)
    %dma_start3A_30 = arith.constant 2 : i32
    %dma_start3A_31 = arith.constant 2 : i32
    %dma_start3A_32 = arith.constant 0 : i32
    %dma_start3A_33 = arith.constant 0 : i32
    %dma_start3A_34 = tpu.memref_slice %arg7[%dma_start3A_31, %dma_start3A_32, %dma_start3A_33] : memref<16x100x32xf32, #tpu.memory_space<vmem>> -> memref<1x100x32xf32, #tpu.memory_space<vmem>>
    %dma_start3A_35 = tpu.memref_squeeze %dma_start3A_34 : memref<1x100x32xf32, #tpu.memory_space<vmem>> -> memref<100x32xf32, #tpu.memory_space<vmem>>
    %dma_start3A_36 = arith.constant 0 : i32
    %dma_start3A_37 = tpu.memref_slice %arg5[%dma_start3A_30, %dma_start3A_36] : memref<16x100xi32, #tpu.memory_space<vmem>> -> memref<1x100xi32, #tpu.memory_space<vmem>>
    %dma_start3A_38 = tpu.memref_squeeze %dma_start3A_37 : memref<1x100xi32, #tpu.memory_space<vmem>> -> memref<100xi32, #tpu.memory_space<vmem>>
    %dma_start3A_39 = arith.constant 0 : i32
    %dma_start3A_40 = arith.constant 0 : i32
    %dma_start3A_41 = tpu.memref_slice %arg3[%dma_start3A_39, %dma_start3A_40] : memref<1000000x32xf32, #tpu.memory_space<hbm>> -> memref<1000000x32xf32, #tpu.memory_space<hbm>>
    tpu.enqueue_indirect_dma source(%dma_start3A_41 : memref<1000000x32xf32, #tpu.memory_space<hbm>>) target(%dma_start3A_35 : memref<100x32xf32, #tpu.memory_space<vmem>>) offsets(%dma_start3A_38 : memref<100xi32, #tpu.memory_space<vmem>>) semaphore(%arg10 : memref<!tpu.dma_semaphore, #tpu.memory_space<semaphore_mem>>)
    %dma_start3A_42 = arith.constant 3 : i32
    %dma_start3A_43 = arith.constant 3 : i32
    %dma_start3A_44 = arith.constant 0 : i32
    %dma_start3A_45 = arith.constant 0 : i32
    %dma_start3A_46 = tpu.memref_slice %arg7[%dma_start3A_43, %dma_start3A_44, %dma_start3A_45] : memref<16x100x32xf32, #tpu.memory_space<vmem>> -> memref<1x100x32xf32, #tpu.memory_space<vmem>>
    %dma_start3A_47 = tpu.memref_squeeze %dma_start3A_46 : memref<1x100x32xf32, #tpu.memory_space<vmem>> -> memref<100x32xf32, #tpu.memory_space<vmem>>
    %dma_start3A_48 = arith.constant 0 : i32
    %dma_start3A_49 = tpu.memref_slice %arg5[%dma_start3A_42, %dma_start3A_48] : memref<16x100xi32, #tpu.memory_space<vmem>> -> memref<1x100xi32, #tpu.memory_space<vmem>>
    %dma_start3A_50 = tpu.memref_squeeze %dma_start3A_49 : memref<1x100xi32, #tpu.memory_space<vmem>> -> memref<100xi32, #tpu.memory_space<vmem>>
    %dma_start3A_51 = arith.constant 0 : i32
    %dma_start3A_52 = arith.constant 0 : i32
    %dma_start3A_53 = tpu.memref_slice %arg3[%dma_start3A_51, %dma_start3A_52] : memref<1000000x32xf32, #tpu.memory_space<hbm>> -> memref<1000000x32xf32, #tpu.memory_space<hbm>>
    tpu.enqueue_indirect_dma source(%dma_start3A_53 : memref<1000000x32xf32, #tpu.memory_space<hbm>>) target(%dma_start3A_47 : memref<100x32xf32, #tpu.memory_space<vmem>>) offsets(%dma_start3A_50 : memref<100xi32, #tpu.memory_space<vmem>>) semaphore(%arg10 : memref<!tpu.dma_semaphore, #tpu.memory_space<semaphore_mem>>)
    %dma_start3A_54 = arith.constant 4 : i32
    %dma_start3A_55 = arith.constant 4 : i32
    %dma_start3A_56 = arith.constant 0 : i32
    %dma_start3A_57 = arith.constant 0 : i32
    %dma_start3A_58 = tpu.memref_slice %arg7[%dma_start3A_55, %dma_start3A_56, %dma_start3A_57] : memref<16x100x32xf32, #tpu.memory_space<vmem>> -> memref<1x100x32xf32, #tpu.memory_space<vmem>>
    %dma_start3A_59 = tpu.memref_squeeze %dma_start3A_58 : memref<1x100x32xf32, #tpu.memory_space<vmem>> -> memref<100x32xf32, #tpu.memory_space<vmem>>
    %dma_start3A_60 = arith.constant 0 : i32
    %dma_start3A_61 = tpu.memref_slice %arg5[%dma_start3A_54, %dma_start3A_60] : memref<16x100xi32, #tpu.memory_space<vmem>> -> memref<1x100xi32, #tpu.memory_space<vmem>>
    %dma_start3A_62 = tpu.memref_squeeze %dma_start3A_61 : memref<1x100xi32, #tpu.memory_space<vmem>> -> memref<100xi32, #tpu.memory_space<vmem>>
    %dma_start3A_63 = arith.constant 0 : i32
    %dma_start3A_64 = arith.constant 0 : i32
    %dma_start3A_65 = tpu.memref_slice %arg3[%dma_start3A_63, %dma_start3A_64] : memref<1000000x32xf32, #tpu.memory_space<hbm>> -> memref<1000000x32xf32, #tpu.memory_space<hbm>>
    tpu.enqueue_indirect_dma source(%dma_start3A_65 : memref<1000000x32xf32, #tpu.memory_space<hbm>>) target(%dma_start3A_59 : memref<100x32xf32, #tpu.memory_space<vmem>>) offsets(%dma_start3A_62 : memref<100xi32, #tpu.memory_space<vmem>>) semaphore(%arg10 : memref<!tpu.dma_semaphore, #tpu.memory_space<semaphore_mem>>)
    %dma_start3A_66 = arith.constant 5 : i32
    %dma_start3A_67 = arith.constant 5 : i32
    %dma_start3A_68 = arith.constant 0 : i32
    %dma_start3A_69 = arith.constant 0 : i32
    %dma_start3A_70 = tpu.memref_slice %arg7[%dma_start3A_67, %dma_start3A_68, %dma_start3A_69] : memref<16x100x32xf32, #tpu.memory_space<vmem>> -> memref<1x100x32xf32, #tpu.memory_space<vmem>>
    %dma_start3A_71 = tpu.memref_squeeze %dma_start3A_70 : memref<1x100x32xf32, #tpu.memory_space<vmem>> -> memref<100x32xf32, #tpu.memory_space<vmem>>
    %dma_start3A_72 = arith.constant 0 : i32
    %dma_start3A_73 = tpu.memref_slice %arg5[%dma_start3A_66, %dma_start3A_72] : memref<16x100xi32, #tpu.memory_space<vmem>> -> memref<1x100xi32, #tpu.memory_space<vmem>>
    %dma_start3A_74 = tpu.memref_squeeze %dma_start3A_73 : memref<1x100xi32, #tpu.memory_space<vmem>> -> memref<100xi32, #tpu.memory_space<vmem>>
    %dma_start3A_75 = arith.constant 0 : i32
    %dma_start3A_76 = arith.constant 0 : i32
    %dma_start3A_77 = tpu.memref_slice %arg3[%dma_start3A_75, %dma_start3A_76] : memref<1000000x32xf32, #tpu.memory_space<hbm>> -> memref<1000000x32xf32, #tpu.memory_space<hbm>>
    tpu.enqueue_indirect_dma source(%dma_start3A_77 : memref<1000000x32xf32, #tpu.memory_space<hbm>>) target(%dma_start3A_71 : memref<100x32xf32, #tpu.memory_space<vmem>>) offsets(%dma_start3A_74 : memref<100xi32, #tpu.memory_space<vmem>>) semaphore(%arg10 : memref<!tpu.dma_semaphore, #tpu.memory_space<semaphore_mem>>)
    %dma_start3A_78 = arith.constant 6 : i32
    %dma_start3A_79 = arith.constant 6 : i32
    %dma_start3A_80 = arith.constant 0 : i32
    %dma_start3A_81 = arith.constant 0 : i32
    %dma_start3A_82 = tpu.memref_slice %arg7[%dma_start3A_79, %dma_start3A_80, %dma_start3A_81] : memref<16x100x32xf32, #tpu.memory_space<vmem>> -> memref<1x100x32xf32, #tpu.memory_space<vmem>>
    %dma_start3A_83 = tpu.memref_squeeze %dma_start3A_82 : memref<1x100x32xf32, #tpu.memory_space<vmem>> -> memref<100x32xf32, #tpu.memory_space<vmem>>
    %dma_start3A_84 = arith.constant 0 : i32
    %dma_start3A_85 = tpu.memref_slice %arg5[%dma_start3A_78, %dma_start3A_84] : memref<16x100xi32, #tpu.memory_space<vmem>> -> memref<1x100xi32, #tpu.memory_space<vmem>>
    %dma_start3A_86 = tpu.memref_squeeze %dma_start3A_85 : memref<1x100xi32, #tpu.memory_space<vmem>> -> memref<100xi32, #tpu.memory_space<vmem>>
    %dma_start3A_87 = arith.constant 0 : i32
    %dma_start3A_88 = arith.constant 0 : i32
    %dma_start3A_89 = tpu.memref_slice %arg3[%dma_start3A_87, %dma_start3A_88] : memref<1000000x32xf32, #tpu.memory_space<hbm>> -> memref<1000000x32xf32, #tpu.memory_space<hbm>>
    tpu.enqueue_indirect_dma source(%dma_start3A_89 : memref<1000000x32xf32, #tpu.memory_space<hbm>>) target(%dma_start3A_83 : memref<100x32xf32, #tpu.memory_space<vmem>>) offsets(%dma_start3A_86 : memref<100xi32, #tpu.memory_space<vmem>>) semaphore(%arg10 : memref<!tpu.dma_semaphore, #tpu.memory_space<semaphore_mem>>)
    %dma_start3A_90 = arith.constant 7 : i32
    %dma_start3A_91 = arith.constant 7 : i32
    %dma_start3A_92 = arith.constant 0 : i32
    %dma_start3A_93 = arith.constant 0 : i32
    %dma_start3A_94 = tpu.memref_slice %arg7[%dma_start3A_91, %dma_start3A_92, %dma_start3A_93] : memref<16x100x32xf32, #tpu.memory_space<vmem>> -> memref<1x100x32xf32, #tpu.memory_space<vmem>>
    %dma_start3A_95 = tpu.memref_squeeze %dma_start3A_94 : memref<1x100x32xf32, #tpu.memory_space<vmem>> -> memref<100x32xf32, #tpu.memory_space<vmem>>
    %dma_start3A_96 = arith.constant 0 : i32
    %dma_start3A_97 = tpu.memref_slice %arg5[%dma_start3A_90, %dma_start3A_96] : memref<16x100xi32, #tpu.memory_space<vmem>> -> memref<1x100xi32, #tpu.memory_space<vmem>>
    %dma_start3A_98 = tpu.memref_squeeze %dma_start3A_97 : memref<1x100xi32, #tpu.memory_space<vmem>> -> memref<100xi32, #tpu.memory_space<vmem>>
    %dma_start3A_99 = arith.constant 0 : i32
    %dma_start3A_100 = arith.constant 0 : i32
    %dma_start3A_101 = tpu.memref_slice %arg3[%dma_start3A_99, %dma_start3A_100] : memref<1000000x32xf32, #tpu.memory_space<hbm>> -> memref<1000000x32xf32, #tpu.memory_space<hbm>>
    tpu.enqueue_indirect_dma source(%dma_start3A_101 : memref<1000000x32xf32, #tpu.memory_space<hbm>>) target(%dma_start3A_95 : memref<100x32xf32, #tpu.memory_space<vmem>>) offsets(%dma_start3A_98 : memref<100xi32, #tpu.memory_space<vmem>>) semaphore(%arg10 : memref<!tpu.dma_semaphore, #tpu.memory_space<semaphore_mem>>)
    %dma_start3A_102 = arith.constant 8 : i32
    %dma_start3A_103 = arith.constant 8 : i32
    %dma_start3A_104 = arith.constant 0 : i32
    %dma_start3A_105 = arith.constant 0 : i32
    %dma_start3A_106 = tpu.memref_slice %arg7[%dma_start3A_103, %dma_start3A_104, %dma_start3A_105] : memref<16x100x32xf32, #tpu.memory_space<vmem>> -> memref<1x100x32xf32, #tpu.memory_space<vmem>>
    %dma_start3A_107 = tpu.memref_squeeze %dma_start3A_106 : memref<1x100x32xf32, #tpu.memory_space<vmem>> -> memref<100x32xf32, #tpu.memory_space<vmem>>
    %dma_start3A_108 = arith.constant 0 : i32
    %dma_start3A_109 = tpu.memref_slice %arg5[%dma_start3A_102, %dma_start3A_108] : memref<16x100xi32, #tpu.memory_space<vmem>> -> memref<1x100xi32, #tpu.memory_space<vmem>>
    %dma_start3A_110 = tpu.memref_squeeze %dma_start3A_109 : memref<1x100xi32, #tpu.memory_space<vmem>> -> memref<100xi32, #tpu.memory_space<vmem>>
    %dma_start3A_111 = arith.constant 0 : i32
    %dma_start3A_112 = arith.constant 0 : i32
    %dma_start3A_113 = tpu.memref_slice %arg3[%dma_start3A_111, %dma_start3A_112] : memref<1000000x32xf32, #tpu.memory_space<hbm>> -> memref<1000000x32xf32, #tpu.memory_space<hbm>>
    tpu.enqueue_indirect_dma source(%dma_start3A_113 : memref<1000000x32xf32, #tpu.memory_space<hbm>>) target(%dma_start3A_107 : memref<100x32xf32, #tpu.memory_space<vmem>>) offsets(%dma_start3A_110 : memref<100xi32, #tpu.memory_space<vmem>>) semaphore(%arg10 : memref<!tpu.dma_semaphore, #tpu.memory_space<semaphore_mem>>)
    %dma_start3A_114 = arith.constant 9 : i32
    %dma_start3A_115 = arith.constant 9 : i32
    %dma_start3A_116 = arith.constant 0 : i32
    %dma_start3A_117 = arith.constant 0 : i32
    %dma_start3A_118 = tpu.memref_slice %arg7[%dma_start3A_115, %dma_start3A_116, %dma_start3A_117] : memref<16x100x32xf32, #tpu.memory_space<vmem>> -> memref<1x100x32xf32, #tpu.memory_space<vmem>>
    %dma_start3A_119 = tpu.memref_squeeze %dma_start3A_118 : memref<1x100x32xf32, #tpu.memory_space<vmem>> -> memref<100x32xf32, #tpu.memory_space<vmem>>
    %dma_start3A_120 = arith.constant 0 : i32
    %dma_start3A_121 = tpu.memref_slice %arg5[%dma_start3A_114, %dma_start3A_120] : memref<16x100xi32, #tpu.memory_space<vmem>> -> memref<1x100xi32, #tpu.memory_space<vmem>>
    %dma_start3A_122 = tpu.memref_squeeze %dma_start3A_121 : memref<1x100xi32, #tpu.memory_space<vmem>> -> memref<100xi32, #tpu.memory_space<vmem>>
    %dma_start3A_123 = arith.constant 0 : i32
    %dma_start3A_124 = arith.constant 0 : i32
    %dma_start3A_125 = tpu.memref_slice %arg3[%dma_start3A_123, %dma_start3A_124] : memref<1000000x32xf32, #tpu.memory_space<hbm>> -> memref<1000000x32xf32, #tpu.memory_space<hbm>>
    tpu.enqueue_indirect_dma source(%dma_start3A_125 : memref<1000000x32xf32, #tpu.memory_space<hbm>>) target(%dma_start3A_119 : memref<100x32xf32, #tpu.memory_space<vmem>>) offsets(%dma_start3A_122 : memref<100xi32, #tpu.memory_space<vmem>>) semaphore(%arg10 : memref<!tpu.dma_semaphore, #tpu.memory_space<semaphore_mem>>)
    %dma_start3A_126 = arith.constant 10 : i32
    %dma_start3A_127 = arith.constant 10 : i32
    %dma_start3A_128 = arith.constant 0 : i32
    %dma_start3A_129 = arith.constant 0 : i32
    %dma_start3A_130 = tpu.memref_slice %arg7[%dma_start3A_127, %dma_start3A_128, %dma_start3A_129] : memref<16x100x32xf32, #tpu.memory_space<vmem>> -> memref<1x100x32xf32, #tpu.memory_space<vmem>>
    %dma_start3A_131 = tpu.memref_squeeze %dma_start3A_130 : memref<1x100x32xf32, #tpu.memory_space<vmem>> -> memref<100x32xf32, #tpu.memory_space<vmem>>
    %dma_start3A_132 = arith.constant 0 : i32
    %dma_start3A_133 = tpu.memref_slice %arg5[%dma_start3A_126, %dma_start3A_132] : memref<16x100xi32, #tpu.memory_space<vmem>> -> memref<1x100xi32, #tpu.memory_space<vmem>>
    %dma_start3A_134 = tpu.memref_squeeze %dma_start3A_133 : memref<1x100xi32, #tpu.memory_space<vmem>> -> memref<100xi32, #tpu.memory_space<vmem>>
    %dma_start3A_135 = arith.constant 0 : i32
    %dma_start3A_136 = arith.constant 0 : i32
    %dma_start3A_137 = tpu.memref_slice %arg3[%dma_start3A_135, %dma_start3A_136] : memref<1000000x32xf32, #tpu.memory_space<hbm>> -> memref<1000000x32xf32, #tpu.memory_space<hbm>>
    tpu.enqueue_indirect_dma source(%dma_start3A_137 : memref<1000000x32xf32, #tpu.memory_space<hbm>>) target(%dma_start3A_131 : memref<100x32xf32, #tpu.memory_space<vmem>>) offsets(%dma_start3A_134 : memref<100xi32, #tpu.memory_space<vmem>>) semaphore(%arg10 : memref<!tpu.dma_semaphore, #tpu.memory_space<semaphore_mem>>)
    %dma_start3A_138 = arith.constant 11 : i32
    %dma_start3A_139 = arith.constant 11 : i32
    %dma_start3A_140 = arith.constant 0 : i32
    %dma_start3A_141 = arith.constant 0 : i32
    %dma_start3A_142 = tpu.memref_slice %arg7[%dma_start3A_139, %dma_start3A_140, %dma_start3A_141] : memref<16x100x32xf32, #tpu.memory_space<vmem>> -> memref<1x100x32xf32, #tpu.memory_space<vmem>>
    %dma_start3A_143 = tpu.memref_squeeze %dma_start3A_142 : memref<1x100x32xf32, #tpu.memory_space<vmem>> -> memref<100x32xf32, #tpu.memory_space<vmem>>
    %dma_start3A_144 = arith.constant 0 : i32
    %dma_start3A_145 = tpu.memref_slice %arg5[%dma_start3A_138, %dma_start3A_144] : memref<16x100xi32, #tpu.memory_space<vmem>> -> memref<1x100xi32, #tpu.memory_space<vmem>>
    %dma_start3A_146 = tpu.memref_squeeze %dma_start3A_145 : memref<1x100xi32, #tpu.memory_space<vmem>> -> memref<100xi32, #tpu.memory_space<vmem>>
    %dma_start3A_147 = arith.constant 0 : i32
    %dma_start3A_148 = arith.constant 0 : i32
    %dma_start3A_149 = tpu.memref_slice %arg3[%dma_start3A_147, %dma_start3A_148] : memref<1000000x32xf32, #tpu.memory_space<hbm>> -> memref<1000000x32xf32, #tpu.memory_space<hbm>>
    tpu.enqueue_indirect_dma source(%dma_start3A_149 : memref<1000000x32xf32, #tpu.memory_space<hbm>>) target(%dma_start3A_143 : memref<100x32xf32, #tpu.memory_space<vmem>>) offsets(%dma_start3A_146 : memref<100xi32, #tpu.memory_space<vmem>>) semaphore(%arg10 : memref<!tpu.dma_semaphore, #tpu.memory_space<semaphore_mem>>)
    %dma_start3A_150 = arith.constant 12 : i32
    %dma_start3A_151 = arith.constant 12 : i32
    %dma_start3A_152 = arith.constant 0 : i32
    %dma_start3A_153 = arith.constant 0 : i32
    %dma_start3A_154 = tpu.memref_slice %arg7[%dma_start3A_151, %dma_start3A_152, %dma_start3A_153] : memref<16x100x32xf32, #tpu.memory_space<vmem>> -> memref<1x100x32xf32, #tpu.memory_space<vmem>>
    %dma_start3A_155 = tpu.memref_squeeze %dma_start3A_154 : memref<1x100x32xf32, #tpu.memory_space<vmem>> -> memref<100x32xf32, #tpu.memory_space<vmem>>
    %dma_start3A_156 = arith.constant 0 : i32
    %dma_start3A_157 = tpu.memref_slice %arg5[%dma_start3A_150, %dma_start3A_156] : memref<16x100xi32, #tpu.memory_space<vmem>> -> memref<1x100xi32, #tpu.memory_space<vmem>>
    %dma_start3A_158 = tpu.memref_squeeze %dma_start3A_157 : memref<1x100xi32, #tpu.memory_space<vmem>> -> memref<100xi32, #tpu.memory_space<vmem>>
    %dma_start3A_159 = arith.constant 0 : i32
    %dma_start3A_160 = arith.constant 0 : i32
    %dma_start3A_161 = tpu.memref_slice %arg3[%dma_start3A_159, %dma_start3A_160] : memref<1000000x32xf32, #tpu.memory_space<hbm>> -> memref<1000000x32xf32, #tpu.memory_space<hbm>>
    tpu.enqueue_indirect_dma source(%dma_start3A_161 : memref<1000000x32xf32, #tpu.memory_space<hbm>>) target(%dma_start3A_155 : memref<100x32xf32, #tpu.memory_space<vmem>>) offsets(%dma_start3A_158 : memref<100xi32, #tpu.memory_space<vmem>>) semaphore(%arg10 : memref<!tpu.dma_semaphore, #tpu.memory_space<semaphore_mem>>)
    %dma_start3A_162 = arith.constant 13 : i32
    %dma_start3A_163 = arith.constant 13 : i32
    %dma_start3A_164 = arith.constant 0 : i32
    %dma_start3A_165 = arith.constant 0 : i32
    %dma_start3A_166 = tpu.memref_slice %arg7[%dma_start3A_163, %dma_start3A_164, %dma_start3A_165] : memref<16x100x32xf32, #tpu.memory_space<vmem>> -> memref<1x100x32xf32, #tpu.memory_space<vmem>>
    %dma_start3A_167 = tpu.memref_squeeze %dma_start3A_166 : memref<1x100x32xf32, #tpu.memory_space<vmem>> -> memref<100x32xf32, #tpu.memory_space<vmem>>
    %dma_start3A_168 = arith.constant 0 : i32
    %dma_start3A_169 = tpu.memref_slice %arg5[%dma_start3A_162, %dma_start3A_168] : memref<16x100xi32, #tpu.memory_space<vmem>> -> memref<1x100xi32, #tpu.memory_space<vmem>>
    %dma_start3A_170 = tpu.memref_squeeze %dma_start3A_169 : memref<1x100xi32, #tpu.memory_space<vmem>> -> memref<100xi32, #tpu.memory_space<vmem>>
    %dma_start3A_171 = arith.constant 0 : i32
    %dma_start3A_172 = arith.constant 0 : i32
    %dma_start3A_173 = tpu.memref_slice %arg3[%dma_start3A_171, %dma_start3A_172] : memref<1000000x32xf32, #tpu.memory_space<hbm>> -> memref<1000000x32xf32, #tpu.memory_space<hbm>>
    tpu.enqueue_indirect_dma source(%dma_start3A_173 : memref<1000000x32xf32, #tpu.memory_space<hbm>>) target(%dma_start3A_167 : memref<100x32xf32, #tpu.memory_space<vmem>>) offsets(%dma_start3A_170 : memref<100xi32, #tpu.memory_space<vmem>>) semaphore(%arg10 : memref<!tpu.dma_semaphore, #tpu.memory_space<semaphore_mem>>)
    %dma_start3A_174 = arith.constant 14 : i32
    %dma_start3A_175 = arith.constant 14 : i32
    %dma_start3A_176 = arith.constant 0 : i32
    %dma_start3A_177 = arith.constant 0 : i32
    %dma_start3A_178 = tpu.memref_slice %arg7[%dma_start3A_175, %dma_start3A_176, %dma_start3A_177] : memref<16x100x32xf32, #tpu.memory_space<vmem>> -> memref<1x100x32xf32, #tpu.memory_space<vmem>>
    %dma_start3A_179 = tpu.memref_squeeze %dma_start3A_178 : memref<1x100x32xf32, #tpu.memory_space<vmem>> -> memref<100x32xf32, #tpu.memory_space<vmem>>
    %dma_start3A_180 = arith.constant 0 : i32
    %dma_start3A_181 = tpu.memref_slice %arg5[%dma_start3A_174, %dma_start3A_180] : memref<16x100xi32, #tpu.memory_space<vmem>> -> memref<1x100xi32, #tpu.memory_space<vmem>>
    %dma_start3A_182 = tpu.memref_squeeze %dma_start3A_181 : memref<1x100xi32, #tpu.memory_space<vmem>> -> memref<100xi32, #tpu.memory_space<vmem>>
    %dma_start3A_183 = arith.constant 0 : i32
    %dma_start3A_184 = arith.constant 0 : i32
    %dma_start3A_185 = tpu.memref_slice %arg3[%dma_start3A_183, %dma_start3A_184] : memref<1000000x32xf32, #tpu.memory_space<hbm>> -> memref<1000000x32xf32, #tpu.memory_space<hbm>>
    tpu.enqueue_indirect_dma source(%dma_start3A_185 : memref<1000000x32xf32, #tpu.memory_space<hbm>>) target(%dma_start3A_179 : memref<100x32xf32, #tpu.memory_space<vmem>>) offsets(%dma_start3A_182 : memref<100xi32, #tpu.memory_space<vmem>>) semaphore(%arg10 : memref<!tpu.dma_semaphore, #tpu.memory_space<semaphore_mem>>)
    %dma_start3A_186 = arith.constant 15 : i32
    %dma_start3A_187 = arith.constant 15 : i32
    %dma_start3A_188 = arith.constant 0 : i32
    %dma_start3A_189 = arith.constant 0 : i32
    %dma_start3A_190 = tpu.memref_slice %arg7[%dma_start3A_187, %dma_start3A_188, %dma_start3A_189] : memref<16x100x32xf32, #tpu.memory_space<vmem>> -> memref<1x100x32xf32, #tpu.memory_space<vmem>>
    %dma_start3A_191 = tpu.memref_squeeze %dma_start3A_190 : memref<1x100x32xf32, #tpu.memory_space<vmem>> -> memref<100x32xf32, #tpu.memory_space<vmem>>
    %dma_start3A_192 = arith.constant 0 : i32
    %dma_start3A_193 = tpu.memref_slice %arg5[%dma_start3A_186, %dma_start3A_192] : memref<16x100xi32, #tpu.memory_space<vmem>> -> memref<1x100xi32, #tpu.memory_space<vmem>>
    %dma_start3A_194 = tpu.memref_squeeze %dma_start3A_193 : memref<1x100xi32, #tpu.memory_space<vmem>> -> memref<100xi32, #tpu.memory_space<vmem>>
    %dma_start3A_195 = arith.constant 0 : i32
    %dma_start3A_196 = arith.constant 0 : i32
    %dma_start3A_197 = tpu.memref_slice %arg3[%dma_start3A_195, %dma_start3A_196] : memref<1000000x32xf32, #tpu.memory_space<hbm>> -> memref<1000000x32xf32, #tpu.memory_space<hbm>>
    tpu.enqueue_indirect_dma source(%dma_start3A_197 : memref<1000000x32xf32, #tpu.memory_space<hbm>>) target(%dma_start3A_191 : memref<100x32xf32, #tpu.memory_space<vmem>>) offsets(%dma_start3A_194 : memref<100xi32, #tpu.memory_space<vmem>>) semaphore(%arg10 : memref<!tpu.dma_semaphore, #tpu.memory_space<semaphore_mem>>)
    %scan3A = arith.constant 0 : i32
    %scan3A_198 = arith.constant 0 : i32
    %scan3A_199 = arith.constant 8 : i32
    %scan3A_200 = arith.addi %scan3A_198, %scan3A_199 : i32
    %scan3A_201 = arith.constant 1 : i32
    scf.for %scan3A_203 = %scan3A_198 to %scan3A_200 step %scan3A_201  : i32 {
      %mul3A_204 = arith.constant 2 : i32
      %mul3A_205 = arith.muli %mul3A_204, %scan3A_203 : i32
      %add3A_206 = arith.constant 1 : i32
      %add3A_207 = arith.addi %mul3A_205, %add3A_206 : i32
      %mul3A_208 = arith.constant 8 : i32
      %mul3A_209 = arith.muli %add3A_207, %mul3A_208 : i32
      %add3A_210 = arith.addi %mul3A_2, %mul3A_209 : i32
      %mul3A_211 = arith.constant 2 : i32
      %mul3A_212 = arith.muli %add3A_210, %mul3A_211 : i32
      "tpu.region"() ({
        %run_scoped3A = tpu.sem_alloc : memref<!tpu.dma_semaphore, #tpu.memory_space<semaphore_mem>>
        %dma_start3A_1308 = arith.constant 0 : i32
        %dma_start3A_1309 = tpu.memref_slice %arg2[%mul3A_212, %dma_start3A_1308] : memref<8192x100xi32, #tpu.memory_space<hbm>> -> memref<16x100xi32, #tpu.memory_space<hbm>>
        %dma_start3A_1310 = arith.constant 0 : i32
        %dma_start3A_1311 = tpu.memref_slice %arg2[%mul3A_212, %dma_start3A_1310] : memref<8192x100xi32, #tpu.memory_space<hbm>> -> memref<16x100xi32, #tpu.memory_space<hbm>>
        tpu.enqueue_dma source(%dma_start3A_1311 : memref<16x100xi32, #tpu.memory_space<hbm>>) target(%arg6 : memref<16x100xi32, #tpu.memory_space<vmem>>) target_semaphore(%run_scoped3A : memref<!tpu.dma_semaphore, #tpu.memory_space<semaphore_mem>>)
        %dma_wait3A_1312 = arith.constant 0 : i32
        %dma_wait3A_1313 = tpu.memref_slice %arg2[%mul3A_212, %dma_wait3A_1312] : memref<8192x100xi32, #tpu.memory_space<hbm>> -> memref<16x100xi32, #tpu.memory_space<hbm>>
        %dma_wait3A_1314 = arith.constant 0 : i32
        %dma_wait3A_1315 = tpu.memref_slice %arg2[%mul3A_212, %dma_wait3A_1314] : memref<8192x100xi32, #tpu.memory_space<hbm>> -> memref<16x100xi32, #tpu.memory_space<hbm>>
        tpu.wait_dma2 semaphore(%run_scoped3A : memref<!tpu.dma_semaphore, #tpu.memory_space<semaphore_mem>>) src(%dma_wait3A_1315 : memref<16x100xi32, #tpu.memory_space<hbm>>) dst(%arg6 : memref<16x100xi32, #tpu.memory_space<vmem>>)
        tpu.yield
      }) : () -> ()
      %dma_start3A_213 = arith.constant 0 : i32
      %dma_start3A_214 = arith.constant 0 : i32
      %dma_start3A_215 = arith.constant 0 : i32
      %dma_start3A_216 = arith.constant 0 : i32
      %dma_start3A_217 = tpu.memref_slice %arg8[%dma_start3A_214, %dma_start3A_215, %dma_start3A_216] : memref<16x100x32xf32, #tpu.memory_space<vmem>> -> memref<1x100x32xf32, #tpu.memory_space<vmem>>
      %dma_start3A_218 = tpu.memref_squeeze %dma_start3A_217 : memref<1x100x32xf32, #tpu.memory_space<vmem>> -> memref<100x32xf32, #tpu.memory_space<vmem>>
      %dma_start3A_219 = arith.constant 0 : i32
      %dma_start3A_220 = tpu.memref_slice %arg6[%dma_start3A_213, %dma_start3A_219] : memref<16x100xi32, #tpu.memory_space<vmem>> -> memref<1x100xi32, #tpu.memory_space<vmem>>
      %dma_start3A_221 = tpu.memref_squeeze %dma_start3A_220 : memref<1x100xi32, #tpu.memory_space<vmem>> -> memref<100xi32, #tpu.memory_space<vmem>>
      %dma_start3A_222 = arith.constant 0 : i32
      %dma_start3A_223 = arith.constant 0 : i32
      %dma_start3A_224 = tpu.memref_slice %arg3[%dma_start3A_222, %dma_start3A_223] : memref<1000000x32xf32, #tpu.memory_space<hbm>> -> memref<1000000x32xf32, #tpu.memory_space<hbm>>
      tpu.enqueue_indirect_dma source(%dma_start3A_224 : memref<1000000x32xf32, #tpu.memory_space<hbm>>) target(%dma_start3A_218 : memref<100x32xf32, #tpu.memory_space<vmem>>) offsets(%dma_start3A_221 : memref<100xi32, #tpu.memory_space<vmem>>) semaphore(%arg11 : memref<!tpu.dma_semaphore, #tpu.memory_space<semaphore_mem>>)
      %dma_start3A_225 = arith.constant 1 : i32
      %dma_start3A_226 = arith.constant 1 : i32
      %dma_start3A_227 = arith.constant 0 : i32
      %dma_start3A_228 = arith.constant 0 : i32
      %dma_start3A_229 = tpu.memref_slice %arg8[%dma_start3A_226, %dma_start3A_227, %dma_start3A_228] : memref<16x100x32xf32, #tpu.memory_space<vmem>> -> memref<1x100x32xf32, #tpu.memory_space<vmem>>
      %dma_start3A_230 = tpu.memref_squeeze %dma_start3A_229 : memref<1x100x32xf32, #tpu.memory_space<vmem>> -> memref<100x32xf32, #tpu.memory_space<vmem>>
      %dma_start3A_231 = arith.constant 0 : i32
      %dma_start3A_232 = tpu.memref_slice %arg6[%dma_start3A_225, %dma_start3A_231] : memref<16x100xi32, #tpu.memory_space<vmem>> -> memref<1x100xi32, #tpu.memory_space<vmem>>
      %dma_start3A_233 = tpu.memref_squeeze %dma_start3A_232 : memref<1x100xi32, #tpu.memory_space<vmem>> -> memref<100xi32, #tpu.memory_space<vmem>>
      %dma_start3A_234 = arith.constant 0 : i32
      %dma_start3A_235 = arith.constant 0 : i32
      %dma_start3A_236 = tpu.memref_slice %arg3[%dma_start3A_234, %dma_start3A_235] : memref<1000000x32xf32, #tpu.memory_space<hbm>> -> memref<1000000x32xf32, #tpu.memory_space<hbm>>
      tpu.enqueue_indirect_dma source(%dma_start3A_236 : memref<1000000x32xf32, #tpu.memory_space<hbm>>) target(%dma_start3A_230 : memref<100x32xf32, #tpu.memory_space<vmem>>) offsets(%dma_start3A_233 : memref<100xi32, #tpu.memory_space<vmem>>) semaphore(%arg11 : memref<!tpu.dma_semaphore, #tpu.memory_space<semaphore_mem>>)
      %dma_start3A_237 = arith.constant 2 : i32
      %dma_start3A_238 = arith.constant 2 : i32
      %dma_start3A_239 = arith.constant 0 : i32
      %dma_start3A_240 = arith.constant 0 : i32
      %dma_start3A_241 = tpu.memref_slice %arg8[%dma_start3A_238, %dma_start3A_239, %dma_start3A_240] : memref<16x100x32xf32, #tpu.memory_space<vmem>> -> memref<1x100x32xf32, #tpu.memory_space<vmem>>
      %dma_start3A_242 = tpu.memref_squeeze %dma_start3A_241 : memref<1x100x32xf32, #tpu.memory_space<vmem>> -> memref<100x32xf32, #tpu.memory_space<vmem>>
      %dma_start3A_243 = arith.constant 0 : i32
      %dma_start3A_244 = tpu.memref_slice %arg6[%dma_start3A_237, %dma_start3A_243] : memref<16x100xi32, #tpu.memory_space<vmem>> -> memref<1x100xi32, #tpu.memory_space<vmem>>
      %dma_start3A_245 = tpu.memref_squeeze %dma_start3A_244 : memref<1x100xi32, #tpu.memory_space<vmem>> -> memref<100xi32, #tpu.memory_space<vmem>>
      %dma_start3A_246 = arith.constant 0 : i32
      %dma_start3A_247 = arith.constant 0 : i32
      %dma_start3A_248 = tpu.memref_slice %arg3[%dma_start3A_246, %dma_start3A_247] : memref<1000000x32xf32, #tpu.memory_space<hbm>> -> memref<1000000x32xf32, #tpu.memory_space<hbm>>
      tpu.enqueue_indirect_dma source(%dma_start3A_248 : memref<1000000x32xf32, #tpu.memory_space<hbm>>) target(%dma_start3A_242 : memref<100x32xf32, #tpu.memory_space<vmem>>) offsets(%dma_start3A_245 : memref<100xi32, #tpu.memory_space<vmem>>) semaphore(%arg11 : memref<!tpu.dma_semaphore, #tpu.memory_space<semaphore_mem>>)
      %dma_start3A_249 = arith.constant 3 : i32
      %dma_start3A_250 = arith.constant 3 : i32
      %dma_start3A_251 = arith.constant 0 : i32
      %dma_start3A_252 = arith.constant 0 : i32
      %dma_start3A_253 = tpu.memref_slice %arg8[%dma_start3A_250, %dma_start3A_251, %dma_start3A_252] : memref<16x100x32xf32, #tpu.memory_space<vmem>> -> memref<1x100x32xf32, #tpu.memory_space<vmem>>
      %dma_start3A_254 = tpu.memref_squeeze %dma_start3A_253 : memref<1x100x32xf32, #tpu.memory_space<vmem>> -> memref<100x32xf32, #tpu.memory_space<vmem>>
      %dma_start3A_255 = arith.constant 0 : i32
      %dma_start3A_256 = tpu.memref_slice %arg6[%dma_start3A_249, %dma_start3A_255] : memref<16x100xi32, #tpu.memory_space<vmem>> -> memref<1x100xi32, #tpu.memory_space<vmem>>
      %dma_start3A_257 = tpu.memref_squeeze %dma_start3A_256 : memref<1x100xi32, #tpu.memory_space<vmem>> -> memref<100xi32, #tpu.memory_space<vmem>>
      %dma_start3A_258 = arith.constant 0 : i32
      %dma_start3A_259 = arith.constant 0 : i32
      %dma_start3A_260 = tpu.memref_slice %arg3[%dma_start3A_258, %dma_start3A_259] : memref<1000000x32xf32, #tpu.memory_space<hbm>> -> memref<1000000x32xf32, #tpu.memory_space<hbm>>
      tpu.enqueue_indirect_dma source(%dma_start3A_260 : memref<1000000x32xf32, #tpu.memory_space<hbm>>) target(%dma_start3A_254 : memref<100x32xf32, #tpu.memory_space<vmem>>) offsets(%dma_start3A_257 : memref<100xi32, #tpu.memory_space<vmem>>) semaphore(%arg11 : memref<!tpu.dma_semaphore, #tpu.memory_space<semaphore_mem>>)
      %dma_start3A_261 = arith.constant 4 : i32
      %dma_start3A_262 = arith.constant 4 : i32
      %dma_start3A_263 = arith.constant 0 : i32
      %dma_start3A_264 = arith.constant 0 : i32
      %dma_start3A_265 = tpu.memref_slice %arg8[%dma_start3A_262, %dma_start3A_263, %dma_start3A_264] : memref<16x100x32xf32, #tpu.memory_space<vmem>> -> memref<1x100x32xf32, #tpu.memory_space<vmem>>
      %dma_start3A_266 = tpu.memref_squeeze %dma_start3A_265 : memref<1x100x32xf32, #tpu.memory_space<vmem>> -> memref<100x32xf32, #tpu.memory_space<vmem>>
      %dma_start3A_267 = arith.constant 0 : i32
      %dma_start3A_268 = tpu.memref_slice %arg6[%dma_start3A_261, %dma_start3A_267] : memref<16x100xi32, #tpu.memory_space<vmem>> -> memref<1x100xi32, #tpu.memory_space<vmem>>
      %dma_start3A_269 = tpu.memref_squeeze %dma_start3A_268 : memref<1x100xi32, #tpu.memory_space<vmem>> -> memref<100xi32, #tpu.memory_space<vmem>>
      %dma_start3A_270 = arith.constant 0 : i32
      %dma_start3A_271 = arith.constant 0 : i32
      %dma_start3A_272 = tpu.memref_slice %arg3[%dma_start3A_270, %dma_start3A_271] : memref<1000000x32xf32, #tpu.memory_space<hbm>> -> memref<1000000x32xf32, #tpu.memory_space<hbm>>
      tpu.enqueue_indirect_dma source(%dma_start3A_272 : memref<1000000x32xf32, #tpu.memory_space<hbm>>) target(%dma_start3A_266 : memref<100x32xf32, #tpu.memory_space<vmem>>) offsets(%dma_start3A_269 : memref<100xi32, #tpu.memory_space<vmem>>) semaphore(%arg11 : memref<!tpu.dma_semaphore, #tpu.memory_space<semaphore_mem>>)
      %dma_start3A_273 = arith.constant 5 : i32
      %dma_start3A_274 = arith.constant 5 : i32
      %dma_start3A_275 = arith.constant 0 : i32
      %dma_start3A_276 = arith.constant 0 : i32
      %dma_start3A_277 = tpu.memref_slice %arg8[%dma_start3A_274, %dma_start3A_275, %dma_start3A_276] : memref<16x100x32xf32, #tpu.memory_space<vmem>> -> memref<1x100x32xf32, #tpu.memory_space<vmem>>
      %dma_start3A_278 = tpu.memref_squeeze %dma_start3A_277 : memref<1x100x32xf32, #tpu.memory_space<vmem>> -> memref<100x32xf32, #tpu.memory_space<vmem>>
      %dma_start3A_279 = arith.constant 0 : i32
      %dma_start3A_280 = tpu.memref_slice %arg6[%dma_start3A_273, %dma_start3A_279] : memref<16x100xi32, #tpu.memory_space<vmem>> -> memref<1x100xi32, #tpu.memory_space<vmem>>
      %dma_start3A_281 = tpu.memref_squeeze %dma_start3A_280 : memref<1x100xi32, #tpu.memory_space<vmem>> -> memref<100xi32, #tpu.memory_space<vmem>>
      %dma_start3A_282 = arith.constant 0 : i32
      %dma_start3A_283 = arith.constant 0 : i32
      %dma_start3A_284 = tpu.memref_slice %arg3[%dma_start3A_282, %dma_start3A_283] : memref<1000000x32xf32, #tpu.memory_space<hbm>> -> memref<1000000x32xf32, #tpu.memory_space<hbm>>
      tpu.enqueue_indirect_dma source(%dma_start3A_284 : memref<1000000x32xf32, #tpu.memory_space<hbm>>) target(%dma_start3A_278 : memref<100x32xf32, #tpu.memory_space<vmem>>) offsets(%dma_start3A_281 : memref<100xi32, #tpu.memory_space<vmem>>) semaphore(%arg11 : memref<!tpu.dma_semaphore, #tpu.memory_space<semaphore_mem>>)
      %dma_start3A_285 = arith.constant 6 : i32
      %dma_start3A_286 = arith.constant 6 : i32
      %dma_start3A_287 = arith.constant 0 : i32
      %dma_start3A_288 = arith.constant 0 : i32
      %dma_start3A_289 = tpu.memref_slice %arg8[%dma_start3A_286, %dma_start3A_287, %dma_start3A_288] : memref<16x100x32xf32, #tpu.memory_space<vmem>> -> memref<1x100x32xf32, #tpu.memory_space<vmem>>
      %dma_start3A_290 = tpu.memref_squeeze %dma_start3A_289 : memref<1x100x32xf32, #tpu.memory_space<vmem>> -> memref<100x32xf32, #tpu.memory_space<vmem>>
      %dma_start3A_291 = arith.constant 0 : i32
      %dma_start3A_292 = tpu.memref_slice %arg6[%dma_start3A_285, %dma_start3A_291] : memref<16x100xi32, #tpu.memory_space<vmem>> -> memref<1x100xi32, #tpu.memory_space<vmem>>
      %dma_start3A_293 = tpu.memref_squeeze %dma_start3A_292 : memref<1x100xi32, #tpu.memory_space<vmem>> -> memref<100xi32, #tpu.memory_space<vmem>>
      %dma_start3A_294 = arith.constant 0 : i32
      %dma_start3A_295 = arith.constant 0 : i32
      %dma_start3A_296 = tpu.memref_slice %arg3[%dma_start3A_294, %dma_start3A_295] : memref<1000000x32xf32, #tpu.memory_space<hbm>> -> memref<1000000x32xf32, #tpu.memory_space<hbm>>
      tpu.enqueue_indirect_dma source(%dma_start3A_296 : memref<1000000x32xf32, #tpu.memory_space<hbm>>) target(%dma_start3A_290 : memref<100x32xf32, #tpu.memory_space<vmem>>) offsets(%dma_start3A_293 : memref<100xi32, #tpu.memory_space<vmem>>) semaphore(%arg11 : memref<!tpu.dma_semaphore, #tpu.memory_space<semaphore_mem>>)
      %dma_start3A_297 = arith.constant 7 : i32
      %dma_start3A_298 = arith.constant 7 : i32
      %dma_start3A_299 = arith.constant 0 : i32
      %dma_start3A_300 = arith.constant 0 : i32
      %dma_start3A_301 = tpu.memref_slice %arg8[%dma_start3A_298, %dma_start3A_299, %dma_start3A_300] : memref<16x100x32xf32, #tpu.memory_space<vmem>> -> memref<1x100x32xf32, #tpu.memory_space<vmem>>
      %dma_start3A_302 = tpu.memref_squeeze %dma_start3A_301 : memref<1x100x32xf32, #tpu.memory_space<vmem>> -> memref<100x32xf32, #tpu.memory_space<vmem>>
      %dma_start3A_303 = arith.constant 0 : i32
      %dma_start3A_304 = tpu.memref_slice %arg6[%dma_start3A_297, %dma_start3A_303] : memref<16x100xi32, #tpu.memory_space<vmem>> -> memref<1x100xi32, #tpu.memory_space<vmem>>
      %dma_start3A_305 = tpu.memref_squeeze %dma_start3A_304 : memref<1x100xi32, #tpu.memory_space<vmem>> -> memref<100xi32, #tpu.memory_space<vmem>>
      %dma_start3A_306 = arith.constant 0 : i32
      %dma_start3A_307 = arith.constant 0 : i32
      %dma_start3A_308 = tpu.memref_slice %arg3[%dma_start3A_306, %dma_start3A_307] : memref<1000000x32xf32, #tpu.memory_space<hbm>> -> memref<1000000x32xf32, #tpu.memory_space<hbm>>
      tpu.enqueue_indirect_dma source(%dma_start3A_308 : memref<1000000x32xf32, #tpu.memory_space<hbm>>) target(%dma_start3A_302 : memref<100x32xf32, #tpu.memory_space<vmem>>) offsets(%dma_start3A_305 : memref<100xi32, #tpu.memory_space<vmem>>) semaphore(%arg11 : memref<!tpu.dma_semaphore, #tpu.memory_space<semaphore_mem>>)
      %dma_start3A_309 = arith.constant 8 : i32
      %dma_start3A_310 = arith.constant 8 : i32
      %dma_start3A_311 = arith.constant 0 : i32
      %dma_start3A_312 = arith.constant 0 : i32
      %dma_start3A_313 = tpu.memref_slice %arg8[%dma_start3A_310, %dma_start3A_311, %dma_start3A_312] : memref<16x100x32xf32, #tpu.memory_space<vmem>> -> memref<1x100x32xf32, #tpu.memory_space<vmem>>
      %dma_start3A_314 = tpu.memref_squeeze %dma_start3A_313 : memref<1x100x32xf32, #tpu.memory_space<vmem>> -> memref<100x32xf32, #tpu.memory_space<vmem>>
      %dma_start3A_315 = arith.constant 0 : i32
      %dma_start3A_316 = tpu.memref_slice %arg6[%dma_start3A_309, %dma_start3A_315] : memref<16x100xi32, #tpu.memory_space<vmem>> -> memref<1x100xi32, #tpu.memory_space<vmem>>
      %dma_start3A_317 = tpu.memref_squeeze %dma_start3A_316 : memref<1x100xi32, #tpu.memory_space<vmem>> -> memref<100xi32, #tpu.memory_space<vmem>>
      %dma_start3A_318 = arith.constant 0 : i32
      %dma_start3A_319 = arith.constant 0 : i32
      %dma_start3A_320 = tpu.memref_slice %arg3[%dma_start3A_318, %dma_start3A_319] : memref<1000000x32xf32, #tpu.memory_space<hbm>> -> memref<1000000x32xf32, #tpu.memory_space<hbm>>
      tpu.enqueue_indirect_dma source(%dma_start3A_320 : memref<1000000x32xf32, #tpu.memory_space<hbm>>) target(%dma_start3A_314 : memref<100x32xf32, #tpu.memory_space<vmem>>) offsets(%dma_start3A_317 : memref<100xi32, #tpu.memory_space<vmem>>) semaphore(%arg11 : memref<!tpu.dma_semaphore, #tpu.memory_space<semaphore_mem>>)
      %dma_start3A_321 = arith.constant 9 : i32
      %dma_start3A_322 = arith.constant 9 : i32
      %dma_start3A_323 = arith.constant 0 : i32
      %dma_start3A_324 = arith.constant 0 : i32
      %dma_start3A_325 = tpu.memref_slice %arg8[%dma_start3A_322, %dma_start3A_323, %dma_start3A_324] : memref<16x100x32xf32, #tpu.memory_space<vmem>> -> memref<1x100x32xf32, #tpu.memory_space<vmem>>
      %dma_start3A_326 = tpu.memref_squeeze %dma_start3A_325 : memref<1x100x32xf32, #tpu.memory_space<vmem>> -> memref<100x32xf32, #tpu.memory_space<vmem>>
      %dma_start3A_327 = arith.constant 0 : i32
      %dma_start3A_328 = tpu.memref_slice %arg6[%dma_start3A_321, %dma_start3A_327] : memref<16x100xi32, #tpu.memory_space<vmem>> -> memref<1x100xi32, #tpu.memory_space<vmem>>
      %dma_start3A_329 = tpu.memref_squeeze %dma_start3A_328 : memref<1x100xi32, #tpu.memory_space<vmem>> -> memref<100xi32, #tpu.memory_space<vmem>>
      %dma_start3A_330 = arith.constant 0 : i32
      %dma_start3A_331 = arith.constant 0 : i32
      %dma_start3A_332 = tpu.memref_slice %arg3[%dma_start3A_330, %dma_start3A_331] : memref<1000000x32xf32, #tpu.memory_space<hbm>> -> memref<1000000x32xf32, #tpu.memory_space<hbm>>
      tpu.enqueue_indirect_dma source(%dma_start3A_332 : memref<1000000x32xf32, #tpu.memory_space<hbm>>) target(%dma_start3A_326 : memref<100x32xf32, #tpu.memory_space<vmem>>) offsets(%dma_start3A_329 : memref<100xi32, #tpu.memory_space<vmem>>) semaphore(%arg11 : memref<!tpu.dma_semaphore, #tpu.memory_space<semaphore_mem>>)
      %dma_start3A_333 = arith.constant 10 : i32
      %dma_start3A_334 = arith.constant 10 : i32
      %dma_start3A_335 = arith.constant 0 : i32
      %dma_start3A_336 = arith.constant 0 : i32
      %dma_start3A_337 = tpu.memref_slice %arg8[%dma_start3A_334, %dma_start3A_335, %dma_start3A_336] : memref<16x100x32xf32, #tpu.memory_space<vmem>> -> memref<1x100x32xf32, #tpu.memory_space<vmem>>
      %dma_start3A_338 = tpu.memref_squeeze %dma_start3A_337 : memref<1x100x32xf32, #tpu.memory_space<vmem>> -> memref<100x32xf32, #tpu.memory_space<vmem>>
      %dma_start3A_339 = arith.constant 0 : i32
      %dma_start3A_340 = tpu.memref_slice %arg6[%dma_start3A_333, %dma_start3A_339] : memref<16x100xi32, #tpu.memory_space<vmem>> -> memref<1x100xi32, #tpu.memory_space<vmem>>
      %dma_start3A_341 = tpu.memref_squeeze %dma_start3A_340 : memref<1x100xi32, #tpu.memory_space<vmem>> -> memref<100xi32, #tpu.memory_space<vmem>>
      %dma_start3A_342 = arith.constant 0 : i32
      %dma_start3A_343 = arith.constant 0 : i32
      %dma_start3A_344 = tpu.memref_slice %arg3[%dma_start3A_342, %dma_start3A_343] : memref<1000000x32xf32, #tpu.memory_space<hbm>> -> memref<1000000x32xf32, #tpu.memory_space<hbm>>
      tpu.enqueue_indirect_dma source(%dma_start3A_344 : memref<1000000x32xf32, #tpu.memory_space<hbm>>) target(%dma_start3A_338 : memref<100x32xf32, #tpu.memory_space<vmem>>) offsets(%dma_start3A_341 : memref<100xi32, #tpu.memory_space<vmem>>) semaphore(%arg11 : memref<!tpu.dma_semaphore, #tpu.memory_space<semaphore_mem>>)
      %dma_start3A_345 = arith.constant 11 : i32
      %dma_start3A_346 = arith.constant 11 : i32
      %dma_start3A_347 = arith.constant 0 : i32
      %dma_start3A_348 = arith.constant 0 : i32
      %dma_start3A_349 = tpu.memref_slice %arg8[%dma_start3A_346, %dma_start3A_347, %dma_start3A_348] : memref<16x100x32xf32, #tpu.memory_space<vmem>> -> memref<1x100x32xf32, #tpu.memory_space<vmem>>
      %dma_start3A_350 = tpu.memref_squeeze %dma_start3A_349 : memref<1x100x32xf32, #tpu.memory_space<vmem>> -> memref<100x32xf32, #tpu.memory_space<vmem>>
      %dma_start3A_351 = arith.constant 0 : i32
      %dma_start3A_352 = tpu.memref_slice %arg6[%dma_start3A_345, %dma_start3A_351] : memref<16x100xi32, #tpu.memory_space<vmem>> -> memref<1x100xi32, #tpu.memory_space<vmem>>
      %dma_start3A_353 = tpu.memref_squeeze %dma_start3A_352 : memref<1x100xi32, #tpu.memory_space<vmem>> -> memref<100xi32, #tpu.memory_space<vmem>>
      %dma_start3A_354 = arith.constant 0 : i32
      %dma_start3A_355 = arith.constant 0 : i32
      %dma_start3A_356 = tpu.memref_slice %arg3[%dma_start3A_354, %dma_start3A_355] : memref<1000000x32xf32, #tpu.memory_space<hbm>> -> memref<1000000x32xf32, #tpu.memory_space<hbm>>
      tpu.enqueue_indirect_dma source(%dma_start3A_356 : memref<1000000x32xf32, #tpu.memory_space<hbm>>) target(%dma_start3A_350 : memref<100x32xf32, #tpu.memory_space<vmem>>) offsets(%dma_start3A_353 : memref<100xi32, #tpu.memory_space<vmem>>) semaphore(%arg11 : memref<!tpu.dma_semaphore, #tpu.memory_space<semaphore_mem>>)
      %dma_start3A_357 = arith.constant 12 : i32
      %dma_start3A_358 = arith.constant 12 : i32
      %dma_start3A_359 = arith.constant 0 : i32
      %dma_start3A_360 = arith.constant 0 : i32
      %dma_start3A_361 = tpu.memref_slice %arg8[%dma_start3A_358, %dma_start3A_359, %dma_start3A_360] : memref<16x100x32xf32, #tpu.memory_space<vmem>> -> memref<1x100x32xf32, #tpu.memory_space<vmem>>
      %dma_start3A_362 = tpu.memref_squeeze %dma_start3A_361 : memref<1x100x32xf32, #tpu.memory_space<vmem>> -> memref<100x32xf32, #tpu.memory_space<vmem>>
      %dma_start3A_363 = arith.constant 0 : i32
      %dma_start3A_364 = tpu.memref_slice %arg6[%dma_start3A_357, %dma_start3A_363] : memref<16x100xi32, #tpu.memory_space<vmem>> -> memref<1x100xi32, #tpu.memory_space<vmem>>
      %dma_start3A_365 = tpu.memref_squeeze %dma_start3A_364 : memref<1x100xi32, #tpu.memory_space<vmem>> -> memref<100xi32, #tpu.memory_space<vmem>>
      %dma_start3A_366 = arith.constant 0 : i32
      %dma_start3A_367 = arith.constant 0 : i32
      %dma_start3A_368 = tpu.memref_slice %arg3[%dma_start3A_366, %dma_start3A_367] : memref<1000000x32xf32, #tpu.memory_space<hbm>> -> memref<1000000x32xf32, #tpu.memory_space<hbm>>
      tpu.enqueue_indirect_dma source(%dma_start3A_368 : memref<1000000x32xf32, #tpu.memory_space<hbm>>) target(%dma_start3A_362 : memref<100x32xf32, #tpu.memory_space<vmem>>) offsets(%dma_start3A_365 : memref<100xi32, #tpu.memory_space<vmem>>) semaphore(%arg11 : memref<!tpu.dma_semaphore, #tpu.memory_space<semaphore_mem>>)
      %dma_start3A_369 = arith.constant 13 : i32
      %dma_start3A_370 = arith.constant 13 : i32
      %dma_start3A_371 = arith.constant 0 : i32
      %dma_start3A_372 = arith.constant 0 : i32
      %dma_start3A_373 = tpu.memref_slice %arg8[%dma_start3A_370, %dma_start3A_371, %dma_start3A_372] : memref<16x100x32xf32, #tpu.memory_space<vmem>> -> memref<1x100x32xf32, #tpu.memory_space<vmem>>
      %dma_start3A_374 = tpu.memref_squeeze %dma_start3A_373 : memref<1x100x32xf32, #tpu.memory_space<vmem>> -> memref<100x32xf32, #tpu.memory_space<vmem>>
      %dma_start3A_375 = arith.constant 0 : i32
      %dma_start3A_376 = tpu.memref_slice %arg6[%dma_start3A_369, %dma_start3A_375] : memref<16x100xi32, #tpu.memory_space<vmem>> -> memref<1x100xi32, #tpu.memory_space<vmem>>
      %dma_start3A_377 = tpu.memref_squeeze %dma_start3A_376 : memref<1x100xi32, #tpu.memory_space<vmem>> -> memref<100xi32, #tpu.memory_space<vmem>>
      %dma_start3A_378 = arith.constant 0 : i32
      %dma_start3A_379 = arith.constant 0 : i32
      %dma_start3A_380 = tpu.memref_slice %arg3[%dma_start3A_378, %dma_start3A_379] : memref<1000000x32xf32, #tpu.memory_space<hbm>> -> memref<1000000x32xf32, #tpu.memory_space<hbm>>
      tpu.enqueue_indirect_dma source(%dma_start3A_380 : memref<1000000x32xf32, #tpu.memory_space<hbm>>) target(%dma_start3A_374 : memref<100x32xf32, #tpu.memory_space<vmem>>) offsets(%dma_start3A_377 : memref<100xi32, #tpu.memory_space<vmem>>) semaphore(%arg11 : memref<!tpu.dma_semaphore, #tpu.memory_space<semaphore_mem>>)
      %dma_start3A_381 = arith.constant 14 : i32
      %dma_start3A_382 = arith.constant 14 : i32
      %dma_start3A_383 = arith.constant 0 : i32
      %dma_start3A_384 = arith.constant 0 : i32
      %dma_start3A_385 = tpu.memref_slice %arg8[%dma_start3A_382, %dma_start3A_383, %dma_start3A_384] : memref<16x100x32xf32, #tpu.memory_space<vmem>> -> memref<1x100x32xf32, #tpu.memory_space<vmem>>
      %dma_start3A_386 = tpu.memref_squeeze %dma_start3A_385 : memref<1x100x32xf32, #tpu.memory_space<vmem>> -> memref<100x32xf32, #tpu.memory_space<vmem>>
      %dma_start3A_387 = arith.constant 0 : i32
      %dma_start3A_388 = tpu.memref_slice %arg6[%dma_start3A_381, %dma_start3A_387] : memref<16x100xi32, #tpu.memory_space<vmem>> -> memref<1x100xi32, #tpu.memory_space<vmem>>
      %dma_start3A_389 = tpu.memref_squeeze %dma_start3A_388 : memref<1x100xi32, #tpu.memory_space<vmem>> -> memref<100xi32, #tpu.memory_space<vmem>>
      %dma_start3A_390 = arith.constant 0 : i32
      %dma_start3A_391 = arith.constant 0 : i32
      %dma_start3A_392 = tpu.memref_slice %arg3[%dma_start3A_390, %dma_start3A_391] : memref<1000000x32xf32, #tpu.memory_space<hbm>> -> memref<1000000x32xf32, #tpu.memory_space<hbm>>
      tpu.enqueue_indirect_dma source(%dma_start3A_392 : memref<1000000x32xf32, #tpu.memory_space<hbm>>) target(%dma_start3A_386 : memref<100x32xf32, #tpu.memory_space<vmem>>) offsets(%dma_start3A_389 : memref<100xi32, #tpu.memory_space<vmem>>) semaphore(%arg11 : memref<!tpu.dma_semaphore, #tpu.memory_space<semaphore_mem>>)
      %dma_start3A_393 = arith.constant 15 : i32
      %dma_start3A_394 = arith.constant 15 : i32
      %dma_start3A_395 = arith.constant 0 : i32
      %dma_start3A_396 = arith.constant 0 : i32
      %dma_start3A_397 = tpu.memref_slice %arg8[%dma_start3A_394, %dma_start3A_395, %dma_start3A_396] : memref<16x100x32xf32, #tpu.memory_space<vmem>> -> memref<1x100x32xf32, #tpu.memory_space<vmem>>
      %dma_start3A_398 = tpu.memref_squeeze %dma_start3A_397 : memref<1x100x32xf32, #tpu.memory_space<vmem>> -> memref<100x32xf32, #tpu.memory_space<vmem>>
      %dma_start3A_399 = arith.constant 0 : i32
      %dma_start3A_400 = tpu.memref_slice %arg6[%dma_start3A_393, %dma_start3A_399] : memref<16x100xi32, #tpu.memory_space<vmem>> -> memref<1x100xi32, #tpu.memory_space<vmem>>
      %dma_start3A_401 = tpu.memref_squeeze %dma_start3A_400 : memref<1x100xi32, #tpu.memory_space<vmem>> -> memref<100xi32, #tpu.memory_space<vmem>>
      %dma_start3A_402 = arith.constant 0 : i32
      %dma_start3A_403 = arith.constant 0 : i32
      %dma_start3A_404 = tpu.memref_slice %arg3[%dma_start3A_402, %dma_start3A_403] : memref<1000000x32xf32, #tpu.memory_space<hbm>> -> memref<1000000x32xf32, #tpu.memory_space<hbm>>
      tpu.enqueue_indirect_dma source(%dma_start3A_404 : memref<1000000x32xf32, #tpu.memory_space<hbm>>) target(%dma_start3A_398 : memref<100x32xf32, #tpu.memory_space<vmem>>) offsets(%dma_start3A_401 : memref<100xi32, #tpu.memory_space<vmem>>) semaphore(%arg11 : memref<!tpu.dma_semaphore, #tpu.memory_space<semaphore_mem>>)
      %dma_wait3A = arith.constant 0 : i32
      %dma_wait3A_405 = arith.constant 0 : i32
      %dma_wait3A_406 = arith.constant 0 : i32
      %dma_wait3A_407 = tpu.memref_slice %arg7[%dma_wait3A, %dma_wait3A_405, %dma_wait3A_406] : memref<16x100x32xf32, #tpu.memory_space<vmem>> -> memref<1x100x32xf32, #tpu.memory_space<vmem>>
      %dma_wait3A_408 = tpu.memref_squeeze %dma_wait3A_407 : memref<1x100x32xf32, #tpu.memory_space<vmem>> -> memref<100x32xf32, #tpu.memory_space<vmem>>
      %dma_wait3A_409 = arith.constant 0 : i32
      %dma_wait3A_410 = arith.constant 0 : i32
      %dma_wait3A_411 = tpu.memref_slice %arg3[%dma_wait3A_409, %dma_wait3A_410] : memref<1000000x32xf32, #tpu.memory_space<hbm>> -> memref<100x32xf32, #tpu.memory_space<hbm>>
      %dma_wait3A_412 = arith.constant 0 : i32
      %dma_wait3A_413 = arith.constant 0 : i32
      %dma_wait3A_414 = tpu.memref_slice %arg7[%dma_wait3A, %dma_wait3A_412, %dma_wait3A_413] : memref<16x100x32xf32, #tpu.memory_space<vmem>> -> memref<1x100x32xf32, #tpu.memory_space<vmem>>
      %dma_wait3A_415 = tpu.memref_squeeze %dma_wait3A_414 : memref<1x100x32xf32, #tpu.memory_space<vmem>> -> memref<100x32xf32, #tpu.memory_space<vmem>>
      %dma_wait3A_416 = arith.constant 0 : i32
      %dma_wait3A_417 = arith.constant 0 : i32
      %dma_wait3A_418 = tpu.memref_slice %arg3[%dma_wait3A_416, %dma_wait3A_417] : memref<1000000x32xf32, #tpu.memory_space<hbm>> -> memref<100x32xf32, #tpu.memory_space<hbm>>
      tpu.wait_dma2 semaphore(%arg10 : memref<!tpu.dma_semaphore, #tpu.memory_space<semaphore_mem>>) src(%dma_wait3A_418 : memref<100x32xf32, #tpu.memory_space<hbm>>) dst(%dma_wait3A_415 : memref<100x32xf32, #tpu.memory_space<vmem>>)
      %dma_wait3A_419 = arith.constant 1 : i32
      %dma_wait3A_420 = arith.constant 0 : i32
      %dma_wait3A_421 = arith.constant 0 : i32
      %dma_wait3A_422 = tpu.memref_slice %arg7[%dma_wait3A_419, %dma_wait3A_420, %dma_wait3A_421] : memref<16x100x32xf32, #tpu.memory_space<vmem>> -> memref<1x100x32xf32, #tpu.memory_space<vmem>>
      %dma_wait3A_423 = tpu.memref_squeeze %dma_wait3A_422 : memref<1x100x32xf32, #tpu.memory_space<vmem>> -> memref<100x32xf32, #tpu.memory_space<vmem>>
      %dma_wait3A_424 = arith.constant 0 : i32
      %dma_wait3A_425 = arith.constant 0 : i32
      %dma_wait3A_426 = tpu.memref_slice %arg3[%dma_wait3A_424, %dma_wait3A_425] : memref<1000000x32xf32, #tpu.memory_space<hbm>> -> memref<100x32xf32, #tpu.memory_space<hbm>>
      %dma_wait3A_427 = arith.constant 0 : i32
      %dma_wait3A_428 = arith.constant 0 : i32
      %dma_wait3A_429 = tpu.memref_slice %arg7[%dma_wait3A_419, %dma_wait3A_427, %dma_wait3A_428] : memref<16x100x32xf32, #tpu.memory_space<vmem>> -> memref<1x100x32xf32, #tpu.memory_space<vmem>>
      %dma_wait3A_430 = tpu.memref_squeeze %dma_wait3A_429 : memref<1x100x32xf32, #tpu.memory_space<vmem>> -> memref<100x32xf32, #tpu.memory_space<vmem>>
      %dma_wait3A_431 = arith.constant 0 : i32
      %dma_wait3A_432 = arith.constant 0 : i32
      %dma_wait3A_433 = tpu.memref_slice %arg3[%dma_wait3A_431, %dma_wait3A_432] : memref<1000000x32xf32, #tpu.memory_space<hbm>> -> memref<100x32xf32, #tpu.memory_space<hbm>>
      tpu.wait_dma2 semaphore(%arg10 : memref<!tpu.dma_semaphore, #tpu.memory_space<semaphore_mem>>) src(%dma_wait3A_433 : memref<100x32xf32, #tpu.memory_space<hbm>>) dst(%dma_wait3A_430 : memref<100x32xf32, #tpu.memory_space<vmem>>)
      %dma_wait3A_434 = arith.constant 2 : i32
      %dma_wait3A_435 = arith.constant 0 : i32
      %dma_wait3A_436 = arith.constant 0 : i32
      %dma_wait3A_437 = tpu.memref_slice %arg7[%dma_wait3A_434, %dma_wait3A_435, %dma_wait3A_436] : memref<16x100x32xf32, #tpu.memory_space<vmem>> -> memref<1x100x32xf32, #tpu.memory_space<vmem>>
      %dma_wait3A_438 = tpu.memref_squeeze %dma_wait3A_437 : memref<1x100x32xf32, #tpu.memory_space<vmem>> -> memref<100x32xf32, #tpu.memory_space<vmem>>
      %dma_wait3A_439 = arith.constant 0 : i32
      %dma_wait3A_440 = arith.constant 0 : i32
      %dma_wait3A_441 = tpu.memref_slice %arg3[%dma_wait3A_439, %dma_wait3A_440] : memref<1000000x32xf32, #tpu.memory_space<hbm>> -> memref<100x32xf32, #tpu.memory_space<hbm>>
      %dma_wait3A_442 = arith.constant 0 : i32
      %dma_wait3A_443 = arith.constant 0 : i32
      %dma_wait3A_444 = tpu.memref_slice %arg7[%dma_wait3A_434, %dma_wait3A_442, %dma_wait3A_443] : memref<16x100x32xf32, #tpu.memory_space<vmem>> -> memref<1x100x32xf32, #tpu.memory_space<vmem>>
      %dma_wait3A_445 = tpu.memref_squeeze %dma_wait3A_444 : memref<1x100x32xf32, #tpu.memory_space<vmem>> -> memref<100x32xf32, #tpu.memory_space<vmem>>
      %dma_wait3A_446 = arith.constant 0 : i32
      %dma_wait3A_447 = arith.constant 0 : i32
      %dma_wait3A_448 = tpu.memref_slice %arg3[%dma_wait3A_446, %dma_wait3A_447] : memref<1000000x32xf32, #tpu.memory_space<hbm>> -> memref<100x32xf32, #tpu.memory_space<hbm>>
      tpu.wait_dma2 semaphore(%arg10 : memref<!tpu.dma_semaphore, #tpu.memory_space<semaphore_mem>>) src(%dma_wait3A_448 : memref<100x32xf32, #tpu.memory_space<hbm>>) dst(%dma_wait3A_445 : memref<100x32xf32, #tpu.memory_space<vmem>>)
      %dma_wait3A_449 = arith.constant 3 : i32
      %dma_wait3A_450 = arith.constant 0 : i32
      %dma_wait3A_451 = arith.constant 0 : i32
      %dma_wait3A_452 = tpu.memref_slice %arg7[%dma_wait3A_449, %dma_wait3A_450, %dma_wait3A_451] : memref<16x100x32xf32, #tpu.memory_space<vmem>> -> memref<1x100x32xf32, #tpu.memory_space<vmem>>
      %dma_wait3A_453 = tpu.memref_squeeze %dma_wait3A_452 : memref<1x100x32xf32, #tpu.memory_space<vmem>> -> memref<100x32xf32, #tpu.memory_space<vmem>>
      %dma_wait3A_454 = arith.constant 0 : i32
      %dma_wait3A_455 = arith.constant 0 : i32
      %dma_wait3A_456 = tpu.memref_slice %arg3[%dma_wait3A_454, %dma_wait3A_455] : memref<1000000x32xf32, #tpu.memory_space<hbm>> -> memref<100x32xf32, #tpu.memory_space<hbm>>
      %dma_wait3A_457 = arith.constant 0 : i32
      %dma_wait3A_458 = arith.constant 0 : i32
      %dma_wait3A_459 = tpu.memref_slice %arg7[%dma_wait3A_449, %dma_wait3A_457, %dma_wait3A_458] : memref<16x100x32xf32, #tpu.memory_space<vmem>> -> memref<1x100x32xf32, #tpu.memory_space<vmem>>
      %dma_wait3A_460 = tpu.memref_squeeze %dma_wait3A_459 : memref<1x100x32xf32, #tpu.memory_space<vmem>> -> memref<100x32xf32, #tpu.memory_space<vmem>>
      %dma_wait3A_461 = arith.constant 0 : i32
      %dma_wait3A_462 = arith.constant 0 : i32
      %dma_wait3A_463 = tpu.memref_slice %arg3[%dma_wait3A_461, %dma_wait3A_462] : memref<1000000x32xf32, #tpu.memory_space<hbm>> -> memref<100x32xf32, #tpu.memory_space<hbm>>
      tpu.wait_dma2 semaphore(%arg10 : memref<!tpu.dma_semaphore, #tpu.memory_space<semaphore_mem>>) src(%dma_wait3A_463 : memref<100x32xf32, #tpu.memory_space<hbm>>) dst(%dma_wait3A_460 : memref<100x32xf32, #tpu.memory_space<vmem>>)
      %dma_wait3A_464 = arith.constant 4 : i32
      %dma_wait3A_465 = arith.constant 0 : i32
      %dma_wait3A_466 = arith.constant 0 : i32
      %dma_wait3A_467 = tpu.memref_slice %arg7[%dma_wait3A_464, %dma_wait3A_465, %dma_wait3A_466] : memref<16x100x32xf32, #tpu.memory_space<vmem>> -> memref<1x100x32xf32, #tpu.memory_space<vmem>>
      %dma_wait3A_468 = tpu.memref_squeeze %dma_wait3A_467 : memref<1x100x32xf32, #tpu.memory_space<vmem>> -> memref<100x32xf32, #tpu.memory_space<vmem>>
      %dma_wait3A_469 = arith.constant 0 : i32
      %dma_wait3A_470 = arith.constant 0 : i32
      %dma_wait3A_471 = tpu.memref_slice %arg3[%dma_wait3A_469, %dma_wait3A_470] : memref<1000000x32xf32, #tpu.memory_space<hbm>> -> memref<100x32xf32, #tpu.memory_space<hbm>>
      %dma_wait3A_472 = arith.constant 0 : i32
      %dma_wait3A_473 = arith.constant 0 : i32
      %dma_wait3A_474 = tpu.memref_slice %arg7[%dma_wait3A_464, %dma_wait3A_472, %dma_wait3A_473] : memref<16x100x32xf32, #tpu.memory_space<vmem>> -> memref<1x100x32xf32, #tpu.memory_space<vmem>>
      %dma_wait3A_475 = tpu.memref_squeeze %dma_wait3A_474 : memref<1x100x32xf32, #tpu.memory_space<vmem>> -> memref<100x32xf32, #tpu.memory_space<vmem>>
      %dma_wait3A_476 = arith.constant 0 : i32
      %dma_wait3A_477 = arith.constant 0 : i32
      %dma_wait3A_478 = tpu.memref_slice %arg3[%dma_wait3A_476, %dma_wait3A_477] : memref<1000000x32xf32, #tpu.memory_space<hbm>> -> memref<100x32xf32, #tpu.memory_space<hbm>>
      tpu.wait_dma2 semaphore(%arg10 : memref<!tpu.dma_semaphore, #tpu.memory_space<semaphore_mem>>) src(%dma_wait3A_478 : memref<100x32xf32, #tpu.memory_space<hbm>>) dst(%dma_wait3A_475 : memref<100x32xf32, #tpu.memory_space<vmem>>)
      %dma_wait3A_479 = arith.constant 5 : i32
      %dma_wait3A_480 = arith.constant 0 : i32
      %dma_wait3A_481 = arith.constant 0 : i32
      %dma_wait3A_482 = tpu.memref_slice %arg7[%dma_wait3A_479, %dma_wait3A_480, %dma_wait3A_481] : memref<16x100x32xf32, #tpu.memory_space<vmem>> -> memref<1x100x32xf32, #tpu.memory_space<vmem>>
      %dma_wait3A_483 = tpu.memref_squeeze %dma_wait3A_482 : memref<1x100x32xf32, #tpu.memory_space<vmem>> -> memref<100x32xf32, #tpu.memory_space<vmem>>
      %dma_wait3A_484 = arith.constant 0 : i32
      %dma_wait3A_485 = arith.constant 0 : i32
      %dma_wait3A_486 = tpu.memref_slice %arg3[%dma_wait3A_484, %dma_wait3A_485] : memref<1000000x32xf32, #tpu.memory_space<hbm>> -> memref<100x32xf32, #tpu.memory_space<hbm>>
      %dma_wait3A_487 = arith.constant 0 : i32
      %dma_wait3A_488 = arith.constant 0 : i32
      %dma_wait3A_489 = tpu.memref_slice %arg7[%dma_wait3A_479, %dma_wait3A_487, %dma_wait3A_488] : memref<16x100x32xf32, #tpu.memory_space<vmem>> -> memref<1x100x32xf32, #tpu.memory_space<vmem>>
      %dma_wait3A_490 = tpu.memref_squeeze %dma_wait3A_489 : memref<1x100x32xf32, #tpu.memory_space<vmem>> -> memref<100x32xf32, #tpu.memory_space<vmem>>
      %dma_wait3A_491 = arith.constant 0 : i32
      %dma_wait3A_492 = arith.constant 0 : i32
      %dma_wait3A_493 = tpu.memref_slice %arg3[%dma_wait3A_491, %dma_wait3A_492] : memref<1000000x32xf32, #tpu.memory_space<hbm>> -> memref<100x32xf32, #tpu.memory_space<hbm>>
      tpu.wait_dma2 semaphore(%arg10 : memref<!tpu.dma_semaphore, #tpu.memory_space<semaphore_mem>>) src(%dma_wait3A_493 : memref<100x32xf32, #tpu.memory_space<hbm>>) dst(%dma_wait3A_490 : memref<100x32xf32, #tpu.memory_space<vmem>>)
      %dma_wait3A_494 = arith.constant 6 : i32
      %dma_wait3A_495 = arith.constant 0 : i32
      %dma_wait3A_496 = arith.constant 0 : i32
      %dma_wait3A_497 = tpu.memref_slice %arg7[%dma_wait3A_494, %dma_wait3A_495, %dma_wait3A_496] : memref<16x100x32xf32, #tpu.memory_space<vmem>> -> memref<1x100x32xf32, #tpu.memory_space<vmem>>
      %dma_wait3A_498 = tpu.memref_squeeze %dma_wait3A_497 : memref<1x100x32xf32, #tpu.memory_space<vmem>> -> memref<100x32xf32, #tpu.memory_space<vmem>>
      %dma_wait3A_499 = arith.constant 0 : i32
      %dma_wait3A_500 = arith.constant 0 : i32
      %dma_wait3A_501 = tpu.memref_slice %arg3[%dma_wait3A_499, %dma_wait3A_500] : memref<1000000x32xf32, #tpu.memory_space<hbm>> -> memref<100x32xf32, #tpu.memory_space<hbm>>
      %dma_wait3A_502 = arith.constant 0 : i32
      %dma_wait3A_503 = arith.constant 0 : i32
      %dma_wait3A_504 = tpu.memref_slice %arg7[%dma_wait3A_494, %dma_wait3A_502, %dma_wait3A_503] : memref<16x100x32xf32, #tpu.memory_space<vmem>> -> memref<1x100x32xf32, #tpu.memory_space<vmem>>
      %dma_wait3A_505 = tpu.memref_squeeze %dma_wait3A_504 : memref<1x100x32xf32, #tpu.memory_space<vmem>> -> memref<100x32xf32, #tpu.memory_space<vmem>>
      %dma_wait3A_506 = arith.constant 0 : i32
      %dma_wait3A_507 = arith.constant 0 : i32
      %dma_wait3A_508 = tpu.memref_slice %arg3[%dma_wait3A_506, %dma_wait3A_507] : memref<1000000x32xf32, #tpu.memory_space<hbm>> -> memref<100x32xf32, #tpu.memory_space<hbm>>
      tpu.wait_dma2 semaphore(%arg10 : memref<!tpu.dma_semaphore, #tpu.memory_space<semaphore_mem>>) src(%dma_wait3A_508 : memref<100x32xf32, #tpu.memory_space<hbm>>) dst(%dma_wait3A_505 : memref<100x32xf32, #tpu.memory_space<vmem>>)
      %dma_wait3A_509 = arith.constant 7 : i32
      %dma_wait3A_510 = arith.constant 0 : i32
      %dma_wait3A_511 = arith.constant 0 : i32
      %dma_wait3A_512 = tpu.memref_slice %arg7[%dma_wait3A_509, %dma_wait3A_510, %dma_wait3A_511] : memref<16x100x32xf32, #tpu.memory_space<vmem>> -> memref<1x100x32xf32, #tpu.memory_space<vmem>>
      %dma_wait3A_513 = tpu.memref_squeeze %dma_wait3A_512 : memref<1x100x32xf32, #tpu.memory_space<vmem>> -> memref<100x32xf32, #tpu.memory_space<vmem>>
      %dma_wait3A_514 = arith.constant 0 : i32
      %dma_wait3A_515 = arith.constant 0 : i32
      %dma_wait3A_516 = tpu.memref_slice %arg3[%dma_wait3A_514, %dma_wait3A_515] : memref<1000000x32xf32, #tpu.memory_space<hbm>> -> memref<100x32xf32, #tpu.memory_space<hbm>>
      %dma_wait3A_517 = arith.constant 0 : i32
      %dma_wait3A_518 = arith.constant 0 : i32
      %dma_wait3A_519 = tpu.memref_slice %arg7[%dma_wait3A_509, %dma_wait3A_517, %dma_wait3A_518] : memref<16x100x32xf32, #tpu.memory_space<vmem>> -> memref<1x100x32xf32, #tpu.memory_space<vmem>>
      %dma_wait3A_520 = tpu.memref_squeeze %dma_wait3A_519 : memref<1x100x32xf32, #tpu.memory_space<vmem>> -> memref<100x32xf32, #tpu.memory_space<vmem>>
      %dma_wait3A_521 = arith.constant 0 : i32
      %dma_wait3A_522 = arith.constant 0 : i32
      %dma_wait3A_523 = tpu.memref_slice %arg3[%dma_wait3A_521, %dma_wait3A_522] : memref<1000000x32xf32, #tpu.memory_space<hbm>> -> memref<100x32xf32, #tpu.memory_space<hbm>>
      tpu.wait_dma2 semaphore(%arg10 : memref<!tpu.dma_semaphore, #tpu.memory_space<semaphore_mem>>) src(%dma_wait3A_523 : memref<100x32xf32, #tpu.memory_space<hbm>>) dst(%dma_wait3A_520 : memref<100x32xf32, #tpu.memory_space<vmem>>)
      %dma_wait3A_524 = arith.constant 8 : i32
      %dma_wait3A_525 = arith.constant 0 : i32
      %dma_wait3A_526 = arith.constant 0 : i32
      %dma_wait3A_527 = tpu.memref_slice %arg7[%dma_wait3A_524, %dma_wait3A_525, %dma_wait3A_526] : memref<16x100x32xf32, #tpu.memory_space<vmem>> -> memref<1x100x32xf32, #tpu.memory_space<vmem>>
      %dma_wait3A_528 = tpu.memref_squeeze %dma_wait3A_527 : memref<1x100x32xf32, #tpu.memory_space<vmem>> -> memref<100x32xf32, #tpu.memory_space<vmem>>
      %dma_wait3A_529 = arith.constant 0 : i32
      %dma_wait3A_530 = arith.constant 0 : i32
      %dma_wait3A_531 = tpu.memref_slice %arg3[%dma_wait3A_529, %dma_wait3A_530] : memref<1000000x32xf32, #tpu.memory_space<hbm>> -> memref<100x32xf32, #tpu.memory_space<hbm>>
      %dma_wait3A_532 = arith.constant 0 : i32
      %dma_wait3A_533 = arith.constant 0 : i32
      %dma_wait3A_534 = tpu.memref_slice %arg7[%dma_wait3A_524, %dma_wait3A_532, %dma_wait3A_533] : memref<16x100x32xf32, #tpu.memory_space<vmem>> -> memref<1x100x32xf32, #tpu.memory_space<vmem>>
      %dma_wait3A_535 = tpu.memref_squeeze %dma_wait3A_534 : memref<1x100x32xf32, #tpu.memory_space<vmem>> -> memref<100x32xf32, #tpu.memory_space<vmem>>
      %dma_wait3A_536 = arith.constant 0 : i32
      %dma_wait3A_537 = arith.constant 0 : i32
      %dma_wait3A_538 = tpu.memref_slice %arg3[%dma_wait3A_536, %dma_wait3A_537] : memref<1000000x32xf32, #tpu.memory_space<hbm>> -> memref<100x32xf32, #tpu.memory_space<hbm>>
      tpu.wait_dma2 semaphore(%arg10 : memref<!tpu.dma_semaphore, #tpu.memory_space<semaphore_mem>>) src(%dma_wait3A_538 : memref<100x32xf32, #tpu.memory_space<hbm>>) dst(%dma_wait3A_535 : memref<100x32xf32, #tpu.memory_space<vmem>>)
      %dma_wait3A_539 = arith.constant 9 : i32
      %dma_wait3A_540 = arith.constant 0 : i32
      %dma_wait3A_541 = arith.constant 0 : i32
      %dma_wait3A_542 = tpu.memref_slice %arg7[%dma_wait3A_539, %dma_wait3A_540, %dma_wait3A_541] : memref<16x100x32xf32, #tpu.memory_space<vmem>> -> memref<1x100x32xf32, #tpu.memory_space<vmem>>
      %dma_wait3A_543 = tpu.memref_squeeze %dma_wait3A_542 : memref<1x100x32xf32, #tpu.memory_space<vmem>> -> memref<100x32xf32, #tpu.memory_space<vmem>>
      %dma_wait3A_544 = arith.constant 0 : i32
      %dma_wait3A_545 = arith.constant 0 : i32
      %dma_wait3A_546 = tpu.memref_slice %arg3[%dma_wait3A_544, %dma_wait3A_545] : memref<1000000x32xf32, #tpu.memory_space<hbm>> -> memref<100x32xf32, #tpu.memory_space<hbm>>
      %dma_wait3A_547 = arith.constant 0 : i32
      %dma_wait3A_548 = arith.constant 0 : i32
      %dma_wait3A_549 = tpu.memref_slice %arg7[%dma_wait3A_539, %dma_wait3A_547, %dma_wait3A_548] : memref<16x100x32xf32, #tpu.memory_space<vmem>> -> memref<1x100x32xf32, #tpu.memory_space<vmem>>
      %dma_wait3A_550 = tpu.memref_squeeze %dma_wait3A_549 : memref<1x100x32xf32, #tpu.memory_space<vmem>> -> memref<100x32xf32, #tpu.memory_space<vmem>>
      %dma_wait3A_551 = arith.constant 0 : i32
      %dma_wait3A_552 = arith.constant 0 : i32
      %dma_wait3A_553 = tpu.memref_slice %arg3[%dma_wait3A_551, %dma_wait3A_552] : memref<1000000x32xf32, #tpu.memory_space<hbm>> -> memref<100x32xf32, #tpu.memory_space<hbm>>
      tpu.wait_dma2 semaphore(%arg10 : memref<!tpu.dma_semaphore, #tpu.memory_space<semaphore_mem>>) src(%dma_wait3A_553 : memref<100x32xf32, #tpu.memory_space<hbm>>) dst(%dma_wait3A_550 : memref<100x32xf32, #tpu.memory_space<vmem>>)
      %dma_wait3A_554 = arith.constant 10 : i32
      %dma_wait3A_555 = arith.constant 0 : i32
      %dma_wait3A_556 = arith.constant 0 : i32
      %dma_wait3A_557 = tpu.memref_slice %arg7[%dma_wait3A_554, %dma_wait3A_555, %dma_wait3A_556] : memref<16x100x32xf32, #tpu.memory_space<vmem>> -> memref<1x100x32xf32, #tpu.memory_space<vmem>>
      %dma_wait3A_558 = tpu.memref_squeeze %dma_wait3A_557 : memref<1x100x32xf32, #tpu.memory_space<vmem>> -> memref<100x32xf32, #tpu.memory_space<vmem>>
      %dma_wait3A_559 = arith.constant 0 : i32
      %dma_wait3A_560 = arith.constant 0 : i32
      %dma_wait3A_561 = tpu.memref_slice %arg3[%dma_wait3A_559, %dma_wait3A_560] : memref<1000000x32xf32, #tpu.memory_space<hbm>> -> memref<100x32xf32, #tpu.memory_space<hbm>>
      %dma_wait3A_562 = arith.constant 0 : i32
      %dma_wait3A_563 = arith.constant 0 : i32
      %dma_wait3A_564 = tpu.memref_slice %arg7[%dma_wait3A_554, %dma_wait3A_562, %dma_wait3A_563] : memref<16x100x32xf32, #tpu.memory_space<vmem>> -> memref<1x100x32xf32, #tpu.memory_space<vmem>>
      %dma_wait3A_565 = tpu.memref_squeeze %dma_wait3A_564 : memref<1x100x32xf32, #tpu.memory_space<vmem>> -> memref<100x32xf32, #tpu.memory_space<vmem>>
      %dma_wait3A_566 = arith.constant 0 : i32
      %dma_wait3A_567 = arith.constant 0 : i32
      %dma_wait3A_568 = tpu.memref_slice %arg3[%dma_wait3A_566, %dma_wait3A_567] : memref<1000000x32xf32, #tpu.memory_space<hbm>> -> memref<100x32xf32, #tpu.memory_space<hbm>>
      tpu.wait_dma2 semaphore(%arg10 : memref<!tpu.dma_semaphore, #tpu.memory_space<semaphore_mem>>) src(%dma_wait3A_568 : memref<100x32xf32, #tpu.memory_space<hbm>>) dst(%dma_wait3A_565 : memref<100x32xf32, #tpu.memory_space<vmem>>)
      %dma_wait3A_569 = arith.constant 11 : i32
      %dma_wait3A_570 = arith.constant 0 : i32
      %dma_wait3A_571 = arith.constant 0 : i32
      %dma_wait3A_572 = tpu.memref_slice %arg7[%dma_wait3A_569, %dma_wait3A_570, %dma_wait3A_571] : memref<16x100x32xf32, #tpu.memory_space<vmem>> -> memref<1x100x32xf32, #tpu.memory_space<vmem>>
      %dma_wait3A_573 = tpu.memref_squeeze %dma_wait3A_572 : memref<1x100x32xf32, #tpu.memory_space<vmem>> -> memref<100x32xf32, #tpu.memory_space<vmem>>
      %dma_wait3A_574 = arith.constant 0 : i32
      %dma_wait3A_575 = arith.constant 0 : i32
      %dma_wait3A_576 = tpu.memref_slice %arg3[%dma_wait3A_574, %dma_wait3A_575] : memref<1000000x32xf32, #tpu.memory_space<hbm>> -> memref<100x32xf32, #tpu.memory_space<hbm>>
      %dma_wait3A_577 = arith.constant 0 : i32
      %dma_wait3A_578 = arith.constant 0 : i32
      %dma_wait3A_579 = tpu.memref_slice %arg7[%dma_wait3A_569, %dma_wait3A_577, %dma_wait3A_578] : memref<16x100x32xf32, #tpu.memory_space<vmem>> -> memref<1x100x32xf32, #tpu.memory_space<vmem>>
      %dma_wait3A_580 = tpu.memref_squeeze %dma_wait3A_579 : memref<1x100x32xf32, #tpu.memory_space<vmem>> -> memref<100x32xf32, #tpu.memory_space<vmem>>
      %dma_wait3A_581 = arith.constant 0 : i32
      %dma_wait3A_582 = arith.constant 0 : i32
      %dma_wait3A_583 = tpu.memref_slice %arg3[%dma_wait3A_581, %dma_wait3A_582] : memref<1000000x32xf32, #tpu.memory_space<hbm>> -> memref<100x32xf32, #tpu.memory_space<hbm>>
      tpu.wait_dma2 semaphore(%arg10 : memref<!tpu.dma_semaphore, #tpu.memory_space<semaphore_mem>>) src(%dma_wait3A_583 : memref<100x32xf32, #tpu.memory_space<hbm>>) dst(%dma_wait3A_580 : memref<100x32xf32, #tpu.memory_space<vmem>>)
      %dma_wait3A_584 = arith.constant 12 : i32
      %dma_wait3A_585 = arith.constant 0 : i32
      %dma_wait3A_586 = arith.constant 0 : i32
      %dma_wait3A_587 = tpu.memref_slice %arg7[%dma_wait3A_584, %dma_wait3A_585, %dma_wait3A_586] : memref<16x100x32xf32, #tpu.memory_space<vmem>> -> memref<1x100x32xf32, #tpu.memory_space<vmem>>
      %dma_wait3A_588 = tpu.memref_squeeze %dma_wait3A_587 : memref<1x100x32xf32, #tpu.memory_space<vmem>> -> memref<100x32xf32, #tpu.memory_space<vmem>>
      %dma_wait3A_589 = arith.constant 0 : i32
      %dma_wait3A_590 = arith.constant 0 : i32
      %dma_wait3A_591 = tpu.memref_slice %arg3[%dma_wait3A_589, %dma_wait3A_590] : memref<1000000x32xf32, #tpu.memory_space<hbm>> -> memref<100x32xf32, #tpu.memory_space<hbm>>
      %dma_wait3A_592 = arith.constant 0 : i32
      %dma_wait3A_593 = arith.constant 0 : i32
      %dma_wait3A_594 = tpu.memref_slice %arg7[%dma_wait3A_584, %dma_wait3A_592, %dma_wait3A_593] : memref<16x100x32xf32, #tpu.memory_space<vmem>> -> memref<1x100x32xf32, #tpu.memory_space<vmem>>
      %dma_wait3A_595 = tpu.memref_squeeze %dma_wait3A_594 : memref<1x100x32xf32, #tpu.memory_space<vmem>> -> memref<100x32xf32, #tpu.memory_space<vmem>>
      %dma_wait3A_596 = arith.constant 0 : i32
      %dma_wait3A_597 = arith.constant 0 : i32
      %dma_wait3A_598 = tpu.memref_slice %arg3[%dma_wait3A_596, %dma_wait3A_597] : memref<1000000x32xf32, #tpu.memory_space<hbm>> -> memref<100x32xf32, #tpu.memory_space<hbm>>
      tpu.wait_dma2 semaphore(%arg10 : memref<!tpu.dma_semaphore, #tpu.memory_space<semaphore_mem>>) src(%dma_wait3A_598 : memref<100x32xf32, #tpu.memory_space<hbm>>) dst(%dma_wait3A_595 : memref<100x32xf32, #tpu.memory_space<vmem>>)
      %dma_wait3A_599 = arith.constant 13 : i32
      %dma_wait3A_600 = arith.constant 0 : i32
      %dma_wait3A_601 = arith.constant 0 : i32
      %dma_wait3A_602 = tpu.memref_slice %arg7[%dma_wait3A_599, %dma_wait3A_600, %dma_wait3A_601] : memref<16x100x32xf32, #tpu.memory_space<vmem>> -> memref<1x100x32xf32, #tpu.memory_space<vmem>>
      %dma_wait3A_603 = tpu.memref_squeeze %dma_wait3A_602 : memref<1x100x32xf32, #tpu.memory_space<vmem>> -> memref<100x32xf32, #tpu.memory_space<vmem>>
      %dma_wait3A_604 = arith.constant 0 : i32
      %dma_wait3A_605 = arith.constant 0 : i32
      %dma_wait3A_606 = tpu.memref_slice %arg3[%dma_wait3A_604, %dma_wait3A_605] : memref<1000000x32xf32, #tpu.memory_space<hbm>> -> memref<100x32xf32, #tpu.memory_space<hbm>>
      %dma_wait3A_607 = arith.constant 0 : i32
      %dma_wait3A_608 = arith.constant 0 : i32
      %dma_wait3A_609 = tpu.memref_slice %arg7[%dma_wait3A_599, %dma_wait3A_607, %dma_wait3A_608] : memref<16x100x32xf32, #tpu.memory_space<vmem>> -> memref<1x100x32xf32, #tpu.memory_space<vmem>>
      %dma_wait3A_610 = tpu.memref_squeeze %dma_wait3A_609 : memref<1x100x32xf32, #tpu.memory_space<vmem>> -> memref<100x32xf32, #tpu.memory_space<vmem>>
      %dma_wait3A_611 = arith.constant 0 : i32
      %dma_wait3A_612 = arith.constant 0 : i32
      %dma_wait3A_613 = tpu.memref_slice %arg3[%dma_wait3A_611, %dma_wait3A_612] : memref<1000000x32xf32, #tpu.memory_space<hbm>> -> memref<100x32xf32, #tpu.memory_space<hbm>>
      tpu.wait_dma2 semaphore(%arg10 : memref<!tpu.dma_semaphore, #tpu.memory_space<semaphore_mem>>) src(%dma_wait3A_613 : memref<100x32xf32, #tpu.memory_space<hbm>>) dst(%dma_wait3A_610 : memref<100x32xf32, #tpu.memory_space<vmem>>)
      %dma_wait3A_614 = arith.constant 14 : i32
      %dma_wait3A_615 = arith.constant 0 : i32
      %dma_wait3A_616 = arith.constant 0 : i32
      %dma_wait3A_617 = tpu.memref_slice %arg7[%dma_wait3A_614, %dma_wait3A_615, %dma_wait3A_616] : memref<16x100x32xf32, #tpu.memory_space<vmem>> -> memref<1x100x32xf32, #tpu.memory_space<vmem>>
      %dma_wait3A_618 = tpu.memref_squeeze %dma_wait3A_617 : memref<1x100x32xf32, #tpu.memory_space<vmem>> -> memref<100x32xf32, #tpu.memory_space<vmem>>
      %dma_wait3A_619 = arith.constant 0 : i32
      %dma_wait3A_620 = arith.constant 0 : i32
      %dma_wait3A_621 = tpu.memref_slice %arg3[%dma_wait3A_619, %dma_wait3A_620] : memref<1000000x32xf32, #tpu.memory_space<hbm>> -> memref<100x32xf32, #tpu.memory_space<hbm>>
      %dma_wait3A_622 = arith.constant 0 : i32
      %dma_wait3A_623 = arith.constant 0 : i32
      %dma_wait3A_624 = tpu.memref_slice %arg7[%dma_wait3A_614, %dma_wait3A_622, %dma_wait3A_623] : memref<16x100x32xf32, #tpu.memory_space<vmem>> -> memref<1x100x32xf32, #tpu.memory_space<vmem>>
      %dma_wait3A_625 = tpu.memref_squeeze %dma_wait3A_624 : memref<1x100x32xf32, #tpu.memory_space<vmem>> -> memref<100x32xf32, #tpu.memory_space<vmem>>
      %dma_wait3A_626 = arith.constant 0 : i32
      %dma_wait3A_627 = arith.constant 0 : i32
      %dma_wait3A_628 = tpu.memref_slice %arg3[%dma_wait3A_626, %dma_wait3A_627] : memref<1000000x32xf32, #tpu.memory_space<hbm>> -> memref<100x32xf32, #tpu.memory_space<hbm>>
      tpu.wait_dma2 semaphore(%arg10 : memref<!tpu.dma_semaphore, #tpu.memory_space<semaphore_mem>>) src(%dma_wait3A_628 : memref<100x32xf32, #tpu.memory_space<hbm>>) dst(%dma_wait3A_625 : memref<100x32xf32, #tpu.memory_space<vmem>>)
      %dma_wait3A_629 = arith.constant 15 : i32
      %dma_wait3A_630 = arith.constant 0 : i32
      %dma_wait3A_631 = arith.constant 0 : i32
      %dma_wait3A_632 = tpu.memref_slice %arg7[%dma_wait3A_629, %dma_wait3A_630, %dma_wait3A_631] : memref<16x100x32xf32, #tpu.memory_space<vmem>> -> memref<1x100x32xf32, #tpu.memory_space<vmem>>
      %dma_wait3A_633 = tpu.memref_squeeze %dma_wait3A_632 : memref<1x100x32xf32, #tpu.memory_space<vmem>> -> memref<100x32xf32, #tpu.memory_space<vmem>>
      %dma_wait3A_634 = arith.constant 0 : i32
      %dma_wait3A_635 = arith.constant 0 : i32
      %dma_wait3A_636 = tpu.memref_slice %arg3[%dma_wait3A_634, %dma_wait3A_635] : memref<1000000x32xf32, #tpu.memory_space<hbm>> -> memref<100x32xf32, #tpu.memory_space<hbm>>
      %dma_wait3A_637 = arith.constant 0 : i32
      %dma_wait3A_638 = arith.constant 0 : i32
      %dma_wait3A_639 = tpu.memref_slice %arg7[%dma_wait3A_629, %dma_wait3A_637, %dma_wait3A_638] : memref<16x100x32xf32, #tpu.memory_space<vmem>> -> memref<1x100x32xf32, #tpu.memory_space<vmem>>
      %dma_wait3A_640 = tpu.memref_squeeze %dma_wait3A_639 : memref<1x100x32xf32, #tpu.memory_space<vmem>> -> memref<100x32xf32, #tpu.memory_space<vmem>>
      %dma_wait3A_641 = arith.constant 0 : i32
      %dma_wait3A_642 = arith.constant 0 : i32
      %dma_wait3A_643 = tpu.memref_slice %arg3[%dma_wait3A_641, %dma_wait3A_642] : memref<1000000x32xf32, #tpu.memory_space<hbm>> -> memref<100x32xf32, #tpu.memory_space<hbm>>
      tpu.wait_dma2 semaphore(%arg10 : memref<!tpu.dma_semaphore, #tpu.memory_space<semaphore_mem>>) src(%dma_wait3A_643 : memref<100x32xf32, #tpu.memory_space<hbm>>) dst(%dma_wait3A_640 : memref<100x32xf32, #tpu.memory_space<vmem>>)
      %mul3A_644 = arith.constant 2 : i32
      %mul3A_645 = arith.muli %mul3A_644, %scan3A_203 : i32
      %broadcast_in_dim3A = arith.constant 0.000000e+00 : f32
      %broadcast_in_dim3A_646 = vector.broadcast %broadcast_in_dim3A : f32 to vector<16xf32>
      %scan3A_647 = arith.constant 0 : i32
      %scan3A_648 = arith.constant 25 : i32
      %scan3A_649 = arith.addi %scan3A_647, %scan3A_648 : i32
      %scan3A_650 = arith.constant 1 : i32
      %scan3A_651:2 = scf.for %scan3A_1308 = %scan3A_647 to %scan3A_649 step %scan3A_650 iter_args(%scan3A_1309 = %broadcast_in_dim3A_646, %scan3A_1310 = %broadcast_in_dim3A_646) -> (vector<16xf32>, vector<16xf32>)  : i32 {
        %mul3A_1311 = arith.constant 4 : i32
        %mul3A_1312 = arith.muli %scan3A_1308, %mul3A_1311 : i32
        %add3A_1313 = arith.constant 0 : i32
        %add3A_1314 = arith.addi %mul3A_1312, %add3A_1313 : i32
        %get3A = arith.constant 0 : i32
        %get3A_1315 = arith.index_cast %get3A : i32 to index
        %get3A_1316 = arith.index_cast %add3A_1314 : i32 to index
        %get3A_1317 = arith.constant 0 : index
        %get3A_1318 = tpu.vector_load %arg7[%get3A_1315, %get3A_1316, %get3A_1317] {strides = array<i32>} : memref<16x100x32xf32, #tpu.memory_space<vmem>>, vector<1x1x16xf32>,
        %get3A_1319 = vector.shape_cast %get3A_1318 : vector<1x1x16xf32> to vector<16xf32>
        %add3A_1320 = arith.addf %scan3A_1309, %get3A_1319 : vector<16xf32>
        %get3A_1321 = arith.constant 0 : i32
        %get3A_1322 = arith.index_cast %get3A_1321 : i32 to index
        %get3A_1323 = arith.index_cast %add3A_1314 : i32 to index
        %get3A_1324 = arith.constant 16 : index
        %get3A_1325 = tpu.vector_load %arg7[%get3A_1322, %get3A_1323, %get3A_1324] {strides = array<i32>} : memref<16x100x32xf32, #tpu.memory_space<vmem>>, vector<1x1x16xf32>,
        %get3A_1326 = vector.shape_cast %get3A_1325 : vector<1x1x16xf32> to vector<16xf32>
        %add3A_1327 = arith.addf %scan3A_1310, %get3A_1326 : vector<16xf32>
        %get3A_1328 = arith.constant 1 : i32
        %get3A_1329 = arith.index_cast %get3A_1328 : i32 to index
        %get3A_1330 = arith.index_cast %add3A_1314 : i32 to index
        %get3A_1331 = arith.constant 0 : index
        %get3A_1332 = tpu.vector_load %arg7[%get3A_1329, %get3A_1330, %get3A_1331] {strides = array<i32>} : memref<16x100x32xf32, #tpu.memory_space<vmem>>, vector<1x1x16xf32>,
        %get3A_1333 = vector.shape_cast %get3A_1332 : vector<1x1x16xf32> to vector<16xf32>
        %add3A_1334 = arith.addf %add3A_1320, %get3A_1333 : vector<16xf32>
        %get3A_1335 = arith.constant 1 : i32
        %get3A_1336 = arith.index_cast %get3A_1335 : i32 to index
        %get3A_1337 = arith.index_cast %add3A_1314 : i32 to index
        %get3A_1338 = arith.constant 16 : index
        %get3A_1339 = tpu.vector_load %arg7[%get3A_1336, %get3A_1337, %get3A_1338] {strides = array<i32>} : memref<16x100x32xf32, #tpu.memory_space<vmem>>, vector<1x1x16xf32>,
        %get3A_1340 = vector.shape_cast %get3A_1339 : vector<1x1x16xf32> to vector<16xf32>
        %add3A_1341 = arith.addf %add3A_1327, %get3A_1340 : vector<16xf32>
        %mul3A_1342 = arith.constant 4 : i32
        %mul3A_1343 = arith.muli %scan3A_1308, %mul3A_1342 : i32
        %add3A_1344 = arith.constant 1 : i32
        %add3A_1345 = arith.addi %mul3A_1343, %add3A_1344 : i32
        %get3A_1346 = arith.constant 0 : i32
        %get3A_1347 = arith.index_cast %get3A_1346 : i32 to index
        %get3A_1348 = arith.index_cast %add3A_1345 : i32 to index
        %get3A_1349 = arith.constant 0 : index
        %get3A_1350 = tpu.vector_load %arg7[%get3A_1347, %get3A_1348, %get3A_1349] {strides = array<i32>} : memref<16x100x32xf32, #tpu.memory_space<vmem>>, vector<1x1x16xf32>,
        %get3A_1351 = vector.shape_cast %get3A_1350 : vector<1x1x16xf32> to vector<16xf32>
        %add3A_1352 = arith.addf %add3A_1334, %get3A_1351 : vector<16xf32>
        %get3A_1353 = arith.constant 0 : i32
        %get3A_1354 = arith.index_cast %get3A_1353 : i32 to index
        %get3A_1355 = arith.index_cast %add3A_1345 : i32 to index
        %get3A_1356 = arith.constant 16 : index
        %get3A_1357 = tpu.vector_load %arg7[%get3A_1354, %get3A_1355, %get3A_1356] {strides = array<i32>} : memref<16x100x32xf32, #tpu.memory_space<vmem>>, vector<1x1x16xf32>,
        %get3A_1358 = vector.shape_cast %get3A_1357 : vector<1x1x16xf32> to vector<16xf32>
        %add3A_1359 = arith.addf %add3A_1341, %get3A_1358 : vector<16xf32>
        %get3A_1360 = arith.constant 1 : i32
        %get3A_1361 = arith.index_cast %get3A_1360 : i32 to index
        %get3A_1362 = arith.index_cast %add3A_1345 : i32 to index
        %get3A_1363 = arith.constant 0 : index
        %get3A_1364 = tpu.vector_load %arg7[%get3A_1361, %get3A_1362, %get3A_1363] {strides = array<i32>} : memref<16x100x32xf32, #tpu.memory_space<vmem>>, vector<1x1x16xf32>,
        %get3A_1365 = vector.shape_cast %get3A_1364 : vector<1x1x16xf32> to vector<16xf32>
        %add3A_1366 = arith.addf %add3A_1352, %get3A_1365 : vector<16xf32>
        %get3A_1367 = arith.constant 1 : i32
        %get3A_1368 = arith.index_cast %get3A_1367 : i32 to index
        %get3A_1369 = arith.index_cast %add3A_1345 : i32 to index
        %get3A_1370 = arith.constant 16 : index
        %get3A_1371 = tpu.vector_load %arg7[%get3A_1368, %get3A_1369, %get3A_1370] {strides = array<i32>} : memref<16x100x32xf32, #tpu.memory_space<vmem>>, vector<1x1x16xf32>,
        %get3A_1372 = vector.shape_cast %get3A_1371 : vector<1x1x16xf32> to vector<16xf32>
        %add3A_1373 = arith.addf %add3A_1359, %get3A_1372 : vector<16xf32>
        %mul3A_1374 = arith.constant 4 : i32
        %mul3A_1375 = arith.muli %scan3A_1308, %mul3A_1374 : i32
        %add3A_1376 = arith.constant 2 : i32
        %add3A_1377 = arith.addi %mul3A_1375, %add3A_1376 : i32
        %get3A_1378 = arith.constant 0 : i32
        %get3A_1379 = arith.index_cast %get3A_1378 : i32 to index
        %get3A_1380 = arith.index_cast %add3A_1377 : i32 to index
        %get3A_1381 = arith.constant 0 : index
        %get3A_1382 = tpu.vector_load %arg7[%get3A_1379, %get3A_1380, %get3A_1381] {strides = array<i32>} : memref<16x100x32xf32, #tpu.memory_space<vmem>>, vector<1x1x16xf32>,
        %get3A_1383 = vector.shape_cast %get3A_1382 : vector<1x1x16xf32> to vector<16xf32>
        %add3A_1384 = arith.addf %add3A_1366, %get3A_1383 : vector<16xf32>
        %get3A_1385 = arith.constant 0 : i32
        %get3A_1386 = arith.index_cast %get3A_1385 : i32 to index
        %get3A_1387 = arith.index_cast %add3A_1377 : i32 to index
        %get3A_1388 = arith.constant 16 : index
        %get3A_1389 = tpu.vector_load %arg7[%get3A_1386, %get3A_1387, %get3A_1388] {strides = array<i32>} : memref<16x100x32xf32, #tpu.memory_space<vmem>>, vector<1x1x16xf32>,
        %get3A_1390 = vector.shape_cast %get3A_1389 : vector<1x1x16xf32> to vector<16xf32>
        %add3A_1391 = arith.addf %add3A_1373, %get3A_1390 : vector<16xf32>
        %get3A_1392 = arith.constant 1 : i32
        %get3A_1393 = arith.index_cast %get3A_1392 : i32 to index
        %get3A_1394 = arith.index_cast %add3A_1377 : i32 to index
        %get3A_1395 = arith.constant 0 : index
        %get3A_1396 = tpu.vector_load %arg7[%get3A_1393, %get3A_1394, %get3A_1395] {strides = array<i32>} : memref<16x100x32xf32, #tpu.memory_space<vmem>>, vector<1x1x16xf32>,
        %get3A_1397 = vector.shape_cast %get3A_1396 : vector<1x1x16xf32> to vector<16xf32>
        %add3A_1398 = arith.addf %add3A_1384, %get3A_1397 : vector<16xf32>
        %get3A_1399 = arith.constant 1 : i32
        %get3A_1400 = arith.index_cast %get3A_1399 : i32 to index
        %get3A_1401 = arith.index_cast %add3A_1377 : i32 to index
        %get3A_1402 = arith.constant 16 : index
        %get3A_1403 = tpu.vector_load %arg7[%get3A_1400, %get3A_1401, %get3A_1402] {strides = array<i32>} : memref<16x100x32xf32, #tpu.memory_space<vmem>>, vector<1x1x16xf32>,
        %get3A_1404 = vector.shape_cast %get3A_1403 : vector<1x1x16xf32> to vector<16xf32>
        %add3A_1405 = arith.addf %add3A_1391, %get3A_1404 : vector<16xf32>
        %mul3A_1406 = arith.constant 4 : i32
        %mul3A_1407 = arith.muli %scan3A_1308, %mul3A_1406 : i32
        %add3A_1408 = arith.constant 3 : i32
        %add3A_1409 = arith.addi %mul3A_1407, %add3A_1408 : i32
        %get3A_1410 = arith.constant 0 : i32
        %get3A_1411 = arith.index_cast %get3A_1410 : i32 to index
        %get3A_1412 = arith.index_cast %add3A_1409 : i32 to index
        %get3A_1413 = arith.constant 0 : index
        %get3A_1414 = tpu.vector_load %arg7[%get3A_1411, %get3A_1412, %get3A_1413] {strides = array<i32>} : memref<16x100x32xf32, #tpu.memory_space<vmem>>, vector<1x1x16xf32>,
        %get3A_1415 = vector.shape_cast %get3A_1414 : vector<1x1x16xf32> to vector<16xf32>
        %add3A_1416 = arith.addf %add3A_1398, %get3A_1415 : vector<16xf32>
        %get3A_1417 = arith.constant 0 : i32
        %get3A_1418 = arith.index_cast %get3A_1417 : i32 to index
        %get3A_1419 = arith.index_cast %add3A_1409 : i32 to index
        %get3A_1420 = arith.constant 16 : index
        %get3A_1421 = tpu.vector_load %arg7[%get3A_1418, %get3A_1419, %get3A_1420] {strides = array<i32>} : memref<16x100x32xf32, #tpu.memory_space<vmem>>, vector<1x1x16xf32>,
        %get3A_1422 = vector.shape_cast %get3A_1421 : vector<1x1x16xf32> to vector<16xf32>
        %add3A_1423 = arith.addf %add3A_1405, %get3A_1422 : vector<16xf32>
        %get3A_1424 = arith.constant 1 : i32
        %get3A_1425 = arith.index_cast %get3A_1424 : i32 to index
        %get3A_1426 = arith.index_cast %add3A_1409 : i32 to index
        %get3A_1427 = arith.constant 0 : index
        %get3A_1428 = tpu.vector_load %arg7[%get3A_1425, %get3A_1426, %get3A_1427] {strides = array<i32>} : memref<16x100x32xf32, #tpu.memory_space<vmem>>, vector<1x1x16xf32>,
        %get3A_1429 = vector.shape_cast %get3A_1428 : vector<1x1x16xf32> to vector<16xf32>
        %add3A_1430 = arith.addf %add3A_1416, %get3A_1429 : vector<16xf32>
        %get3A_1431 = arith.constant 1 : i32
        %get3A_1432 = arith.index_cast %get3A_1431 : i32 to index
        %get3A_1433 = arith.index_cast %add3A_1409 : i32 to index
        %get3A_1434 = arith.constant 16 : index
        %get3A_1435 = tpu.vector_load %arg7[%get3A_1432, %get3A_1433, %get3A_1434] {strides = array<i32>} : memref<16x100x32xf32, #tpu.memory_space<vmem>>, vector<1x1x16xf32>,
        %get3A_1436 = vector.shape_cast %get3A_1435 : vector<1x1x16xf32> to vector<16xf32>
        %add3A_1437 = arith.addf %add3A_1423, %get3A_1436 : vector<16xf32>
        scf.yield %add3A_1430, %add3A_1437 : vector<16xf32>, vector<16xf32>
      }
      %scan3A_652 = arith.constant 25 : i32
      %mul3A_653 = arith.constant 8 : i32
      %mul3A_654 = arith.muli %mul3A_645, %mul3A_653 : i32
      %add3A_655 = arith.constant 0 : i32
      %add3A_656 = arith.addi %mul3A_654, %add3A_655 : i32
      %swap3A = arith.index_cast %add3A_656 : i32 to index
      %swap3A_657 = arith.constant 0 : index
      %swap3A_658 = tpu.vector_load %arg9[%swap3A, %swap3A_657] {strides = array<i32>} : memref<128x32xf32, #tpu.memory_space<vmem>>, vector<1x16xf32>,
      %swap3A_659 = vector.shape_cast %swap3A_658 : vector<1x16xf32> to vector<16xf32>
      %swap3A_660 = vector.shape_cast %scan3A_651#0 : vector<16xf32> to vector<1x16xf32>
      tpu.vector_store %arg9[%swap3A, %swap3A_657], %swap3A_660 {strides = array<i32>} : memref<128x32xf32, #tpu.memory_space<vmem>>, vector<1x16xf32>,
      %mul3A_661 = arith.constant 8 : i32
      %mul3A_662 = arith.muli %mul3A_645, %mul3A_661 : i32
      %add3A_663 = arith.constant 0 : i32
      %add3A_664 = arith.addi %mul3A_662, %add3A_663 : i32
      %swap3A_665 = arith.index_cast %add3A_664 : i32 to index
      %swap3A_666 = arith.constant 16 : index
      %swap3A_667 = tpu.vector_load %arg9[%swap3A_665, %swap3A_666] {strides = array<i32>} : memref<128x32xf32, #tpu.memory_space<vmem>>, vector<1x16xf32>,
      %swap3A_668 = vector.shape_cast %swap3A_667 : vector<1x16xf32> to vector<16xf32>
      %swap3A_669 = vector.shape_cast %scan3A_651#1 : vector<16xf32> to vector<1x16xf32>
      tpu.vector_store %arg9[%swap3A_665, %swap3A_666], %swap3A_669 {strides = array<i32>} : memref<128x32xf32, #tpu.memory_space<vmem>>, vector<1x16xf32>,
      %broadcast_in_dim3A_670 = arith.constant 0.000000e+00 : f32
      %broadcast_in_dim3A_671 = vector.broadcast %broadcast_in_dim3A_670 : f32 to vector<16xf32>
      %scan3A_672 = arith.constant 0 : i32
      %scan3A_673 = arith.constant 25 : i32
      %scan3A_674 = arith.addi %scan3A_672, %scan3A_673 : i32
      %scan3A_675 = arith.constant 1 : i32
      %scan3A_676:2 = scf.for %scan3A_1308 = %scan3A_672 to %scan3A_674 step %scan3A_675 iter_args(%scan3A_1309 = %broadcast_in_dim3A_671, %scan3A_1310 = %broadcast_in_dim3A_671) -> (vector<16xf32>, vector<16xf32>)  : i32 {
        %mul3A_1311 = arith.constant 4 : i32
        %mul3A_1312 = arith.muli %scan3A_1308, %mul3A_1311 : i32
        %add3A_1313 = arith.constant 0 : i32
        %add3A_1314 = arith.addi %mul3A_1312, %add3A_1313 : i32
        %get3A = arith.constant 2 : i32
        %get3A_1315 = arith.index_cast %get3A : i32 to index
        %get3A_1316 = arith.index_cast %add3A_1314 : i32 to index
        %get3A_1317 = arith.constant 0 : index
        %get3A_1318 = tpu.vector_load %arg7[%get3A_1315, %get3A_1316, %get3A_1317] {strides = array<i32>} : memref<16x100x32xf32, #tpu.memory_space<vmem>>, vector<1x1x16xf32>,
        %get3A_1319 = vector.shape_cast %get3A_1318 : vector<1x1x16xf32> to vector<16xf32>
        %add3A_1320 = arith.addf %scan3A_1309, %get3A_1319 : vector<16xf32>
        %get3A_1321 = arith.constant 2 : i32
        %get3A_1322 = arith.index_cast %get3A_1321 : i32 to index
        %get3A_1323 = arith.index_cast %add3A_1314 : i32 to index
        %get3A_1324 = arith.constant 16 : index
        %get3A_1325 = tpu.vector_load %arg7[%get3A_1322, %get3A_1323, %get3A_1324] {strides = array<i32>} : memref<16x100x32xf32, #tpu.memory_space<vmem>>, vector<1x1x16xf32>,
        %get3A_1326 = vector.shape_cast %get3A_1325 : vector<1x1x16xf32> to vector<16xf32>
        %add3A_1327 = arith.addf %scan3A_1310, %get3A_1326 : vector<16xf32>
        %get3A_1328 = arith.constant 3 : i32
        %get3A_1329 = arith.index_cast %get3A_1328 : i32 to index
        %get3A_1330 = arith.index_cast %add3A_1314 : i32 to index
        %get3A_1331 = arith.constant 0 : index
        %get3A_1332 = tpu.vector_load %arg7[%get3A_1329, %get3A_1330, %get3A_1331] {strides = array<i32>} : memref<16x100x32xf32, #tpu.memory_space<vmem>>, vector<1x1x16xf32>,
        %get3A_1333 = vector.shape_cast %get3A_1332 : vector<1x1x16xf32> to vector<16xf32>
        %add3A_1334 = arith.addf %add3A_1320, %get3A_1333 : vector<16xf32>
        %get3A_1335 = arith.constant 3 : i32
        %get3A_1336 = arith.index_cast %get3A_1335 : i32 to index
        %get3A_1337 = arith.index_cast %add3A_1314 : i32 to index
        %get3A_1338 = arith.constant 16 : index
        %get3A_1339 = tpu.vector_load %arg7[%get3A_1336, %get3A_1337, %get3A_1338] {strides = array<i32>} : memref<16x100x32xf32, #tpu.memory_space<vmem>>, vector<1x1x16xf32>,
        %get3A_1340 = vector.shape_cast %get3A_1339 : vector<1x1x16xf32> to vector<16xf32>
        %add3A_1341 = arith.addf %add3A_1327, %get3A_1340 : vector<16xf32>
        %mul3A_1342 = arith.constant 4 : i32
        %mul3A_1343 = arith.muli %scan3A_1308, %mul3A_1342 : i32
        %add3A_1344 = arith.constant 1 : i32
        %add3A_1345 = arith.addi %mul3A_1343, %add3A_1344 : i32
        %get3A_1346 = arith.constant 2 : i32
        %get3A_1347 = arith.index_cast %get3A_1346 : i32 to index
        %get3A_1348 = arith.index_cast %add3A_1345 : i32 to index
        %get3A_1349 = arith.constant 0 : index
        %get3A_1350 = tpu.vector_load %arg7[%get3A_1347, %get3A_1348, %get3A_1349] {strides = array<i32>} : memref<16x100x32xf32, #tpu.memory_space<vmem>>, vector<1x1x16xf32>,
        %get3A_1351 = vector.shape_cast %get3A_1350 : vector<1x1x16xf32> to vector<16xf32>
        %add3A_1352 = arith.addf %add3A_1334, %get3A_1351 : vector<16xf32>
        %get3A_1353 = arith.constant 2 : i32
        %get3A_1354 = arith.index_cast %get3A_1353 : i32 to index
        %get3A_1355 = arith.index_cast %add3A_1345 : i32 to index
        %get3A_1356 = arith.constant 16 : index
        %get3A_1357 = tpu.vector_load %arg7[%get3A_1354, %get3A_1355, %get3A_1356] {strides = array<i32>} : memref<16x100x32xf32, #tpu.memory_space<vmem>>, vector<1x1x16xf32>,
        %get3A_1358 = vector.shape_cast %get3A_1357 : vector<1x1x16xf32> to vector<16xf32>
        %add3A_1359 = arith.addf %add3A_1341, %get3A_1358 : vector<16xf32>
        %get3A_1360 = arith.constant 3 : i32
        %get3A_1361 = arith.index_cast %get3A_1360 : i32 to index
        %get3A_1362 = arith.index_cast %add3A_1345 : i32 to index
        %get3A_1363 = arith.constant 0 : index
        %get3A_1364 = tpu.vector_load %arg7[%get3A_1361, %get3A_1362, %get3A_1363] {strides = array<i32>} : memref<16x100x32xf32, #tpu.memory_space<vmem>>, vector<1x1x16xf32>,
        %get3A_1365 = vector.shape_cast %get3A_1364 : vector<1x1x16xf32> to vector<16xf32>
        %add3A_1366 = arith.addf %add3A_1352, %get3A_1365 : vector<16xf32>
        %get3A_1367 = arith.constant 3 : i32
        %get3A_1368 = arith.index_cast %get3A_1367 : i32 to index
        %get3A_1369 = arith.index_cast %add3A_1345 : i32 to index
        %get3A_1370 = arith.constant 16 : index
        %get3A_1371 = tpu.vector_load %arg7[%get3A_1368, %get3A_1369, %get3A_1370] {strides = array<i32>} : memref<16x100x32xf32, #tpu.memory_space<vmem>>, vector<1x1x16xf32>,
        %get3A_1372 = vector.shape_cast %get3A_1371 : vector<1x1x16xf32> to vector<16xf32>
        %add3A_1373 = arith.addf %add3A_1359, %get3A_1372 : vector<16xf32>
        %mul3A_1374 = arith.constant 4 : i32
        %mul3A_1375 = arith.muli %scan3A_1308, %mul3A_1374 : i32
        %add3A_1376 = arith.constant 2 : i32
        %add3A_1377 = arith.addi %mul3A_1375, %add3A_1376 : i32
        %get3A_1378 = arith.constant 2 : i32
        %get3A_1379 = arith.index_cast %get3A_1378 : i32 to index
        %get3A_1380 = arith.index_cast %add3A_1377 : i32 to index
        %get3A_1381 = arith.constant 0 : index
        %get3A_1382 = tpu.vector_load %arg7[%get3A_1379, %get3A_1380, %get3A_1381] {strides = array<i32>} : memref<16x100x32xf32, #tpu.memory_space<vmem>>, vector<1x1x16xf32>,
        %get3A_1383 = vector.shape_cast %get3A_1382 : vector<1x1x16xf32> to vector<16xf32>
        %add3A_1384 = arith.addf %add3A_1366, %get3A_1383 : vector<16xf32>
        %get3A_1385 = arith.constant 2 : i32
        %get3A_1386 = arith.index_cast %get3A_1385 : i32 to index
        %get3A_1387 = arith.index_cast %add3A_1377 : i32 to index
        %get3A_1388 = arith.constant 16 : index
        %get3A_1389 = tpu.vector_load %arg7[%get3A_1386, %get3A_1387, %get3A_1388] {strides = array<i32>} : memref<16x100x32xf32, #tpu.memory_space<vmem>>, vector<1x1x16xf32>,
        %get3A_1390 = vector.shape_cast %get3A_1389 : vector<1x1x16xf32> to vector<16xf32>
        %add3A_1391 = arith.addf %add3A_1373, %get3A_1390 : vector<16xf32>
        %get3A_1392 = arith.constant 3 : i32
        %get3A_1393 = arith.index_cast %get3A_1392 : i32 to index
        %get3A_1394 = arith.index_cast %add3A_1377 : i32 to index
        %get3A_1395 = arith.constant 0 : index
        %get3A_1396 = tpu.vector_load %arg7[%get3A_1393, %get3A_1394, %get3A_1395] {strides = array<i32>} : memref<16x100x32xf32, #tpu.memory_space<vmem>>, vector<1x1x16xf32>,
        %get3A_1397 = vector.shape_cast %get3A_1396 : vector<1x1x16xf32> to vector<16xf32>
        %add3A_1398 = arith.addf %add3A_1384, %get3A_1397 : vector<16xf32>
        %get3A_1399 = arith.constant 3 : i32
        %get3A_1400 = arith.index_cast %get3A_1399 : i32 to index
        %get3A_1401 = arith.index_cast %add3A_1377 : i32 to index
        %get3A_1402 = arith.constant 16 : index
        %get3A_1403 = tpu.vector_load %arg7[%get3A_1400, %get3A_1401, %get3A_1402] {strides = array<i32>} : memref<16x100x32xf32, #tpu.memory_space<vmem>>, vector<1x1x16xf32>,
        %get3A_1404 = vector.shape_cast %get3A_1403 : vector<1x1x16xf32> to vector<16xf32>
        %add3A_1405 = arith.addf %add3A_1391, %get3A_1404 : vector<16xf32>
        %mul3A_1406 = arith.constant 4 : i32
        %mul3A_1407 = arith.muli %scan3A_1308, %mul3A_1406 : i32
        %add3A_1408 = arith.constant 3 : i32
        %add3A_1409 = arith.addi %mul3A_1407, %add3A_1408 : i32
        %get3A_1410 = arith.constant 2 : i32
        %get3A_1411 = arith.index_cast %get3A_1410 : i32 to index
        %get3A_1412 = arith.index_cast %add3A_1409 : i32 to index
        %get3A_1413 = arith.constant 0 : index
        %get3A_1414 = tpu.vector_load %arg7[%get3A_1411, %get3A_1412, %get3A_1413] {strides = array<i32>} : memref<16x100x32xf32, #tpu.memory_space<vmem>>, vector<1x1x16xf32>,
        %get3A_1415 = vector.shape_cast %get3A_1414 : vector<1x1x16xf32> to vector<16xf32>
        %add3A_1416 = arith.addf %add3A_1398, %get3A_1415 : vector<16xf32>
        %get3A_1417 = arith.constant 2 : i32
        %get3A_1418 = arith.index_cast %get3A_1417 : i32 to index
        %get3A_1419 = arith.index_cast %add3A_1409 : i32 to index
        %get3A_1420 = arith.constant 16 : index
        %get3A_1421 = tpu.vector_load %arg7[%get3A_1418, %get3A_1419, %get3A_1420] {strides = array<i32>} : memref<16x100x32xf32, #tpu.memory_space<vmem>>, vector<1x1x16xf32>,
        %get3A_1422 = vector.shape_cast %get3A_1421 : vector<1x1x16xf32> to vector<16xf32>
        %add3A_1423 = arith.addf %add3A_1405, %get3A_1422 : vector<16xf32>
        %get3A_1424 = arith.constant 3 : i32
        %get3A_1425 = arith.index_cast %get3A_1424 : i32 to index
        %get3A_1426 = arith.index_cast %add3A_1409 : i32 to index
        %get3A_1427 = arith.constant 0 : index
        %get3A_1428 = tpu.vector_load %arg7[%get3A_1425, %get3A_1426, %get3A_1427] {strides = array<i32>} : memref<16x100x32xf32, #tpu.memory_space<vmem>>, vector<1x1x16xf32>,
        %get3A_1429 = vector.shape_cast %get3A_1428 : vector<1x1x16xf32> to vector<16xf32>
        %add3A_1430 = arith.addf %add3A_1416, %get3A_1429 : vector<16xf32>
        %get3A_1431 = arith.constant 3 : i32
        %get3A_1432 = arith.index_cast %get3A_1431 : i32 to index
        %get3A_1433 = arith.index_cast %add3A_1409 : i32 to index
        %get3A_1434 = arith.constant 16 : index
        %get3A_1435 = tpu.vector_load %arg7[%get3A_1432, %get3A_1433, %get3A_1434] {strides = array<i32>} : memref<16x100x32xf32, #tpu.memory_space<vmem>>, vector<1x1x16xf32>,
        %get3A_1436 = vector.shape_cast %get3A_1435 : vector<1x1x16xf32> to vector<16xf32>
        %add3A_1437 = arith.addf %add3A_1423, %get3A_1436 : vector<16xf32>
        scf.yield %add3A_1430, %add3A_1437 : vector<16xf32>, vector<16xf32>
      }
      %scan3A_677 = arith.constant 25 : i32
      %mul3A_678 = arith.constant 8 : i32
      %mul3A_679 = arith.muli %mul3A_645, %mul3A_678 : i32
      %add3A_680 = arith.constant 1 : i32
      %add3A_681 = arith.addi %mul3A_679, %add3A_680 : i32
      %swap3A_682 = arith.index_cast %add3A_681 : i32 to index
      %swap3A_683 = arith.constant 0 : index
      %swap3A_684 = tpu.vector_load %arg9[%swap3A_682, %swap3A_683] {strides = array<i32>} : memref<128x32xf32, #tpu.memory_space<vmem>>, vector<1x16xf32>,
      %swap3A_685 = vector.shape_cast %swap3A_684 : vector<1x16xf32> to vector<16xf32>
      %swap3A_686 = vector.shape_cast %scan3A_676#0 : vector<16xf32> to vector<1x16xf32>
      tpu.vector_store %arg9[%swap3A_682, %swap3A_683], %swap3A_686 {strides = array<i32>} : memref<128x32xf32, #tpu.memory_space<vmem>>, vector<1x16xf32>,
      %mul3A_687 = arith.constant 8 : i32
      %mul3A_688 = arith.muli %mul3A_645, %mul3A_687 : i32
      %add3A_689 = arith.constant 1 : i32
      %add3A_690 = arith.addi %mul3A_688, %add3A_689 : i32
      %swap3A_691 = arith.index_cast %add3A_690 : i32 to index
      %swap3A_692 = arith.constant 16 : index
      %swap3A_693 = tpu.vector_load %arg9[%swap3A_691, %swap3A_692] {strides = array<i32>} : memref<128x32xf32, #tpu.memory_space<vmem>>, vector<1x16xf32>,
      %swap3A_694 = vector.shape_cast %swap3A_693 : vector<1x16xf32> to vector<16xf32>
      %swap3A_695 = vector.shape_cast %scan3A_676#1 : vector<16xf32> to vector<1x16xf32>
      tpu.vector_store %arg9[%swap3A_691, %swap3A_692], %swap3A_695 {strides = array<i32>} : memref<128x32xf32, #tpu.memory_space<vmem>>, vector<1x16xf32>,
      %broadcast_in_dim3A_696 = arith.constant 0.000000e+00 : f32
      %broadcast_in_dim3A_697 = vector.broadcast %broadcast_in_dim3A_696 : f32 to vector<16xf32>
      %scan3A_698 = arith.constant 0 : i32
      %scan3A_699 = arith.constant 25 : i32
      %scan3A_700 = arith.addi %scan3A_698, %scan3A_699 : i32
      %scan3A_701 = arith.constant 1 : i32
      %scan3A_702:2 = scf.for %scan3A_1308 = %scan3A_698 to %scan3A_700 step %scan3A_701 iter_args(%scan3A_1309 = %broadcast_in_dim3A_697, %scan3A_1310 = %broadcast_in_dim3A_697) -> (vector<16xf32>, vector<16xf32>)  : i32 {
        %mul3A_1311 = arith.constant 4 : i32
        %mul3A_1312 = arith.muli %scan3A_1308, %mul3A_1311 : i32
        %add3A_1313 = arith.constant 0 : i32
        %add3A_1314 = arith.addi %mul3A_1312, %add3A_1313 : i32
        %get3A = arith.constant 4 : i32
        %get3A_1315 = arith.index_cast %get3A : i32 to index
        %get3A_1316 = arith.index_cast %add3A_1314 : i32 to index
        %get3A_1317 = arith.constant 0 : index
        %get3A_1318 = tpu.vector_load %arg7[%get3A_1315, %get3A_1316, %get3A_1317] {strides = array<i32>} : memref<16x100x32xf32, #tpu.memory_space<vmem>>, vector<1x1x16xf32>,
        %get3A_1319 = vector.shape_cast %get3A_1318 : vector<1x1x16xf32> to vector<16xf32>
        %add3A_1320 = arith.addf %scan3A_1309, %get3A_1319 : vector<16xf32>
        %get3A_1321 = arith.constant 4 : i32
        %get3A_1322 = arith.index_cast %get3A_1321 : i32 to index
        %get3A_1323 = arith.index_cast %add3A_1314 : i32 to index
        %get3A_1324 = arith.constant 16 : index
        %get3A_1325 = tpu.vector_load %arg7[%get3A_1322, %get3A_1323, %get3A_1324] {strides = array<i32>} : memref<16x100x32xf32, #tpu.memory_space<vmem>>, vector<1x1x16xf32>,
        %get3A_1326 = vector.shape_cast %get3A_1325 : vector<1x1x16xf32> to vector<16xf32>
        %add3A_1327 = arith.addf %scan3A_1310, %get3A_1326 : vector<16xf32>
        %get3A_1328 = arith.constant 5 : i32
        %get3A_1329 = arith.index_cast %get3A_1328 : i32 to index
        %get3A_1330 = arith.index_cast %add3A_1314 : i32 to index
        %get3A_1331 = arith.constant 0 : index
        %get3A_1332 = tpu.vector_load %arg7[%get3A_1329, %get3A_1330, %get3A_1331] {strides = array<i32>} : memref<16x100x32xf32, #tpu.memory_space<vmem>>, vector<1x1x16xf32>,
        %get3A_1333 = vector.shape_cast %get3A_1332 : vector<1x1x16xf32> to vector<16xf32>
        %add3A_1334 = arith.addf %add3A_1320, %get3A_1333 : vector<16xf32>
        %get3A_1335 = arith.constant 5 : i32
        %get3A_1336 = arith.index_cast %get3A_1335 : i32 to index
        %get3A_1337 = arith.index_cast %add3A_1314 : i32 to index
        %get3A_1338 = arith.constant 16 : index
        %get3A_1339 = tpu.vector_load %arg7[%get3A_1336, %get3A_1337, %get3A_1338] {strides = array<i32>} : memref<16x100x32xf32, #tpu.memory_space<vmem>>, vector<1x1x16xf32>,
        %get3A_1340 = vector.shape_cast %get3A_1339 : vector<1x1x16xf32> to vector<16xf32>
        %add3A_1341 = arith.addf %add3A_1327, %get3A_1340 : vector<16xf32>
        %mul3A_1342 = arith.constant 4 : i32
        %mul3A_1343 = arith.muli %scan3A_1308, %mul3A_1342 : i32
        %add3A_1344 = arith.constant 1 : i32
        %add3A_1345 = arith.addi %mul3A_1343, %add3A_1344 : i32
        %get3A_1346 = arith.constant 4 : i32
        %get3A_1347 = arith.index_cast %get3A_1346 : i32 to index
        %get3A_1348 = arith.index_cast %add3A_1345 : i32 to index
        %get3A_1349 = arith.constant 0 : index
        %get3A_1350 = tpu.vector_load %arg7[%get3A_1347, %get3A_1348, %get3A_1349] {strides = array<i32>} : memref<16x100x32xf32, #tpu.memory_space<vmem>>, vector<1x1x16xf32>,
        %get3A_1351 = vector.shape_cast %get3A_1350 : vector<1x1x16xf32> to vector<16xf32>
        %add3A_1352 = arith.addf %add3A_1334, %get3A_1351 : vector<16xf32>
        %get3A_1353 = arith.constant 4 : i32
        %get3A_1354 = arith.index_cast %get3A_1353 : i32 to index
        %get3A_1355 = arith.index_cast %add3A_1345 : i32 to index
        %get3A_1356 = arith.constant 16 : index
        %get3A_1357 = tpu.vector_load %arg7[%get3A_1354, %get3A_1355, %get3A_1356] {strides = array<i32>} : memref<16x100x32xf32, #tpu.memory_space<vmem>>, vector<1x1x16xf32>,
        %get3A_1358 = vector.shape_cast %get3A_1357 : vector<1x1x16xf32> to vector<16xf32>
        %add3A_1359 = arith.addf %add3A_1341, %get3A_1358 : vector<16xf32>
        %get3A_1360 = arith.constant 5 : i32
        %get3A_1361 = arith.index_cast %get3A_1360 : i32 to index
        %get3A_1362 = arith.index_cast %add3A_1345 : i32 to index
        %get3A_1363 = arith.constant 0 : index
        %get3A_1364 = tpu.vector_load %arg7[%get3A_1361, %get3A_1362, %get3A_1363] {strides = array<i32>} : memref<16x100x32xf32, #tpu.memory_space<vmem>>, vector<1x1x16xf32>,
        %get3A_1365 = vector.shape_cast %get3A_1364 : vector<1x1x16xf32> to vector<16xf32>
        %add3A_1366 = arith.addf %add3A_1352, %get3A_1365 : vector<16xf32>
        %get3A_1367 = arith.constant 5 : i32
        %get3A_1368 = arith.index_cast %get3A_1367 : i32 to index
        %get3A_1369 = arith.index_cast %add3A_1345 : i32 to index
        %get3A_1370 = arith.constant 16 : index
        %get3A_1371 = tpu.vector_load %arg7[%get3A_1368, %get3A_1369, %get3A_1370] {strides = array<i32>} : memref<16x100x32xf32, #tpu.memory_space<vmem>>, vector<1x1x16xf32>,
        %get3A_1372 = vector.shape_cast %get3A_1371 : vector<1x1x16xf32> to vector<16xf32>
        %add3A_1373 = arith.addf %add3A_1359, %get3A_1372 : vector<16xf32>
        %mul3A_1374 = arith.constant 4 : i32
        %mul3A_1375 = arith.muli %scan3A_1308, %mul3A_1374 : i32
        %add3A_1376 = arith.constant 2 : i32
        %add3A_1377 = arith.addi %mul3A_1375, %add3A_1376 : i32
        %get3A_1378 = arith.constant 4 : i32
        %get3A_1379 = arith.index_cast %get3A_1378 : i32 to index
        %get3A_1380 = arith.index_cast %add3A_1377 : i32 to index
        %get3A_1381 = arith.constant 0 : index
        %get3A_1382 = tpu.vector_load %arg7[%get3A_1379, %get3A_1380, %get3A_1381] {strides = array<i32>} : memref<16x100x32xf32, #tpu.memory_space<vmem>>, vector<1x1x16xf32>,
        %get3A_1383 = vector.shape_cast %get3A_1382 : vector<1x1x16xf32> to vector<16xf32>
        %add3A_1384 = arith.addf %add3A_1366, %get3A_1383 : vector<16xf32>
        %get3A_1385 = arith.constant 4 : i32
        %get3A_1386 = arith.index_cast %get3A_1385 : i32 to index
        %get3A_1387 = arith.index_cast %add3A_1377 : i32 to index
        %get3A_1388 = arith.constant 16 : index
        %get3A_1389 = tpu.vector_load %arg7[%get3A_1386, %get3A_1387, %get3A_1388] {strides = array<i32>} : memref<16x100x32xf32, #tpu.memory_space<vmem>>, vector<1x1x16xf32>,
        %get3A_1390 = vector.shape_cast %get3A_1389 : vector<1x1x16xf32> to vector<16xf32>
        %add3A_1391 = arith.addf %add3A_1373, %get3A_1390 : vector<16xf32>
        %get3A_1392 = arith.constant 5 : i32
        %get3A_1393 = arith.index_cast %get3A_1392 : i32 to index
        %get3A_1394 = arith.index_cast %add3A_1377 : i32 to index
        %get3A_1395 = arith.constant 0 : index
        %get3A_1396 = tpu.vector_load %arg7[%get3A_1393, %get3A_1394, %get3A_1395] {strides = array<i32>} : memref<16x100x32xf32, #tpu.memory_space<vmem>>, vector<1x1x16xf32>,
        %get3A_1397 = vector.shape_cast %get3A_1396 : vector<1x1x16xf32> to vector<16xf32>
        %add3A_1398 = arith.addf %add3A_1384, %get3A_1397 : vector<16xf32>
        %get3A_1399 = arith.constant 5 : i32
        %get3A_1400 = arith.index_cast %get3A_1399 : i32 to index
        %get3A_1401 = arith.index_cast %add3A_1377 : i32 to index
        %get3A_1402 = arith.constant 16 : index
        %get3A_1403 = tpu.vector_load %arg7[%get3A_1400, %get3A_1401, %get3A_1402] {strides = array<i32>} : memref<16x100x32xf32, #tpu.memory_space<vmem>>, vector<1x1x16xf32>,
        %get3A_1404 = vector.shape_cast %get3A_1403 : vector<1x1x16xf32> to vector<16xf32>
        %add3A_1405 = arith.addf %add3A_1391, %get3A_1404 : vector<16xf32>
        %mul3A_1406 = arith.constant 4 : i32
        %mul3A_1407 = arith.muli %scan3A_1308, %mul3A_1406 : i32
        %add3A_1408 = arith.constant 3 : i32
        %add3A_1409 = arith.addi %mul3A_1407, %add3A_1408 : i32
        %get3A_1410 = arith.constant 4 : i32
        %get3A_1411 = arith.index_cast %get3A_1410 : i32 to index
        %get3A_1412 = arith.index_cast %add3A_1409 : i32 to index
        %get3A_1413 = arith.constant 0 : index
        %get3A_1414 = tpu.vector_load %arg7[%get3A_1411, %get3A_1412, %get3A_1413] {strides = array<i32>} : memref<16x100x32xf32, #tpu.memory_space<vmem>>, vector<1x1x16xf32>,
        %get3A_1415 = vector.shape_cast %get3A_1414 : vector<1x1x16xf32> to vector<16xf32>
        %add3A_1416 = arith.addf %add3A_1398, %get3A_1415 : vector<16xf32>
        %get3A_1417 = arith.constant 4 : i32
        %get3A_1418 = arith.index_cast %get3A_1417 : i32 to index
        %get3A_1419 = arith.index_cast %add3A_1409 : i32 to index
        %get3A_1420 = arith.constant 16 : index
        %get3A_1421 = tpu.vector_load %arg7[%get3A_1418, %get3A_1419, %get3A_1420] {strides = array<i32>} : memref<16x100x32xf32, #tpu.memory_space<vmem>>, vector<1x1x16xf32>,
        %get3A_1422 = vector.shape_cast %get3A_1421 : vector<1x1x16xf32> to vector<16xf32>
        %add3A_1423 = arith.addf %add3A_1405, %get3A_1422 : vector<16xf32>
        %get3A_1424 = arith.constant 5 : i32
        %get3A_1425 = arith.index_cast %get3A_1424 : i32 to index
        %get3A_1426 = arith.index_cast %add3A_1409 : i32 to index
        %get3A_1427 = arith.constant 0 : index
        %get3A_1428 = tpu.vector_load %arg7[%get3A_1425, %get3A_1426, %get3A_1427] {strides = array<i32>} : memref<16x100x32xf32, #tpu.memory_space<vmem>>, vector<1x1x16xf32>,
        %get3A_1429 = vector.shape_cast %get3A_1428 : vector<1x1x16xf32> to vector<16xf32>
        %add3A_1430 = arith.addf %add3A_1416, %get3A_1429 : vector<16xf32>
        %get3A_1431 = arith.constant 5 : i32
        %get3A_1432 = arith.index_cast %get3A_1431 : i32 to index
        %get3A_1433 = arith.index_cast %add3A_1409 : i32 to index
        %get3A_1434 = arith.constant 16 : index
        %get3A_1435 = tpu.vector_load %arg7[%get3A_1432, %get3A_1433, %get3A_1434] {strides = array<i32>} : memref<16x100x32xf32, #tpu.memory_space<vmem>>, vector<1x1x16xf32>,
        %get3A_1436 = vector.shape_cast %get3A_1435 : vector<1x1x16xf32> to vector<16xf32>
        %add3A_1437 = arith.addf %add3A_1423, %get3A_1436 : vector<16xf32>
        scf.yield %add3A_1430, %add3A_1437 : vector<16xf32>, vector<16xf32>
      }
      %scan3A_703 = arith.constant 25 : i32
      %mul3A_704 = arith.constant 8 : i32
      %mul3A_705 = arith.muli %mul3A_645, %mul3A_704 : i32
      %add3A_706 = arith.constant 2 : i32
      %add3A_707 = arith.addi %mul3A_705, %add3A_706 : i32
      %swap3A_708 = arith.index_cast %add3A_707 : i32 to index
      %swap3A_709 = arith.constant 0 : index
      %swap3A_710 = tpu.vector_load %arg9[%swap3A_708, %swap3A_709] {strides = array<i32>} : memref<128x32xf32, #tpu.memory_space<vmem>>, vector<1x16xf32>,
      %swap3A_711 = vector.shape_cast %swap3A_710 : vector<1x16xf32> to vector<16xf32>
      %swap3A_712 = vector.shape_cast %scan3A_702#0 : vector<16xf32> to vector<1x16xf32>
      tpu.vector_store %arg9[%swap3A_708, %swap3A_709], %swap3A_712 {strides = array<i32>} : memref<128x32xf32, #tpu.memory_space<vmem>>, vector<1x16xf32>,
      %mul3A_713 = arith.constant 8 : i32
      %mul3A_714 = arith.muli %mul3A_645, %mul3A_713 : i32
      %add3A_715 = arith.constant 2 : i32
      %add3A_716 = arith.addi %mul3A_714, %add3A_715 : i32
      %swap3A_717 = arith.index_cast %add3A_716 : i32 to index
      %swap3A_718 = arith.constant 16 : index
      %swap3A_719 = tpu.vector_load %arg9[%swap3A_717, %swap3A_718] {strides = array<i32>} : memref<128x32xf32, #tpu.memory_space<vmem>>, vector<1x16xf32>,
      %swap3A_720 = vector.shape_cast %swap3A_719 : vector<1x16xf32> to vector<16xf32>
      %swap3A_721 = vector.shape_cast %scan3A_702#1 : vector<16xf32> to vector<1x16xf32>
      tpu.vector_store %arg9[%swap3A_717, %swap3A_718], %swap3A_721 {strides = array<i32>} : memref<128x32xf32, #tpu.memory_space<vmem>>, vector<1x16xf32>,
      %broadcast_in_dim3A_722 = arith.constant 0.000000e+00 : f32
      %broadcast_in_dim3A_723 = vector.broadcast %broadcast_in_dim3A_722 : f32 to vector<16xf32>
      %scan3A_724 = arith.constant 0 : i32
      %scan3A_725 = arith.constant 25 : i32
      %scan3A_726 = arith.addi %scan3A_724, %scan3A_725 : i32
      %scan3A_727 = arith.constant 1 : i32
      %scan3A_728:2 = scf.for %scan3A_1308 = %scan3A_724 to %scan3A_726 step %scan3A_727 iter_args(%scan3A_1309 = %broadcast_in_dim3A_723, %scan3A_1310 = %broadcast_in_dim3A_723) -> (vector<16xf32>, vector<16xf32>)  : i32 {
        %mul3A_1311 = arith.constant 4 : i32
        %mul3A_1312 = arith.muli %scan3A_1308, %mul3A_1311 : i32
        %add3A_1313 = arith.constant 0 : i32
        %add3A_1314 = arith.addi %mul3A_1312, %add3A_1313 : i32
        %get3A = arith.constant 6 : i32
        %get3A_1315 = arith.index_cast %get3A : i32 to index
        %get3A_1316 = arith.index_cast %add3A_1314 : i32 to index
        %get3A_1317 = arith.constant 0 : index
        %get3A_1318 = tpu.vector_load %arg7[%get3A_1315, %get3A_1316, %get3A_1317] {strides = array<i32>} : memref<16x100x32xf32, #tpu.memory_space<vmem>>, vector<1x1x16xf32>,
        %get3A_1319 = vector.shape_cast %get3A_1318 : vector<1x1x16xf32> to vector<16xf32>
        %add3A_1320 = arith.addf %scan3A_1309, %get3A_1319 : vector<16xf32>
        %get3A_1321 = arith.constant 6 : i32
        %get3A_1322 = arith.index_cast %get3A_1321 : i32 to index
        %get3A_1323 = arith.index_cast %add3A_1314 : i32 to index
        %get3A_1324 = arith.constant 16 : index
        %get3A_1325 = tpu.vector_load %arg7[%get3A_1322, %get3A_1323, %get3A_1324] {strides = array<i32>} : memref<16x100x32xf32, #tpu.memory_space<vmem>>, vector<1x1x16xf32>,
        %get3A_1326 = vector.shape_cast %get3A_1325 : vector<1x1x16xf32> to vector<16xf32>
        %add3A_1327 = arith.addf %scan3A_1310, %get3A_1326 : vector<16xf32>
        %get3A_1328 = arith.constant 7 : i32
        %get3A_1329 = arith.index_cast %get3A_1328 : i32 to index
        %get3A_1330 = arith.index_cast %add3A_1314 : i32 to index
        %get3A_1331 = arith.constant 0 : index
        %get3A_1332 = tpu.vector_load %arg7[%get3A_1329, %get3A_1330, %get3A_1331] {strides = array<i32>} : memref<16x100x32xf32, #tpu.memory_space<vmem>>, vector<1x1x16xf32>,
        %get3A_1333 = vector.shape_cast %get3A_1332 : vector<1x1x16xf32> to vector<16xf32>
        %add3A_1334 = arith.addf %add3A_1320, %get3A_1333 : vector<16xf32>
        %get3A_1335 = arith.constant 7 : i32
        %get3A_1336 = arith.index_cast %get3A_1335 : i32 to index
        %get3A_1337 = arith.index_cast %add3A_1314 : i32 to index
        %get3A_1338 = arith.constant 16 : index
        %get3A_1339 = tpu.vector_load %arg7[%get3A_1336, %get3A_1337, %get3A_1338] {strides = array<i32>} : memref<16x100x32xf32, #tpu.memory_space<vmem>>, vector<1x1x16xf32>,
        %get3A_1340 = vector.shape_cast %get3A_1339 : vector<1x1x16xf32> to vector<16xf32>
        %add3A_1341 = arith.addf %add3A_1327, %get3A_1340 : vector<16xf32>
        %mul3A_1342 = arith.constant 4 : i32
        %mul3A_1343 = arith.muli %scan3A_1308, %mul3A_1342 : i32
        %add3A_1344 = arith.constant 1 : i32
        %add3A_1345 = arith.addi %mul3A_1343, %add3A_1344 : i32
        %get3A_1346 = arith.constant 6 : i32
        %get3A_1347 = arith.index_cast %get3A_1346 : i32 to index
        %get3A_1348 = arith.index_cast %add3A_1345 : i32 to index
        %get3A_1349 = arith.constant 0 : index
        %get3A_1350 = tpu.vector_load %arg7[%get3A_1347, %get3A_1348, %get3A_1349] {strides = array<i32>} : memref<16x100x32xf32, #tpu.memory_space<vmem>>, vector<1x1x16xf32>,
        %get3A_1351 = vector.shape_cast %get3A_1350 : vector<1x1x16xf32> to vector<16xf32>
        %add3A_1352 = arith.addf %add3A_1334, %get3A_1351 : vector<16xf32>
        %get3A_1353 = arith.constant 6 : i32
        %get3A_1354 = arith.index_cast %get3A_1353 : i32 to index
        %get3A_1355 = arith.index_cast %add3A_1345 : i32 to index
        %get3A_1356 = arith.constant 16 : index
        %get3A_1357 = tpu.vector_load %arg7[%get3A_1354, %get3A_1355, %get3A_1356] {strides = array<i32>} : memref<16x100x32xf32, #tpu.memory_space<vmem>>, vector<1x1x16xf32>,
        %get3A_1358 = vector.shape_cast %get3A_1357 : vector<1x1x16xf32> to vector<16xf32>
        %add3A_1359 = arith.addf %add3A_1341, %get3A_1358 : vector<16xf32>
        %get3A_1360 = arith.constant 7 : i32
        %get3A_1361 = arith.index_cast %get3A_1360 : i32 to index
        %get3A_1362 = arith.index_cast %add3A_1345 : i32 to index
        %get3A_1363 = arith.constant 0 : index
        %get3A_1364 = tpu.vector_load %arg7[%get3A_1361, %get3A_1362, %get3A_1363] {strides = array<i32>} : memref<16x100x32xf32, #tpu.memory_space<vmem>>, vector<1x1x16xf32>,
        %get3A_1365 = vector.shape_cast %get3A_1364 : vector<1x1x16xf32> to vector<16xf32>
        %add3A_1366 = arith.addf %add3A_1352, %get3A_1365 : vector<16xf32>
        %get3A_1367 = arith.constant 7 : i32
        %get3A_1368 = arith.index_cast %get3A_1367 : i32 to index
        %get3A_1369 = arith.index_cast %add3A_1345 : i32 to index
        %get3A_1370 = arith.constant 16 : index
        %get3A_1371 = tpu.vector_load %arg7[%get3A_1368, %get3A_1369, %get3A_1370] {strides = array<i32>} : memref<16x100x32xf32, #tpu.memory_space<vmem>>, vector<1x1x16xf32>,
        %get3A_1372 = vector.shape_cast %get3A_1371 : vector<1x1x16xf32> to vector<16xf32>
        %add3A_1373 = arith.addf %add3A_1359, %get3A_1372 : vector<16xf32>
        %mul3A_1374 = arith.constant 4 : i32
        %mul3A_1375 = arith.muli %scan3A_1308, %mul3A_1374 : i32
        %add3A_1376 = arith.constant 2 : i32
        %add3A_1377 = arith.addi %mul3A_1375, %add3A_1376 : i32
        %get3A_1378 = arith.constant 6 : i32
        %get3A_1379 = arith.index_cast %get3A_1378 : i32 to index
        %get3A_1380 = arith.index_cast %add3A_1377 : i32 to index
        %get3A_1381 = arith.constant 0 : index
        %get3A_1382 = tpu.vector_load %arg7[%get3A_1379, %get3A_1380, %get3A_1381] {strides = array<i32>} : memref<16x100x32xf32, #tpu.memory_space<vmem>>, vector<1x1x16xf32>,
        %get3A_1383 = vector.shape_cast %get3A_1382 : vector<1x1x16xf32> to vector<16xf32>
        %add3A_1384 = arith.addf %add3A_1366, %get3A_1383 : vector<16xf32>
        %get3A_1385 = arith.constant 6 : i32
        %get3A_1386 = arith.index_cast %get3A_1385 : i32 to index
        %get3A_1387 = arith.index_cast %add3A_1377 : i32 to index
        %get3A_1388 = arith.constant 16 : index
        %get3A_1389 = tpu.vector_load %arg7[%get3A_1386, %get3A_1387, %get3A_1388] {strides = array<i32>} : memref<16x100x32xf32, #tpu.memory_space<vmem>>, vector<1x1x16xf32>,
        %get3A_1390 = vector.shape_cast %get3A_1389 : vector<1x1x16xf32> to vector<16xf32>
        %add3A_1391 = arith.addf %add3A_1373, %get3A_1390 : vector<16xf32>
        %get3A_1392 = arith.constant 7 : i32
        %get3A_1393 = arith.index_cast %get3A_1392 : i32 to index
        %get3A_1394 = arith.index_cast %add3A_1377 : i32 to index
        %get3A_1395 = arith.constant 0 : index
        %get3A_1396 = tpu.vector_load %arg7[%get3A_1393, %get3A_1394, %get3A_1395] {strides = array<i32>} : memref<16x100x32xf32, #tpu.memory_space<vmem>>, vector<1x1x16xf32>,
        %get3A_1397 = vector.shape_cast %get3A_1396 : vector<1x1x16xf32> to vector<16xf32>
        %add3A_1398 = arith.addf %add3A_1384, %get3A_1397 : vector<16xf32>
        %get3A_1399 = arith.constant 7 : i32
        %get3A_1400 = arith.index_cast %get3A_1399 : i32 to index
        %get3A_1401 = arith.index_cast %add3A_1377 : i32 to index
        %get3A_1402 = arith.constant 16 : index
        %get3A_1403 = tpu.vector_load %arg7[%get3A_1400, %get3A_1401, %get3A_1402] {strides = array<i32>} : memref<16x100x32xf32, #tpu.memory_space<vmem>>, vector<1x1x16xf32>,
        %get3A_1404 = vector.shape_cast %get3A_1403 : vector<1x1x16xf32> to vector<16xf32>
        %add3A_1405 = arith.addf %add3A_1391, %get3A_1404 : vector<16xf32>
        %mul3A_1406 = arith.constant 4 : i32
        %mul3A_1407 = arith.muli %scan3A_1308, %mul3A_1406 : i32
        %add3A_1408 = arith.constant 3 : i32
        %add3A_1409 = arith.addi %mul3A_1407, %add3A_1408 : i32
        %get3A_1410 = arith.constant 6 : i32
        %get3A_1411 = arith.index_cast %get3A_1410 : i32 to index
        %get3A_1412 = arith.index_cast %add3A_1409 : i32 to index
        %get3A_1413 = arith.constant 0 : index
        %get3A_1414 = tpu.vector_load %arg7[%get3A_1411, %get3A_1412, %get3A_1413] {strides = array<i32>} : memref<16x100x32xf32, #tpu.memory_space<vmem>>, vector<1x1x16xf32>,
        %get3A_1415 = vector.shape_cast %get3A_1414 : vector<1x1x16xf32> to vector<16xf32>
        %add3A_1416 = arith.addf %add3A_1398, %get3A_1415 : vector<16xf32>
        %get3A_1417 = arith.constant 6 : i32
        %get3A_1418 = arith.index_cast %get3A_1417 : i32 to index
        %get3A_1419 = arith.index_cast %add3A_1409 : i32 to index
        %get3A_1420 = arith.constant 16 : index
        %get3A_1421 = tpu.vector_load %arg7[%get3A_1418, %get3A_1419, %get3A_1420] {strides = array<i32>} : memref<16x100x32xf32, #tpu.memory_space<vmem>>, vector<1x1x16xf32>,
        %get3A_1422 = vector.shape_cast %get3A_1421 : vector<1x1x16xf32> to vector<16xf32>
        %add3A_1423 = arith.addf %add3A_1405, %get3A_1422 : vector<16xf32>
        %get3A_1424 = arith.constant 7 : i32
        %get3A_1425 = arith.index_cast %get3A_1424 : i32 to index
        %get3A_1426 = arith.index_cast %add3A_1409 : i32 to index
        %get3A_1427 = arith.constant 0 : index
        %get3A_1428 = tpu.vector_load %arg7[%get3A_1425, %get3A_1426, %get3A_1427] {strides = array<i32>} : memref<16x100x32xf32, #tpu.memory_space<vmem>>, vector<1x1x16xf32>,
        %get3A_1429 = vector.shape_cast %get3A_1428 : vector<1x1x16xf32> to vector<16xf32>
        %add3A_1430 = arith.addf %add3A_1416, %get3A_1429 : vector<16xf32>
        %get3A_1431 = arith.constant 7 : i32
        %get3A_1432 = arith.index_cast %get3A_1431 : i32 to index
        %get3A_1433 = arith.index_cast %add3A_1409 : i32 to index
        %get3A_1434 = arith.constant 16 : index
        %get3A_1435 = tpu.vector_load %arg7[%get3A_1432, %get3A_1433, %get3A_1434] {strides = array<i32>} : memref<16x100x32xf32, #tpu.memory_space<vmem>>, vector<1x1x16xf32>,
        %get3A_1436 = vector.shape_cast %get3A_1435 : vector<1x1x16xf32> to vector<16xf32>
        %add3A_1437 = arith.addf %add3A_1423, %get3A_1436 : vector<16xf32>
        scf.yield %add3A_1430, %add3A_1437 : vector<16xf32>, vector<16xf32>
      }
      %scan3A_729 = arith.constant 25 : i32
      %mul3A_730 = arith.constant 8 : i32
      %mul3A_731 = arith.muli %mul3A_645, %mul3A_730 : i32
      %add3A_732 = arith.constant 3 : i32
      %add3A_733 = arith.addi %mul3A_731, %add3A_732 : i32
      %swap3A_734 = arith.index_cast %add3A_733 : i32 to index
      %swap3A_735 = arith.constant 0 : index
      %swap3A_736 = tpu.vector_load %arg9[%swap3A_734, %swap3A_735] {strides = array<i32>} : memref<128x32xf32, #tpu.memory_space<vmem>>, vector<1x16xf32>,
      %swap3A_737 = vector.shape_cast %swap3A_736 : vector<1x16xf32> to vector<16xf32>
      %swap3A_738 = vector.shape_cast %scan3A_728#0 : vector<16xf32> to vector<1x16xf32>
      tpu.vector_store %arg9[%swap3A_734, %swap3A_735], %swap3A_738 {strides = array<i32>} : memref<128x32xf32, #tpu.memory_space<vmem>>, vector<1x16xf32>,
      %mul3A_739 = arith.constant 8 : i32
      %mul3A_740 = arith.muli %mul3A_645, %mul3A_739 : i32
      %add3A_741 = arith.constant 3 : i32
      %add3A_742 = arith.addi %mul3A_740, %add3A_741 : i32
      %swap3A_743 = arith.index_cast %add3A_742 : i32 to index
      %swap3A_744 = arith.constant 16 : index
      %swap3A_745 = tpu.vector_load %arg9[%swap3A_743, %swap3A_744] {strides = array<i32>} : memref<128x32xf32, #tpu.memory_space<vmem>>, vector<1x16xf32>,
      %swap3A_746 = vector.shape_cast %swap3A_745 : vector<1x16xf32> to vector<16xf32>
      %swap3A_747 = vector.shape_cast %scan3A_728#1 : vector<16xf32> to vector<1x16xf32>
      tpu.vector_store %arg9[%swap3A_743, %swap3A_744], %swap3A_747 {strides = array<i32>} : memref<128x32xf32, #tpu.memory_space<vmem>>, vector<1x16xf32>,
      %broadcast_in_dim3A_748 = arith.constant 0.000000e+00 : f32
      %broadcast_in_dim3A_749 = vector.broadcast %broadcast_in_dim3A_748 : f32 to vector<16xf32>
      %scan3A_750 = arith.constant 0 : i32
      %scan3A_751 = arith.constant 25 : i32
      %scan3A_752 = arith.addi %scan3A_750, %scan3A_751 : i32
      %scan3A_753 = arith.constant 1 : i32
      %scan3A_754:2 = scf.for %scan3A_1308 = %scan3A_750 to %scan3A_752 step %scan3A_753 iter_args(%scan3A_1309 = %broadcast_in_dim3A_749, %scan3A_1310 = %broadcast_in_dim3A_749) -> (vector<16xf32>, vector<16xf32>)  : i32 {
        %mul3A_1311 = arith.constant 4 : i32
        %mul3A_1312 = arith.muli %scan3A_1308, %mul3A_1311 : i32
        %add3A_1313 = arith.constant 0 : i32
        %add3A_1314 = arith.addi %mul3A_1312, %add3A_1313 : i32
        %get3A = arith.constant 8 : i32
        %get3A_1315 = arith.index_cast %get3A : i32 to index
        %get3A_1316 = arith.index_cast %add3A_1314 : i32 to index
        %get3A_1317 = arith.constant 0 : index
        %get3A_1318 = tpu.vector_load %arg7[%get3A_1315, %get3A_1316, %get3A_1317] {strides = array<i32>} : memref<16x100x32xf32, #tpu.memory_space<vmem>>, vector<1x1x16xf32>,
        %get3A_1319 = vector.shape_cast %get3A_1318 : vector<1x1x16xf32> to vector<16xf32>
        %add3A_1320 = arith.addf %scan3A_1309, %get3A_1319 : vector<16xf32>
        %get3A_1321 = arith.constant 8 : i32
        %get3A_1322 = arith.index_cast %get3A_1321 : i32 to index
        %get3A_1323 = arith.index_cast %add3A_1314 : i32 to index
        %get3A_1324 = arith.constant 16 : index
        %get3A_1325 = tpu.vector_load %arg7[%get3A_1322, %get3A_1323, %get3A_1324] {strides = array<i32>} : memref<16x100x32xf32, #tpu.memory_space<vmem>>, vector<1x1x16xf32>,
        %get3A_1326 = vector.shape_cast %get3A_1325 : vector<1x1x16xf32> to vector<16xf32>
        %add3A_1327 = arith.addf %scan3A_1310, %get3A_1326 : vector<16xf32>
        %get3A_1328 = arith.constant 9 : i32
        %get3A_1329 = arith.index_cast %get3A_1328 : i32 to index
        %get3A_1330 = arith.index_cast %add3A_1314 : i32 to index
        %get3A_1331 = arith.constant 0 : index
        %get3A_1332 = tpu.vector_load %arg7[%get3A_1329, %get3A_1330, %get3A_1331] {strides = array<i32>} : memref<16x100x32xf32, #tpu.memory_space<vmem>>, vector<1x1x16xf32>,
        %get3A_1333 = vector.shape_cast %get3A_1332 : vector<1x1x16xf32> to vector<16xf32>
        %add3A_1334 = arith.addf %add3A_1320, %get3A_1333 : vector<16xf32>
        %get3A_1335 = arith.constant 9 : i32
        %get3A_1336 = arith.index_cast %get3A_1335 : i32 to index
        %get3A_1337 = arith.index_cast %add3A_1314 : i32 to index
        %get3A_1338 = arith.constant 16 : index
        %get3A_1339 = tpu.vector_load %arg7[%get3A_1336, %get3A_1337, %get3A_1338] {strides = array<i32>} : memref<16x100x32xf32, #tpu.memory_space<vmem>>, vector<1x1x16xf32>,
        %get3A_1340 = vector.shape_cast %get3A_1339 : vector<1x1x16xf32> to vector<16xf32>
        %add3A_1341 = arith.addf %add3A_1327, %get3A_1340 : vector<16xf32>
        %mul3A_1342 = arith.constant 4 : i32
        %mul3A_1343 = arith.muli %scan3A_1308, %mul3A_1342 : i32
        %add3A_1344 = arith.constant 1 : i32
        %add3A_1345 = arith.addi %mul3A_1343, %add3A_1344 : i32
        %get3A_1346 = arith.constant 8 : i32
        %get3A_1347 = arith.index_cast %get3A_1346 : i32 to index
        %get3A_1348 = arith.index_cast %add3A_1345 : i32 to index
        %get3A_1349 = arith.constant 0 : index
        %get3A_1350 = tpu.vector_load %arg7[%get3A_1347, %get3A_1348, %get3A_1349] {strides = array<i32>} : memref<16x100x32xf32, #tpu.memory_space<vmem>>, vector<1x1x16xf32>,
        %get3A_1351 = vector.shape_cast %get3A_1350 : vector<1x1x16xf32> to vector<16xf32>
        %add3A_1352 = arith.addf %add3A_1334, %get3A_1351 : vector<16xf32>
        %get3A_1353 = arith.constant 8 : i32
        %get3A_1354 = arith.index_cast %get3A_1353 : i32 to index
        %get3A_1355 = arith.index_cast %add3A_1345 : i32 to index
        %get3A_1356 = arith.constant 16 : index
        %get3A_1357 = tpu.vector_load %arg7[%get3A_1354, %get3A_1355, %get3A_1356] {strides = array<i32>} : memref<16x100x32xf32, #tpu.memory_space<vmem>>, vector<1x1x16xf32>,
        %get3A_1358 = vector.shape_cast %get3A_1357 : vector<1x1x16xf32> to vector<16xf32>
        %add3A_1359 = arith.addf %add3A_1341, %get3A_1358 : vector<16xf32>
        %get3A_1360 = arith.constant 9 : i32
        %get3A_1361 = arith.index_cast %get3A_1360 : i32 to index
        %get3A_1362 = arith.index_cast %add3A_1345 : i32 to index
        %get3A_1363 = arith.constant 0 : index
        %get3A_1364 = tpu.vector_load %arg7[%get3A_1361, %get3A_1362, %get3A_1363] {strides = array<i32>} : memref<16x100x32xf32, #tpu.memory_space<vmem>>, vector<1x1x16xf32>,
        %get3A_1365 = vector.shape_cast %get3A_1364 : vector<1x1x16xf32> to vector<16xf32>
        %add3A_1366 = arith.addf %add3A_1352, %get3A_1365 : vector<16xf32>
        %get3A_1367 = arith.constant 9 : i32
        %get3A_1368 = arith.index_cast %get3A_1367 : i32 to index
        %get3A_1369 = arith.index_cast %add3A_1345 : i32 to index
        %get3A_1370 = arith.constant 16 : index
        %get3A_1371 = tpu.vector_load %arg7[%get3A_1368, %get3A_1369, %get3A_1370] {strides = array<i32>} : memref<16x100x32xf32, #tpu.memory_space<vmem>>, vector<1x1x16xf32>,
        %get3A_1372 = vector.shape_cast %get3A_1371 : vector<1x1x16xf32> to vector<16xf32>
        %add3A_1373 = arith.addf %add3A_1359, %get3A_1372 : vector<16xf32>
        %mul3A_1374 = arith.constant 4 : i32
        %mul3A_1375 = arith.muli %scan3A_1308, %mul3A_1374 : i32
        %add3A_1376 = arith.constant 2 : i32
        %add3A_1377 = arith.addi %mul3A_1375, %add3A_1376 : i32
        %get3A_1378 = arith.constant 8 : i32
        %get3A_1379 = arith.index_cast %get3A_1378 : i32 to index
        %get3A_1380 = arith.index_cast %add3A_1377 : i32 to index
        %get3A_1381 = arith.constant 0 : index
        %get3A_1382 = tpu.vector_load %arg7[%get3A_1379, %get3A_1380, %get3A_1381] {strides = array<i32>} : memref<16x100x32xf32, #tpu.memory_space<vmem>>, vector<1x1x16xf32>,
        %get3A_1383 = vector.shape_cast %get3A_1382 : vector<1x1x16xf32> to vector<16xf32>
        %add3A_1384 = arith.addf %add3A_1366, %get3A_1383 : vector<16xf32>
        %get3A_1385 = arith.constant 8 : i32
        %get3A_1386 = arith.index_cast %get3A_1385 : i32 to index
        %get3A_1387 = arith.index_cast %add3A_1377 : i32 to index
        %get3A_1388 = arith.constant 16 : index
        %get3A_1389 = tpu.vector_load %arg7[%get3A_1386, %get3A_1387, %get3A_1388] {strides = array<i32>} : memref<16x100x32xf32, #tpu.memory_space<vmem>>, vector<1x1x16xf32>,
        %get3A_1390 = vector.shape_cast %get3A_1389 : vector<1x1x16xf32> to vector<16xf32>
        %add3A_1391 = arith.addf %add3A_1373, %get3A_1390 : vector<16xf32>
        %get3A_1392 = arith.constant 9 : i32
        %get3A_1393 = arith.index_cast %get3A_1392 : i32 to index
        %get3A_1394 = arith.index_cast %add3A_1377 : i32 to index
        %get3A_1395 = arith.constant 0 : index
        %get3A_1396 = tpu.vector_load %arg7[%get3A_1393, %get3A_1394, %get3A_1395] {strides = array<i32>} : memref<16x100x32xf32, #tpu.memory_space<vmem>>, vector<1x1x16xf32>,
        %get3A_1397 = vector.shape_cast %get3A_1396 : vector<1x1x16xf32> to vector<16xf32>
        %add3A_1398 = arith.addf %add3A_1384, %get3A_1397 : vector<16xf32>
        %get3A_1399 = arith.constant 9 : i32
        %get3A_1400 = arith.index_cast %get3A_1399 : i32 to index
        %get3A_1401 = arith.index_cast %add3A_1377 : i32 to index
        %get3A_1402 = arith.constant 16 : index
        %get3A_1403 = tpu.vector_load %arg7[%get3A_1400, %get3A_1401, %get3A_1402] {strides = array<i32>} : memref<16x100x32xf32, #tpu.memory_space<vmem>>, vector<1x1x16xf32>,
        %get3A_1404 = vector.shape_cast %get3A_1403 : vector<1x1x16xf32> to vector<16xf32>
        %add3A_1405 = arith.addf %add3A_1391, %get3A_1404 : vector<16xf32>
        %mul3A_1406 = arith.constant 4 : i32
        %mul3A_1407 = arith.muli %scan3A_1308, %mul3A_1406 : i32
        %add3A_1408 = arith.constant 3 : i32
        %add3A_1409 = arith.addi %mul3A_1407, %add3A_1408 : i32
        %get3A_1410 = arith.constant 8 : i32
        %get3A_1411 = arith.index_cast %get3A_1410 : i32 to index
        %get3A_1412 = arith.index_cast %add3A_1409 : i32 to index
        %get3A_1413 = arith.constant 0 : index
        %get3A_1414 = tpu.vector_load %arg7[%get3A_1411, %get3A_1412, %get3A_1413] {strides = array<i32>} : memref<16x100x32xf32, #tpu.memory_space<vmem>>, vector<1x1x16xf32>,
        %get3A_1415 = vector.shape_cast %get3A_1414 : vector<1x1x16xf32> to vector<16xf32>
        %add3A_1416 = arith.addf %add3A_1398, %get3A_1415 : vector<16xf32>
        %get3A_1417 = arith.constant 8 : i32
        %get3A_1418 = arith.index_cast %get3A_1417 : i32 to index
        %get3A_1419 = arith.index_cast %add3A_1409 : i32 to index
        %get3A_1420 = arith.constant 16 : index
        %get3A_1421 = tpu.vector_load %arg7[%get3A_1418, %get3A_1419, %get3A_1420] {strides = array<i32>} : memref<16x100x32xf32, #tpu.memory_space<vmem>>, vector<1x1x16xf32>,
        %get3A_1422 = vector.shape_cast %get3A_1421 : vector<1x1x16xf32> to vector<16xf32>
        %add3A_1423 = arith.addf %add3A_1405, %get3A_1422 : vector<16xf32>
        %get3A_1424 = arith.constant 9 : i32
        %get3A_1425 = arith.index_cast %get3A_1424 : i32 to index
        %get3A_1426 = arith.index_cast %add3A_1409 : i32 to index
        %get3A_1427 = arith.constant 0 : index
        %get3A_1428 = tpu.vector_load %arg7[%get3A_1425, %get3A_1426, %get3A_1427] {strides = array<i32>} : memref<16x100x32xf32, #tpu.memory_space<vmem>>, vector<1x1x16xf32>,
        %get3A_1429 = vector.shape_cast %get3A_1428 : vector<1x1x16xf32> to vector<16xf32>
        %add3A_1430 = arith.addf %add3A_1416, %get3A_1429 : vector<16xf32>
        %get3A_1431 = arith.constant 9 : i32
        %get3A_1432 = arith.index_cast %get3A_1431 : i32 to index
        %get3A_1433 = arith.index_cast %add3A_1409 : i32 to index
        %get3A_1434 = arith.constant 16 : index
        %get3A_1435 = tpu.vector_load %arg7[%get3A_1432, %get3A_1433, %get3A_1434] {strides = array<i32>} : memref<16x100x32xf32, #tpu.memory_space<vmem>>, vector<1x1x16xf32>,
        %get3A_1436 = vector.shape_cast %get3A_1435 : vector<1x1x16xf32> to vector<16xf32>
        %add3A_1437 = arith.addf %add3A_1423, %get3A_1436 : vector<16xf32>
        scf.yield %add3A_1430, %add3A_1437 : vector<16xf32>, vector<16xf32>
      }
      %scan3A_755 = arith.constant 25 : i32
      %mul3A_756 = arith.constant 8 : i32
      %mul3A_757 = arith.muli %mul3A_645, %mul3A_756 : i32
      %add3A_758 = arith.constant 4 : i32
      %add3A_759 = arith.addi %mul3A_757, %add3A_758 : i32
      %swap3A_760 = arith.index_cast %add3A_759 : i32 to index
      %swap3A_761 = arith.constant 0 : index
      %swap3A_762 = tpu.vector_load %arg9[%swap3A_760, %swap3A_761] {strides = array<i32>} : memref<128x32xf32, #tpu.memory_space<vmem>>, vector<1x16xf32>,
      %swap3A_763 = vector.shape_cast %swap3A_762 : vector<1x16xf32> to vector<16xf32>
      %swap3A_764 = vector.shape_cast %scan3A_754#0 : vector<16xf32> to vector<1x16xf32>
      tpu.vector_store %arg9[%swap3A_760, %swap3A_761], %swap3A_764 {strides = array<i32>} : memref<128x32xf32, #tpu.memory_space<vmem>>, vector<1x16xf32>,
      %mul3A_765 = arith.constant 8 : i32
      %mul3A_766 = arith.muli %mul3A_645, %mul3A_765 : i32
      %add3A_767 = arith.constant 4 : i32
      %add3A_768 = arith.addi %mul3A_766, %add3A_767 : i32
      %swap3A_769 = arith.index_cast %add3A_768 : i32 to index
      %swap3A_770 = arith.constant 16 : index
      %swap3A_771 = tpu.vector_load %arg9[%swap3A_769, %swap3A_770] {strides = array<i32>} : memref<128x32xf32, #tpu.memory_space<vmem>>, vector<1x16xf32>,
      %swap3A_772 = vector.shape_cast %swap3A_771 : vector<1x16xf32> to vector<16xf32>
      %swap3A_773 = vector.shape_cast %scan3A_754#1 : vector<16xf32> to vector<1x16xf32>
      tpu.vector_store %arg9[%swap3A_769, %swap3A_770], %swap3A_773 {strides = array<i32>} : memref<128x32xf32, #tpu.memory_space<vmem>>, vector<1x16xf32>,
      %broadcast_in_dim3A_774 = arith.constant 0.000000e+00 : f32
      %broadcast_in_dim3A_775 = vector.broadcast %broadcast_in_dim3A_774 : f32 to vector<16xf32>
      %scan3A_776 = arith.constant 0 : i32
      %scan3A_777 = arith.constant 25 : i32
      %scan3A_778 = arith.addi %scan3A_776, %scan3A_777 : i32
      %scan3A_779 = arith.constant 1 : i32
      %scan3A_780:2 = scf.for %scan3A_1308 = %scan3A_776 to %scan3A_778 step %scan3A_779 iter_args(%scan3A_1309 = %broadcast_in_dim3A_775, %scan3A_1310 = %broadcast_in_dim3A_775) -> (vector<16xf32>, vector<16xf32>)  : i32 {
        %mul3A_1311 = arith.constant 4 : i32
        %mul3A_1312 = arith.muli %scan3A_1308, %mul3A_1311 : i32
        %add3A_1313 = arith.constant 0 : i32
        %add3A_1314 = arith.addi %mul3A_1312, %add3A_1313 : i32
        %get3A = arith.constant 10 : i32
        %get3A_1315 = arith.index_cast %get3A : i32 to index
        %get3A_1316 = arith.index_cast %add3A_1314 : i32 to index
        %get3A_1317 = arith.constant 0 : index
        %get3A_1318 = tpu.vector_load %arg7[%get3A_1315, %get3A_1316, %get3A_1317] {strides = array<i32>} : memref<16x100x32xf32, #tpu.memory_space<vmem>>, vector<1x1x16xf32>,
        %get3A_1319 = vector.shape_cast %get3A_1318 : vector<1x1x16xf32> to vector<16xf32>
        %add3A_1320 = arith.addf %scan3A_1309, %get3A_1319 : vector<16xf32>
        %get3A_1321 = arith.constant 10 : i32
        %get3A_1322 = arith.index_cast %get3A_1321 : i32 to index
        %get3A_1323 = arith.index_cast %add3A_1314 : i32 to index
        %get3A_1324 = arith.constant 16 : index
        %get3A_1325 = tpu.vector_load %arg7[%get3A_1322, %get3A_1323, %get3A_1324] {strides = array<i32>} : memref<16x100x32xf32, #tpu.memory_space<vmem>>, vector<1x1x16xf32>,
        %get3A_1326 = vector.shape_cast %get3A_1325 : vector<1x1x16xf32> to vector<16xf32>
        %add3A_1327 = arith.addf %scan3A_1310, %get3A_1326 : vector<16xf32>
        %get3A_1328 = arith.constant 11 : i32
        %get3A_1329 = arith.index_cast %get3A_1328 : i32 to index
        %get3A_1330 = arith.index_cast %add3A_1314 : i32 to index
        %get3A_1331 = arith.constant 0 : index
        %get3A_1332 = tpu.vector_load %arg7[%get3A_1329, %get3A_1330, %get3A_1331] {strides = array<i32>} : memref<16x100x32xf32, #tpu.memory_space<vmem>>, vector<1x1x16xf32>,
        %get3A_1333 = vector.shape_cast %get3A_1332 : vector<1x1x16xf32> to vector<16xf32>
        %add3A_1334 = arith.addf %add3A_1320, %get3A_1333 : vector<16xf32>
        %get3A_1335 = arith.constant 11 : i32
        %get3A_1336 = arith.index_cast %get3A_1335 : i32 to index
        %get3A_1337 = arith.index_cast %add3A_1314 : i32 to index
        %get3A_1338 = arith.constant 16 : index
        %get3A_1339 = tpu.vector_load %arg7[%get3A_1336, %get3A_1337, %get3A_1338] {strides = array<i32>} : memref<16x100x32xf32, #tpu.memory_space<vmem>>, vector<1x1x16xf32>,
        %get3A_1340 = vector.shape_cast %get3A_1339 : vector<1x1x16xf32> to vector<16xf32>
        %add3A_1341 = arith.addf %add3A_1327, %get3A_1340 : vector<16xf32>
        %mul3A_1342 = arith.constant 4 : i32
        %mul3A_1343 = arith.muli %scan3A_1308, %mul3A_1342 : i32
        %add3A_1344 = arith.constant 1 : i32
        %add3A_1345 = arith.addi %mul3A_1343, %add3A_1344 : i32
        %get3A_1346 = arith.constant 10 : i32
        %get3A_1347 = arith.index_cast %get3A_1346 : i32 to index
        %get3A_1348 = arith.index_cast %add3A_1345 : i32 to index
        %get3A_1349 = arith.constant 0 : index
        %get3A_1350 = tpu.vector_load %arg7[%get3A_1347, %get3A_1348, %get3A_1349] {strides = array<i32>} : memref<16x100x32xf32, #tpu.memory_space<vmem>>, vector<1x1x16xf32>,
        %get3A_1351 = vector.shape_cast %get3A_1350 : vector<1x1x16xf32> to vector<16xf32>
        %add3A_1352 = arith.addf %add3A_1334, %get3A_1351 : vector<16xf32>
        %get3A_1353 = arith.constant 10 : i32
        %get3A_1354 = arith.index_cast %get3A_1353 : i32 to index
        %get3A_1355 = arith.index_cast %add3A_1345 : i32 to index
        %get3A_1356 = arith.constant 16 : index
        %get3A_1357 = tpu.vector_load %arg7[%get3A_1354, %get3A_1355, %get3A_1356] {strides = array<i32>} : memref<16x100x32xf32, #tpu.memory_space<vmem>>, vector<1x1x16xf32>,
        %get3A_1358 = vector.shape_cast %get3A_1357 : vector<1x1x16xf32> to vector<16xf32>
        %add3A_1359 = arith.addf %add3A_1341, %get3A_1358 : vector<16xf32>
        %get3A_1360 = arith.constant 11 : i32
        %get3A_1361 = arith.index_cast %get3A_1360 : i32 to index
        %get3A_1362 = arith.index_cast %add3A_1345 : i32 to index
        %get3A_1363 = arith.constant 0 : index
        %get3A_1364 = tpu.vector_load %arg7[%get3A_1361, %get3A_1362, %get3A_1363] {strides = array<i32>} : memref<16x100x32xf32, #tpu.memory_space<vmem>>, vector<1x1x16xf32>,
        %get3A_1365 = vector.shape_cast %get3A_1364 : vector<1x1x16xf32> to vector<16xf32>
        %add3A_1366 = arith.addf %add3A_1352, %get3A_1365 : vector<16xf32>
        %get3A_1367 = arith.constant 11 : i32
        %get3A_1368 = arith.index_cast %get3A_1367 : i32 to index
        %get3A_1369 = arith.index_cast %add3A_1345 : i32 to index
        %get3A_1370 = arith.constant 16 : index
        %get3A_1371 = tpu.vector_load %arg7[%get3A_1368, %get3A_1369, %get3A_1370] {strides = array<i32>} : memref<16x100x32xf32, #tpu.memory_space<vmem>>, vector<1x1x16xf32>,
        %get3A_1372 = vector.shape_cast %get3A_1371 : vector<1x1x16xf32> to vector<16xf32>
        %add3A_1373 = arith.addf %add3A_1359, %get3A_1372 : vector<16xf32>
        %mul3A_1374 = arith.constant 4 : i32
        %mul3A_1375 = arith.muli %scan3A_1308, %mul3A_1374 : i32
        %add3A_1376 = arith.constant 2 : i32
        %add3A_1377 = arith.addi %mul3A_1375, %add3A_1376 : i32
        %get3A_1378 = arith.constant 10 : i32
        %get3A_1379 = arith.index_cast %get3A_1378 : i32 to index
        %get3A_1380 = arith.index_cast %add3A_1377 : i32 to index
        %get3A_1381 = arith.constant 0 : index
        %get3A_1382 = tpu.vector_load %arg7[%get3A_1379, %get3A_1380, %get3A_1381] {strides = array<i32>} : memref<16x100x32xf32, #tpu.memory_space<vmem>>, vector<1x1x16xf32>,
        %get3A_1383 = vector.shape_cast %get3A_1382 : vector<1x1x16xf32> to vector<16xf32>
        %add3A_1384 = arith.addf %add3A_1366, %get3A_1383 : vector<16xf32>
        %get3A_1385 = arith.constant 10 : i32
        %get3A_1386 = arith.index_cast %get3A_1385 : i32 to index
        %get3A_1387 = arith.index_cast %add3A_1377 : i32 to index
        %get3A_1388 = arith.constant 16 : index
        %get3A_1389 = tpu.vector_load %arg7[%get3A_1386, %get3A_1387, %get3A_1388] {strides = array<i32>} : memref<16x100x32xf32, #tpu.memory_space<vmem>>, vector<1x1x16xf32>,
        %get3A_1390 = vector.shape_cast %get3A_1389 : vector<1x1x16xf32> to vector<16xf32>
        %add3A_1391 = arith.addf %add3A_1373, %get3A_1390 : vector<16xf32>
        %get3A_1392 = arith.constant 11 : i32
        %get3A_1393 = arith.index_cast %get3A_1392 : i32 to index
        %get3A_1394 = arith.index_cast %add3A_1377 : i32 to index
        %get3A_1395 = arith.constant 0 : index
        %get3A_1396 = tpu.vector_load %arg7[%get3A_1393, %get3A_1394, %get3A_1395] {strides = array<i32>} : memref<16x100x32xf32, #tpu.memory_space<vmem>>, vector<1x1x16xf32>,
        %get3A_1397 = vector.shape_cast %get3A_1396 : vector<1x1x16xf32> to vector<16xf32>
        %add3A_1398 = arith.addf %add3A_1384, %get3A_1397 : vector<16xf32>
        %get3A_1399 = arith.constant 11 : i32
        %get3A_1400 = arith.index_cast %get3A_1399 : i32 to index
        %get3A_1401 = arith.index_cast %add3A_1377 : i32 to index
        %get3A_1402 = arith.constant 16 : index
        %get3A_1403 = tpu.vector_load %arg7[%get3A_1400, %get3A_1401, %get3A_1402] {strides = array<i32>} : memref<16x100x32xf32, #tpu.memory_space<vmem>>, vector<1x1x16xf32>,
        %get3A_1404 = vector.shape_cast %get3A_1403 : vector<1x1x16xf32> to vector<16xf32>
        %add3A_1405 = arith.addf %add3A_1391, %get3A_1404 : vector<16xf32>
        %mul3A_1406 = arith.constant 4 : i32
        %mul3A_1407 = arith.muli %scan3A_1308, %mul3A_1406 : i32
        %add3A_1408 = arith.constant 3 : i32
        %add3A_1409 = arith.addi %mul3A_1407, %add3A_1408 : i32
        %get3A_1410 = arith.constant 10 : i32
        %get3A_1411 = arith.index_cast %get3A_1410 : i32 to index
        %get3A_1412 = arith.index_cast %add3A_1409 : i32 to index
        %get3A_1413 = arith.constant 0 : index
        %get3A_1414 = tpu.vector_load %arg7[%get3A_1411, %get3A_1412, %get3A_1413] {strides = array<i32>} : memref<16x100x32xf32, #tpu.memory_space<vmem>>, vector<1x1x16xf32>,
        %get3A_1415 = vector.shape_cast %get3A_1414 : vector<1x1x16xf32> to vector<16xf32>
        %add3A_1416 = arith.addf %add3A_1398, %get3A_1415 : vector<16xf32>
        %get3A_1417 = arith.constant 10 : i32
        %get3A_1418 = arith.index_cast %get3A_1417 : i32 to index
        %get3A_1419 = arith.index_cast %add3A_1409 : i32 to index
        %get3A_1420 = arith.constant 16 : index
        %get3A_1421 = tpu.vector_load %arg7[%get3A_1418, %get3A_1419, %get3A_1420] {strides = array<i32>} : memref<16x100x32xf32, #tpu.memory_space<vmem>>, vector<1x1x16xf32>,
        %get3A_1422 = vector.shape_cast %get3A_1421 : vector<1x1x16xf32> to vector<16xf32>
        %add3A_1423 = arith.addf %add3A_1405, %get3A_1422 : vector<16xf32>
        %get3A_1424 = arith.constant 11 : i32
        %get3A_1425 = arith.index_cast %get3A_1424 : i32 to index
        %get3A_1426 = arith.index_cast %add3A_1409 : i32 to index
        %get3A_1427 = arith.constant 0 : index
        %get3A_1428 = tpu.vector_load %arg7[%get3A_1425, %get3A_1426, %get3A_1427] {strides = array<i32>} : memref<16x100x32xf32, #tpu.memory_space<vmem>>, vector<1x1x16xf32>,
        %get3A_1429 = vector.shape_cast %get3A_1428 : vector<1x1x16xf32> to vector<16xf32>
        %add3A_1430 = arith.addf %add3A_1416, %get3A_1429 : vector<16xf32>
        %get3A_1431 = arith.constant 11 : i32
        %get3A_1432 = arith.index_cast %get3A_1431 : i32 to index
        %get3A_1433 = arith.index_cast %add3A_1409 : i32 to index
        %get3A_1434 = arith.constant 16 : index
        %get3A_1435 = tpu.vector_load %arg7[%get3A_1432, %get3A_1433, %get3A_1434] {strides = array<i32>} : memref<16x100x32xf32, #tpu.memory_space<vmem>>, vector<1x1x16xf32>,
        %get3A_1436 = vector.shape_cast %get3A_1435 : vector<1x1x16xf32> to vector<16xf32>
        %add3A_1437 = arith.addf %add3A_1423, %get3A_1436 : vector<16xf32>
        scf.yield %add3A_1430, %add3A_1437 : vector<16xf32>, vector<16xf32>
      }
      %scan3A_781 = arith.constant 25 : i32
      %mul3A_782 = arith.constant 8 : i32
      %mul3A_783 = arith.muli %mul3A_645, %mul3A_782 : i32
      %add3A_784 = arith.constant 5 : i32
      %add3A_785 = arith.addi %mul3A_783, %add3A_784 : i32
      %swap3A_786 = arith.index_cast %add3A_785 : i32 to index
      %swap3A_787 = arith.constant 0 : index
      %swap3A_788 = tpu.vector_load %arg9[%swap3A_786, %swap3A_787] {strides = array<i32>} : memref<128x32xf32, #tpu.memory_space<vmem>>, vector<1x16xf32>,
      %swap3A_789 = vector.shape_cast %swap3A_788 : vector<1x16xf32> to vector<16xf32>
      %swap3A_790 = vector.shape_cast %scan3A_780#0 : vector<16xf32> to vector<1x16xf32>
      tpu.vector_store %arg9[%swap3A_786, %swap3A_787], %swap3A_790 {strides = array<i32>} : memref<128x32xf32, #tpu.memory_space<vmem>>, vector<1x16xf32>,
      %mul3A_791 = arith.constant 8 : i32
      %mul3A_792 = arith.muli %mul3A_645, %mul3A_791 : i32
      %add3A_793 = arith.constant 5 : i32
      %add3A_794 = arith.addi %mul3A_792, %add3A_793 : i32
      %swap3A_795 = arith.index_cast %add3A_794 : i32 to index
      %swap3A_796 = arith.constant 16 : index
      %swap3A_797 = tpu.vector_load %arg9[%swap3A_795, %swap3A_796] {strides = array<i32>} : memref<128x32xf32, #tpu.memory_space<vmem>>, vector<1x16xf32>,
      %swap3A_798 = vector.shape_cast %swap3A_797 : vector<1x16xf32> to vector<16xf32>
      %swap3A_799 = vector.shape_cast %scan3A_780#1 : vector<16xf32> to vector<1x16xf32>
      tpu.vector_store %arg9[%swap3A_795, %swap3A_796], %swap3A_799 {strides = array<i32>} : memref<128x32xf32, #tpu.memory_space<vmem>>, vector<1x16xf32>,
      %broadcast_in_dim3A_800 = arith.constant 0.000000e+00 : f32
      %broadcast_in_dim3A_801 = vector.broadcast %broadcast_in_dim3A_800 : f32 to vector<16xf32>
      %scan3A_802 = arith.constant 0 : i32
      %scan3A_803 = arith.constant 25 : i32
      %scan3A_804 = arith.addi %scan3A_802, %scan3A_803 : i32
      %scan3A_805 = arith.constant 1 : i32
      %scan3A_806:2 = scf.for %scan3A_1308 = %scan3A_802 to %scan3A_804 step %scan3A_805 iter_args(%scan3A_1309 = %broadcast_in_dim3A_801, %scan3A_1310 = %broadcast_in_dim3A_801) -> (vector<16xf32>, vector<16xf32>)  : i32 {
        %mul3A_1311 = arith.constant 4 : i32
        %mul3A_1312 = arith.muli %scan3A_1308, %mul3A_1311 : i32
        %add3A_1313 = arith.constant 0 : i32
        %add3A_1314 = arith.addi %mul3A_1312, %add3A_1313 : i32
        %get3A = arith.constant 12 : i32
        %get3A_1315 = arith.index_cast %get3A : i32 to index
        %get3A_1316 = arith.index_cast %add3A_1314 : i32 to index
        %get3A_1317 = arith.constant 0 : index
        %get3A_1318 = tpu.vector_load %arg7[%get3A_1315, %get3A_1316, %get3A_1317] {strides = array<i32>} : memref<16x100x32xf32, #tpu.memory_space<vmem>>, vector<1x1x16xf32>,
        %get3A_1319 = vector.shape_cast %get3A_1318 : vector<1x1x16xf32> to vector<16xf32>
        %add3A_1320 = arith.addf %scan3A_1309, %get3A_1319 : vector<16xf32>
        %get3A_1321 = arith.constant 12 : i32
        %get3A_1322 = arith.index_cast %get3A_1321 : i32 to index
        %get3A_1323 = arith.index_cast %add3A_1314 : i32 to index
        %get3A_1324 = arith.constant 16 : index
        %get3A_1325 = tpu.vector_load %arg7[%get3A_1322, %get3A_1323, %get3A_1324] {strides = array<i32>} : memref<16x100x32xf32, #tpu.memory_space<vmem>>, vector<1x1x16xf32>,
        %get3A_1326 = vector.shape_cast %get3A_1325 : vector<1x1x16xf32> to vector<16xf32>
        %add3A_1327 = arith.addf %scan3A_1310, %get3A_1326 : vector<16xf32>
        %get3A_1328 = arith.constant 13 : i32
        %get3A_1329 = arith.index_cast %get3A_1328 : i32 to index
        %get3A_1330 = arith.index_cast %add3A_1314 : i32 to index
        %get3A_1331 = arith.constant 0 : index
        %get3A_1332 = tpu.vector_load %arg7[%get3A_1329, %get3A_1330, %get3A_1331] {strides = array<i32>} : memref<16x100x32xf32, #tpu.memory_space<vmem>>, vector<1x1x16xf32>,
        %get3A_1333 = vector.shape_cast %get3A_1332 : vector<1x1x16xf32> to vector<16xf32>
        %add3A_1334 = arith.addf %add3A_1320, %get3A_1333 : vector<16xf32>
        %get3A_1335 = arith.constant 13 : i32
        %get3A_1336 = arith.index_cast %get3A_1335 : i32 to index
        %get3A_1337 = arith.index_cast %add3A_1314 : i32 to index
        %get3A_1338 = arith.constant 16 : index
        %get3A_1339 = tpu.vector_load %arg7[%get3A_1336, %get3A_1337, %get3A_1338] {strides = array<i32>} : memref<16x100x32xf32, #tpu.memory_space<vmem>>, vector<1x1x16xf32>,
        %get3A_1340 = vector.shape_cast %get3A_1339 : vector<1x1x16xf32> to vector<16xf32>
        %add3A_1341 = arith.addf %add3A_1327, %get3A_1340 : vector<16xf32>
        %mul3A_1342 = arith.constant 4 : i32
        %mul3A_1343 = arith.muli %scan3A_1308, %mul3A_1342 : i32
        %add3A_1344 = arith.constant 1 : i32
        %add3A_1345 = arith.addi %mul3A_1343, %add3A_1344 : i32
        %get3A_1346 = arith.constant 12 : i32
        %get3A_1347 = arith.index_cast %get3A_1346 : i32 to index
        %get3A_1348 = arith.index_cast %add3A_1345 : i32 to index
        %get3A_1349 = arith.constant 0 : index
        %get3A_1350 = tpu.vector_load %arg7[%get3A_1347, %get3A_1348, %get3A_1349] {strides = array<i32>} : memref<16x100x32xf32, #tpu.memory_space<vmem>>, vector<1x1x16xf32>,
        %get3A_1351 = vector.shape_cast %get3A_1350 : vector<1x1x16xf32> to vector<16xf32>
        %add3A_1352 = arith.addf %add3A_1334, %get3A_1351 : vector<16xf32>
        %get3A_1353 = arith.constant 12 : i32
        %get3A_1354 = arith.index_cast %get3A_1353 : i32 to index
        %get3A_1355 = arith.index_cast %add3A_1345 : i32 to index
        %get3A_1356 = arith.constant 16 : index
        %get3A_1357 = tpu.vector_load %arg7[%get3A_1354, %get3A_1355, %get3A_1356] {strides = array<i32>} : memref<16x100x32xf32, #tpu.memory_space<vmem>>, vector<1x1x16xf32>,
        %get3A_1358 = vector.shape_cast %get3A_1357 : vector<1x1x16xf32> to vector<16xf32>
        %add3A_1359 = arith.addf %add3A_1341, %get3A_1358 : vector<16xf32>
        %get3A_1360 = arith.constant 13 : i32
        %get3A_1361 = arith.index_cast %get3A_1360 : i32 to index
        %get3A_1362 = arith.index_cast %add3A_1345 : i32 to index
        %get3A_1363 = arith.constant 0 : index
        %get3A_1364 = tpu.vector_load %arg7[%get3A_1361, %get3A_1362, %get3A_1363] {strides = array<i32>} : memref<16x100x32xf32, #tpu.memory_space<vmem>>, vector<1x1x16xf32>,
        %get3A_1365 = vector.shape_cast %get3A_1364 : vector<1x1x16xf32> to vector<16xf32>
        %add3A_1366 = arith.addf %add3A_1352, %get3A_1365 : vector<16xf32>
        %get3A_1367 = arith.constant 13 : i32
        %get3A_1368 = arith.index_cast %get3A_1367 : i32 to index
        %get3A_1369 = arith.index_cast %add3A_1345 : i32 to index
        %get3A_1370 = arith.constant 16 : index
        %get3A_1371 = tpu.vector_load %arg7[%get3A_1368, %get3A_1369, %get3A_1370] {strides = array<i32>} : memref<16x100x32xf32, #tpu.memory_space<vmem>>, vector<1x1x16xf32>,
        %get3A_1372 = vector.shape_cast %get3A_1371 : vector<1x1x16xf32> to vector<16xf32>
        %add3A_1373 = arith.addf %add3A_1359, %get3A_1372 : vector<16xf32>
        %mul3A_1374 = arith.constant 4 : i32
        %mul3A_1375 = arith.muli %scan3A_1308, %mul3A_1374 : i32
        %add3A_1376 = arith.constant 2 : i32
        %add3A_1377 = arith.addi %mul3A_1375, %add3A_1376 : i32
        %get3A_1378 = arith.constant 12 : i32
        %get3A_1379 = arith.index_cast %get3A_1378 : i32 to index
        %get3A_1380 = arith.index_cast %add3A_1377 : i32 to index
        %get3A_1381 = arith.constant 0 : index
        %get3A_1382 = tpu.vector_load %arg7[%get3A_1379, %get3A_1380, %get3A_1381] {strides = array<i32>} : memref<16x100x32xf32, #tpu.memory_space<vmem>>, vector<1x1x16xf32>,
        %get3A_1383 = vector.shape_cast %get3A_1382 : vector<1x1x16xf32> to vector<16xf32>
        %add3A_1384 = arith.addf %add3A_1366, %get3A_1383 : vector<16xf32>
        %get3A_1385 = arith.constant 12 : i32
        %get3A_1386 = arith.index_cast %get3A_1385 : i32 to index
        %get3A_1387 = arith.index_cast %add3A_1377 : i32 to index
        %get3A_1388 = arith.constant 16 : index
        %get3A_1389 = tpu.vector_load %arg7[%get3A_1386, %get3A_1387, %get3A_1388] {strides = array<i32>} : memref<16x100x32xf32, #tpu.memory_space<vmem>>, vector<1x1x16xf32>,
        %get3A_1390 = vector.shape_cast %get3A_1389 : vector<1x1x16xf32> to vector<16xf32>
        %add3A_1391 = arith.addf %add3A_1373, %get3A_1390 : vector<16xf32>
        %get3A_1392 = arith.constant 13 : i32
        %get3A_1393 = arith.index_cast %get3A_1392 : i32 to index
        %get3A_1394 = arith.index_cast %add3A_1377 : i32 to index
        %get3A_1395 = arith.constant 0 : index
        %get3A_1396 = tpu.vector_load %arg7[%get3A_1393, %get3A_1394, %get3A_1395] {strides = array<i32>} : memref<16x100x32xf32, #tpu.memory_space<vmem>>, vector<1x1x16xf32>,
        %get3A_1397 = vector.shape_cast %get3A_1396 : vector<1x1x16xf32> to vector<16xf32>
        %add3A_1398 = arith.addf %add3A_1384, %get3A_1397 : vector<16xf32>
        %get3A_1399 = arith.constant 13 : i32
        %get3A_1400 = arith.index_cast %get3A_1399 : i32 to index
        %get3A_1401 = arith.index_cast %add3A_1377 : i32 to index
        %get3A_1402 = arith.constant 16 : index
        %get3A_1403 = tpu.vector_load %arg7[%get3A_1400, %get3A_1401, %get3A_1402] {strides = array<i32>} : memref<16x100x32xf32, #tpu.memory_space<vmem>>, vector<1x1x16xf32>,
        %get3A_1404 = vector.shape_cast %get3A_1403 : vector<1x1x16xf32> to vector<16xf32>
        %add3A_1405 = arith.addf %add3A_1391, %get3A_1404 : vector<16xf32>
        %mul3A_1406 = arith.constant 4 : i32
        %mul3A_1407 = arith.muli %scan3A_1308, %mul3A_1406 : i32
        %add3A_1408 = arith.constant 3 : i32
        %add3A_1409 = arith.addi %mul3A_1407, %add3A_1408 : i32
        %get3A_1410 = arith.constant 12 : i32
        %get3A_1411 = arith.index_cast %get3A_1410 : i32 to index
        %get3A_1412 = arith.index_cast %add3A_1409 : i32 to index
        %get3A_1413 = arith.constant 0 : index
        %get3A_1414 = tpu.vector_load %arg7[%get3A_1411, %get3A_1412, %get3A_1413] {strides = array<i32>} : memref<16x100x32xf32, #tpu.memory_space<vmem>>, vector<1x1x16xf32>,
        %get3A_1415 = vector.shape_cast %get3A_1414 : vector<1x1x16xf32> to vector<16xf32>
        %add3A_1416 = arith.addf %add3A_1398, %get3A_1415 : vector<16xf32>
        %get3A_1417 = arith.constant 12 : i32
        %get3A_1418 = arith.index_cast %get3A_1417 : i32 to index
        %get3A_1419 = arith.index_cast %add3A_1409 : i32 to index
        %get3A_1420 = arith.constant 16 : index
        %get3A_1421 = tpu.vector_load %arg7[%get3A_1418, %get3A_1419, %get3A_1420] {strides = array<i32>} : memref<16x100x32xf32, #tpu.memory_space<vmem>>, vector<1x1x16xf32>,
        %get3A_1422 = vector.shape_cast %get3A_1421 : vector<1x1x16xf32> to vector<16xf32>
        %add3A_1423 = arith.addf %add3A_1405, %get3A_1422 : vector<16xf32>
        %get3A_1424 = arith.constant 13 : i32
        %get3A_1425 = arith.index_cast %get3A_1424 : i32 to index
        %get3A_1426 = arith.index_cast %add3A_1409 : i32 to index
        %get3A_1427 = arith.constant 0 : index
        %get3A_1428 = tpu.vector_load %arg7[%get3A_1425, %get3A_1426, %get3A_1427] {strides = array<i32>} : memref<16x100x32xf32, #tpu.memory_space<vmem>>, vector<1x1x16xf32>,
        %get3A_1429 = vector.shape_cast %get3A_1428 : vector<1x1x16xf32> to vector<16xf32>
        %add3A_1430 = arith.addf %add3A_1416, %get3A_1429 : vector<16xf32>
        %get3A_1431 = arith.constant 13 : i32
        %get3A_1432 = arith.index_cast %get3A_1431 : i32 to index
        %get3A_1433 = arith.index_cast %add3A_1409 : i32 to index
        %get3A_1434 = arith.constant 16 : index
        %get3A_1435 = tpu.vector_load %arg7[%get3A_1432, %get3A_1433, %get3A_1434] {strides = array<i32>} : memref<16x100x32xf32, #tpu.memory_space<vmem>>, vector<1x1x16xf32>,
        %get3A_1436 = vector.shape_cast %get3A_1435 : vector<1x1x16xf32> to vector<16xf32>
        %add3A_1437 = arith.addf %add3A_1423, %get3A_1436 : vector<16xf32>
        scf.yield %add3A_1430, %add3A_1437 : vector<16xf32>, vector<16xf32>
      }
      %scan3A_807 = arith.constant 25 : i32
      %mul3A_808 = arith.constant 8 : i32
      %mul3A_809 = arith.muli %mul3A_645, %mul3A_808 : i32
      %add3A_810 = arith.constant 6 : i32
      %add3A_811 = arith.addi %mul3A_809, %add3A_810 : i32
      %swap3A_812 = arith.index_cast %add3A_811 : i32 to index
      %swap3A_813 = arith.constant 0 : index
      %swap3A_814 = tpu.vector_load %arg9[%swap3A_812, %swap3A_813] {strides = array<i32>} : memref<128x32xf32, #tpu.memory_space<vmem>>, vector<1x16xf32>,
      %swap3A_815 = vector.shape_cast %swap3A_814 : vector<1x16xf32> to vector<16xf32>
      %swap3A_816 = vector.shape_cast %scan3A_806#0 : vector<16xf32> to vector<1x16xf32>
      tpu.vector_store %arg9[%swap3A_812, %swap3A_813], %swap3A_816 {strides = array<i32>} : memref<128x32xf32, #tpu.memory_space<vmem>>, vector<1x16xf32>,
      %mul3A_817 = arith.constant 8 : i32
      %mul3A_818 = arith.muli %mul3A_645, %mul3A_817 : i32
      %add3A_819 = arith.constant 6 : i32
      %add3A_820 = arith.addi %mul3A_818, %add3A_819 : i32
      %swap3A_821 = arith.index_cast %add3A_820 : i32 to index
      %swap3A_822 = arith.constant 16 : index
      %swap3A_823 = tpu.vector_load %arg9[%swap3A_821, %swap3A_822] {strides = array<i32>} : memref<128x32xf32, #tpu.memory_space<vmem>>, vector<1x16xf32>,
      %swap3A_824 = vector.shape_cast %swap3A_823 : vector<1x16xf32> to vector<16xf32>
      %swap3A_825 = vector.shape_cast %scan3A_806#1 : vector<16xf32> to vector<1x16xf32>
      tpu.vector_store %arg9[%swap3A_821, %swap3A_822], %swap3A_825 {strides = array<i32>} : memref<128x32xf32, #tpu.memory_space<vmem>>, vector<1x16xf32>,
      %broadcast_in_dim3A_826 = arith.constant 0.000000e+00 : f32
      %broadcast_in_dim3A_827 = vector.broadcast %broadcast_in_dim3A_826 : f32 to vector<16xf32>
      %scan3A_828 = arith.constant 0 : i32
      %scan3A_829 = arith.constant 25 : i32
      %scan3A_830 = arith.addi %scan3A_828, %scan3A_829 : i32
      %scan3A_831 = arith.constant 1 : i32
      %scan3A_832:2 = scf.for %scan3A_1308 = %scan3A_828 to %scan3A_830 step %scan3A_831 iter_args(%scan3A_1309 = %broadcast_in_dim3A_827, %scan3A_1310 = %broadcast_in_dim3A_827) -> (vector<16xf32>, vector<16xf32>)  : i32 {
        %mul3A_1311 = arith.constant 4 : i32
        %mul3A_1312 = arith.muli %scan3A_1308, %mul3A_1311 : i32
        %add3A_1313 = arith.constant 0 : i32
        %add3A_1314 = arith.addi %mul3A_1312, %add3A_1313 : i32
        %get3A = arith.constant 14 : i32
        %get3A_1315 = arith.index_cast %get3A : i32 to index
        %get3A_1316 = arith.index_cast %add3A_1314 : i32 to index
        %get3A_1317 = arith.constant 0 : index
        %get3A_1318 = tpu.vector_load %arg7[%get3A_1315, %get3A_1316, %get3A_1317] {strides = array<i32>} : memref<16x100x32xf32, #tpu.memory_space<vmem>>, vector<1x1x16xf32>,
        %get3A_1319 = vector.shape_cast %get3A_1318 : vector<1x1x16xf32> to vector<16xf32>
        %add3A_1320 = arith.addf %scan3A_1309, %get3A_1319 : vector<16xf32>
        %get3A_1321 = arith.constant 14 : i32
        %get3A_1322 = arith.index_cast %get3A_1321 : i32 to index
        %get3A_1323 = arith.index_cast %add3A_1314 : i32 to index
        %get3A_1324 = arith.constant 16 : index
        %get3A_1325 = tpu.vector_load %arg7[%get3A_1322, %get3A_1323, %get3A_1324] {strides = array<i32>} : memref<16x100x32xf32, #tpu.memory_space<vmem>>, vector<1x1x16xf32>,
        %get3A_1326 = vector.shape_cast %get3A_1325 : vector<1x1x16xf32> to vector<16xf32>
        %add3A_1327 = arith.addf %scan3A_1310, %get3A_1326 : vector<16xf32>
        %get3A_1328 = arith.constant 15 : i32
        %get3A_1329 = arith.index_cast %get3A_1328 : i32 to index
        %get3A_1330 = arith.index_cast %add3A_1314 : i32 to index
        %get3A_1331 = arith.constant 0 : index
        %get3A_1332 = tpu.vector_load %arg7[%get3A_1329, %get3A_1330, %get3A_1331] {strides = array<i32>} : memref<16x100x32xf32, #tpu.memory_space<vmem>>, vector<1x1x16xf32>,
        %get3A_1333 = vector.shape_cast %get3A_1332 : vector<1x1x16xf32> to vector<16xf32>
        %add3A_1334 = arith.addf %add3A_1320, %get3A_1333 : vector<16xf32>
        %get3A_1335 = arith.constant 15 : i32
        %get3A_1336 = arith.index_cast %get3A_1335 : i32 to index
        %get3A_1337 = arith.index_cast %add3A_1314 : i32 to index
        %get3A_1338 = arith.constant 16 : index
        %get3A_1339 = tpu.vector_load %arg7[%get3A_1336, %get3A_1337, %get3A_1338] {strides = array<i32>} : memref<16x100x32xf32, #tpu.memory_space<vmem>>, vector<1x1x16xf32>,
        %get3A_1340 = vector.shape_cast %get3A_1339 : vector<1x1x16xf32> to vector<16xf32>
        %add3A_1341 = arith.addf %add3A_1327, %get3A_1340 : vector<16xf32>
        %mul3A_1342 = arith.constant 4 : i32
        %mul3A_1343 = arith.muli %scan3A_1308, %mul3A_1342 : i32
        %add3A_1344 = arith.constant 1 : i32
        %add3A_1345 = arith.addi %mul3A_1343, %add3A_1344 : i32
        %get3A_1346 = arith.constant 14 : i32
        %get3A_1347 = arith.index_cast %get3A_1346 : i32 to index
        %get3A_1348 = arith.index_cast %add3A_1345 : i32 to index
        %get3A_1349 = arith.constant 0 : index
        %get3A_1350 = tpu.vector_load %arg7[%get3A_1347, %get3A_1348, %get3A_1349] {strides = array<i32>} : memref<16x100x32xf32, #tpu.memory_space<vmem>>, vector<1x1x16xf32>,
        %get3A_1351 = vector.shape_cast %get3A_1350 : vector<1x1x16xf32> to vector<16xf32>
        %add3A_1352 = arith.addf %add3A_1334, %get3A_1351 : vector<16xf32>
        %get3A_1353 = arith.constant 14 : i32
        %get3A_1354 = arith.index_cast %get3A_1353 : i32 to index
        %get3A_1355 = arith.index_cast %add3A_1345 : i32 to index
        %get3A_1356 = arith.constant 16 : index
        %get3A_1357 = tpu.vector_load %arg7[%get3A_1354, %get3A_1355, %get3A_1356] {strides = array<i32>} : memref<16x100x32xf32, #tpu.memory_space<vmem>>, vector<1x1x16xf32>,
        %get3A_1358 = vector.shape_cast %get3A_1357 : vector<1x1x16xf32> to vector<16xf32>
        %add3A_1359 = arith.addf %add3A_1341, %get3A_1358 : vector<16xf32>
        %get3A_1360 = arith.constant 15 : i32
        %get3A_1361 = arith.index_cast %get3A_1360 : i32 to index
        %get3A_1362 = arith.index_cast %add3A_1345 : i32 to index
        %get3A_1363 = arith.constant 0 : index
        %get3A_1364 = tpu.vector_load %arg7[%get3A_1361, %get3A_1362, %get3A_1363] {strides = array<i32>} : memref<16x100x32xf32, #tpu.memory_space<vmem>>, vector<1x1x16xf32>,
        %get3A_1365 = vector.shape_cast %get3A_1364 : vector<1x1x16xf32> to vector<16xf32>
        %add3A_1366 = arith.addf %add3A_1352, %get3A_1365 : vector<16xf32>
        %get3A_1367 = arith.constant 15 : i32
        %get3A_1368 = arith.index_cast %get3A_1367 : i32 to index
        %get3A_1369 = arith.index_cast %add3A_1345 : i32 to index
        %get3A_1370 = arith.constant 16 : index
        %get3A_1371 = tpu.vector_load %arg7[%get3A_1368, %get3A_1369, %get3A_1370] {strides = array<i32>} : memref<16x100x32xf32, #tpu.memory_space<vmem>>, vector<1x1x16xf32>,
        %get3A_1372 = vector.shape_cast %get3A_1371 : vector<1x1x16xf32> to vector<16xf32>
        %add3A_1373 = arith.addf %add3A_1359, %get3A_1372 : vector<16xf32>
        %mul3A_1374 = arith.constant 4 : i32
        %mul3A_1375 = arith.muli %scan3A_1308, %mul3A_1374 : i32
        %add3A_1376 = arith.constant 2 : i32
        %add3A_1377 = arith.addi %mul3A_1375, %add3A_1376 : i32
        %get3A_1378 = arith.constant 14 : i32
        %get3A_1379 = arith.index_cast %get3A_1378 : i32 to index
        %get3A_1380 = arith.index_cast %add3A_1377 : i32 to index
        %get3A_1381 = arith.constant 0 : index
        %get3A_1382 = tpu.vector_load %arg7[%get3A_1379, %get3A_1380, %get3A_1381] {strides = array<i32>} : memref<16x100x32xf32, #tpu.memory_space<vmem>>, vector<1x1x16xf32>,
        %get3A_1383 = vector.shape_cast %get3A_1382 : vector<1x1x16xf32> to vector<16xf32>
        %add3A_1384 = arith.addf %add3A_1366, %get3A_1383 : vector<16xf32>
        %get3A_1385 = arith.constant 14 : i32
        %get3A_1386 = arith.index_cast %get3A_1385 : i32 to index
        %get3A_1387 = arith.index_cast %add3A_1377 : i32 to index
        %get3A_1388 = arith.constant 16 : index
        %get3A_1389 = tpu.vector_load %arg7[%get3A_1386, %get3A_1387, %get3A_1388] {strides = array<i32>} : memref<16x100x32xf32, #tpu.memory_space<vmem>>, vector<1x1x16xf32>,
        %get3A_1390 = vector.shape_cast %get3A_1389 : vector<1x1x16xf32> to vector<16xf32>
        %add3A_1391 = arith.addf %add3A_1373, %get3A_1390 : vector<16xf32>
        %get3A_1392 = arith.constant 15 : i32
        %get3A_1393 = arith.index_cast %get3A_1392 : i32 to index
        %get3A_1394 = arith.index_cast %add3A_1377 : i32 to index
        %get3A_1395 = arith.constant 0 : index
        %get3A_1396 = tpu.vector_load %arg7[%get3A_1393, %get3A_1394, %get3A_1395] {strides = array<i32>} : memref<16x100x32xf32, #tpu.memory_space<vmem>>, vector<1x1x16xf32>,
        %get3A_1397 = vector.shape_cast %get3A_1396 : vector<1x1x16xf32> to vector<16xf32>
        %add3A_1398 = arith.addf %add3A_1384, %get3A_1397 : vector<16xf32>
        %get3A_1399 = arith.constant 15 : i32
        %get3A_1400 = arith.index_cast %get3A_1399 : i32 to index
        %get3A_1401 = arith.index_cast %add3A_1377 : i32 to index
        %get3A_1402 = arith.constant 16 : index
        %get3A_1403 = tpu.vector_load %arg7[%get3A_1400, %get3A_1401, %get3A_1402] {strides = array<i32>} : memref<16x100x32xf32, #tpu.memory_space<vmem>>, vector<1x1x16xf32>,
        %get3A_1404 = vector.shape_cast %get3A_1403 : vector<1x1x16xf32> to vector<16xf32>
        %add3A_1405 = arith.addf %add3A_1391, %get3A_1404 : vector<16xf32>
        %mul3A_1406 = arith.constant 4 : i32
        %mul3A_1407 = arith.muli %scan3A_1308, %mul3A_1406 : i32
        %add3A_1408 = arith.constant 3 : i32
        %add3A_1409 = arith.addi %mul3A_1407, %add3A_1408 : i32
        %get3A_1410 = arith.constant 14 : i32
        %get3A_1411 = arith.index_cast %get3A_1410 : i32 to index
        %get3A_1412 = arith.index_cast %add3A_1409 : i32 to index
        %get3A_1413 = arith.constant 0 : index
        %get3A_1414 = tpu.vector_load %arg7[%get3A_1411, %get3A_1412, %get3A_1413] {strides = array<i32>} : memref<16x100x32xf32, #tpu.memory_space<vmem>>, vector<1x1x16xf32>,
        %get3A_1415 = vector.shape_cast %get3A_1414 : vector<1x1x16xf32> to vector<16xf32>
        %add3A_1416 = arith.addf %add3A_1398, %get3A_1415 : vector<16xf32>
        %get3A_1417 = arith.constant 14 : i32
        %get3A_1418 = arith.index_cast %get3A_1417 : i32 to index
        %get3A_1419 = arith.index_cast %add3A_1409 : i32 to index
        %get3A_1420 = arith.constant 16 : index
        %get3A_1421 = tpu.vector_load %arg7[%get3A_1418, %get3A_1419, %get3A_1420] {strides = array<i32>} : memref<16x100x32xf32, #tpu.memory_space<vmem>>, vector<1x1x16xf32>,
        %get3A_1422 = vector.shape_cast %get3A_1421 : vector<1x1x16xf32> to vector<16xf32>
        %add3A_1423 = arith.addf %add3A_1405, %get3A_1422 : vector<16xf32>
        %get3A_1424 = arith.constant 15 : i32
        %get3A_1425 = arith.index_cast %get3A_1424 : i32 to index
        %get3A_1426 = arith.index_cast %add3A_1409 : i32 to index
        %get3A_1427 = arith.constant 0 : index
        %get3A_1428 = tpu.vector_load %arg7[%get3A_1425, %get3A_1426, %get3A_1427] {strides = array<i32>} : memref<16x100x32xf32, #tpu.memory_space<vmem>>, vector<1x1x16xf32>,
        %get3A_1429 = vector.shape_cast %get3A_1428 : vector<1x1x16xf32> to vector<16xf32>
        %add3A_1430 = arith.addf %add3A_1416, %get3A_1429 : vector<16xf32>
        %get3A_1431 = arith.constant 15 : i32
        %get3A_1432 = arith.index_cast %get3A_1431 : i32 to index
        %get3A_1433 = arith.index_cast %add3A_1409 : i32 to index
        %get3A_1434 = arith.constant 16 : index
        %get3A_1435 = tpu.vector_load %arg7[%get3A_1432, %get3A_1433, %get3A_1434] {strides = array<i32>} : memref<16x100x32xf32, #tpu.memory_space<vmem>>, vector<1x1x16xf32>,
        %get3A_1436 = vector.shape_cast %get3A_1435 : vector<1x1x16xf32> to vector<16xf32>
        %add3A_1437 = arith.addf %add3A_1423, %get3A_1436 : vector<16xf32>
        scf.yield %add3A_1430, %add3A_1437 : vector<16xf32>, vector<16xf32>
      }
      %scan3A_833 = arith.constant 25 : i32
      %mul3A_834 = arith.constant 8 : i32
      %mul3A_835 = arith.muli %mul3A_645, %mul3A_834 : i32
      %add3A_836 = arith.constant 7 : i32
      %add3A_837 = arith.addi %mul3A_835, %add3A_836 : i32
      %swap3A_838 = arith.index_cast %add3A_837 : i32 to index
      %swap3A_839 = arith.constant 0 : index
      %swap3A_840 = tpu.vector_load %arg9[%swap3A_838, %swap3A_839] {strides = array<i32>} : memref<128x32xf32, #tpu.memory_space<vmem>>, vector<1x16xf32>,
      %swap3A_841 = vector.shape_cast %swap3A_840 : vector<1x16xf32> to vector<16xf32>
      %swap3A_842 = vector.shape_cast %scan3A_832#0 : vector<16xf32> to vector<1x16xf32>
      tpu.vector_store %arg9[%swap3A_838, %swap3A_839], %swap3A_842 {strides = array<i32>} : memref<128x32xf32, #tpu.memory_space<vmem>>, vector<1x16xf32>,
      %mul3A_843 = arith.constant 8 : i32
      %mul3A_844 = arith.muli %mul3A_645, %mul3A_843 : i32
      %add3A_845 = arith.constant 7 : i32
      %add3A_846 = arith.addi %mul3A_844, %add3A_845 : i32
      %swap3A_847 = arith.index_cast %add3A_846 : i32 to index
      %swap3A_848 = arith.constant 16 : index
      %swap3A_849 = tpu.vector_load %arg9[%swap3A_847, %swap3A_848] {strides = array<i32>} : memref<128x32xf32, #tpu.memory_space<vmem>>, vector<1x16xf32>,
      %swap3A_850 = vector.shape_cast %swap3A_849 : vector<1x16xf32> to vector<16xf32>
      %swap3A_851 = vector.shape_cast %scan3A_832#1 : vector<16xf32> to vector<1x16xf32>
      tpu.vector_store %arg9[%swap3A_847, %swap3A_848], %swap3A_851 {strides = array<i32>} : memref<128x32xf32, #tpu.memory_space<vmem>>, vector<1x16xf32>,
      %add3A_852 = arith.constant 1 : i32
      %add3A_853 = arith.addi %scan3A_203, %add3A_852 : i32
      %lt3A = arith.constant 8 : i32
      %lt3A_854 = arith.cmpi slt, %add3A_853, %lt3A : i32
      %convert_element_type3A = arith.extui %lt3A_854 : i1 to i32
      %cond3A = arith.constant 0 : i32
      %cond3A_855 = arith.cmpi ne, %convert_element_type3A, %cond3A : i32
      scf.if %cond3A_855 {
        %mul3A_1308 = arith.constant 2 : i32
        %mul3A_1309 = arith.muli %mul3A_1308, %scan3A_203 : i32
        %add3A_1310 = arith.constant 2 : i32
        %add3A_1311 = arith.addi %mul3A_1309, %add3A_1310 : i32
        %mul3A_1312 = arith.constant 8 : i32
        %mul3A_1313 = arith.muli %add3A_1311, %mul3A_1312 : i32
        %add3A_1314 = arith.addi %mul3A_2, %mul3A_1313 : i32
        %mul3A_1315 = arith.constant 2 : i32
        %mul3A_1316 = arith.muli %add3A_1314, %mul3A_1315 : i32
        "tpu.region"() ({
          %run_scoped3A = tpu.sem_alloc : memref<!tpu.dma_semaphore, #tpu.memory_space<semaphore_mem>>
          %dma_start3A_1509 = arith.constant 0 : i32
          %dma_start3A_1510 = tpu.memref_slice %arg2[%mul3A_1316, %dma_start3A_1509] : memref<8192x100xi32, #tpu.memory_space<hbm>> -> memref<16x100xi32, #tpu.memory_space<hbm>>
          %dma_start3A_1511 = arith.constant 0 : i32
          %dma_start3A_1512 = tpu.memref_slice %arg2[%mul3A_1316, %dma_start3A_1511] : memref<8192x100xi32, #tpu.memory_space<hbm>> -> memref<16x100xi32, #tpu.memory_space<hbm>>
          tpu.enqueue_dma source(%dma_start3A_1512 : memref<16x100xi32, #tpu.memory_space<hbm>>) target(%arg5 : memref<16x100xi32, #tpu.memory_space<vmem>>) target_semaphore(%run_scoped3A : memref<!tpu.dma_semaphore, #tpu.memory_space<semaphore_mem>>)
          %dma_wait3A_1513 = arith.constant 0 : i32
          %dma_wait3A_1514 = tpu.memref_slice %arg2[%mul3A_1316, %dma_wait3A_1513] : memref<8192x100xi32, #tpu.memory_space<hbm>> -> memref<16x100xi32, #tpu.memory_space<hbm>>
          %dma_wait3A_1515 = arith.constant 0 : i32
          %dma_wait3A_1516 = tpu.memref_slice %arg2[%mul3A_1316, %dma_wait3A_1515] : memref<8192x100xi32, #tpu.memory_space<hbm>> -> memref<16x100xi32, #tpu.memory_space<hbm>>
          tpu.wait_dma2 semaphore(%run_scoped3A : memref<!tpu.dma_semaphore, #tpu.memory_space<semaphore_mem>>) src(%dma_wait3A_1516 : memref<16x100xi32, #tpu.memory_space<hbm>>) dst(%arg5 : memref<16x100xi32, #tpu.memory_space<vmem>>)
          tpu.yield
        }) : () -> ()
        %dma_start3A_1317 = arith.constant 0 : i32
        %dma_start3A_1318 = arith.constant 0 : i32
        %dma_start3A_1319 = arith.constant 0 : i32
        %dma_start3A_1320 = arith.constant 0 : i32
        %dma_start3A_1321 = tpu.memref_slice %arg7[%dma_start3A_1318, %dma_start3A_1319, %dma_start3A_1320] : memref<16x100x32xf32, #tpu.memory_space<vmem>> -> memref<1x100x32xf32, #tpu.memory_space<vmem>>
        %dma_start3A_1322 = tpu.memref_squeeze %dma_start3A_1321 : memref<1x100x32xf32, #tpu.memory_space<vmem>> -> memref<100x32xf32, #tpu.memory_space<vmem>>
        %dma_start3A_1323 = arith.constant 0 : i32
        %dma_start3A_1324 = tpu.memref_slice %arg5[%dma_start3A_1317, %dma_start3A_1323] : memref<16x100xi32, #tpu.memory_space<vmem>> -> memref<1x100xi32, #tpu.memory_space<vmem>>
        %dma_start3A_1325 = tpu.memref_squeeze %dma_start3A_1324 : memref<1x100xi32, #tpu.memory_space<vmem>> -> memref<100xi32, #tpu.memory_space<vmem>>
        %dma_start3A_1326 = arith.constant 0 : i32
        %dma_start3A_1327 = arith.constant 0 : i32
        %dma_start3A_1328 = tpu.memref_slice %arg3[%dma_start3A_1326, %dma_start3A_1327] : memref<1000000x32xf32, #tpu.memory_space<hbm>> -> memref<1000000x32xf32, #tpu.memory_space<hbm>>
        tpu.enqueue_indirect_dma source(%dma_start3A_1328 : memref<1000000x32xf32, #tpu.memory_space<hbm>>) target(%dma_start3A_1322 : memref<100x32xf32, #tpu.memory_space<vmem>>) offsets(%dma_start3A_1325 : memref<100xi32, #tpu.memory_space<vmem>>) semaphore(%arg10 : memref<!tpu.dma_semaphore, #tpu.memory_space<semaphore_mem>>)
        %dma_start3A_1329 = arith.constant 1 : i32
        %dma_start3A_1330 = arith.constant 1 : i32
        %dma_start3A_1331 = arith.constant 0 : i32
        %dma_start3A_1332 = arith.constant 0 : i32
        %dma_start3A_1333 = tpu.memref_slice %arg7[%dma_start3A_1330, %dma_start3A_1331, %dma_start3A_1332] : memref<16x100x32xf32, #tpu.memory_space<vmem>> -> memref<1x100x32xf32, #tpu.memory_space<vmem>>
        %dma_start3A_1334 = tpu.memref_squeeze %dma_start3A_1333 : memref<1x100x32xf32, #tpu.memory_space<vmem>> -> memref<100x32xf32, #tpu.memory_space<vmem>>
        %dma_start3A_1335 = arith.constant 0 : i32
        %dma_start3A_1336 = tpu.memref_slice %arg5[%dma_start3A_1329, %dma_start3A_1335] : memref<16x100xi32, #tpu.memory_space<vmem>> -> memref<1x100xi32, #tpu.memory_space<vmem>>
        %dma_start3A_1337 = tpu.memref_squeeze %dma_start3A_1336 : memref<1x100xi32, #tpu.memory_space<vmem>> -> memref<100xi32, #tpu.memory_space<vmem>>
        %dma_start3A_1338 = arith.constant 0 : i32
        %dma_start3A_1339 = arith.constant 0 : i32
        %dma_start3A_1340 = tpu.memref_slice %arg3[%dma_start3A_1338, %dma_start3A_1339] : memref<1000000x32xf32, #tpu.memory_space<hbm>> -> memref<1000000x32xf32, #tpu.memory_space<hbm>>
        tpu.enqueue_indirect_dma source(%dma_start3A_1340 : memref<1000000x32xf32, #tpu.memory_space<hbm>>) target(%dma_start3A_1334 : memref<100x32xf32, #tpu.memory_space<vmem>>) offsets(%dma_start3A_1337 : memref<100xi32, #tpu.memory_space<vmem>>) semaphore(%arg10 : memref<!tpu.dma_semaphore, #tpu.memory_space<semaphore_mem>>)
        %dma_start3A_1341 = arith.constant 2 : i32
        %dma_start3A_1342 = arith.constant 2 : i32
        %dma_start3A_1343 = arith.constant 0 : i32
        %dma_start3A_1344 = arith.constant 0 : i32
        %dma_start3A_1345 = tpu.memref_slice %arg7[%dma_start3A_1342, %dma_start3A_1343, %dma_start3A_1344] : memref<16x100x32xf32, #tpu.memory_space<vmem>> -> memref<1x100x32xf32, #tpu.memory_space<vmem>>
        %dma_start3A_1346 = tpu.memref_squeeze %dma_start3A_1345 : memref<1x100x32xf32, #tpu.memory_space<vmem>> -> memref<100x32xf32, #tpu.memory_space<vmem>>
        %dma_start3A_1347 = arith.constant 0 : i32
        %dma_start3A_1348 = tpu.memref_slice %arg5[%dma_start3A_1341, %dma_start3A_1347] : memref<16x100xi32, #tpu.memory_space<vmem>> -> memref<1x100xi32, #tpu.memory_space<vmem>>
        %dma_start3A_1349 = tpu.memref_squeeze %dma_start3A_1348 : memref<1x100xi32, #tpu.memory_space<vmem>> -> memref<100xi32, #tpu.memory_space<vmem>>
        %dma_start3A_1350 = arith.constant 0 : i32
        %dma_start3A_1351 = arith.constant 0 : i32
        %dma_start3A_1352 = tpu.memref_slice %arg3[%dma_start3A_1350, %dma_start3A_1351] : memref<1000000x32xf32, #tpu.memory_space<hbm>> -> memref<1000000x32xf32, #tpu.memory_space<hbm>>
        tpu.enqueue_indirect_dma source(%dma_start3A_1352 : memref<1000000x32xf32, #tpu.memory_space<hbm>>) target(%dma_start3A_1346 : memref<100x32xf32, #tpu.memory_space<vmem>>) offsets(%dma_start3A_1349 : memref<100xi32, #tpu.memory_space<vmem>>) semaphore(%arg10 : memref<!tpu.dma_semaphore, #tpu.memory_space<semaphore_mem>>)
        %dma_start3A_1353 = arith.constant 3 : i32
        %dma_start3A_1354 = arith.constant 3 : i32
        %dma_start3A_1355 = arith.constant 0 : i32
        %dma_start3A_1356 = arith.constant 0 : i32
        %dma_start3A_1357 = tpu.memref_slice %arg7[%dma_start3A_1354, %dma_start3A_1355, %dma_start3A_1356] : memref<16x100x32xf32, #tpu.memory_space<vmem>> -> memref<1x100x32xf32, #tpu.memory_space<vmem>>
        %dma_start3A_1358 = tpu.memref_squeeze %dma_start3A_1357 : memref<1x100x32xf32, #tpu.memory_space<vmem>> -> memref<100x32xf32, #tpu.memory_space<vmem>>
        %dma_start3A_1359 = arith.constant 0 : i32
        %dma_start3A_1360 = tpu.memref_slice %arg5[%dma_start3A_1353, %dma_start3A_1359] : memref<16x100xi32, #tpu.memory_space<vmem>> -> memref<1x100xi32, #tpu.memory_space<vmem>>
        %dma_start3A_1361 = tpu.memref_squeeze %dma_start3A_1360 : memref<1x100xi32, #tpu.memory_space<vmem>> -> memref<100xi32, #tpu.memory_space<vmem>>
        %dma_start3A_1362 = arith.constant 0 : i32
        %dma_start3A_1363 = arith.constant 0 : i32
        %dma_start3A_1364 = tpu.memref_slice %arg3[%dma_start3A_1362, %dma_start3A_1363] : memref<1000000x32xf32, #tpu.memory_space<hbm>> -> memref<1000000x32xf32, #tpu.memory_space<hbm>>
        tpu.enqueue_indirect_dma source(%dma_start3A_1364 : memref<1000000x32xf32, #tpu.memory_space<hbm>>) target(%dma_start3A_1358 : memref<100x32xf32, #tpu.memory_space<vmem>>) offsets(%dma_start3A_1361 : memref<100xi32, #tpu.memory_space<vmem>>) semaphore(%arg10 : memref<!tpu.dma_semaphore, #tpu.memory_space<semaphore_mem>>)
        %dma_start3A_1365 = arith.constant 4 : i32
        %dma_start3A_1366 = arith.constant 4 : i32
        %dma_start3A_1367 = arith.constant 0 : i32
        %dma_start3A_1368 = arith.constant 0 : i32
        %dma_start3A_1369 = tpu.memref_slice %arg7[%dma_start3A_1366, %dma_start3A_1367, %dma_start3A_1368] : memref<16x100x32xf32, #tpu.memory_space<vmem>> -> memref<1x100x32xf32, #tpu.memory_space<vmem>>
        %dma_start3A_1370 = tpu.memref_squeeze %dma_start3A_1369 : memref<1x100x32xf32, #tpu.memory_space<vmem>> -> memref<100x32xf32, #tpu.memory_space<vmem>>
        %dma_start3A_1371 = arith.constant 0 : i32
        %dma_start3A_1372 = tpu.memref_slice %arg5[%dma_start3A_1365, %dma_start3A_1371] : memref<16x100xi32, #tpu.memory_space<vmem>> -> memref<1x100xi32, #tpu.memory_space<vmem>>
        %dma_start3A_1373 = tpu.memref_squeeze %dma_start3A_1372 : memref<1x100xi32, #tpu.memory_space<vmem>> -> memref<100xi32, #tpu.memory_space<vmem>>
        %dma_start3A_1374 = arith.constant 0 : i32
        %dma_start3A_1375 = arith.constant 0 : i32
        %dma_start3A_1376 = tpu.memref_slice %arg3[%dma_start3A_1374, %dma_start3A_1375] : memref<1000000x32xf32, #tpu.memory_space<hbm>> -> memref<1000000x32xf32, #tpu.memory_space<hbm>>
        tpu.enqueue_indirect_dma source(%dma_start3A_1376 : memref<1000000x32xf32, #tpu.memory_space<hbm>>) target(%dma_start3A_1370 : memref<100x32xf32, #tpu.memory_space<vmem>>) offsets(%dma_start3A_1373 : memref<100xi32, #tpu.memory_space<vmem>>) semaphore(%arg10 : memref<!tpu.dma_semaphore, #tpu.memory_space<semaphore_mem>>)
        %dma_start3A_1377 = arith.constant 5 : i32
        %dma_start3A_1378 = arith.constant 5 : i32
        %dma_start3A_1379 = arith.constant 0 : i32
        %dma_start3A_1380 = arith.constant 0 : i32
        %dma_start3A_1381 = tpu.memref_slice %arg7[%dma_start3A_1378, %dma_start3A_1379, %dma_start3A_1380] : memref<16x100x32xf32, #tpu.memory_space<vmem>> -> memref<1x100x32xf32, #tpu.memory_space<vmem>>
        %dma_start3A_1382 = tpu.memref_squeeze %dma_start3A_1381 : memref<1x100x32xf32, #tpu.memory_space<vmem>> -> memref<100x32xf32, #tpu.memory_space<vmem>>
        %dma_start3A_1383 = arith.constant 0 : i32
        %dma_start3A_1384 = tpu.memref_slice %arg5[%dma_start3A_1377, %dma_start3A_1383] : memref<16x100xi32, #tpu.memory_space<vmem>> -> memref<1x100xi32, #tpu.memory_space<vmem>>
        %dma_start3A_1385 = tpu.memref_squeeze %dma_start3A_1384 : memref<1x100xi32, #tpu.memory_space<vmem>> -> memref<100xi32, #tpu.memory_space<vmem>>
        %dma_start3A_1386 = arith.constant 0 : i32
        %dma_start3A_1387 = arith.constant 0 : i32
        %dma_start3A_1388 = tpu.memref_slice %arg3[%dma_start3A_1386, %dma_start3A_1387] : memref<1000000x32xf32, #tpu.memory_space<hbm>> -> memref<1000000x32xf32, #tpu.memory_space<hbm>>
        tpu.enqueue_indirect_dma source(%dma_start3A_1388 : memref<1000000x32xf32, #tpu.memory_space<hbm>>) target(%dma_start3A_1382 : memref<100x32xf32, #tpu.memory_space<vmem>>) offsets(%dma_start3A_1385 : memref<100xi32, #tpu.memory_space<vmem>>) semaphore(%arg10 : memref<!tpu.dma_semaphore, #tpu.memory_space<semaphore_mem>>)
        %dma_start3A_1389 = arith.constant 6 : i32
        %dma_start3A_1390 = arith.constant 6 : i32
        %dma_start3A_1391 = arith.constant 0 : i32
        %dma_start3A_1392 = arith.constant 0 : i32
        %dma_start3A_1393 = tpu.memref_slice %arg7[%dma_start3A_1390, %dma_start3A_1391, %dma_start3A_1392] : memref<16x100x32xf32, #tpu.memory_space<vmem>> -> memref<1x100x32xf32, #tpu.memory_space<vmem>>
        %dma_start3A_1394 = tpu.memref_squeeze %dma_start3A_1393 : memref<1x100x32xf32, #tpu.memory_space<vmem>> -> memref<100x32xf32, #tpu.memory_space<vmem>>
        %dma_start3A_1395 = arith.constant 0 : i32
        %dma_start3A_1396 = tpu.memref_slice %arg5[%dma_start3A_1389, %dma_start3A_1395] : memref<16x100xi32, #tpu.memory_space<vmem>> -> memref<1x100xi32, #tpu.memory_space<vmem>>
        %dma_start3A_1397 = tpu.memref_squeeze %dma_start3A_1396 : memref<1x100xi32, #tpu.memory_space<vmem>> -> memref<100xi32, #tpu.memory_space<vmem>>
        %dma_start3A_1398 = arith.constant 0 : i32
        %dma_start3A_1399 = arith.constant 0 : i32
        %dma_start3A_1400 = tpu.memref_slice %arg3[%dma_start3A_1398, %dma_start3A_1399] : memref<1000000x32xf32, #tpu.memory_space<hbm>> -> memref<1000000x32xf32, #tpu.memory_space<hbm>>
        tpu.enqueue_indirect_dma source(%dma_start3A_1400 : memref<1000000x32xf32, #tpu.memory_space<hbm>>) target(%dma_start3A_1394 : memref<100x32xf32, #tpu.memory_space<vmem>>) offsets(%dma_start3A_1397 : memref<100xi32, #tpu.memory_space<vmem>>) semaphore(%arg10 : memref<!tpu.dma_semaphore, #tpu.memory_space<semaphore_mem>>)
        %dma_start3A_1401 = arith.constant 7 : i32
        %dma_start3A_1402 = arith.constant 7 : i32
        %dma_start3A_1403 = arith.constant 0 : i32
        %dma_start3A_1404 = arith.constant 0 : i32
        %dma_start3A_1405 = tpu.memref_slice %arg7[%dma_start3A_1402, %dma_start3A_1403, %dma_start3A_1404] : memref<16x100x32xf32, #tpu.memory_space<vmem>> -> memref<1x100x32xf32, #tpu.memory_space<vmem>>
        %dma_start3A_1406 = tpu.memref_squeeze %dma_start3A_1405 : memref<1x100x32xf32, #tpu.memory_space<vmem>> -> memref<100x32xf32, #tpu.memory_space<vmem>>
        %dma_start3A_1407 = arith.constant 0 : i32
        %dma_start3A_1408 = tpu.memref_slice %arg5[%dma_start3A_1401, %dma_start3A_1407] : memref<16x100xi32, #tpu.memory_space<vmem>> -> memref<1x100xi32, #tpu.memory_space<vmem>>
        %dma_start3A_1409 = tpu.memref_squeeze %dma_start3A_1408 : memref<1x100xi32, #tpu.memory_space<vmem>> -> memref<100xi32, #tpu.memory_space<vmem>>
        %dma_start3A_1410 = arith.constant 0 : i32
        %dma_start3A_1411 = arith.constant 0 : i32
        %dma_start3A_1412 = tpu.memref_slice %arg3[%dma_start3A_1410, %dma_start3A_1411] : memref<1000000x32xf32, #tpu.memory_space<hbm>> -> memref<1000000x32xf32, #tpu.memory_space<hbm>>
        tpu.enqueue_indirect_dma source(%dma_start3A_1412 : memref<1000000x32xf32, #tpu.memory_space<hbm>>) target(%dma_start3A_1406 : memref<100x32xf32, #tpu.memory_space<vmem>>) offsets(%dma_start3A_1409 : memref<100xi32, #tpu.memory_space<vmem>>) semaphore(%arg10 : memref<!tpu.dma_semaphore, #tpu.memory_space<semaphore_mem>>)
        %dma_start3A_1413 = arith.constant 8 : i32
        %dma_start3A_1414 = arith.constant 8 : i32
        %dma_start3A_1415 = arith.constant 0 : i32
        %dma_start3A_1416 = arith.constant 0 : i32
        %dma_start3A_1417 = tpu.memref_slice %arg7[%dma_start3A_1414, %dma_start3A_1415, %dma_start3A_1416] : memref<16x100x32xf32, #tpu.memory_space<vmem>> -> memref<1x100x32xf32, #tpu.memory_space<vmem>>
        %dma_start3A_1418 = tpu.memref_squeeze %dma_start3A_1417 : memref<1x100x32xf32, #tpu.memory_space<vmem>> -> memref<100x32xf32, #tpu.memory_space<vmem>>
        %dma_start3A_1419 = arith.constant 0 : i32
        %dma_start3A_1420 = tpu.memref_slice %arg5[%dma_start3A_1413, %dma_start3A_1419] : memref<16x100xi32, #tpu.memory_space<vmem>> -> memref<1x100xi32, #tpu.memory_space<vmem>>
        %dma_start3A_1421 = tpu.memref_squeeze %dma_start3A_1420 : memref<1x100xi32, #tpu.memory_space<vmem>> -> memref<100xi32, #tpu.memory_space<vmem>>
        %dma_start3A_1422 = arith.constant 0 : i32
        %dma_start3A_1423 = arith.constant 0 : i32
        %dma_start3A_1424 = tpu.memref_slice %arg3[%dma_start3A_1422, %dma_start3A_1423] : memref<1000000x32xf32, #tpu.memory_space<hbm>> -> memref<1000000x32xf32, #tpu.memory_space<hbm>>
        tpu.enqueue_indirect_dma source(%dma_start3A_1424 : memref<1000000x32xf32, #tpu.memory_space<hbm>>) target(%dma_start3A_1418 : memref<100x32xf32, #tpu.memory_space<vmem>>) offsets(%dma_start3A_1421 : memref<100xi32, #tpu.memory_space<vmem>>) semaphore(%arg10 : memref<!tpu.dma_semaphore, #tpu.memory_space<semaphore_mem>>)
        %dma_start3A_1425 = arith.constant 9 : i32
        %dma_start3A_1426 = arith.constant 9 : i32
        %dma_start3A_1427 = arith.constant 0 : i32
        %dma_start3A_1428 = arith.constant 0 : i32
        %dma_start3A_1429 = tpu.memref_slice %arg7[%dma_start3A_1426, %dma_start3A_1427, %dma_start3A_1428] : memref<16x100x32xf32, #tpu.memory_space<vmem>> -> memref<1x100x32xf32, #tpu.memory_space<vmem>>
        %dma_start3A_1430 = tpu.memref_squeeze %dma_start3A_1429 : memref<1x100x32xf32, #tpu.memory_space<vmem>> -> memref<100x32xf32, #tpu.memory_space<vmem>>
        %dma_start3A_1431 = arith.constant 0 : i32
        %dma_start3A_1432 = tpu.memref_slice %arg5[%dma_start3A_1425, %dma_start3A_1431] : memref<16x100xi32, #tpu.memory_space<vmem>> -> memref<1x100xi32, #tpu.memory_space<vmem>>
        %dma_start3A_1433 = tpu.memref_squeeze %dma_start3A_1432 : memref<1x100xi32, #tpu.memory_space<vmem>> -> memref<100xi32, #tpu.memory_space<vmem>>
        %dma_start3A_1434 = arith.constant 0 : i32
        %dma_start3A_1435 = arith.constant 0 : i32
        %dma_start3A_1436 = tpu.memref_slice %arg3[%dma_start3A_1434, %dma_start3A_1435] : memref<1000000x32xf32, #tpu.memory_space<hbm>> -> memref<1000000x32xf32, #tpu.memory_space<hbm>>
        tpu.enqueue_indirect_dma source(%dma_start3A_1436 : memref<1000000x32xf32, #tpu.memory_space<hbm>>) target(%dma_start3A_1430 : memref<100x32xf32, #tpu.memory_space<vmem>>) offsets(%dma_start3A_1433 : memref<100xi32, #tpu.memory_space<vmem>>) semaphore(%arg10 : memref<!tpu.dma_semaphore, #tpu.memory_space<semaphore_mem>>)
        %dma_start3A_1437 = arith.constant 10 : i32
        %dma_start3A_1438 = arith.constant 10 : i32
        %dma_start3A_1439 = arith.constant 0 : i32
        %dma_start3A_1440 = arith.constant 0 : i32
        %dma_start3A_1441 = tpu.memref_slice %arg7[%dma_start3A_1438, %dma_start3A_1439, %dma_start3A_1440] : memref<16x100x32xf32, #tpu.memory_space<vmem>> -> memref<1x100x32xf32, #tpu.memory_space<vmem>>
        %dma_start3A_1442 = tpu.memref_squeeze %dma_start3A_1441 : memref<1x100x32xf32, #tpu.memory_space<vmem>> -> memref<100x32xf32, #tpu.memory_space<vmem>>
        %dma_start3A_1443 = arith.constant 0 : i32
        %dma_start3A_1444 = tpu.memref_slice %arg5[%dma_start3A_1437, %dma_start3A_1443] : memref<16x100xi32, #tpu.memory_space<vmem>> -> memref<1x100xi32, #tpu.memory_space<vmem>>
        %dma_start3A_1445 = tpu.memref_squeeze %dma_start3A_1444 : memref<1x100xi32, #tpu.memory_space<vmem>> -> memref<100xi32, #tpu.memory_space<vmem>>
        %dma_start3A_1446 = arith.constant 0 : i32
        %dma_start3A_1447 = arith.constant 0 : i32
        %dma_start3A_1448 = tpu.memref_slice %arg3[%dma_start3A_1446, %dma_start3A_1447] : memref<1000000x32xf32, #tpu.memory_space<hbm>> -> memref<1000000x32xf32, #tpu.memory_space<hbm>>
        tpu.enqueue_indirect_dma source(%dma_start3A_1448 : memref<1000000x32xf32, #tpu.memory_space<hbm>>) target(%dma_start3A_1442 : memref<100x32xf32, #tpu.memory_space<vmem>>) offsets(%dma_start3A_1445 : memref<100xi32, #tpu.memory_space<vmem>>) semaphore(%arg10 : memref<!tpu.dma_semaphore, #tpu.memory_space<semaphore_mem>>)
        %dma_start3A_1449 = arith.constant 11 : i32
        %dma_start3A_1450 = arith.constant 11 : i32
        %dma_start3A_1451 = arith.constant 0 : i32
        %dma_start3A_1452 = arith.constant 0 : i32
        %dma_start3A_1453 = tpu.memref_slice %arg7[%dma_start3A_1450, %dma_start3A_1451, %dma_start3A_1452] : memref<16x100x32xf32, #tpu.memory_space<vmem>> -> memref<1x100x32xf32, #tpu.memory_space<vmem>>
        %dma_start3A_1454 = tpu.memref_squeeze %dma_start3A_1453 : memref<1x100x32xf32, #tpu.memory_space<vmem>> -> memref<100x32xf32, #tpu.memory_space<vmem>>
        %dma_start3A_1455 = arith.constant 0 : i32
        %dma_start3A_1456 = tpu.memref_slice %arg5[%dma_start3A_1449, %dma_start3A_1455] : memref<16x100xi32, #tpu.memory_space<vmem>> -> memref<1x100xi32, #tpu.memory_space<vmem>>
        %dma_start3A_1457 = tpu.memref_squeeze %dma_start3A_1456 : memref<1x100xi32, #tpu.memory_space<vmem>> -> memref<100xi32, #tpu.memory_space<vmem>>
        %dma_start3A_1458 = arith.constant 0 : i32
        %dma_start3A_1459 = arith.constant 0 : i32
        %dma_start3A_1460 = tpu.memref_slice %arg3[%dma_start3A_1458, %dma_start3A_1459] : memref<1000000x32xf32, #tpu.memory_space<hbm>> -> memref<1000000x32xf32, #tpu.memory_space<hbm>>
        tpu.enqueue_indirect_dma source(%dma_start3A_1460 : memref<1000000x32xf32, #tpu.memory_space<hbm>>) target(%dma_start3A_1454 : memref<100x32xf32, #tpu.memory_space<vmem>>) offsets(%dma_start3A_1457 : memref<100xi32, #tpu.memory_space<vmem>>) semaphore(%arg10 : memref<!tpu.dma_semaphore, #tpu.memory_space<semaphore_mem>>)
        %dma_start3A_1461 = arith.constant 12 : i32
        %dma_start3A_1462 = arith.constant 12 : i32
        %dma_start3A_1463 = arith.constant 0 : i32
        %dma_start3A_1464 = arith.constant 0 : i32
        %dma_start3A_1465 = tpu.memref_slice %arg7[%dma_start3A_1462, %dma_start3A_1463, %dma_start3A_1464] : memref<16x100x32xf32, #tpu.memory_space<vmem>> -> memref<1x100x32xf32, #tpu.memory_space<vmem>>
        %dma_start3A_1466 = tpu.memref_squeeze %dma_start3A_1465 : memref<1x100x32xf32, #tpu.memory_space<vmem>> -> memref<100x32xf32, #tpu.memory_space<vmem>>
        %dma_start3A_1467 = arith.constant 0 : i32
        %dma_start3A_1468 = tpu.memref_slice %arg5[%dma_start3A_1461, %dma_start3A_1467] : memref<16x100xi32, #tpu.memory_space<vmem>> -> memref<1x100xi32, #tpu.memory_space<vmem>>
        %dma_start3A_1469 = tpu.memref_squeeze %dma_start3A_1468 : memref<1x100xi32, #tpu.memory_space<vmem>> -> memref<100xi32, #tpu.memory_space<vmem>>
        %dma_start3A_1470 = arith.constant 0 : i32
        %dma_start3A_1471 = arith.constant 0 : i32
        %dma_start3A_1472 = tpu.memref_slice %arg3[%dma_start3A_1470, %dma_start3A_1471] : memref<1000000x32xf32, #tpu.memory_space<hbm>> -> memref<1000000x32xf32, #tpu.memory_space<hbm>>
        tpu.enqueue_indirect_dma source(%dma_start3A_1472 : memref<1000000x32xf32, #tpu.memory_space<hbm>>) target(%dma_start3A_1466 : memref<100x32xf32, #tpu.memory_space<vmem>>) offsets(%dma_start3A_1469 : memref<100xi32, #tpu.memory_space<vmem>>) semaphore(%arg10 : memref<!tpu.dma_semaphore, #tpu.memory_space<semaphore_mem>>)
        %dma_start3A_1473 = arith.constant 13 : i32
        %dma_start3A_1474 = arith.constant 13 : i32
        %dma_start3A_1475 = arith.constant 0 : i32
        %dma_start3A_1476 = arith.constant 0 : i32
        %dma_start3A_1477 = tpu.memref_slice %arg7[%dma_start3A_1474, %dma_start3A_1475, %dma_start3A_1476] : memref<16x100x32xf32, #tpu.memory_space<vmem>> -> memref<1x100x32xf32, #tpu.memory_space<vmem>>
        %dma_start3A_1478 = tpu.memref_squeeze %dma_start3A_1477 : memref<1x100x32xf32, #tpu.memory_space<vmem>> -> memref<100x32xf32, #tpu.memory_space<vmem>>
        %dma_start3A_1479 = arith.constant 0 : i32
        %dma_start3A_1480 = tpu.memref_slice %arg5[%dma_start3A_1473, %dma_start3A_1479] : memref<16x100xi32, #tpu.memory_space<vmem>> -> memref<1x100xi32, #tpu.memory_space<vmem>>
        %dma_start3A_1481 = tpu.memref_squeeze %dma_start3A_1480 : memref<1x100xi32, #tpu.memory_space<vmem>> -> memref<100xi32, #tpu.memory_space<vmem>>
        %dma_start3A_1482 = arith.constant 0 : i32
        %dma_start3A_1483 = arith.constant 0 : i32
        %dma_start3A_1484 = tpu.memref_slice %arg3[%dma_start3A_1482, %dma_start3A_1483] : memref<1000000x32xf32, #tpu.memory_space<hbm>> -> memref<1000000x32xf32, #tpu.memory_space<hbm>>
        tpu.enqueue_indirect_dma source(%dma_start3A_1484 : memref<1000000x32xf32, #tpu.memory_space<hbm>>) target(%dma_start3A_1478 : memref<100x32xf32, #tpu.memory_space<vmem>>) offsets(%dma_start3A_1481 : memref<100xi32, #tpu.memory_space<vmem>>) semaphore(%arg10 : memref<!tpu.dma_semaphore, #tpu.memory_space<semaphore_mem>>)
        %dma_start3A_1485 = arith.constant 14 : i32
        %dma_start3A_1486 = arith.constant 14 : i32
        %dma_start3A_1487 = arith.constant 0 : i32
        %dma_start3A_1488 = arith.constant 0 : i32
        %dma_start3A_1489 = tpu.memref_slice %arg7[%dma_start3A_1486, %dma_start3A_1487, %dma_start3A_1488] : memref<16x100x32xf32, #tpu.memory_space<vmem>> -> memref<1x100x32xf32, #tpu.memory_space<vmem>>
        %dma_start3A_1490 = tpu.memref_squeeze %dma_start3A_1489 : memref<1x100x32xf32, #tpu.memory_space<vmem>> -> memref<100x32xf32, #tpu.memory_space<vmem>>
        %dma_start3A_1491 = arith.constant 0 : i32
        %dma_start3A_1492 = tpu.memref_slice %arg5[%dma_start3A_1485, %dma_start3A_1491] : memref<16x100xi32, #tpu.memory_space<vmem>> -> memref<1x100xi32, #tpu.memory_space<vmem>>
        %dma_start3A_1493 = tpu.memref_squeeze %dma_start3A_1492 : memref<1x100xi32, #tpu.memory_space<vmem>> -> memref<100xi32, #tpu.memory_space<vmem>>
        %dma_start3A_1494 = arith.constant 0 : i32
        %dma_start3A_1495 = arith.constant 0 : i32
        %dma_start3A_1496 = tpu.memref_slice %arg3[%dma_start3A_1494, %dma_start3A_1495] : memref<1000000x32xf32, #tpu.memory_space<hbm>> -> memref<1000000x32xf32, #tpu.memory_space<hbm>>
        tpu.enqueue_indirect_dma source(%dma_start3A_1496 : memref<1000000x32xf32, #tpu.memory_space<hbm>>) target(%dma_start3A_1490 : memref<100x32xf32, #tpu.memory_space<vmem>>) offsets(%dma_start3A_1493 : memref<100xi32, #tpu.memory_space<vmem>>) semaphore(%arg10 : memref<!tpu.dma_semaphore, #tpu.memory_space<semaphore_mem>>)
        %dma_start3A_1497 = arith.constant 15 : i32
        %dma_start3A_1498 = arith.constant 15 : i32
        %dma_start3A_1499 = arith.constant 0 : i32
        %dma_start3A_1500 = arith.constant 0 : i32
        %dma_start3A_1501 = tpu.memref_slice %arg7[%dma_start3A_1498, %dma_start3A_1499, %dma_start3A_1500] : memref<16x100x32xf32, #tpu.memory_space<vmem>> -> memref<1x100x32xf32, #tpu.memory_space<vmem>>
        %dma_start3A_1502 = tpu.memref_squeeze %dma_start3A_1501 : memref<1x100x32xf32, #tpu.memory_space<vmem>> -> memref<100x32xf32, #tpu.memory_space<vmem>>
        %dma_start3A_1503 = arith.constant 0 : i32
        %dma_start3A_1504 = tpu.memref_slice %arg5[%dma_start3A_1497, %dma_start3A_1503] : memref<16x100xi32, #tpu.memory_space<vmem>> -> memref<1x100xi32, #tpu.memory_space<vmem>>
        %dma_start3A_1505 = tpu.memref_squeeze %dma_start3A_1504 : memref<1x100xi32, #tpu.memory_space<vmem>> -> memref<100xi32, #tpu.memory_space<vmem>>
        %dma_start3A_1506 = arith.constant 0 : i32
        %dma_start3A_1507 = arith.constant 0 : i32
        %dma_start3A_1508 = tpu.memref_slice %arg3[%dma_start3A_1506, %dma_start3A_1507] : memref<1000000x32xf32, #tpu.memory_space<hbm>> -> memref<1000000x32xf32, #tpu.memory_space<hbm>>
        tpu.enqueue_indirect_dma source(%dma_start3A_1508 : memref<1000000x32xf32, #tpu.memory_space<hbm>>) target(%dma_start3A_1502 : memref<100x32xf32, #tpu.memory_space<vmem>>) offsets(%dma_start3A_1505 : memref<100xi32, #tpu.memory_space<vmem>>) semaphore(%arg10 : memref<!tpu.dma_semaphore, #tpu.memory_space<semaphore_mem>>)
      } else {
      }
      %dma_wait3A_856 = arith.constant 0 : i32
      %dma_wait3A_857 = arith.constant 0 : i32
      %dma_wait3A_858 = arith.constant 0 : i32
      %dma_wait3A_859 = tpu.memref_slice %arg8[%dma_wait3A_856, %dma_wait3A_857, %dma_wait3A_858] : memref<16x100x32xf32, #tpu.memory_space<vmem>> -> memref<1x100x32xf32, #tpu.memory_space<vmem>>
      %dma_wait3A_860 = tpu.memref_squeeze %dma_wait3A_859 : memref<1x100x32xf32, #tpu.memory_space<vmem>> -> memref<100x32xf32, #tpu.memory_space<vmem>>
      %dma_wait3A_861 = arith.constant 0 : i32
      %dma_wait3A_862 = arith.constant 0 : i32
      %dma_wait3A_863 = tpu.memref_slice %arg3[%dma_wait3A_861, %dma_wait3A_862] : memref<1000000x32xf32, #tpu.memory_space<hbm>> -> memref<100x32xf32, #tpu.memory_space<hbm>>
      %dma_wait3A_864 = arith.constant 0 : i32
      %dma_wait3A_865 = arith.constant 0 : i32
      %dma_wait3A_866 = tpu.memref_slice %arg8[%dma_wait3A_856, %dma_wait3A_864, %dma_wait3A_865] : memref<16x100x32xf32, #tpu.memory_space<vmem>> -> memref<1x100x32xf32, #tpu.memory_space<vmem>>
      %dma_wait3A_867 = tpu.memref_squeeze %dma_wait3A_866 : memref<1x100x32xf32, #tpu.memory_space<vmem>> -> memref<100x32xf32, #tpu.memory_space<vmem>>
      %dma_wait3A_868 = arith.constant 0 : i32
      %dma_wait3A_869 = arith.constant 0 : i32
      %dma_wait3A_870 = tpu.memref_slice %arg3[%dma_wait3A_868, %dma_wait3A_869] : memref<1000000x32xf32, #tpu.memory_space<hbm>> -> memref<100x32xf32, #tpu.memory_space<hbm>>
      tpu.wait_dma2 semaphore(%arg11 : memref<!tpu.dma_semaphore, #tpu.memory_space<semaphore_mem>>) src(%dma_wait3A_870 : memref<100x32xf32, #tpu.memory_space<hbm>>) dst(%dma_wait3A_867 : memref<100x32xf32, #tpu.memory_space<vmem>>)
      %dma_wait3A_871 = arith.constant 1 : i32
      %dma_wait3A_872 = arith.constant 0 : i32
      %dma_wait3A_873 = arith.constant 0 : i32
      %dma_wait3A_874 = tpu.memref_slice %arg8[%dma_wait3A_871, %dma_wait3A_872, %dma_wait3A_873] : memref<16x100x32xf32, #tpu.memory_space<vmem>> -> memref<1x100x32xf32, #tpu.memory_space<vmem>>
      %dma_wait3A_875 = tpu.memref_squeeze %dma_wait3A_874 : memref<1x100x32xf32, #tpu.memory_space<vmem>> -> memref<100x32xf32, #tpu.memory_space<vmem>>
      %dma_wait3A_876 = arith.constant 0 : i32
      %dma_wait3A_877 = arith.constant 0 : i32
      %dma_wait3A_878 = tpu.memref_slice %arg3[%dma_wait3A_876, %dma_wait3A_877] : memref<1000000x32xf32, #tpu.memory_space<hbm>> -> memref<100x32xf32, #tpu.memory_space<hbm>>
      %dma_wait3A_879 = arith.constant 0 : i32
      %dma_wait3A_880 = arith.constant 0 : i32
      %dma_wait3A_881 = tpu.memref_slice %arg8[%dma_wait3A_871, %dma_wait3A_879, %dma_wait3A_880] : memref<16x100x32xf32, #tpu.memory_space<vmem>> -> memref<1x100x32xf32, #tpu.memory_space<vmem>>
      %dma_wait3A_882 = tpu.memref_squeeze %dma_wait3A_881 : memref<1x100x32xf32, #tpu.memory_space<vmem>> -> memref<100x32xf32, #tpu.memory_space<vmem>>
      %dma_wait3A_883 = arith.constant 0 : i32
      %dma_wait3A_884 = arith.constant 0 : i32
      %dma_wait3A_885 = tpu.memref_slice %arg3[%dma_wait3A_883, %dma_wait3A_884] : memref<1000000x32xf32, #tpu.memory_space<hbm>> -> memref<100x32xf32, #tpu.memory_space<hbm>>
      tpu.wait_dma2 semaphore(%arg11 : memref<!tpu.dma_semaphore, #tpu.memory_space<semaphore_mem>>) src(%dma_wait3A_885 : memref<100x32xf32, #tpu.memory_space<hbm>>) dst(%dma_wait3A_882 : memref<100x32xf32, #tpu.memory_space<vmem>>)
      %dma_wait3A_886 = arith.constant 2 : i32
      %dma_wait3A_887 = arith.constant 0 : i32
      %dma_wait3A_888 = arith.constant 0 : i32
      %dma_wait3A_889 = tpu.memref_slice %arg8[%dma_wait3A_886, %dma_wait3A_887, %dma_wait3A_888] : memref<16x100x32xf32, #tpu.memory_space<vmem>> -> memref<1x100x32xf32, #tpu.memory_space<vmem>>
      %dma_wait3A_890 = tpu.memref_squeeze %dma_wait3A_889 : memref<1x100x32xf32, #tpu.memory_space<vmem>> -> memref<100x32xf32, #tpu.memory_space<vmem>>
      %dma_wait3A_891 = arith.constant 0 : i32
      %dma_wait3A_892 = arith.constant 0 : i32
      %dma_wait3A_893 = tpu.memref_slice %arg3[%dma_wait3A_891, %dma_wait3A_892] : memref<1000000x32xf32, #tpu.memory_space<hbm>> -> memref<100x32xf32, #tpu.memory_space<hbm>>
      %dma_wait3A_894 = arith.constant 0 : i32
      %dma_wait3A_895 = arith.constant 0 : i32
      %dma_wait3A_896 = tpu.memref_slice %arg8[%dma_wait3A_886, %dma_wait3A_894, %dma_wait3A_895] : memref<16x100x32xf32, #tpu.memory_space<vmem>> -> memref<1x100x32xf32, #tpu.memory_space<vmem>>
      %dma_wait3A_897 = tpu.memref_squeeze %dma_wait3A_896 : memref<1x100x32xf32, #tpu.memory_space<vmem>> -> memref<100x32xf32, #tpu.memory_space<vmem>>
      %dma_wait3A_898 = arith.constant 0 : i32
      %dma_wait3A_899 = arith.constant 0 : i32
      %dma_wait3A_900 = tpu.memref_slice %arg3[%dma_wait3A_898, %dma_wait3A_899] : memref<1000000x32xf32, #tpu.memory_space<hbm>> -> memref<100x32xf32, #tpu.memory_space<hbm>>
      tpu.wait_dma2 semaphore(%arg11 : memref<!tpu.dma_semaphore, #tpu.memory_space<semaphore_mem>>) src(%dma_wait3A_900 : memref<100x32xf32, #tpu.memory_space<hbm>>) dst(%dma_wait3A_897 : memref<100x32xf32, #tpu.memory_space<vmem>>)
      %dma_wait3A_901 = arith.constant 3 : i32
      %dma_wait3A_902 = arith.constant 0 : i32
      %dma_wait3A_903 = arith.constant 0 : i32
      %dma_wait3A_904 = tpu.memref_slice %arg8[%dma_wait3A_901, %dma_wait3A_902, %dma_wait3A_903] : memref<16x100x32xf32, #tpu.memory_space<vmem>> -> memref<1x100x32xf32, #tpu.memory_space<vmem>>
      %dma_wait3A_905 = tpu.memref_squeeze %dma_wait3A_904 : memref<1x100x32xf32, #tpu.memory_space<vmem>> -> memref<100x32xf32, #tpu.memory_space<vmem>>
      %dma_wait3A_906 = arith.constant 0 : i32
      %dma_wait3A_907 = arith.constant 0 : i32
      %dma_wait3A_908 = tpu.memref_slice %arg3[%dma_wait3A_906, %dma_wait3A_907] : memref<1000000x32xf32, #tpu.memory_space<hbm>> -> memref<100x32xf32, #tpu.memory_space<hbm>>
      %dma_wait3A_909 = arith.constant 0 : i32
      %dma_wait3A_910 = arith.constant 0 : i32
      %dma_wait3A_911 = tpu.memref_slice %arg8[%dma_wait3A_901, %dma_wait3A_909, %dma_wait3A_910] : memref<16x100x32xf32, #tpu.memory_space<vmem>> -> memref<1x100x32xf32, #tpu.memory_space<vmem>>
      %dma_wait3A_912 = tpu.memref_squeeze %dma_wait3A_911 : memref<1x100x32xf32, #tpu.memory_space<vmem>> -> memref<100x32xf32, #tpu.memory_space<vmem>>
      %dma_wait3A_913 = arith.constant 0 : i32
      %dma_wait3A_914 = arith.constant 0 : i32
      %dma_wait3A_915 = tpu.memref_slice %arg3[%dma_wait3A_913, %dma_wait3A_914] : memref<1000000x32xf32, #tpu.memory_space<hbm>> -> memref<100x32xf32, #tpu.memory_space<hbm>>
      tpu.wait_dma2 semaphore(%arg11 : memref<!tpu.dma_semaphore, #tpu.memory_space<semaphore_mem>>) src(%dma_wait3A_915 : memref<100x32xf32, #tpu.memory_space<hbm>>) dst(%dma_wait3A_912 : memref<100x32xf32, #tpu.memory_space<vmem>>)
      %dma_wait3A_916 = arith.constant 4 : i32
      %dma_wait3A_917 = arith.constant 0 : i32
      %dma_wait3A_918 = arith.constant 0 : i32
      %dma_wait3A_919 = tpu.memref_slice %arg8[%dma_wait3A_916, %dma_wait3A_917, %dma_wait3A_918] : memref<16x100x32xf32, #tpu.memory_space<vmem>> -> memref<1x100x32xf32, #tpu.memory_space<vmem>>
      %dma_wait3A_920 = tpu.memref_squeeze %dma_wait3A_919 : memref<1x100x32xf32, #tpu.memory_space<vmem>> -> memref<100x32xf32, #tpu.memory_space<vmem>>
      %dma_wait3A_921 = arith.constant 0 : i32
      %dma_wait3A_922 = arith.constant 0 : i32
      %dma_wait3A_923 = tpu.memref_slice %arg3[%dma_wait3A_921, %dma_wait3A_922] : memref<1000000x32xf32, #tpu.memory_space<hbm>> -> memref<100x32xf32, #tpu.memory_space<hbm>>
      %dma_wait3A_924 = arith.constant 0 : i32
      %dma_wait3A_925 = arith.constant 0 : i32
      %dma_wait3A_926 = tpu.memref_slice %arg8[%dma_wait3A_916, %dma_wait3A_924, %dma_wait3A_925] : memref<16x100x32xf32, #tpu.memory_space<vmem>> -> memref<1x100x32xf32, #tpu.memory_space<vmem>>
      %dma_wait3A_927 = tpu.memref_squeeze %dma_wait3A_926 : memref<1x100x32xf32, #tpu.memory_space<vmem>> -> memref<100x32xf32, #tpu.memory_space<vmem>>
      %dma_wait3A_928 = arith.constant 0 : i32
      %dma_wait3A_929 = arith.constant 0 : i32
      %dma_wait3A_930 = tpu.memref_slice %arg3[%dma_wait3A_928, %dma_wait3A_929] : memref<1000000x32xf32, #tpu.memory_space<hbm>> -> memref<100x32xf32, #tpu.memory_space<hbm>>
      tpu.wait_dma2 semaphore(%arg11 : memref<!tpu.dma_semaphore, #tpu.memory_space<semaphore_mem>>) src(%dma_wait3A_930 : memref<100x32xf32, #tpu.memory_space<hbm>>) dst(%dma_wait3A_927 : memref<100x32xf32, #tpu.memory_space<vmem>>)
      %dma_wait3A_931 = arith.constant 5 : i32
      %dma_wait3A_932 = arith.constant 0 : i32
      %dma_wait3A_933 = arith.constant 0 : i32
      %dma_wait3A_934 = tpu.memref_slice %arg8[%dma_wait3A_931, %dma_wait3A_932, %dma_wait3A_933] : memref<16x100x32xf32, #tpu.memory_space<vmem>> -> memref<1x100x32xf32, #tpu.memory_space<vmem>>
      %dma_wait3A_935 = tpu.memref_squeeze %dma_wait3A_934 : memref<1x100x32xf32, #tpu.memory_space<vmem>> -> memref<100x32xf32, #tpu.memory_space<vmem>>
      %dma_wait3A_936 = arith.constant 0 : i32
      %dma_wait3A_937 = arith.constant 0 : i32
      %dma_wait3A_938 = tpu.memref_slice %arg3[%dma_wait3A_936, %dma_wait3A_937] : memref<1000000x32xf32, #tpu.memory_space<hbm>> -> memref<100x32xf32, #tpu.memory_space<hbm>>
      %dma_wait3A_939 = arith.constant 0 : i32
      %dma_wait3A_940 = arith.constant 0 : i32
      %dma_wait3A_941 = tpu.memref_slice %arg8[%dma_wait3A_931, %dma_wait3A_939, %dma_wait3A_940] : memref<16x100x32xf32, #tpu.memory_space<vmem>> -> memref<1x100x32xf32, #tpu.memory_space<vmem>>
      %dma_wait3A_942 = tpu.memref_squeeze %dma_wait3A_941 : memref<1x100x32xf32, #tpu.memory_space<vmem>> -> memref<100x32xf32, #tpu.memory_space<vmem>>
      %dma_wait3A_943 = arith.constant 0 : i32
      %dma_wait3A_944 = arith.constant 0 : i32
      %dma_wait3A_945 = tpu.memref_slice %arg3[%dma_wait3A_943, %dma_wait3A_944] : memref<1000000x32xf32, #tpu.memory_space<hbm>> -> memref<100x32xf32, #tpu.memory_space<hbm>>
      tpu.wait_dma2 semaphore(%arg11 : memref<!tpu.dma_semaphore, #tpu.memory_space<semaphore_mem>>) src(%dma_wait3A_945 : memref<100x32xf32, #tpu.memory_space<hbm>>) dst(%dma_wait3A_942 : memref<100x32xf32, #tpu.memory_space<vmem>>)
      %dma_wait3A_946 = arith.constant 6 : i32
      %dma_wait3A_947 = arith.constant 0 : i32
      %dma_wait3A_948 = arith.constant 0 : i32
      %dma_wait3A_949 = tpu.memref_slice %arg8[%dma_wait3A_946, %dma_wait3A_947, %dma_wait3A_948] : memref<16x100x32xf32, #tpu.memory_space<vmem>> -> memref<1x100x32xf32, #tpu.memory_space<vmem>>
      %dma_wait3A_950 = tpu.memref_squeeze %dma_wait3A_949 : memref<1x100x32xf32, #tpu.memory_space<vmem>> -> memref<100x32xf32, #tpu.memory_space<vmem>>
      %dma_wait3A_951 = arith.constant 0 : i32
      %dma_wait3A_952 = arith.constant 0 : i32
      %dma_wait3A_953 = tpu.memref_slice %arg3[%dma_wait3A_951, %dma_wait3A_952] : memref<1000000x32xf32, #tpu.memory_space<hbm>> -> memref<100x32xf32, #tpu.memory_space<hbm>>
      %dma_wait3A_954 = arith.constant 0 : i32
      %dma_wait3A_955 = arith.constant 0 : i32
      %dma_wait3A_956 = tpu.memref_slice %arg8[%dma_wait3A_946, %dma_wait3A_954, %dma_wait3A_955] : memref<16x100x32xf32, #tpu.memory_space<vmem>> -> memref<1x100x32xf32, #tpu.memory_space<vmem>>
      %dma_wait3A_957 = tpu.memref_squeeze %dma_wait3A_956 : memref<1x100x32xf32, #tpu.memory_space<vmem>> -> memref<100x32xf32, #tpu.memory_space<vmem>>
      %dma_wait3A_958 = arith.constant 0 : i32
      %dma_wait3A_959 = arith.constant 0 : i32
      %dma_wait3A_960 = tpu.memref_slice %arg3[%dma_wait3A_958, %dma_wait3A_959] : memref<1000000x32xf32, #tpu.memory_space<hbm>> -> memref<100x32xf32, #tpu.memory_space<hbm>>
      tpu.wait_dma2 semaphore(%arg11 : memref<!tpu.dma_semaphore, #tpu.memory_space<semaphore_mem>>) src(%dma_wait3A_960 : memref<100x32xf32, #tpu.memory_space<hbm>>) dst(%dma_wait3A_957 : memref<100x32xf32, #tpu.memory_space<vmem>>)
      %dma_wait3A_961 = arith.constant 7 : i32
      %dma_wait3A_962 = arith.constant 0 : i32
      %dma_wait3A_963 = arith.constant 0 : i32
      %dma_wait3A_964 = tpu.memref_slice %arg8[%dma_wait3A_961, %dma_wait3A_962, %dma_wait3A_963] : memref<16x100x32xf32, #tpu.memory_space<vmem>> -> memref<1x100x32xf32, #tpu.memory_space<vmem>>
      %dma_wait3A_965 = tpu.memref_squeeze %dma_wait3A_964 : memref<1x100x32xf32, #tpu.memory_space<vmem>> -> memref<100x32xf32, #tpu.memory_space<vmem>>
      %dma_wait3A_966 = arith.constant 0 : i32
      %dma_wait3A_967 = arith.constant 0 : i32
      %dma_wait3A_968 = tpu.memref_slice %arg3[%dma_wait3A_966, %dma_wait3A_967] : memref<1000000x32xf32, #tpu.memory_space<hbm>> -> memref<100x32xf32, #tpu.memory_space<hbm>>
      %dma_wait3A_969 = arith.constant 0 : i32
      %dma_wait3A_970 = arith.constant 0 : i32
      %dma_wait3A_971 = tpu.memref_slice %arg8[%dma_wait3A_961, %dma_wait3A_969, %dma_wait3A_970] : memref<16x100x32xf32, #tpu.memory_space<vmem>> -> memref<1x100x32xf32, #tpu.memory_space<vmem>>
      %dma_wait3A_972 = tpu.memref_squeeze %dma_wait3A_971 : memref<1x100x32xf32, #tpu.memory_space<vmem>> -> memref<100x32xf32, #tpu.memory_space<vmem>>
      %dma_wait3A_973 = arith.constant 0 : i32
      %dma_wait3A_974 = arith.constant 0 : i32
      %dma_wait3A_975 = tpu.memref_slice %arg3[%dma_wait3A_973, %dma_wait3A_974] : memref<1000000x32xf32, #tpu.memory_space<hbm>> -> memref<100x32xf32, #tpu.memory_space<hbm>>
      tpu.wait_dma2 semaphore(%arg11 : memref<!tpu.dma_semaphore, #tpu.memory_space<semaphore_mem>>) src(%dma_wait3A_975 : memref<100x32xf32, #tpu.memory_space<hbm>>) dst(%dma_wait3A_972 : memref<100x32xf32, #tpu.memory_space<vmem>>)
      %dma_wait3A_976 = arith.constant 8 : i32
      %dma_wait3A_977 = arith.constant 0 : i32
      %dma_wait3A_978 = arith.constant 0 : i32
      %dma_wait3A_979 = tpu.memref_slice %arg8[%dma_wait3A_976, %dma_wait3A_977, %dma_wait3A_978] : memref<16x100x32xf32, #tpu.memory_space<vmem>> -> memref<1x100x32xf32, #tpu.memory_space<vmem>>
      %dma_wait3A_980 = tpu.memref_squeeze %dma_wait3A_979 : memref<1x100x32xf32, #tpu.memory_space<vmem>> -> memref<100x32xf32, #tpu.memory_space<vmem>>
      %dma_wait3A_981 = arith.constant 0 : i32
      %dma_wait3A_982 = arith.constant 0 : i32
      %dma_wait3A_983 = tpu.memref_slice %arg3[%dma_wait3A_981, %dma_wait3A_982] : memref<1000000x32xf32, #tpu.memory_space<hbm>> -> memref<100x32xf32, #tpu.memory_space<hbm>>
      %dma_wait3A_984 = arith.constant 0 : i32
      %dma_wait3A_985 = arith.constant 0 : i32
      %dma_wait3A_986 = tpu.memref_slice %arg8[%dma_wait3A_976, %dma_wait3A_984, %dma_wait3A_985] : memref<16x100x32xf32, #tpu.memory_space<vmem>> -> memref<1x100x32xf32, #tpu.memory_space<vmem>>
      %dma_wait3A_987 = tpu.memref_squeeze %dma_wait3A_986 : memref<1x100x32xf32, #tpu.memory_space<vmem>> -> memref<100x32xf32, #tpu.memory_space<vmem>>
      %dma_wait3A_988 = arith.constant 0 : i32
      %dma_wait3A_989 = arith.constant 0 : i32
      %dma_wait3A_990 = tpu.memref_slice %arg3[%dma_wait3A_988, %dma_wait3A_989] : memref<1000000x32xf32, #tpu.memory_space<hbm>> -> memref<100x32xf32, #tpu.memory_space<hbm>>
      tpu.wait_dma2 semaphore(%arg11 : memref<!tpu.dma_semaphore, #tpu.memory_space<semaphore_mem>>) src(%dma_wait3A_990 : memref<100x32xf32, #tpu.memory_space<hbm>>) dst(%dma_wait3A_987 : memref<100x32xf32, #tpu.memory_space<vmem>>)
      %dma_wait3A_991 = arith.constant 9 : i32
      %dma_wait3A_992 = arith.constant 0 : i32
      %dma_wait3A_993 = arith.constant 0 : i32
      %dma_wait3A_994 = tpu.memref_slice %arg8[%dma_wait3A_991, %dma_wait3A_992, %dma_wait3A_993] : memref<16x100x32xf32, #tpu.memory_space<vmem>> -> memref<1x100x32xf32, #tpu.memory_space<vmem>>
      %dma_wait3A_995 = tpu.memref_squeeze %dma_wait3A_994 : memref<1x100x32xf32, #tpu.memory_space<vmem>> -> memref<100x32xf32, #tpu.memory_space<vmem>>
      %dma_wait3A_996 = arith.constant 0 : i32
      %dma_wait3A_997 = arith.constant 0 : i32
      %dma_wait3A_998 = tpu.memref_slice %arg3[%dma_wait3A_996, %dma_wait3A_997] : memref<1000000x32xf32, #tpu.memory_space<hbm>> -> memref<100x32xf32, #tpu.memory_space<hbm>>
      %dma_wait3A_999 = arith.constant 0 : i32
      %dma_wait3A_1000 = arith.constant 0 : i32
      %dma_wait3A_1001 = tpu.memref_slice %arg8[%dma_wait3A_991, %dma_wait3A_999, %dma_wait3A_1000] : memref<16x100x32xf32, #tpu.memory_space<vmem>> -> memref<1x100x32xf32, #tpu.memory_space<vmem>>
      %dma_wait3A_1002 = tpu.memref_squeeze %dma_wait3A_1001 : memref<1x100x32xf32, #tpu.memory_space<vmem>> -> memref<100x32xf32, #tpu.memory_space<vmem>>
      %dma_wait3A_1003 = arith.constant 0 : i32
      %dma_wait3A_1004 = arith.constant 0 : i32
      %dma_wait3A_1005 = tpu.memref_slice %arg3[%dma_wait3A_1003, %dma_wait3A_1004] : memref<1000000x32xf32, #tpu.memory_space<hbm>> -> memref<100x32xf32, #tpu.memory_space<hbm>>
      tpu.wait_dma2 semaphore(%arg11 : memref<!tpu.dma_semaphore, #tpu.memory_space<semaphore_mem>>) src(%dma_wait3A_1005 : memref<100x32xf32, #tpu.memory_space<hbm>>) dst(%dma_wait3A_1002 : memref<100x32xf32, #tpu.memory_space<vmem>>)
      %dma_wait3A_1006 = arith.constant 10 : i32
      %dma_wait3A_1007 = arith.constant 0 : i32
      %dma_wait3A_1008 = arith.constant 0 : i32
      %dma_wait3A_1009 = tpu.memref_slice %arg8[%dma_wait3A_1006, %dma_wait3A_1007, %dma_wait3A_1008] : memref<16x100x32xf32, #tpu.memory_space<vmem>> -> memref<1x100x32xf32, #tpu.memory_space<vmem>>
      %dma_wait3A_1010 = tpu.memref_squeeze %dma_wait3A_1009 : memref<1x100x32xf32, #tpu.memory_space<vmem>> -> memref<100x32xf32, #tpu.memory_space<vmem>>
      %dma_wait3A_1011 = arith.constant 0 : i32
      %dma_wait3A_1012 = arith.constant 0 : i32
      %dma_wait3A_1013 = tpu.memref_slice %arg3[%dma_wait3A_1011, %dma_wait3A_1012] : memref<1000000x32xf32, #tpu.memory_space<hbm>> -> memref<100x32xf32, #tpu.memory_space<hbm>>
      %dma_wait3A_1014 = arith.constant 0 : i32
      %dma_wait3A_1015 = arith.constant 0 : i32
      %dma_wait3A_1016 = tpu.memref_slice %arg8[%dma_wait3A_1006, %dma_wait3A_1014, %dma_wait3A_1015] : memref<16x100x32xf32, #tpu.memory_space<vmem>> -> memref<1x100x32xf32, #tpu.memory_space<vmem>>
      %dma_wait3A_1017 = tpu.memref_squeeze %dma_wait3A_1016 : memref<1x100x32xf32, #tpu.memory_space<vmem>> -> memref<100x32xf32, #tpu.memory_space<vmem>>
      %dma_wait3A_1018 = arith.constant 0 : i32
      %dma_wait3A_1019 = arith.constant 0 : i32
      %dma_wait3A_1020 = tpu.memref_slice %arg3[%dma_wait3A_1018, %dma_wait3A_1019] : memref<1000000x32xf32, #tpu.memory_space<hbm>> -> memref<100x32xf32, #tpu.memory_space<hbm>>
      tpu.wait_dma2 semaphore(%arg11 : memref<!tpu.dma_semaphore, #tpu.memory_space<semaphore_mem>>) src(%dma_wait3A_1020 : memref<100x32xf32, #tpu.memory_space<hbm>>) dst(%dma_wait3A_1017 : memref<100x32xf32, #tpu.memory_space<vmem>>)
      %dma_wait3A_1021 = arith.constant 11 : i32
      %dma_wait3A_1022 = arith.constant 0 : i32
      %dma_wait3A_1023 = arith.constant 0 : i32
      %dma_wait3A_1024 = tpu.memref_slice %arg8[%dma_wait3A_1021, %dma_wait3A_1022, %dma_wait3A_1023] : memref<16x100x32xf32, #tpu.memory_space<vmem>> -> memref<1x100x32xf32, #tpu.memory_space<vmem>>
      %dma_wait3A_1025 = tpu.memref_squeeze %dma_wait3A_1024 : memref<1x100x32xf32, #tpu.memory_space<vmem>> -> memref<100x32xf32, #tpu.memory_space<vmem>>
      %dma_wait3A_1026 = arith.constant 0 : i32
      %dma_wait3A_1027 = arith.constant 0 : i32
      %dma_wait3A_1028 = tpu.memref_slice %arg3[%dma_wait3A_1026, %dma_wait3A_1027] : memref<1000000x32xf32, #tpu.memory_space<hbm>> -> memref<100x32xf32, #tpu.memory_space<hbm>>
      %dma_wait3A_1029 = arith.constant 0 : i32
      %dma_wait3A_1030 = arith.constant 0 : i32
      %dma_wait3A_1031 = tpu.memref_slice %arg8[%dma_wait3A_1021, %dma_wait3A_1029, %dma_wait3A_1030] : memref<16x100x32xf32, #tpu.memory_space<vmem>> -> memref<1x100x32xf32, #tpu.memory_space<vmem>>
      %dma_wait3A_1032 = tpu.memref_squeeze %dma_wait3A_1031 : memref<1x100x32xf32, #tpu.memory_space<vmem>> -> memref<100x32xf32, #tpu.memory_space<vmem>>
      %dma_wait3A_1033 = arith.constant 0 : i32
      %dma_wait3A_1034 = arith.constant 0 : i32
      %dma_wait3A_1035 = tpu.memref_slice %arg3[%dma_wait3A_1033, %dma_wait3A_1034] : memref<1000000x32xf32, #tpu.memory_space<hbm>> -> memref<100x32xf32, #tpu.memory_space<hbm>>
      tpu.wait_dma2 semaphore(%arg11 : memref<!tpu.dma_semaphore, #tpu.memory_space<semaphore_mem>>) src(%dma_wait3A_1035 : memref<100x32xf32, #tpu.memory_space<hbm>>) dst(%dma_wait3A_1032 : memref<100x32xf32, #tpu.memory_space<vmem>>)
      %dma_wait3A_1036 = arith.constant 12 : i32
      %dma_wait3A_1037 = arith.constant 0 : i32
      %dma_wait3A_1038 = arith.constant 0 : i32
      %dma_wait3A_1039 = tpu.memref_slice %arg8[%dma_wait3A_1036, %dma_wait3A_1037, %dma_wait3A_1038] : memref<16x100x32xf32, #tpu.memory_space<vmem>> -> memref<1x100x32xf32, #tpu.memory_space<vmem>>
      %dma_wait3A_1040 = tpu.memref_squeeze %dma_wait3A_1039 : memref<1x100x32xf32, #tpu.memory_space<vmem>> -> memref<100x32xf32, #tpu.memory_space<vmem>>
      %dma_wait3A_1041 = arith.constant 0 : i32
      %dma_wait3A_1042 = arith.constant 0 : i32
      %dma_wait3A_1043 = tpu.memref_slice %arg3[%dma_wait3A_1041, %dma_wait3A_1042] : memref<1000000x32xf32, #tpu.memory_space<hbm>> -> memref<100x32xf32, #tpu.memory_space<hbm>>
      %dma_wait3A_1044 = arith.constant 0 : i32
      %dma_wait3A_1045 = arith.constant 0 : i32
      %dma_wait3A_1046 = tpu.memref_slice %arg8[%dma_wait3A_1036, %dma_wait3A_1044, %dma_wait3A_1045] : memref<16x100x32xf32, #tpu.memory_space<vmem>> -> memref<1x100x32xf32, #tpu.memory_space<vmem>>
      %dma_wait3A_1047 = tpu.memref_squeeze %dma_wait3A_1046 : memref<1x100x32xf32, #tpu.memory_space<vmem>> -> memref<100x32xf32, #tpu.memory_space<vmem>>
      %dma_wait3A_1048 = arith.constant 0 : i32
      %dma_wait3A_1049 = arith.constant 0 : i32
      %dma_wait3A_1050 = tpu.memref_slice %arg3[%dma_wait3A_1048, %dma_wait3A_1049] : memref<1000000x32xf32, #tpu.memory_space<hbm>> -> memref<100x32xf32, #tpu.memory_space<hbm>>
      tpu.wait_dma2 semaphore(%arg11 : memref<!tpu.dma_semaphore, #tpu.memory_space<semaphore_mem>>) src(%dma_wait3A_1050 : memref<100x32xf32, #tpu.memory_space<hbm>>) dst(%dma_wait3A_1047 : memref<100x32xf32, #tpu.memory_space<vmem>>)
      %dma_wait3A_1051 = arith.constant 13 : i32
      %dma_wait3A_1052 = arith.constant 0 : i32
      %dma_wait3A_1053 = arith.constant 0 : i32
      %dma_wait3A_1054 = tpu.memref_slice %arg8[%dma_wait3A_1051, %dma_wait3A_1052, %dma_wait3A_1053] : memref<16x100x32xf32, #tpu.memory_space<vmem>> -> memref<1x100x32xf32, #tpu.memory_space<vmem>>
      %dma_wait3A_1055 = tpu.memref_squeeze %dma_wait3A_1054 : memref<1x100x32xf32, #tpu.memory_space<vmem>> -> memref<100x32xf32, #tpu.memory_space<vmem>>
      %dma_wait3A_1056 = arith.constant 0 : i32
      %dma_wait3A_1057 = arith.constant 0 : i32
      %dma_wait3A_1058 = tpu.memref_slice %arg3[%dma_wait3A_1056, %dma_wait3A_1057] : memref<1000000x32xf32, #tpu.memory_space<hbm>> -> memref<100x32xf32, #tpu.memory_space<hbm>>
      %dma_wait3A_1059 = arith.constant 0 : i32
      %dma_wait3A_1060 = arith.constant 0 : i32
      %dma_wait3A_1061 = tpu.memref_slice %arg8[%dma_wait3A_1051, %dma_wait3A_1059, %dma_wait3A_1060] : memref<16x100x32xf32, #tpu.memory_space<vmem>> -> memref<1x100x32xf32, #tpu.memory_space<vmem>>
      %dma_wait3A_1062 = tpu.memref_squeeze %dma_wait3A_1061 : memref<1x100x32xf32, #tpu.memory_space<vmem>> -> memref<100x32xf32, #tpu.memory_space<vmem>>
      %dma_wait3A_1063 = arith.constant 0 : i32
      %dma_wait3A_1064 = arith.constant 0 : i32
      %dma_wait3A_1065 = tpu.memref_slice %arg3[%dma_wait3A_1063, %dma_wait3A_1064] : memref<1000000x32xf32, #tpu.memory_space<hbm>> -> memref<100x32xf32, #tpu.memory_space<hbm>>
      tpu.wait_dma2 semaphore(%arg11 : memref<!tpu.dma_semaphore, #tpu.memory_space<semaphore_mem>>) src(%dma_wait3A_1065 : memref<100x32xf32, #tpu.memory_space<hbm>>) dst(%dma_wait3A_1062 : memref<100x32xf32, #tpu.memory_space<vmem>>)
      %dma_wait3A_1066 = arith.constant 14 : i32
      %dma_wait3A_1067 = arith.constant 0 : i32
      %dma_wait3A_1068 = arith.constant 0 : i32
      %dma_wait3A_1069 = tpu.memref_slice %arg8[%dma_wait3A_1066, %dma_wait3A_1067, %dma_wait3A_1068] : memref<16x100x32xf32, #tpu.memory_space<vmem>> -> memref<1x100x32xf32, #tpu.memory_space<vmem>>
      %dma_wait3A_1070 = tpu.memref_squeeze %dma_wait3A_1069 : memref<1x100x32xf32, #tpu.memory_space<vmem>> -> memref<100x32xf32, #tpu.memory_space<vmem>>
      %dma_wait3A_1071 = arith.constant 0 : i32
      %dma_wait3A_1072 = arith.constant 0 : i32
      %dma_wait3A_1073 = tpu.memref_slice %arg3[%dma_wait3A_1071, %dma_wait3A_1072] : memref<1000000x32xf32, #tpu.memory_space<hbm>> -> memref<100x32xf32, #tpu.memory_space<hbm>>
      %dma_wait3A_1074 = arith.constant 0 : i32
      %dma_wait3A_1075 = arith.constant 0 : i32
      %dma_wait3A_1076 = tpu.memref_slice %arg8[%dma_wait3A_1066, %dma_wait3A_1074, %dma_wait3A_1075] : memref<16x100x32xf32, #tpu.memory_space<vmem>> -> memref<1x100x32xf32, #tpu.memory_space<vmem>>
      %dma_wait3A_1077 = tpu.memref_squeeze %dma_wait3A_1076 : memref<1x100x32xf32, #tpu.memory_space<vmem>> -> memref<100x32xf32, #tpu.memory_space<vmem>>
      %dma_wait3A_1078 = arith.constant 0 : i32
      %dma_wait3A_1079 = arith.constant 0 : i32
      %dma_wait3A_1080 = tpu.memref_slice %arg3[%dma_wait3A_1078, %dma_wait3A_1079] : memref<1000000x32xf32, #tpu.memory_space<hbm>> -> memref<100x32xf32, #tpu.memory_space<hbm>>
      tpu.wait_dma2 semaphore(%arg11 : memref<!tpu.dma_semaphore, #tpu.memory_space<semaphore_mem>>) src(%dma_wait3A_1080 : memref<100x32xf32, #tpu.memory_space<hbm>>) dst(%dma_wait3A_1077 : memref<100x32xf32, #tpu.memory_space<vmem>>)
      %dma_wait3A_1081 = arith.constant 15 : i32
      %dma_wait3A_1082 = arith.constant 0 : i32
      %dma_wait3A_1083 = arith.constant 0 : i32
      %dma_wait3A_1084 = tpu.memref_slice %arg8[%dma_wait3A_1081, %dma_wait3A_1082, %dma_wait3A_1083] : memref<16x100x32xf32, #tpu.memory_space<vmem>> -> memref<1x100x32xf32, #tpu.memory_space<vmem>>
      %dma_wait3A_1085 = tpu.memref_squeeze %dma_wait3A_1084 : memref<1x100x32xf32, #tpu.memory_space<vmem>> -> memref<100x32xf32, #tpu.memory_space<vmem>>
      %dma_wait3A_1086 = arith.constant 0 : i32
      %dma_wait3A_1087 = arith.constant 0 : i32
      %dma_wait3A_1088 = tpu.memref_slice %arg3[%dma_wait3A_1086, %dma_wait3A_1087] : memref<1000000x32xf32, #tpu.memory_space<hbm>> -> memref<100x32xf32, #tpu.memory_space<hbm>>
      %dma_wait3A_1089 = arith.constant 0 : i32
      %dma_wait3A_1090 = arith.constant 0 : i32
      %dma_wait3A_1091 = tpu.memref_slice %arg8[%dma_wait3A_1081, %dma_wait3A_1089, %dma_wait3A_1090] : memref<16x100x32xf32, #tpu.memory_space<vmem>> -> memref<1x100x32xf32, #tpu.memory_space<vmem>>
      %dma_wait3A_1092 = tpu.memref_squeeze %dma_wait3A_1091 : memref<1x100x32xf32, #tpu.memory_space<vmem>> -> memref<100x32xf32, #tpu.memory_space<vmem>>
      %dma_wait3A_1093 = arith.constant 0 : i32
      %dma_wait3A_1094 = arith.constant 0 : i32
      %dma_wait3A_1095 = tpu.memref_slice %arg3[%dma_wait3A_1093, %dma_wait3A_1094] : memref<1000000x32xf32, #tpu.memory_space<hbm>> -> memref<100x32xf32, #tpu.memory_space<hbm>>
      tpu.wait_dma2 semaphore(%arg11 : memref<!tpu.dma_semaphore, #tpu.memory_space<semaphore_mem>>) src(%dma_wait3A_1095 : memref<100x32xf32, #tpu.memory_space<hbm>>) dst(%dma_wait3A_1092 : memref<100x32xf32, #tpu.memory_space<vmem>>)
      %mul3A_1096 = arith.constant 2 : i32
      %mul3A_1097 = arith.muli %mul3A_1096, %scan3A_203 : i32
      %add3A_1098 = arith.constant 1 : i32
      %add3A_1099 = arith.addi %mul3A_1097, %add3A_1098 : i32
      %broadcast_in_dim3A_1100 = arith.constant 0.000000e+00 : f32
      %broadcast_in_dim3A_1101 = vector.broadcast %broadcast_in_dim3A_1100 : f32 to vector<16xf32>
      %scan3A_1102 = arith.constant 0 : i32
      %scan3A_1103 = arith.constant 25 : i32
      %scan3A_1104 = arith.addi %scan3A_1102, %scan3A_1103 : i32
      %scan3A_1105 = arith.constant 1 : i32
      %scan3A_1106:2 = scf.for %scan3A_1308 = %scan3A_1102 to %scan3A_1104 step %scan3A_1105 iter_args(%scan3A_1309 = %broadcast_in_dim3A_1101, %scan3A_1310 = %broadcast_in_dim3A_1101) -> (vector<16xf32>, vector<16xf32>)  : i32 {
        %mul3A_1311 = arith.constant 4 : i32
        %mul3A_1312 = arith.muli %scan3A_1308, %mul3A_1311 : i32
        %add3A_1313 = arith.constant 0 : i32
        %add3A_1314 = arith.addi %mul3A_1312, %add3A_1313 : i32
        %get3A = arith.constant 0 : i32
        %get3A_1315 = arith.index_cast %get3A : i32 to index
        %get3A_1316 = arith.index_cast %add3A_1314 : i32 to index
        %get3A_1317 = arith.constant 0 : index
        %get3A_1318 = tpu.vector_load %arg8[%get3A_1315, %get3A_1316, %get3A_1317] {strides = array<i32>} : memref<16x100x32xf32, #tpu.memory_space<vmem>>, vector<1x1x16xf32>,
        %get3A_1319 = vector.shape_cast %get3A_1318 : vector<1x1x16xf32> to vector<16xf32>
        %add3A_1320 = arith.addf %scan3A_1309, %get3A_1319 : vector<16xf32>
        %get3A_1321 = arith.constant 0 : i32
        %get3A_1322 = arith.index_cast %get3A_1321 : i32 to index
        %get3A_1323 = arith.index_cast %add3A_1314 : i32 to index
        %get3A_1324 = arith.constant 16 : index
        %get3A_1325 = tpu.vector_load %arg8[%get3A_1322, %get3A_1323, %get3A_1324] {strides = array<i32>} : memref<16x100x32xf32, #tpu.memory_space<vmem>>, vector<1x1x16xf32>,
        %get3A_1326 = vector.shape_cast %get3A_1325 : vector<1x1x16xf32> to vector<16xf32>
        %add3A_1327 = arith.addf %scan3A_1310, %get3A_1326 : vector<16xf32>
        %get3A_1328 = arith.constant 1 : i32
        %get3A_1329 = arith.index_cast %get3A_1328 : i32 to index
        %get3A_1330 = arith.index_cast %add3A_1314 : i32 to index
        %get3A_1331 = arith.constant 0 : index
        %get3A_1332 = tpu.vector_load %arg8[%get3A_1329, %get3A_1330, %get3A_1331] {strides = array<i32>} : memref<16x100x32xf32, #tpu.memory_space<vmem>>, vector<1x1x16xf32>,
        %get3A_1333 = vector.shape_cast %get3A_1332 : vector<1x1x16xf32> to vector<16xf32>
        %add3A_1334 = arith.addf %add3A_1320, %get3A_1333 : vector<16xf32>
        %get3A_1335 = arith.constant 1 : i32
        %get3A_1336 = arith.index_cast %get3A_1335 : i32 to index
        %get3A_1337 = arith.index_cast %add3A_1314 : i32 to index
        %get3A_1338 = arith.constant 16 : index
        %get3A_1339 = tpu.vector_load %arg8[%get3A_1336, %get3A_1337, %get3A_1338] {strides = array<i32>} : memref<16x100x32xf32, #tpu.memory_space<vmem>>, vector<1x1x16xf32>,
        %get3A_1340 = vector.shape_cast %get3A_1339 : vector<1x1x16xf32> to vector<16xf32>
        %add3A_1341 = arith.addf %add3A_1327, %get3A_1340 : vector<16xf32>
        %mul3A_1342 = arith.constant 4 : i32
        %mul3A_1343 = arith.muli %scan3A_1308, %mul3A_1342 : i32
        %add3A_1344 = arith.constant 1 : i32
        %add3A_1345 = arith.addi %mul3A_1343, %add3A_1344 : i32
        %get3A_1346 = arith.constant 0 : i32
        %get3A_1347 = arith.index_cast %get3A_1346 : i32 to index
        %get3A_1348 = arith.index_cast %add3A_1345 : i32 to index
        %get3A_1349 = arith.constant 0 : index
        %get3A_1350 = tpu.vector_load %arg8[%get3A_1347, %get3A_1348, %get3A_1349] {strides = array<i32>} : memref<16x100x32xf32, #tpu.memory_space<vmem>>, vector<1x1x16xf32>,
        %get3A_1351 = vector.shape_cast %get3A_1350 : vector<1x1x16xf32> to vector<16xf32>
        %add3A_1352 = arith.addf %add3A_1334, %get3A_1351 : vector<16xf32>
        %get3A_1353 = arith.constant 0 : i32
        %get3A_1354 = arith.index_cast %get3A_1353 : i32 to index
        %get3A_1355 = arith.index_cast %add3A_1345 : i32 to index
        %get3A_1356 = arith.constant 16 : index
        %get3A_1357 = tpu.vector_load %arg8[%get3A_1354, %get3A_1355, %get3A_1356] {strides = array<i32>} : memref<16x100x32xf32, #tpu.memory_space<vmem>>, vector<1x1x16xf32>,
        %get3A_1358 = vector.shape_cast %get3A_1357 : vector<1x1x16xf32> to vector<16xf32>
        %add3A_1359 = arith.addf %add3A_1341, %get3A_1358 : vector<16xf32>
        %get3A_1360 = arith.constant 1 : i32
        %get3A_1361 = arith.index_cast %get3A_1360 : i32 to index
        %get3A_1362 = arith.index_cast %add3A_1345 : i32 to index
        %get3A_1363 = arith.constant 0 : index
        %get3A_1364 = tpu.vector_load %arg8[%get3A_1361, %get3A_1362, %get3A_1363] {strides = array<i32>} : memref<16x100x32xf32, #tpu.memory_space<vmem>>, vector<1x1x16xf32>,
        %get3A_1365 = vector.shape_cast %get3A_1364 : vector<1x1x16xf32> to vector<16xf32>
        %add3A_1366 = arith.addf %add3A_1352, %get3A_1365 : vector<16xf32>
        %get3A_1367 = arith.constant 1 : i32
        %get3A_1368 = arith.index_cast %get3A_1367 : i32 to index
        %get3A_1369 = arith.index_cast %add3A_1345 : i32 to index
        %get3A_1370 = arith.constant 16 : index
        %get3A_1371 = tpu.vector_load %arg8[%get3A_1368, %get3A_1369, %get3A_1370] {strides = array<i32>} : memref<16x100x32xf32, #tpu.memory_space<vmem>>, vector<1x1x16xf32>,
        %get3A_1372 = vector.shape_cast %get3A_1371 : vector<1x1x16xf32> to vector<16xf32>
        %add3A_1373 = arith.addf %add3A_1359, %get3A_1372 : vector<16xf32>
        %mul3A_1374 = arith.constant 4 : i32
        %mul3A_1375 = arith.muli %scan3A_1308, %mul3A_1374 : i32
        %add3A_1376 = arith.constant 2 : i32
        %add3A_1377 = arith.addi %mul3A_1375, %add3A_1376 : i32
        %get3A_1378 = arith.constant 0 : i32
        %get3A_1379 = arith.index_cast %get3A_1378 : i32 to index
        %get3A_1380 = arith.index_cast %add3A_1377 : i32 to index
        %get3A_1381 = arith.constant 0 : index
        %get3A_1382 = tpu.vector_load %arg8[%get3A_1379, %get3A_1380, %get3A_1381] {strides = array<i32>} : memref<16x100x32xf32, #tpu.memory_space<vmem>>, vector<1x1x16xf32>,
        %get3A_1383 = vector.shape_cast %get3A_1382 : vector<1x1x16xf32> to vector<16xf32>
        %add3A_1384 = arith.addf %add3A_1366, %get3A_1383 : vector<16xf32>
        %get3A_1385 = arith.constant 0 : i32
        %get3A_1386 = arith.index_cast %get3A_1385 : i32 to index
        %get3A_1387 = arith.index_cast %add3A_1377 : i32 to index
        %get3A_1388 = arith.constant 16 : index
        %get3A_1389 = tpu.vector_load %arg8[%get3A_1386, %get3A_1387, %get3A_1388] {strides = array<i32>} : memref<16x100x32xf32, #tpu.memory_space<vmem>>, vector<1x1x16xf32>,
        %get3A_1390 = vector.shape_cast %get3A_1389 : vector<1x1x16xf32> to vector<16xf32>
        %add3A_1391 = arith.addf %add3A_1373, %get3A_1390 : vector<16xf32>
        %get3A_1392 = arith.constant 1 : i32
        %get3A_1393 = arith.index_cast %get3A_1392 : i32 to index
        %get3A_1394 = arith.index_cast %add3A_1377 : i32 to index
        %get3A_1395 = arith.constant 0 : index
        %get3A_1396 = tpu.vector_load %arg8[%get3A_1393, %get3A_1394, %get3A_1395] {strides = array<i32>} : memref<16x100x32xf32, #tpu.memory_space<vmem>>, vector<1x1x16xf32>,
        %get3A_1397 = vector.shape_cast %get3A_1396 : vector<1x1x16xf32> to vector<16xf32>
        %add3A_1398 = arith.addf %add3A_1384, %get3A_1397 : vector<16xf32>
        %get3A_1399 = arith.constant 1 : i32
        %get3A_1400 = arith.index_cast %get3A_1399 : i32 to index
        %get3A_1401 = arith.index_cast %add3A_1377 : i32 to index
        %get3A_1402 = arith.constant 16 : index
        %get3A_1403 = tpu.vector_load %arg8[%get3A_1400, %get3A_1401, %get3A_1402] {strides = array<i32>} : memref<16x100x32xf32, #tpu.memory_space<vmem>>, vector<1x1x16xf32>,
        %get3A_1404 = vector.shape_cast %get3A_1403 : vector<1x1x16xf32> to vector<16xf32>
        %add3A_1405 = arith.addf %add3A_1391, %get3A_1404 : vector<16xf32>
        %mul3A_1406 = arith.constant 4 : i32
        %mul3A_1407 = arith.muli %scan3A_1308, %mul3A_1406 : i32
        %add3A_1408 = arith.constant 3 : i32
        %add3A_1409 = arith.addi %mul3A_1407, %add3A_1408 : i32
        %get3A_1410 = arith.constant 0 : i32
        %get3A_1411 = arith.index_cast %get3A_1410 : i32 to index
        %get3A_1412 = arith.index_cast %add3A_1409 : i32 to index
        %get3A_1413 = arith.constant 0 : index
        %get3A_1414 = tpu.vector_load %arg8[%get3A_1411, %get3A_1412, %get3A_1413] {strides = array<i32>} : memref<16x100x32xf32, #tpu.memory_space<vmem>>, vector<1x1x16xf32>,
        %get3A_1415 = vector.shape_cast %get3A_1414 : vector<1x1x16xf32> to vector<16xf32>
        %add3A_1416 = arith.addf %add3A_1398, %get3A_1415 : vector<16xf32>
        %get3A_1417 = arith.constant 0 : i32
        %get3A_1418 = arith.index_cast %get3A_1417 : i32 to index
        %get3A_1419 = arith.index_cast %add3A_1409 : i32 to index
        %get3A_1420 = arith.constant 16 : index
        %get3A_1421 = tpu.vector_load %arg8[%get3A_1418, %get3A_1419, %get3A_1420] {strides = array<i32>} : memref<16x100x32xf32, #tpu.memory_space<vmem>>, vector<1x1x16xf32>,
        %get3A_1422 = vector.shape_cast %get3A_1421 : vector<1x1x16xf32> to vector<16xf32>
        %add3A_1423 = arith.addf %add3A_1405, %get3A_1422 : vector<16xf32>
        %get3A_1424 = arith.constant 1 : i32
        %get3A_1425 = arith.index_cast %get3A_1424 : i32 to index
        %get3A_1426 = arith.index_cast %add3A_1409 : i32 to index
        %get3A_1427 = arith.constant 0 : index
        %get3A_1428 = tpu.vector_load %arg8[%get3A_1425, %get3A_1426, %get3A_1427] {strides = array<i32>} : memref<16x100x32xf32, #tpu.memory_space<vmem>>, vector<1x1x16xf32>,
        %get3A_1429 = vector.shape_cast %get3A_1428 : vector<1x1x16xf32> to vector<16xf32>
        %add3A_1430 = arith.addf %add3A_1416, %get3A_1429 : vector<16xf32>
        %get3A_1431 = arith.constant 1 : i32
        %get3A_1432 = arith.index_cast %get3A_1431 : i32 to index
        %get3A_1433 = arith.index_cast %add3A_1409 : i32 to index
        %get3A_1434 = arith.constant 16 : index
        %get3A_1435 = tpu.vector_load %arg8[%get3A_1432, %get3A_1433, %get3A_1434] {strides = array<i32>} : memref<16x100x32xf32, #tpu.memory_space<vmem>>, vector<1x1x16xf32>,
        %get3A_1436 = vector.shape_cast %get3A_1435 : vector<1x1x16xf32> to vector<16xf32>
        %add3A_1437 = arith.addf %add3A_1423, %get3A_1436 : vector<16xf32>
        scf.yield %add3A_1430, %add3A_1437 : vector<16xf32>, vector<16xf32>
      }
      %scan3A_1107 = arith.constant 25 : i32
      %mul3A_1108 = arith.constant 8 : i32
      %mul3A_1109 = arith.muli %add3A_1099, %mul3A_1108 : i32
      %add3A_1110 = arith.constant 0 : i32
      %add3A_1111 = arith.addi %mul3A_1109, %add3A_1110 : i32
      %swap3A_1112 = arith.index_cast %add3A_1111 : i32 to index
      %swap3A_1113 = arith.constant 0 : index
      %swap3A_1114 = tpu.vector_load %arg9[%swap3A_1112, %swap3A_1113] {strides = array<i32>} : memref<128x32xf32, #tpu.memory_space<vmem>>, vector<1x16xf32>,
      %swap3A_1115 = vector.shape_cast %swap3A_1114 : vector<1x16xf32> to vector<16xf32>
      %swap3A_1116 = vector.shape_cast %scan3A_1106#0 : vector<16xf32> to vector<1x16xf32>
      tpu.vector_store %arg9[%swap3A_1112, %swap3A_1113], %swap3A_1116 {strides = array<i32>} : memref<128x32xf32, #tpu.memory_space<vmem>>, vector<1x16xf32>,
      %mul3A_1117 = arith.constant 8 : i32
      %mul3A_1118 = arith.muli %add3A_1099, %mul3A_1117 : i32
      %add3A_1119 = arith.constant 0 : i32
      %add3A_1120 = arith.addi %mul3A_1118, %add3A_1119 : i32
      %swap3A_1121 = arith.index_cast %add3A_1120 : i32 to index
      %swap3A_1122 = arith.constant 16 : index
      %swap3A_1123 = tpu.vector_load %arg9[%swap3A_1121, %swap3A_1122] {strides = array<i32>} : memref<128x32xf32, #tpu.memory_space<vmem>>, vector<1x16xf32>,
      %swap3A_1124 = vector.shape_cast %swap3A_1123 : vector<1x16xf32> to vector<16xf32>
      %swap3A_1125 = vector.shape_cast %scan3A_1106#1 : vector<16xf32> to vector<1x16xf32>
      tpu.vector_store %arg9[%swap3A_1121, %swap3A_1122], %swap3A_1125 {strides = array<i32>} : memref<128x32xf32, #tpu.memory_space<vmem>>, vector<1x16xf32>,
      %broadcast_in_dim3A_1126 = arith.constant 0.000000e+00 : f32
      %broadcast_in_dim3A_1127 = vector.broadcast %broadcast_in_dim3A_1126 : f32 to vector<16xf32>
      %scan3A_1128 = arith.constant 0 : i32
      %scan3A_1129 = arith.constant 25 : i32
      %scan3A_1130 = arith.addi %scan3A_1128, %scan3A_1129 : i32
      %scan3A_1131 = arith.constant 1 : i32
      %scan3A_1132:2 = scf.for %scan3A_1308 = %scan3A_1128 to %scan3A_1130 step %scan3A_1131 iter_args(%scan3A_1309 = %broadcast_in_dim3A_1127, %scan3A_1310 = %broadcast_in_dim3A_1127) -> (vector<16xf32>, vector<16xf32>)  : i32 {
        %mul3A_1311 = arith.constant 4 : i32
        %mul3A_1312 = arith.muli %scan3A_1308, %mul3A_1311 : i32
        %add3A_1313 = arith.constant 0 : i32
        %add3A_1314 = arith.addi %mul3A_1312, %add3A_1313 : i32
        %get3A = arith.constant 2 : i32
        %get3A_1315 = arith.index_cast %get3A : i32 to index
        %get3A_1316 = arith.index_cast %add3A_1314 : i32 to index
        %get3A_1317 = arith.constant 0 : index
        %get3A_1318 = tpu.vector_load %arg8[%get3A_1315, %get3A_1316, %get3A_1317] {strides = array<i32>} : memref<16x100x32xf32, #tpu.memory_space<vmem>>, vector<1x1x16xf32>,
        %get3A_1319 = vector.shape_cast %get3A_1318 : vector<1x1x16xf32> to vector<16xf32>
        %add3A_1320 = arith.addf %scan3A_1309, %get3A_1319 : vector<16xf32>
        %get3A_1321 = arith.constant 2 : i32
        %get3A_1322 = arith.index_cast %get3A_1321 : i32 to index
        %get3A_1323 = arith.index_cast %add3A_1314 : i32 to index
        %get3A_1324 = arith.constant 16 : index
        %get3A_1325 = tpu.vector_load %arg8[%get3A_1322, %get3A_1323, %get3A_1324] {strides = array<i32>} : memref<16x100x32xf32, #tpu.memory_space<vmem>>, vector<1x1x16xf32>,
        %get3A_1326 = vector.shape_cast %get3A_1325 : vector<1x1x16xf32> to vector<16xf32>
        %add3A_1327 = arith.addf %scan3A_1310, %get3A_1326 : vector<16xf32>
        %get3A_1328 = arith.constant 3 : i32
        %get3A_1329 = arith.index_cast %get3A_1328 : i32 to index
        %get3A_1330 = arith.index_cast %add3A_1314 : i32 to index
        %get3A_1331 = arith.constant 0 : index
        %get3A_1332 = tpu.vector_load %arg8[%get3A_1329, %get3A_1330, %get3A_1331] {strides = array<i32>} : memref<16x100x32xf32, #tpu.memory_space<vmem>>, vector<1x1x16xf32>,
        %get3A_1333 = vector.shape_cast %get3A_1332 : vector<1x1x16xf32> to vector<16xf32>
        %add3A_1334 = arith.addf %add3A_1320, %get3A_1333 : vector<16xf32>
        %get3A_1335 = arith.constant 3 : i32
        %get3A_1336 = arith.index_cast %get3A_1335 : i32 to index
        %get3A_1337 = arith.index_cast %add3A_1314 : i32 to index
        %get3A_1338 = arith.constant 16 : index
        %get3A_1339 = tpu.vector_load %arg8[%get3A_1336, %get3A_1337, %get3A_1338] {strides = array<i32>} : memref<16x100x32xf32, #tpu.memory_space<vmem>>, vector<1x1x16xf32>,
        %get3A_1340 = vector.shape_cast %get3A_1339 : vector<1x1x16xf32> to vector<16xf32>
        %add3A_1341 = arith.addf %add3A_1327, %get3A_1340 : vector<16xf32>
        %mul3A_1342 = arith.constant 4 : i32
        %mul3A_1343 = arith.muli %scan3A_1308, %mul3A_1342 : i32
        %add3A_1344 = arith.constant 1 : i32
        %add3A_1345 = arith.addi %mul3A_1343, %add3A_1344 : i32
        %get3A_1346 = arith.constant 2 : i32
        %get3A_1347 = arith.index_cast %get3A_1346 : i32 to index
        %get3A_1348 = arith.index_cast %add3A_1345 : i32 to index
        %get3A_1349 = arith.constant 0 : index
        %get3A_1350 = tpu.vector_load %arg8[%get3A_1347, %get3A_1348, %get3A_1349] {strides = array<i32>} : memref<16x100x32xf32, #tpu.memory_space<vmem>>, vector<1x1x16xf32>,
        %get3A_1351 = vector.shape_cast %get3A_1350 : vector<1x1x16xf32> to vector<16xf32>
        %add3A_1352 = arith.addf %add3A_1334, %get3A_1351 : vector<16xf32>
        %get3A_1353 = arith.constant 2 : i32
        %get3A_1354 = arith.index_cast %get3A_1353 : i32 to index
        %get3A_1355 = arith.index_cast %add3A_1345 : i32 to index
        %get3A_1356 = arith.constant 16 : index
        %get3A_1357 = tpu.vector_load %arg8[%get3A_1354, %get3A_1355, %get3A_1356] {strides = array<i32>} : memref<16x100x32xf32, #tpu.memory_space<vmem>>, vector<1x1x16xf32>,
        %get3A_1358 = vector.shape_cast %get3A_1357 : vector<1x1x16xf32> to vector<16xf32>
        %add3A_1359 = arith.addf %add3A_1341, %get3A_1358 : vector<16xf32>
        %get3A_1360 = arith.constant 3 : i32
        %get3A_1361 = arith.index_cast %get3A_1360 : i32 to index
        %get3A_1362 = arith.index_cast %add3A_1345 : i32 to index
        %get3A_1363 = arith.constant 0 : index
        %get3A_1364 = tpu.vector_load %arg8[%get3A_1361, %get3A_1362, %get3A_1363] {strides = array<i32>} : memref<16x100x32xf32, #tpu.memory_space<vmem>>, vector<1x1x16xf32>,
        %get3A_1365 = vector.shape_cast %get3A_1364 : vector<1x1x16xf32> to vector<16xf32>
        %add3A_1366 = arith.addf %add3A_1352, %get3A_1365 : vector<16xf32>
        %get3A_1367 = arith.constant 3 : i32
        %get3A_1368 = arith.index_cast %get3A_1367 : i32 to index
        %get3A_1369 = arith.index_cast %add3A_1345 : i32 to index
        %get3A_1370 = arith.constant 16 : index
        %get3A_1371 = tpu.vector_load %arg8[%get3A_1368, %get3A_1369, %get3A_1370] {strides = array<i32>} : memref<16x100x32xf32, #tpu.memory_space<vmem>>, vector<1x1x16xf32>,
        %get3A_1372 = vector.shape_cast %get3A_1371 : vector<1x1x16xf32> to vector<16xf32>
        %add3A_1373 = arith.addf %add3A_1359, %get3A_1372 : vector<16xf32>
        %mul3A_1374 = arith.constant 4 : i32
        %mul3A_1375 = arith.muli %scan3A_1308, %mul3A_1374 : i32
        %add3A_1376 = arith.constant 2 : i32
        %add3A_1377 = arith.addi %mul3A_1375, %add3A_1376 : i32
        %get3A_1378 = arith.constant 2 : i32
        %get3A_1379 = arith.index_cast %get3A_1378 : i32 to index
        %get3A_1380 = arith.index_cast %add3A_1377 : i32 to index
        %get3A_1381 = arith.constant 0 : index
        %get3A_1382 = tpu.vector_load %arg8[%get3A_1379, %get3A_1380, %get3A_1381] {strides = array<i32>} : memref<16x100x32xf32, #tpu.memory_space<vmem>>, vector<1x1x16xf32>,
        %get3A_1383 = vector.shape_cast %get3A_1382 : vector<1x1x16xf32> to vector<16xf32>
        %add3A_1384 = arith.addf %add3A_1366, %get3A_1383 : vector<16xf32>
        %get3A_1385 = arith.constant 2 : i32
        %get3A_1386 = arith.index_cast %get3A_1385 : i32 to index
        %get3A_1387 = arith.index_cast %add3A_1377 : i32 to index
        %get3A_1388 = arith.constant 16 : index
        %get3A_1389 = tpu.vector_load %arg8[%get3A_1386, %get3A_1387, %get3A_1388] {strides = array<i32>} : memref<16x100x32xf32, #tpu.memory_space<vmem>>, vector<1x1x16xf32>,
        %get3A_1390 = vector.shape_cast %get3A_1389 : vector<1x1x16xf32> to vector<16xf32>
        %add3A_1391 = arith.addf %add3A_1373, %get3A_1390 : vector<16xf32>
        %get3A_1392 = arith.constant 3 : i32
        %get3A_1393 = arith.index_cast %get3A_1392 : i32 to index
        %get3A_1394 = arith.index_cast %add3A_1377 : i32 to index
        %get3A_1395 = arith.constant 0 : index
        %get3A_1396 = tpu.vector_load %arg8[%get3A_1393, %get3A_1394, %get3A_1395] {strides = array<i32>} : memref<16x100x32xf32, #tpu.memory_space<vmem>>, vector<1x1x16xf32>,
        %get3A_1397 = vector.shape_cast %get3A_1396 : vector<1x1x16xf32> to vector<16xf32>
        %add3A_1398 = arith.addf %add3A_1384, %get3A_1397 : vector<16xf32>
        %get3A_1399 = arith.constant 3 : i32
        %get3A_1400 = arith.index_cast %get3A_1399 : i32 to index
        %get3A_1401 = arith.index_cast %add3A_1377 : i32 to index
        %get3A_1402 = arith.constant 16 : index
        %get3A_1403 = tpu.vector_load %arg8[%get3A_1400, %get3A_1401, %get3A_1402] {strides = array<i32>} : memref<16x100x32xf32, #tpu.memory_space<vmem>>, vector<1x1x16xf32>,
        %get3A_1404 = vector.shape_cast %get3A_1403 : vector<1x1x16xf32> to vector<16xf32>
        %add3A_1405 = arith.addf %add3A_1391, %get3A_1404 : vector<16xf32>
        %mul3A_1406 = arith.constant 4 : i32
        %mul3A_1407 = arith.muli %scan3A_1308, %mul3A_1406 : i32
        %add3A_1408 = arith.constant 3 : i32
        %add3A_1409 = arith.addi %mul3A_1407, %add3A_1408 : i32
        %get3A_1410 = arith.constant 2 : i32
        %get3A_1411 = arith.index_cast %get3A_1410 : i32 to index
        %get3A_1412 = arith.index_cast %add3A_1409 : i32 to index
        %get3A_1413 = arith.constant 0 : index
        %get3A_1414 = tpu.vector_load %arg8[%get3A_1411, %get3A_1412, %get3A_1413] {strides = array<i32>} : memref<16x100x32xf32, #tpu.memory_space<vmem>>, vector<1x1x16xf32>,
        %get3A_1415 = vector.shape_cast %get3A_1414 : vector<1x1x16xf32> to vector<16xf32>
        %add3A_1416 = arith.addf %add3A_1398, %get3A_1415 : vector<16xf32>
        %get3A_1417 = arith.constant 2 : i32
        %get3A_1418 = arith.index_cast %get3A_1417 : i32 to index
        %get3A_1419 = arith.index_cast %add3A_1409 : i32 to index
        %get3A_1420 = arith.constant 16 : index
        %get3A_1421 = tpu.vector_load %arg8[%get3A_1418, %get3A_1419, %get3A_1420] {strides = array<i32>} : memref<16x100x32xf32, #tpu.memory_space<vmem>>, vector<1x1x16xf32>,
        %get3A_1422 = vector.shape_cast %get3A_1421 : vector<1x1x16xf32> to vector<16xf32>
        %add3A_1423 = arith.addf %add3A_1405, %get3A_1422 : vector<16xf32>
        %get3A_1424 = arith.constant 3 : i32
        %get3A_1425 = arith.index_cast %get3A_1424 : i32 to index
        %get3A_1426 = arith.index_cast %add3A_1409 : i32 to index
        %get3A_1427 = arith.constant 0 : index
        %get3A_1428 = tpu.vector_load %arg8[%get3A_1425, %get3A_1426, %get3A_1427] {strides = array<i32>} : memref<16x100x32xf32, #tpu.memory_space<vmem>>, vector<1x1x16xf32>,
        %get3A_1429 = vector.shape_cast %get3A_1428 : vector<1x1x16xf32> to vector<16xf32>
        %add3A_1430 = arith.addf %add3A_1416, %get3A_1429 : vector<16xf32>
        %get3A_1431 = arith.constant 3 : i32
        %get3A_1432 = arith.index_cast %get3A_1431 : i32 to index
        %get3A_1433 = arith.index_cast %add3A_1409 : i32 to index
        %get3A_1434 = arith.constant 16 : index
        %get3A_1435 = tpu.vector_load %arg8[%get3A_1432, %get3A_1433, %get3A_1434] {strides = array<i32>} : memref<16x100x32xf32, #tpu.memory_space<vmem>>, vector<1x1x16xf32>,
        %get3A_1436 = vector.shape_cast %get3A_1435 : vector<1x1x16xf32> to vector<16xf32>
        %add3A_1437 = arith.addf %add3A_1423, %get3A_1436 : vector<16xf32>
        scf.yield %add3A_1430, %add3A_1437 : vector<16xf32>, vector<16xf32>
      }
      %scan3A_1133 = arith.constant 25 : i32
      %mul3A_1134 = arith.constant 8 : i32
      %mul3A_1135 = arith.muli %add3A_1099, %mul3A_1134 : i32
      %add3A_1136 = arith.constant 1 : i32
      %add3A_1137 = arith.addi %mul3A_1135, %add3A_1136 : i32
      %swap3A_1138 = arith.index_cast %add3A_1137 : i32 to index
      %swap3A_1139 = arith.constant 0 : index
      %swap3A_1140 = tpu.vector_load %arg9[%swap3A_1138, %swap3A_1139] {strides = array<i32>} : memref<128x32xf32, #tpu.memory_space<vmem>>, vector<1x16xf32>,
      %swap3A_1141 = vector.shape_cast %swap3A_1140 : vector<1x16xf32> to vector<16xf32>
      %swap3A_1142 = vector.shape_cast %scan3A_1132#0 : vector<16xf32> to vector<1x16xf32>
      tpu.vector_store %arg9[%swap3A_1138, %swap3A_1139], %swap3A_1142 {strides = array<i32>} : memref<128x32xf32, #tpu.memory_space<vmem>>, vector<1x16xf32>,
      %mul3A_1143 = arith.constant 8 : i32
      %mul3A_1144 = arith.muli %add3A_1099, %mul3A_1143 : i32
      %add3A_1145 = arith.constant 1 : i32
      %add3A_1146 = arith.addi %mul3A_1144, %add3A_1145 : i32
      %swap3A_1147 = arith.index_cast %add3A_1146 : i32 to index
      %swap3A_1148 = arith.constant 16 : index
      %swap3A_1149 = tpu.vector_load %arg9[%swap3A_1147, %swap3A_1148] {strides = array<i32>} : memref<128x32xf32, #tpu.memory_space<vmem>>, vector<1x16xf32>,
      %swap3A_1150 = vector.shape_cast %swap3A_1149 : vector<1x16xf32> to vector<16xf32>
      %swap3A_1151 = vector.shape_cast %scan3A_1132#1 : vector<16xf32> to vector<1x16xf32>
      tpu.vector_store %arg9[%swap3A_1147, %swap3A_1148], %swap3A_1151 {strides = array<i32>} : memref<128x32xf32, #tpu.memory_space<vmem>>, vector<1x16xf32>,
      %broadcast_in_dim3A_1152 = arith.constant 0.000000e+00 : f32
      %broadcast_in_dim3A_1153 = vector.broadcast %broadcast_in_dim3A_1152 : f32 to vector<16xf32>
      %scan3A_1154 = arith.constant 0 : i32
      %scan3A_1155 = arith.constant 25 : i32
      %scan3A_1156 = arith.addi %scan3A_1154, %scan3A_1155 : i32
      %scan3A_1157 = arith.constant 1 : i32
      %scan3A_1158:2 = scf.for %scan3A_1308 = %scan3A_1154 to %scan3A_1156 step %scan3A_1157 iter_args(%scan3A_1309 = %broadcast_in_dim3A_1153, %scan3A_1310 = %broadcast_in_dim3A_1153) -> (vector<16xf32>, vector<16xf32>)  : i32 {
        %mul3A_1311 = arith.constant 4 : i32
        %mul3A_1312 = arith.muli %scan3A_1308, %mul3A_1311 : i32
        %add3A_1313 = arith.constant 0 : i32
        %add3A_1314 = arith.addi %mul3A_1312, %add3A_1313 : i32
        %get3A = arith.constant 4 : i32
        %get3A_1315 = arith.index_cast %get3A : i32 to index
        %get3A_1316 = arith.index_cast %add3A_1314 : i32 to index
        %get3A_1317 = arith.constant 0 : index
        %get3A_1318 = tpu.vector_load %arg8[%get3A_1315, %get3A_1316, %get3A_1317] {strides = array<i32>} : memref<16x100x32xf32, #tpu.memory_space<vmem>>, vector<1x1x16xf32>,
        %get3A_1319 = vector.shape_cast %get3A_1318 : vector<1x1x16xf32> to vector<16xf32>
        %add3A_1320 = arith.addf %scan3A_1309, %get3A_1319 : vector<16xf32>
        %get3A_1321 = arith.constant 4 : i32
        %get3A_1322 = arith.index_cast %get3A_1321 : i32 to index
        %get3A_1323 = arith.index_cast %add3A_1314 : i32 to index
        %get3A_1324 = arith.constant 16 : index
        %get3A_1325 = tpu.vector_load %arg8[%get3A_1322, %get3A_1323, %get3A_1324] {strides = array<i32>} : memref<16x100x32xf32, #tpu.memory_space<vmem>>, vector<1x1x16xf32>,
        %get3A_1326 = vector.shape_cast %get3A_1325 : vector<1x1x16xf32> to vector<16xf32>
        %add3A_1327 = arith.addf %scan3A_1310, %get3A_1326 : vector<16xf32>
        %get3A_1328 = arith.constant 5 : i32
        %get3A_1329 = arith.index_cast %get3A_1328 : i32 to index
        %get3A_1330 = arith.index_cast %add3A_1314 : i32 to index
        %get3A_1331 = arith.constant 0 : index
        %get3A_1332 = tpu.vector_load %arg8[%get3A_1329, %get3A_1330, %get3A_1331] {strides = array<i32>} : memref<16x100x32xf32, #tpu.memory_space<vmem>>, vector<1x1x16xf32>,
        %get3A_1333 = vector.shape_cast %get3A_1332 : vector<1x1x16xf32> to vector<16xf32>
        %add3A_1334 = arith.addf %add3A_1320, %get3A_1333 : vector<16xf32>
        %get3A_1335 = arith.constant 5 : i32
        %get3A_1336 = arith.index_cast %get3A_1335 : i32 to index
        %get3A_1337 = arith.index_cast %add3A_1314 : i32 to index
        %get3A_1338 = arith.constant 16 : index
        %get3A_1339 = tpu.vector_load %arg8[%get3A_1336, %get3A_1337, %get3A_1338] {strides = array<i32>} : memref<16x100x32xf32, #tpu.memory_space<vmem>>, vector<1x1x16xf32>,
        %get3A_1340 = vector.shape_cast %get3A_1339 : vector<1x1x16xf32> to vector<16xf32>
        %add3A_1341 = arith.addf %add3A_1327, %get3A_1340 : vector<16xf32>
        %mul3A_1342 = arith.constant 4 : i32
        %mul3A_1343 = arith.muli %scan3A_1308, %mul3A_1342 : i32
        %add3A_1344 = arith.constant 1 : i32
        %add3A_1345 = arith.addi %mul3A_1343, %add3A_1344 : i32
        %get3A_1346 = arith.constant 4 : i32
        %get3A_1347 = arith.index_cast %get3A_1346 : i32 to index
        %get3A_1348 = arith.index_cast %add3A_1345 : i32 to index
        %get3A_1349 = arith.constant 0 : index
        %get3A_1350 = tpu.vector_load %arg8[%get3A_1347, %get3A_1348, %get3A_1349] {strides = array<i32>} : memref<16x100x32xf32, #tpu.memory_space<vmem>>, vector<1x1x16xf32>,
        %get3A_1351 = vector.shape_cast %get3A_1350 : vector<1x1x16xf32> to vector<16xf32>
        %add3A_1352 = arith.addf %add3A_1334, %get3A_1351 : vector<16xf32>
        %get3A_1353 = arith.constant 4 : i32
        %get3A_1354 = arith.index_cast %get3A_1353 : i32 to index
        %get3A_1355 = arith.index_cast %add3A_1345 : i32 to index
        %get3A_1356 = arith.constant 16 : index
        %get3A_1357 = tpu.vector_load %arg8[%get3A_1354, %get3A_1355, %get3A_1356] {strides = array<i32>} : memref<16x100x32xf32, #tpu.memory_space<vmem>>, vector<1x1x16xf32>,
        %get3A_1358 = vector.shape_cast %get3A_1357 : vector<1x1x16xf32> to vector<16xf32>
        %add3A_1359 = arith.addf %add3A_1341, %get3A_1358 : vector<16xf32>
        %get3A_1360 = arith.constant 5 : i32
        %get3A_1361 = arith.index_cast %get3A_1360 : i32 to index
        %get3A_1362 = arith.index_cast %add3A_1345 : i32 to index
        %get3A_1363 = arith.constant 0 : index
        %get3A_1364 = tpu.vector_load %arg8[%get3A_1361, %get3A_1362, %get3A_1363] {strides = array<i32>} : memref<16x100x32xf32, #tpu.memory_space<vmem>>, vector<1x1x16xf32>,
        %get3A_1365 = vector.shape_cast %get3A_1364 : vector<1x1x16xf32> to vector<16xf32>
        %add3A_1366 = arith.addf %add3A_1352, %get3A_1365 : vector<16xf32>
        %get3A_1367 = arith.constant 5 : i32
        %get3A_1368 = arith.index_cast %get3A_1367 : i32 to index
        %get3A_1369 = arith.index_cast %add3A_1345 : i32 to index
        %get3A_1370 = arith.constant 16 : index
        %get3A_1371 = tpu.vector_load %arg8[%get3A_1368, %get3A_1369, %get3A_1370] {strides = array<i32>} : memref<16x100x32xf32, #tpu.memory_space<vmem>>, vector<1x1x16xf32>,
        %get3A_1372 = vector.shape_cast %get3A_1371 : vector<1x1x16xf32> to vector<16xf32>
        %add3A_1373 = arith.addf %add3A_1359, %get3A_1372 : vector<16xf32>
        %mul3A_1374 = arith.constant 4 : i32
        %mul3A_1375 = arith.muli %scan3A_1308, %mul3A_1374 : i32
        %add3A_1376 = arith.constant 2 : i32
        %add3A_1377 = arith.addi %mul3A_1375, %add3A_1376 : i32
        %get3A_1378 = arith.constant 4 : i32
        %get3A_1379 = arith.index_cast %get3A_1378 : i32 to index
        %get3A_1380 = arith.index_cast %add3A_1377 : i32 to index
        %get3A_1381 = arith.constant 0 : index
        %get3A_1382 = tpu.vector_load %arg8[%get3A_1379, %get3A_1380, %get3A_1381] {strides = array<i32>} : memref<16x100x32xf32, #tpu.memory_space<vmem>>, vector<1x1x16xf32>,
        %get3A_1383 = vector.shape_cast %get3A_1382 : vector<1x1x16xf32> to vector<16xf32>
        %add3A_1384 = arith.addf %add3A_1366, %get3A_1383 : vector<16xf32>
        %get3A_1385 = arith.constant 4 : i32
        %get3A_1386 = arith.index_cast %get3A_1385 : i32 to index
        %get3A_1387 = arith.index_cast %add3A_1377 : i32 to index
        %get3A_1388 = arith.constant 16 : index
        %get3A_1389 = tpu.vector_load %arg8[%get3A_1386, %get3A_1387, %get3A_1388] {strides = array<i32>} : memref<16x100x32xf32, #tpu.memory_space<vmem>>, vector<1x1x16xf32>,
        %get3A_1390 = vector.shape_cast %get3A_1389 : vector<1x1x16xf32> to vector<16xf32>
        %add3A_1391 = arith.addf %add3A_1373, %get3A_1390 : vector<16xf32>
        %get3A_1392 = arith.constant 5 : i32
        %get3A_1393 = arith.index_cast %get3A_1392 : i32 to index
        %get3A_1394 = arith.index_cast %add3A_1377 : i32 to index
        %get3A_1395 = arith.constant 0 : index
        %get3A_1396 = tpu.vector_load %arg8[%get3A_1393, %get3A_1394, %get3A_1395] {strides = array<i32>} : memref<16x100x32xf32, #tpu.memory_space<vmem>>, vector<1x1x16xf32>,
        %get3A_1397 = vector.shape_cast %get3A_1396 : vector<1x1x16xf32> to vector<16xf32>
        %add3A_1398 = arith.addf %add3A_1384, %get3A_1397 : vector<16xf32>
        %get3A_1399 = arith.constant 5 : i32
        %get3A_1400 = arith.index_cast %get3A_1399 : i32 to index
        %get3A_1401 = arith.index_cast %add3A_1377 : i32 to index
        %get3A_1402 = arith.constant 16 : index
        %get3A_1403 = tpu.vector_load %arg8[%get3A_1400, %get3A_1401, %get3A_1402] {strides = array<i32>} : memref<16x100x32xf32, #tpu.memory_space<vmem>>, vector<1x1x16xf32>,
        %get3A_1404 = vector.shape_cast %get3A_1403 : vector<1x1x16xf32> to vector<16xf32>
        %add3A_1405 = arith.addf %add3A_1391, %get3A_1404 : vector<16xf32>
        %mul3A_1406 = arith.constant 4 : i32
        %mul3A_1407 = arith.muli %scan3A_1308, %mul3A_1406 : i32
        %add3A_1408 = arith.constant 3 : i32
        %add3A_1409 = arith.addi %mul3A_1407, %add3A_1408 : i32
        %get3A_1410 = arith.constant 4 : i32
        %get3A_1411 = arith.index_cast %get3A_1410 : i32 to index
        %get3A_1412 = arith.index_cast %add3A_1409 : i32 to index
        %get3A_1413 = arith.constant 0 : index
        %get3A_1414 = tpu.vector_load %arg8[%get3A_1411, %get3A_1412, %get3A_1413] {strides = array<i32>} : memref<16x100x32xf32, #tpu.memory_space<vmem>>, vector<1x1x16xf32>,
        %get3A_1415 = vector.shape_cast %get3A_1414 : vector<1x1x16xf32> to vector<16xf32>
        %add3A_1416 = arith.addf %add3A_1398, %get3A_1415 : vector<16xf32>
        %get3A_1417 = arith.constant 4 : i32
        %get3A_1418 = arith.index_cast %get3A_1417 : i32 to index
        %get3A_1419 = arith.index_cast %add3A_1409 : i32 to index
        %get3A_1420 = arith.constant 16 : index
        %get3A_1421 = tpu.vector_load %arg8[%get3A_1418, %get3A_1419, %get3A_1420] {strides = array<i32>} : memref<16x100x32xf32, #tpu.memory_space<vmem>>, vector<1x1x16xf32>,
        %get3A_1422 = vector.shape_cast %get3A_1421 : vector<1x1x16xf32> to vector<16xf32>
        %add3A_1423 = arith.addf %add3A_1405, %get3A_1422 : vector<16xf32>
        %get3A_1424 = arith.constant 5 : i32
        %get3A_1425 = arith.index_cast %get3A_1424 : i32 to index
        %get3A_1426 = arith.index_cast %add3A_1409 : i32 to index
        %get3A_1427 = arith.constant 0 : index
        %get3A_1428 = tpu.vector_load %arg8[%get3A_1425, %get3A_1426, %get3A_1427] {strides = array<i32>} : memref<16x100x32xf32, #tpu.memory_space<vmem>>, vector<1x1x16xf32>,
        %get3A_1429 = vector.shape_cast %get3A_1428 : vector<1x1x16xf32> to vector<16xf32>
        %add3A_1430 = arith.addf %add3A_1416, %get3A_1429 : vector<16xf32>
        %get3A_1431 = arith.constant 5 : i32
        %get3A_1432 = arith.index_cast %get3A_1431 : i32 to index
        %get3A_1433 = arith.index_cast %add3A_1409 : i32 to index
        %get3A_1434 = arith.constant 16 : index
        %get3A_1435 = tpu.vector_load %arg8[%get3A_1432, %get3A_1433, %get3A_1434] {strides = array<i32>} : memref<16x100x32xf32, #tpu.memory_space<vmem>>, vector<1x1x16xf32>,
        %get3A_1436 = vector.shape_cast %get3A_1435 : vector<1x1x16xf32> to vector<16xf32>
        %add3A_1437 = arith.addf %add3A_1423, %get3A_1436 : vector<16xf32>
        scf.yield %add3A_1430, %add3A_1437 : vector<16xf32>, vector<16xf32>
      }
      %scan3A_1159 = arith.constant 25 : i32
      %mul3A_1160 = arith.constant 8 : i32
      %mul3A_1161 = arith.muli %add3A_1099, %mul3A_1160 : i32
      %add3A_1162 = arith.constant 2 : i32
      %add3A_1163 = arith.addi %mul3A_1161, %add3A_1162 : i32
      %swap3A_1164 = arith.index_cast %add3A_1163 : i32 to index
      %swap3A_1165 = arith.constant 0 : index
      %swap3A_1166 = tpu.vector_load %arg9[%swap3A_1164, %swap3A_1165] {strides = array<i32>} : memref<128x32xf32, #tpu.memory_space<vmem>>, vector<1x16xf32>,
      %swap3A_1167 = vector.shape_cast %swap3A_1166 : vector<1x16xf32> to vector<16xf32>
      %swap3A_1168 = vector.shape_cast %scan3A_1158#0 : vector<16xf32> to vector<1x16xf32>
      tpu.vector_store %arg9[%swap3A_1164, %swap3A_1165], %swap3A_1168 {strides = array<i32>} : memref<128x32xf32, #tpu.memory_space<vmem>>, vector<1x16xf32>,
      %mul3A_1169 = arith.constant 8 : i32
      %mul3A_1170 = arith.muli %add3A_1099, %mul3A_1169 : i32
      %add3A_1171 = arith.constant 2 : i32
      %add3A_1172 = arith.addi %mul3A_1170, %add3A_1171 : i32
      %swap3A_1173 = arith.index_cast %add3A_1172 : i32 to index
      %swap3A_1174 = arith.constant 16 : index
      %swap3A_1175 = tpu.vector_load %arg9[%swap3A_1173, %swap3A_1174] {strides = array<i32>} : memref<128x32xf32, #tpu.memory_space<vmem>>, vector<1x16xf32>,
      %swap3A_1176 = vector.shape_cast %swap3A_1175 : vector<1x16xf32> to vector<16xf32>
      %swap3A_1177 = vector.shape_cast %scan3A_1158#1 : vector<16xf32> to vector<1x16xf32>
      tpu.vector_store %arg9[%swap3A_1173, %swap3A_1174], %swap3A_1177 {strides = array<i32>} : memref<128x32xf32, #tpu.memory_space<vmem>>, vector<1x16xf32>,
      %broadcast_in_dim3A_1178 = arith.constant 0.000000e+00 : f32
      %broadcast_in_dim3A_1179 = vector.broadcast %broadcast_in_dim3A_1178 : f32 to vector<16xf32>
      %scan3A_1180 = arith.constant 0 : i32
      %scan3A_1181 = arith.constant 25 : i32
      %scan3A_1182 = arith.addi %scan3A_1180, %scan3A_1181 : i32
      %scan3A_1183 = arith.constant 1 : i32
      %scan3A_1184:2 = scf.for %scan3A_1308 = %scan3A_1180 to %scan3A_1182 step %scan3A_1183 iter_args(%scan3A_1309 = %broadcast_in_dim3A_1179, %scan3A_1310 = %broadcast_in_dim3A_1179) -> (vector<16xf32>, vector<16xf32>)  : i32 {
        %mul3A_1311 = arith.constant 4 : i32
        %mul3A_1312 = arith.muli %scan3A_1308, %mul3A_1311 : i32
        %add3A_1313 = arith.constant 0 : i32
        %add3A_1314 = arith.addi %mul3A_1312, %add3A_1313 : i32
        %get3A = arith.constant 6 : i32
        %get3A_1315 = arith.index_cast %get3A : i32 to index
        %get3A_1316 = arith.index_cast %add3A_1314 : i32 to index
        %get3A_1317 = arith.constant 0 : index
        %get3A_1318 = tpu.vector_load %arg8[%get3A_1315, %get3A_1316, %get3A_1317] {strides = array<i32>} : memref<16x100x32xf32, #tpu.memory_space<vmem>>, vector<1x1x16xf32>,
        %get3A_1319 = vector.shape_cast %get3A_1318 : vector<1x1x16xf32> to vector<16xf32>
        %add3A_1320 = arith.addf %scan3A_1309, %get3A_1319 : vector<16xf32>
        %get3A_1321 = arith.constant 6 : i32
        %get3A_1322 = arith.index_cast %get3A_1321 : i32 to index
        %get3A_1323 = arith.index_cast %add3A_1314 : i32 to index
        %get3A_1324 = arith.constant 16 : index
        %get3A_1325 = tpu.vector_load %arg8[%get3A_1322, %get3A_1323, %get3A_1324] {strides = array<i32>} : memref<16x100x32xf32, #tpu.memory_space<vmem>>, vector<1x1x16xf32>,
        %get3A_1326 = vector.shape_cast %get3A_1325 : vector<1x1x16xf32> to vector<16xf32>
        %add3A_1327 = arith.addf %scan3A_1310, %get3A_1326 : vector<16xf32>
        %get3A_1328 = arith.constant 7 : i32
        %get3A_1329 = arith.index_cast %get3A_1328 : i32 to index
        %get3A_1330 = arith.index_cast %add3A_1314 : i32 to index
        %get3A_1331 = arith.constant 0 : index
        %get3A_1332 = tpu.vector_load %arg8[%get3A_1329, %get3A_1330, %get3A_1331] {strides = array<i32>} : memref<16x100x32xf32, #tpu.memory_space<vmem>>, vector<1x1x16xf32>,
        %get3A_1333 = vector.shape_cast %get3A_1332 : vector<1x1x16xf32> to vector<16xf32>
        %add3A_1334 = arith.addf %add3A_1320, %get3A_1333 : vector<16xf32>
        %get3A_1335 = arith.constant 7 : i32
        %get3A_1336 = arith.index_cast %get3A_1335 : i32 to index
        %get3A_1337 = arith.index_cast %add3A_1314 : i32 to index
        %get3A_1338 = arith.constant 16 : index
        %get3A_1339 = tpu.vector_load %arg8[%get3A_1336, %get3A_1337, %get3A_1338] {strides = array<i32>} : memref<16x100x32xf32, #tpu.memory_space<vmem>>, vector<1x1x16xf32>,
        %get3A_1340 = vector.shape_cast %get3A_1339 : vector<1x1x16xf32> to vector<16xf32>
        %add3A_1341 = arith.addf %add3A_1327, %get3A_1340 : vector<16xf32>
        %mul3A_1342 = arith.constant 4 : i32
        %mul3A_1343 = arith.muli %scan3A_1308, %mul3A_1342 : i32
        %add3A_1344 = arith.constant 1 : i32
        %add3A_1345 = arith.addi %mul3A_1343, %add3A_1344 : i32
        %get3A_1346 = arith.constant 6 : i32
        %get3A_1347 = arith.index_cast %get3A_1346 : i32 to index
        %get3A_1348 = arith.index_cast %add3A_1345 : i32 to index
        %get3A_1349 = arith.constant 0 : index
        %get3A_1350 = tpu.vector_load %arg8[%get3A_1347, %get3A_1348, %get3A_1349] {strides = array<i32>} : memref<16x100x32xf32, #tpu.memory_space<vmem>>, vector<1x1x16xf32>,
        %get3A_1351 = vector.shape_cast %get3A_1350 : vector<1x1x16xf32> to vector<16xf32>
        %add3A_1352 = arith.addf %add3A_1334, %get3A_1351 : vector<16xf32>
        %get3A_1353 = arith.constant 6 : i32
        %get3A_1354 = arith.index_cast %get3A_1353 : i32 to index
        %get3A_1355 = arith.index_cast %add3A_1345 : i32 to index
        %get3A_1356 = arith.constant 16 : index
        %get3A_1357 = tpu.vector_load %arg8[%get3A_1354, %get3A_1355, %get3A_1356] {strides = array<i32>} : memref<16x100x32xf32, #tpu.memory_space<vmem>>, vector<1x1x16xf32>,
        %get3A_1358 = vector.shape_cast %get3A_1357 : vector<1x1x16xf32> to vector<16xf32>
        %add3A_1359 = arith.addf %add3A_1341, %get3A_1358 : vector<16xf32>
        %get3A_1360 = arith.constant 7 : i32
        %get3A_1361 = arith.index_cast %get3A_1360 : i32 to index
        %get3A_1362 = arith.index_cast %add3A_1345 : i32 to index
        %get3A_1363 = arith.constant 0 : index
        %get3A_1364 = tpu.vector_load %arg8[%get3A_1361, %get3A_1362, %get3A_1363] {strides = array<i32>} : memref<16x100x32xf32, #tpu.memory_space<vmem>>, vector<1x1x16xf32>,
        %get3A_1365 = vector.shape_cast %get3A_1364 : vector<1x1x16xf32> to vector<16xf32>
        %add3A_1366 = arith.addf %add3A_1352, %get3A_1365 : vector<16xf32>
        %get3A_1367 = arith.constant 7 : i32
        %get3A_1368 = arith.index_cast %get3A_1367 : i32 to index
        %get3A_1369 = arith.index_cast %add3A_1345 : i32 to index
        %get3A_1370 = arith.constant 16 : index
        %get3A_1371 = tpu.vector_load %arg8[%get3A_1368, %get3A_1369, %get3A_1370] {strides = array<i32>} : memref<16x100x32xf32, #tpu.memory_space<vmem>>, vector<1x1x16xf32>,
        %get3A_1372 = vector.shape_cast %get3A_1371 : vector<1x1x16xf32> to vector<16xf32>
        %add3A_1373 = arith.addf %add3A_1359, %get3A_1372 : vector<16xf32>
        %mul3A_1374 = arith.constant 4 : i32
        %mul3A_1375 = arith.muli %scan3A_1308, %mul3A_1374 : i32
        %add3A_1376 = arith.constant 2 : i32
        %add3A_1377 = arith.addi %mul3A_1375, %add3A_1376 : i32
        %get3A_1378 = arith.constant 6 : i32
        %get3A_1379 = arith.index_cast %get3A_1378 : i32 to index
        %get3A_1380 = arith.index_cast %add3A_1377 : i32 to index
        %get3A_1381 = arith.constant 0 : index
        %get3A_1382 = tpu.vector_load %arg8[%get3A_1379, %get3A_1380, %get3A_1381] {strides = array<i32>} : memref<16x100x32xf32, #tpu.memory_space<vmem>>, vector<1x1x16xf32>,
        %get3A_1383 = vector.shape_cast %get3A_1382 : vector<1x1x16xf32> to vector<16xf32>
        %add3A_1384 = arith.addf %add3A_1366, %get3A_1383 : vector<16xf32>
        %get3A_1385 = arith.constant 6 : i32
        %get3A_1386 = arith.index_cast %get3A_1385 : i32 to index
        %get3A_1387 = arith.index_cast %add3A_1377 : i32 to index
        %get3A_1388 = arith.constant 16 : index
        %get3A_1389 = tpu.vector_load %arg8[%get3A_1386, %get3A_1387, %get3A_1388] {strides = array<i32>} : memref<16x100x32xf32, #tpu.memory_space<vmem>>, vector<1x1x16xf32>,
        %get3A_1390 = vector.shape_cast %get3A_1389 : vector<1x1x16xf32> to vector<16xf32>
        %add3A_1391 = arith.addf %add3A_1373, %get3A_1390 : vector<16xf32>
        %get3A_1392 = arith.constant 7 : i32
        %get3A_1393 = arith.index_cast %get3A_1392 : i32 to index
        %get3A_1394 = arith.index_cast %add3A_1377 : i32 to index
        %get3A_1395 = arith.constant 0 : index
        %get3A_1396 = tpu.vector_load %arg8[%get3A_1393, %get3A_1394, %get3A_1395] {strides = array<i32>} : memref<16x100x32xf32, #tpu.memory_space<vmem>>, vector<1x1x16xf32>,
        %get3A_1397 = vector.shape_cast %get3A_1396 : vector<1x1x16xf32> to vector<16xf32>
        %add3A_1398 = arith.addf %add3A_1384, %get3A_1397 : vector<16xf32>
        %get3A_1399 = arith.constant 7 : i32
        %get3A_1400 = arith.index_cast %get3A_1399 : i32 to index
        %get3A_1401 = arith.index_cast %add3A_1377 : i32 to index
        %get3A_1402 = arith.constant 16 : index
        %get3A_1403 = tpu.vector_load %arg8[%get3A_1400, %get3A_1401, %get3A_1402] {strides = array<i32>} : memref<16x100x32xf32, #tpu.memory_space<vmem>>, vector<1x1x16xf32>,
        %get3A_1404 = vector.shape_cast %get3A_1403 : vector<1x1x16xf32> to vector<16xf32>
        %add3A_1405 = arith.addf %add3A_1391, %get3A_1404 : vector<16xf32>
        %mul3A_1406 = arith.constant 4 : i32
        %mul3A_1407 = arith.muli %scan3A_1308, %mul3A_1406 : i32
        %add3A_1408 = arith.constant 3 : i32
        %add3A_1409 = arith.addi %mul3A_1407, %add3A_1408 : i32
        %get3A_1410 = arith.constant 6 : i32
        %get3A_1411 = arith.index_cast %get3A_1410 : i32 to index
        %get3A_1412 = arith.index_cast %add3A_1409 : i32 to index
        %get3A_1413 = arith.constant 0 : index
        %get3A_1414 = tpu.vector_load %arg8[%get3A_1411, %get3A_1412, %get3A_1413] {strides = array<i32>} : memref<16x100x32xf32, #tpu.memory_space<vmem>>, vector<1x1x16xf32>,
        %get3A_1415 = vector.shape_cast %get3A_1414 : vector<1x1x16xf32> to vector<16xf32>
        %add3A_1416 = arith.addf %add3A_1398, %get3A_1415 : vector<16xf32>
        %get3A_1417 = arith.constant 6 : i32
        %get3A_1418 = arith.index_cast %get3A_1417 : i32 to index
        %get3A_1419 = arith.index_cast %add3A_1409 : i32 to index
        %get3A_1420 = arith.constant 16 : index
        %get3A_1421 = tpu.vector_load %arg8[%get3A_1418, %get3A_1419, %get3A_1420] {strides = array<i32>} : memref<16x100x32xf32, #tpu.memory_space<vmem>>, vector<1x1x16xf32>,
        %get3A_1422 = vector.shape_cast %get3A_1421 : vector<1x1x16xf32> to vector<16xf32>
        %add3A_1423 = arith.addf %add3A_1405, %get3A_1422 : vector<16xf32>
        %get3A_1424 = arith.constant 7 : i32
        %get3A_1425 = arith.index_cast %get3A_1424 : i32 to index
        %get3A_1426 = arith.index_cast %add3A_1409 : i32 to index
        %get3A_1427 = arith.constant 0 : index
        %get3A_1428 = tpu.vector_load %arg8[%get3A_1425, %get3A_1426, %get3A_1427] {strides = array<i32>} : memref<16x100x32xf32, #tpu.memory_space<vmem>>, vector<1x1x16xf32>,
        %get3A_1429 = vector.shape_cast %get3A_1428 : vector<1x1x16xf32> to vector<16xf32>
        %add3A_1430 = arith.addf %add3A_1416, %get3A_1429 : vector<16xf32>
        %get3A_1431 = arith.constant 7 : i32
        %get3A_1432 = arith.index_cast %get3A_1431 : i32 to index
        %get3A_1433 = arith.index_cast %add3A_1409 : i32 to index
        %get3A_1434 = arith.constant 16 : index
        %get3A_1435 = tpu.vector_load %arg8[%get3A_1432, %get3A_1433, %get3A_1434] {strides = array<i32>} : memref<16x100x32xf32, #tpu.memory_space<vmem>>, vector<1x1x16xf32>,
        %get3A_1436 = vector.shape_cast %get3A_1435 : vector<1x1x16xf32> to vector<16xf32>
        %add3A_1437 = arith.addf %add3A_1423, %get3A_1436 : vector<16xf32>
        scf.yield %add3A_1430, %add3A_1437 : vector<16xf32>, vector<16xf32>
      }
      %scan3A_1185 = arith.constant 25 : i32
      %mul3A_1186 = arith.constant 8 : i32
      %mul3A_1187 = arith.muli %add3A_1099, %mul3A_1186 : i32
      %add3A_1188 = arith.constant 3 : i32
      %add3A_1189 = arith.addi %mul3A_1187, %add3A_1188 : i32
      %swap3A_1190 = arith.index_cast %add3A_1189 : i32 to index
      %swap3A_1191 = arith.constant 0 : index
      %swap3A_1192 = tpu.vector_load %arg9[%swap3A_1190, %swap3A_1191] {strides = array<i32>} : memref<128x32xf32, #tpu.memory_space<vmem>>, vector<1x16xf32>,
      %swap3A_1193 = vector.shape_cast %swap3A_1192 : vector<1x16xf32> to vector<16xf32>
      %swap3A_1194 = vector.shape_cast %scan3A_1184#0 : vector<16xf32> to vector<1x16xf32>
      tpu.vector_store %arg9[%swap3A_1190, %swap3A_1191], %swap3A_1194 {strides = array<i32>} : memref<128x32xf32, #tpu.memory_space<vmem>>, vector<1x16xf32>,
      %mul3A_1195 = arith.constant 8 : i32
      %mul3A_1196 = arith.muli %add3A_1099, %mul3A_1195 : i32
      %add3A_1197 = arith.constant 3 : i32
      %add3A_1198 = arith.addi %mul3A_1196, %add3A_1197 : i32
      %swap3A_1199 = arith.index_cast %add3A_1198 : i32 to index
      %swap3A_1200 = arith.constant 16 : index
      %swap3A_1201 = tpu.vector_load %arg9[%swap3A_1199, %swap3A_1200] {strides = array<i32>} : memref<128x32xf32, #tpu.memory_space<vmem>>, vector<1x16xf32>,
      %swap3A_1202 = vector.shape_cast %swap3A_1201 : vector<1x16xf32> to vector<16xf32>
      %swap3A_1203 = vector.shape_cast %scan3A_1184#1 : vector<16xf32> to vector<1x16xf32>
      tpu.vector_store %arg9[%swap3A_1199, %swap3A_1200], %swap3A_1203 {strides = array<i32>} : memref<128x32xf32, #tpu.memory_space<vmem>>, vector<1x16xf32>,
      %broadcast_in_dim3A_1204 = arith.constant 0.000000e+00 : f32
      %broadcast_in_dim3A_1205 = vector.broadcast %broadcast_in_dim3A_1204 : f32 to vector<16xf32>
      %scan3A_1206 = arith.constant 0 : i32
      %scan3A_1207 = arith.constant 25 : i32
      %scan3A_1208 = arith.addi %scan3A_1206, %scan3A_1207 : i32
      %scan3A_1209 = arith.constant 1 : i32
      %scan3A_1210:2 = scf.for %scan3A_1308 = %scan3A_1206 to %scan3A_1208 step %scan3A_1209 iter_args(%scan3A_1309 = %broadcast_in_dim3A_1205, %scan3A_1310 = %broadcast_in_dim3A_1205) -> (vector<16xf32>, vector<16xf32>)  : i32 {
        %mul3A_1311 = arith.constant 4 : i32
        %mul3A_1312 = arith.muli %scan3A_1308, %mul3A_1311 : i32
        %add3A_1313 = arith.constant 0 : i32
        %add3A_1314 = arith.addi %mul3A_1312, %add3A_1313 : i32
        %get3A = arith.constant 8 : i32
        %get3A_1315 = arith.index_cast %get3A : i32 to index
        %get3A_1316 = arith.index_cast %add3A_1314 : i32 to index
        %get3A_1317 = arith.constant 0 : index
        %get3A_1318 = tpu.vector_load %arg8[%get3A_1315, %get3A_1316, %get3A_1317] {strides = array<i32>} : memref<16x100x32xf32, #tpu.memory_space<vmem>>, vector<1x1x16xf32>,
        %get3A_1319 = vector.shape_cast %get3A_1318 : vector<1x1x16xf32> to vector<16xf32>
        %add3A_1320 = arith.addf %scan3A_1309, %get3A_1319 : vector<16xf32>
        %get3A_1321 = arith.constant 8 : i32
        %get3A_1322 = arith.index_cast %get3A_1321 : i32 to index
        %get3A_1323 = arith.index_cast %add3A_1314 : i32 to index
        %get3A_1324 = arith.constant 16 : index
        %get3A_1325 = tpu.vector_load %arg8[%get3A_1322, %get3A_1323, %get3A_1324] {strides = array<i32>} : memref<16x100x32xf32, #tpu.memory_space<vmem>>, vector<1x1x16xf32>,
        %get3A_1326 = vector.shape_cast %get3A_1325 : vector<1x1x16xf32> to vector<16xf32>
        %add3A_1327 = arith.addf %scan3A_1310, %get3A_1326 : vector<16xf32>
        %get3A_1328 = arith.constant 9 : i32
        %get3A_1329 = arith.index_cast %get3A_1328 : i32 to index
        %get3A_1330 = arith.index_cast %add3A_1314 : i32 to index
        %get3A_1331 = arith.constant 0 : index
        %get3A_1332 = tpu.vector_load %arg8[%get3A_1329, %get3A_1330, %get3A_1331] {strides = array<i32>} : memref<16x100x32xf32, #tpu.memory_space<vmem>>, vector<1x1x16xf32>,
        %get3A_1333 = vector.shape_cast %get3A_1332 : vector<1x1x16xf32> to vector<16xf32>
        %add3A_1334 = arith.addf %add3A_1320, %get3A_1333 : vector<16xf32>
        %get3A_1335 = arith.constant 9 : i32
        %get3A_1336 = arith.index_cast %get3A_1335 : i32 to index
        %get3A_1337 = arith.index_cast %add3A_1314 : i32 to index
        %get3A_1338 = arith.constant 16 : index
        %get3A_1339 = tpu.vector_load %arg8[%get3A_1336, %get3A_1337, %get3A_1338] {strides = array<i32>} : memref<16x100x32xf32, #tpu.memory_space<vmem>>, vector<1x1x16xf32>,
        %get3A_1340 = vector.shape_cast %get3A_1339 : vector<1x1x16xf32> to vector<16xf32>
        %add3A_1341 = arith.addf %add3A_1327, %get3A_1340 : vector<16xf32>
        %mul3A_1342 = arith.constant 4 : i32
        %mul3A_1343 = arith.muli %scan3A_1308, %mul3A_1342 : i32
        %add3A_1344 = arith.constant 1 : i32
        %add3A_1345 = arith.addi %mul3A_1343, %add3A_1344 : i32
        %get3A_1346 = arith.constant 8 : i32
        %get3A_1347 = arith.index_cast %get3A_1346 : i32 to index
        %get3A_1348 = arith.index_cast %add3A_1345 : i32 to index
        %get3A_1349 = arith.constant 0 : index
        %get3A_1350 = tpu.vector_load %arg8[%get3A_1347, %get3A_1348, %get3A_1349] {strides = array<i32>} : memref<16x100x32xf32, #tpu.memory_space<vmem>>, vector<1x1x16xf32>,
        %get3A_1351 = vector.shape_cast %get3A_1350 : vector<1x1x16xf32> to vector<16xf32>
        %add3A_1352 = arith.addf %add3A_1334, %get3A_1351 : vector<16xf32>
        %get3A_1353 = arith.constant 8 : i32
        %get3A_1354 = arith.index_cast %get3A_1353 : i32 to index
        %get3A_1355 = arith.index_cast %add3A_1345 : i32 to index
        %get3A_1356 = arith.constant 16 : index
        %get3A_1357 = tpu.vector_load %arg8[%get3A_1354, %get3A_1355, %get3A_1356] {strides = array<i32>} : memref<16x100x32xf32, #tpu.memory_space<vmem>>, vector<1x1x16xf32>,
        %get3A_1358 = vector.shape_cast %get3A_1357 : vector<1x1x16xf32> to vector<16xf32>
        %add3A_1359 = arith.addf %add3A_1341, %get3A_1358 : vector<16xf32>
        %get3A_1360 = arith.constant 9 : i32
        %get3A_1361 = arith.index_cast %get3A_1360 : i32 to index
        %get3A_1362 = arith.index_cast %add3A_1345 : i32 to index
        %get3A_1363 = arith.constant 0 : index
        %get3A_1364 = tpu.vector_load %arg8[%get3A_1361, %get3A_1362, %get3A_1363] {strides = array<i32>} : memref<16x100x32xf32, #tpu.memory_space<vmem>>, vector<1x1x16xf32>,
        %get3A_1365 = vector.shape_cast %get3A_1364 : vector<1x1x16xf32> to vector<16xf32>
        %add3A_1366 = arith.addf %add3A_1352, %get3A_1365 : vector<16xf32>
        %get3A_1367 = arith.constant 9 : i32
        %get3A_1368 = arith.index_cast %get3A_1367 : i32 to index
        %get3A_1369 = arith.index_cast %add3A_1345 : i32 to index
        %get3A_1370 = arith.constant 16 : index
        %get3A_1371 = tpu.vector_load %arg8[%get3A_1368, %get3A_1369, %get3A_1370] {strides = array<i32>} : memref<16x100x32xf32, #tpu.memory_space<vmem>>, vector<1x1x16xf32>,
        %get3A_1372 = vector.shape_cast %get3A_1371 : vector<1x1x16xf32> to vector<16xf32>
        %add3A_1373 = arith.addf %add3A_1359, %get3A_1372 : vector<16xf32>
        %mul3A_1374 = arith.constant 4 : i32
        %mul3A_1375 = arith.muli %scan3A_1308, %mul3A_1374 : i32
        %add3A_1376 = arith.constant 2 : i32
        %add3A_1377 = arith.addi %mul3A_1375, %add3A_1376 : i32
        %get3A_1378 = arith.constant 8 : i32
        %get3A_1379 = arith.index_cast %get3A_1378 : i32 to index
        %get3A_1380 = arith.index_cast %add3A_1377 : i32 to index
        %get3A_1381 = arith.constant 0 : index
        %get3A_1382 = tpu.vector_load %arg8[%get3A_1379, %get3A_1380, %get3A_1381] {strides = array<i32>} : memref<16x100x32xf32, #tpu.memory_space<vmem>>, vector<1x1x16xf32>,
        %get3A_1383 = vector.shape_cast %get3A_1382 : vector<1x1x16xf32> to vector<16xf32>
        %add3A_1384 = arith.addf %add3A_1366, %get3A_1383 : vector<16xf32>
        %get3A_1385 = arith.constant 8 : i32
        %get3A_1386 = arith.index_cast %get3A_1385 : i32 to index
        %get3A_1387 = arith.index_cast %add3A_1377 : i32 to index
        %get3A_1388 = arith.constant 16 : index
        %get3A_1389 = tpu.vector_load %arg8[%get3A_1386, %get3A_1387, %get3A_1388] {strides = array<i32>} : memref<16x100x32xf32, #tpu.memory_space<vmem>>, vector<1x1x16xf32>,
        %get3A_1390 = vector.shape_cast %get3A_1389 : vector<1x1x16xf32> to vector<16xf32>
        %add3A_1391 = arith.addf %add3A_1373, %get3A_1390 : vector<16xf32>
        %get3A_1392 = arith.constant 9 : i32
        %get3A_1393 = arith.index_cast %get3A_1392 : i32 to index
        %get3A_1394 = arith.index_cast %add3A_1377 : i32 to index
        %get3A_1395 = arith.constant 0 : index
        %get3A_1396 = tpu.vector_load %arg8[%get3A_1393, %get3A_1394, %get3A_1395] {strides = array<i32>} : memref<16x100x32xf32, #tpu.memory_space<vmem>>, vector<1x1x16xf32>,
        %get3A_1397 = vector.shape_cast %get3A_1396 : vector<1x1x16xf32> to vector<16xf32>
        %add3A_1398 = arith.addf %add3A_1384, %get3A_1397 : vector<16xf32>
        %get3A_1399 = arith.constant 9 : i32
        %get3A_1400 = arith.index_cast %get3A_1399 : i32 to index
        %get3A_1401 = arith.index_cast %add3A_1377 : i32 to index
        %get3A_1402 = arith.constant 16 : index
        %get3A_1403 = tpu.vector_load %arg8[%get3A_1400, %get3A_1401, %get3A_1402] {strides = array<i32>} : memref<16x100x32xf32, #tpu.memory_space<vmem>>, vector<1x1x16xf32>,
        %get3A_1404 = vector.shape_cast %get3A_1403 : vector<1x1x16xf32> to vector<16xf32>
        %add3A_1405 = arith.addf %add3A_1391, %get3A_1404 : vector<16xf32>
        %mul3A_1406 = arith.constant 4 : i32
        %mul3A_1407 = arith.muli %scan3A_1308, %mul3A_1406 : i32
        %add3A_1408 = arith.constant 3 : i32
        %add3A_1409 = arith.addi %mul3A_1407, %add3A_1408 : i32
        %get3A_1410 = arith.constant 8 : i32
        %get3A_1411 = arith.index_cast %get3A_1410 : i32 to index
        %get3A_1412 = arith.index_cast %add3A_1409 : i32 to index
        %get3A_1413 = arith.constant 0 : index
        %get3A_1414 = tpu.vector_load %arg8[%get3A_1411, %get3A_1412, %get3A_1413] {strides = array<i32>} : memref<16x100x32xf32, #tpu.memory_space<vmem>>, vector<1x1x16xf32>,
        %get3A_1415 = vector.shape_cast %get3A_1414 : vector<1x1x16xf32> to vector<16xf32>
        %add3A_1416 = arith.addf %add3A_1398, %get3A_1415 : vector<16xf32>
        %get3A_1417 = arith.constant 8 : i32
        %get3A_1418 = arith.index_cast %get3A_1417 : i32 to index
        %get3A_1419 = arith.index_cast %add3A_1409 : i32 to index
        %get3A_1420 = arith.constant 16 : index
        %get3A_1421 = tpu.vector_load %arg8[%get3A_1418, %get3A_1419, %get3A_1420] {strides = array<i32>} : memref<16x100x32xf32, #tpu.memory_space<vmem>>, vector<1x1x16xf32>,
        %get3A_1422 = vector.shape_cast %get3A_1421 : vector<1x1x16xf32> to vector<16xf32>
        %add3A_1423 = arith.addf %add3A_1405, %get3A_1422 : vector<16xf32>
        %get3A_1424 = arith.constant 9 : i32
        %get3A_1425 = arith.index_cast %get3A_1424 : i32 to index
        %get3A_1426 = arith.index_cast %add3A_1409 : i32 to index
        %get3A_1427 = arith.constant 0 : index
        %get3A_1428 = tpu.vector_load %arg8[%get3A_1425, %get3A_1426, %get3A_1427] {strides = array<i32>} : memref<16x100x32xf32, #tpu.memory_space<vmem>>, vector<1x1x16xf32>,
        %get3A_1429 = vector.shape_cast %get3A_1428 : vector<1x1x16xf32> to vector<16xf32>
        %add3A_1430 = arith.addf %add3A_1416, %get3A_1429 : vector<16xf32>
        %get3A_1431 = arith.constant 9 : i32
        %get3A_1432 = arith.index_cast %get3A_1431 : i32 to index
        %get3A_1433 = arith.index_cast %add3A_1409 : i32 to index
        %get3A_1434 = arith.constant 16 : index
        %get3A_1435 = tpu.vector_load %arg8[%get3A_1432, %get3A_1433, %get3A_1434] {strides = array<i32>} : memref<16x100x32xf32, #tpu.memory_space<vmem>>, vector<1x1x16xf32>,
        %get3A_1436 = vector.shape_cast %get3A_1435 : vector<1x1x16xf32> to vector<16xf32>
        %add3A_1437 = arith.addf %add3A_1423, %get3A_1436 : vector<16xf32>
        scf.yield %add3A_1430, %add3A_1437 : vector<16xf32>, vector<16xf32>
      }
      %scan3A_1211 = arith.constant 25 : i32
      %mul3A_1212 = arith.constant 8 : i32
      %mul3A_1213 = arith.muli %add3A_1099, %mul3A_1212 : i32
      %add3A_1214 = arith.constant 4 : i32
      %add3A_1215 = arith.addi %mul3A_1213, %add3A_1214 : i32
      %swap3A_1216 = arith.index_cast %add3A_1215 : i32 to index
      %swap3A_1217 = arith.constant 0 : index
      %swap3A_1218 = tpu.vector_load %arg9[%swap3A_1216, %swap3A_1217] {strides = array<i32>} : memref<128x32xf32, #tpu.memory_space<vmem>>, vector<1x16xf32>,
      %swap3A_1219 = vector.shape_cast %swap3A_1218 : vector<1x16xf32> to vector<16xf32>
      %swap3A_1220 = vector.shape_cast %scan3A_1210#0 : vector<16xf32> to vector<1x16xf32>
      tpu.vector_store %arg9[%swap3A_1216, %swap3A_1217], %swap3A_1220 {strides = array<i32>} : memref<128x32xf32, #tpu.memory_space<vmem>>, vector<1x16xf32>,
      %mul3A_1221 = arith.constant 8 : i32
      %mul3A_1222 = arith.muli %add3A_1099, %mul3A_1221 : i32
      %add3A_1223 = arith.constant 4 : i32
      %add3A_1224 = arith.addi %mul3A_1222, %add3A_1223 : i32
      %swap3A_1225 = arith.index_cast %add3A_1224 : i32 to index
      %swap3A_1226 = arith.constant 16 : index
      %swap3A_1227 = tpu.vector_load %arg9[%swap3A_1225, %swap3A_1226] {strides = array<i32>} : memref<128x32xf32, #tpu.memory_space<vmem>>, vector<1x16xf32>,
      %swap3A_1228 = vector.shape_cast %swap3A_1227 : vector<1x16xf32> to vector<16xf32>
      %swap3A_1229 = vector.shape_cast %scan3A_1210#1 : vector<16xf32> to vector<1x16xf32>
      tpu.vector_store %arg9[%swap3A_1225, %swap3A_1226], %swap3A_1229 {strides = array<i32>} : memref<128x32xf32, #tpu.memory_space<vmem>>, vector<1x16xf32>,
      %broadcast_in_dim3A_1230 = arith.constant 0.000000e+00 : f32
      %broadcast_in_dim3A_1231 = vector.broadcast %broadcast_in_dim3A_1230 : f32 to vector<16xf32>
      %scan3A_1232 = arith.constant 0 : i32
      %scan3A_1233 = arith.constant 25 : i32
      %scan3A_1234 = arith.addi %scan3A_1232, %scan3A_1233 : i32
      %scan3A_1235 = arith.constant 1 : i32
      %scan3A_1236:2 = scf.for %scan3A_1308 = %scan3A_1232 to %scan3A_1234 step %scan3A_1235 iter_args(%scan3A_1309 = %broadcast_in_dim3A_1231, %scan3A_1310 = %broadcast_in_dim3A_1231) -> (vector<16xf32>, vector<16xf32>)  : i32 {
        %mul3A_1311 = arith.constant 4 : i32
        %mul3A_1312 = arith.muli %scan3A_1308, %mul3A_1311 : i32
        %add3A_1313 = arith.constant 0 : i32
        %add3A_1314 = arith.addi %mul3A_1312, %add3A_1313 : i32
        %get3A = arith.constant 10 : i32
        %get3A_1315 = arith.index_cast %get3A : i32 to index
        %get3A_1316 = arith.index_cast %add3A_1314 : i32 to index
        %get3A_1317 = arith.constant 0 : index
        %get3A_1318 = tpu.vector_load %arg8[%get3A_1315, %get3A_1316, %get3A_1317] {strides = array<i32>} : memref<16x100x32xf32, #tpu.memory_space<vmem>>, vector<1x1x16xf32>,
        %get3A_1319 = vector.shape_cast %get3A_1318 : vector<1x1x16xf32> to vector<16xf32>
        %add3A_1320 = arith.addf %scan3A_1309, %get3A_1319 : vector<16xf32>
        %get3A_1321 = arith.constant 10 : i32
        %get3A_1322 = arith.index_cast %get3A_1321 : i32 to index
        %get3A_1323 = arith.index_cast %add3A_1314 : i32 to index
        %get3A_1324 = arith.constant 16 : index
        %get3A_1325 = tpu.vector_load %arg8[%get3A_1322, %get3A_1323, %get3A_1324] {strides = array<i32>} : memref<16x100x32xf32, #tpu.memory_space<vmem>>, vector<1x1x16xf32>,
        %get3A_1326 = vector.shape_cast %get3A_1325 : vector<1x1x16xf32> to vector<16xf32>
        %add3A_1327 = arith.addf %scan3A_1310, %get3A_1326 : vector<16xf32>
        %get3A_1328 = arith.constant 11 : i32
        %get3A_1329 = arith.index_cast %get3A_1328 : i32 to index
        %get3A_1330 = arith.index_cast %add3A_1314 : i32 to index
        %get3A_1331 = arith.constant 0 : index
        %get3A_1332 = tpu.vector_load %arg8[%get3A_1329, %get3A_1330, %get3A_1331] {strides = array<i32>} : memref<16x100x32xf32, #tpu.memory_space<vmem>>, vector<1x1x16xf32>,
        %get3A_1333 = vector.shape_cast %get3A_1332 : vector<1x1x16xf32> to vector<16xf32>
        %add3A_1334 = arith.addf %add3A_1320, %get3A_1333 : vector<16xf32>
        %get3A_1335 = arith.constant 11 : i32
        %get3A_1336 = arith.index_cast %get3A_1335 : i32 to index
        %get3A_1337 = arith.index_cast %add3A_1314 : i32 to index
        %get3A_1338 = arith.constant 16 : index
        %get3A_1339 = tpu.vector_load %arg8[%get3A_1336, %get3A_1337, %get3A_1338] {strides = array<i32>} : memref<16x100x32xf32, #tpu.memory_space<vmem>>, vector<1x1x16xf32>,
        %get3A_1340 = vector.shape_cast %get3A_1339 : vector<1x1x16xf32> to vector<16xf32>
        %add3A_1341 = arith.addf %add3A_1327, %get3A_1340 : vector<16xf32>
        %mul3A_1342 = arith.constant 4 : i32
        %mul3A_1343 = arith.muli %scan3A_1308, %mul3A_1342 : i32
        %add3A_1344 = arith.constant 1 : i32
        %add3A_1345 = arith.addi %mul3A_1343, %add3A_1344 : i32
        %get3A_1346 = arith.constant 10 : i32
        %get3A_1347 = arith.index_cast %get3A_1346 : i32 to index
        %get3A_1348 = arith.index_cast %add3A_1345 : i32 to index
        %get3A_1349 = arith.constant 0 : index
        %get3A_1350 = tpu.vector_load %arg8[%get3A_1347, %get3A_1348, %get3A_1349] {strides = array<i32>} : memref<16x100x32xf32, #tpu.memory_space<vmem>>, vector<1x1x16xf32>,
        %get3A_1351 = vector.shape_cast %get3A_1350 : vector<1x1x16xf32> to vector<16xf32>
        %add3A_1352 = arith.addf %add3A_1334, %get3A_1351 : vector<16xf32>
        %get3A_1353 = arith.constant 10 : i32
        %get3A_1354 = arith.index_cast %get3A_1353 : i32 to index
        %get3A_1355 = arith.index_cast %add3A_1345 : i32 to index
        %get3A_1356 = arith.constant 16 : index
        %get3A_1357 = tpu.vector_load %arg8[%get3A_1354, %get3A_1355, %get3A_1356] {strides = array<i32>} : memref<16x100x32xf32, #tpu.memory_space<vmem>>, vector<1x1x16xf32>,
        %get3A_1358 = vector.shape_cast %get3A_1357 : vector<1x1x16xf32> to vector<16xf32>
        %add3A_1359 = arith.addf %add3A_1341, %get3A_1358 : vector<16xf32>
        %get3A_1360 = arith.constant 11 : i32
        %get3A_1361 = arith.index_cast %get3A_1360 : i32 to index
        %get3A_1362 = arith.index_cast %add3A_1345 : i32 to index
        %get3A_1363 = arith.constant 0 : index
        %get3A_1364 = tpu.vector_load %arg8[%get3A_1361, %get3A_1362, %get3A_1363] {strides = array<i32>} : memref<16x100x32xf32, #tpu.memory_space<vmem>>, vector<1x1x16xf32>,
        %get3A_1365 = vector.shape_cast %get3A_1364 : vector<1x1x16xf32> to vector<16xf32>
        %add3A_1366 = arith.addf %add3A_1352, %get3A_1365 : vector<16xf32>
        %get3A_1367 = arith.constant 11 : i32
        %get3A_1368 = arith.index_cast %get3A_1367 : i32 to index
        %get3A_1369 = arith.index_cast %add3A_1345 : i32 to index
        %get3A_1370 = arith.constant 16 : index
        %get3A_1371 = tpu.vector_load %arg8[%get3A_1368, %get3A_1369, %get3A_1370] {strides = array<i32>} : memref<16x100x32xf32, #tpu.memory_space<vmem>>, vector<1x1x16xf32>,
        %get3A_1372 = vector.shape_cast %get3A_1371 : vector<1x1x16xf32> to vector<16xf32>
        %add3A_1373 = arith.addf %add3A_1359, %get3A_1372 : vector<16xf32>
        %mul3A_1374 = arith.constant 4 : i32
        %mul3A_1375 = arith.muli %scan3A_1308, %mul3A_1374 : i32
        %add3A_1376 = arith.constant 2 : i32
        %add3A_1377 = arith.addi %mul3A_1375, %add3A_1376 : i32
        %get3A_1378 = arith.constant 10 : i32
        %get3A_1379 = arith.index_cast %get3A_1378 : i32 to index
        %get3A_1380 = arith.index_cast %add3A_1377 : i32 to index
        %get3A_1381 = arith.constant 0 : index
        %get3A_1382 = tpu.vector_load %arg8[%get3A_1379, %get3A_1380, %get3A_1381] {strides = array<i32>} : memref<16x100x32xf32, #tpu.memory_space<vmem>>, vector<1x1x16xf32>,
        %get3A_1383 = vector.shape_cast %get3A_1382 : vector<1x1x16xf32> to vector<16xf32>
        %add3A_1384 = arith.addf %add3A_1366, %get3A_1383 : vector<16xf32>
        %get3A_1385 = arith.constant 10 : i32
        %get3A_1386 = arith.index_cast %get3A_1385 : i32 to index
        %get3A_1387 = arith.index_cast %add3A_1377 : i32 to index
        %get3A_1388 = arith.constant 16 : index
        %get3A_1389 = tpu.vector_load %arg8[%get3A_1386, %get3A_1387, %get3A_1388] {strides = array<i32>} : memref<16x100x32xf32, #tpu.memory_space<vmem>>, vector<1x1x16xf32>,
        %get3A_1390 = vector.shape_cast %get3A_1389 : vector<1x1x16xf32> to vector<16xf32>
        %add3A_1391 = arith.addf %add3A_1373, %get3A_1390 : vector<16xf32>
        %get3A_1392 = arith.constant 11 : i32
        %get3A_1393 = arith.index_cast %get3A_1392 : i32 to index
        %get3A_1394 = arith.index_cast %add3A_1377 : i32 to index
        %get3A_1395 = arith.constant 0 : index
        %get3A_1396 = tpu.vector_load %arg8[%get3A_1393, %get3A_1394, %get3A_1395] {strides = array<i32>} : memref<16x100x32xf32, #tpu.memory_space<vmem>>, vector<1x1x16xf32>,
        %get3A_1397 = vector.shape_cast %get3A_1396 : vector<1x1x16xf32> to vector<16xf32>
        %add3A_1398 = arith.addf %add3A_1384, %get3A_1397 : vector<16xf32>
        %get3A_1399 = arith.constant 11 : i32
        %get3A_1400 = arith.index_cast %get3A_1399 : i32 to index
        %get3A_1401 = arith.index_cast %add3A_1377 : i32 to index
        %get3A_1402 = arith.constant 16 : index
        %get3A_1403 = tpu.vector_load %arg8[%get3A_1400, %get3A_1401, %get3A_1402] {strides = array<i32>} : memref<16x100x32xf32, #tpu.memory_space<vmem>>, vector<1x1x16xf32>,
        %get3A_1404 = vector.shape_cast %get3A_1403 : vector<1x1x16xf32> to vector<16xf32>
        %add3A_1405 = arith.addf %add3A_1391, %get3A_1404 : vector<16xf32>
        %mul3A_1406 = arith.constant 4 : i32
        %mul3A_1407 = arith.muli %scan3A_1308, %mul3A_1406 : i32
        %add3A_1408 = arith.constant 3 : i32
        %add3A_1409 = arith.addi %mul3A_1407, %add3A_1408 : i32
        %get3A_1410 = arith.constant 10 : i32
        %get3A_1411 = arith.index_cast %get3A_1410 : i32 to index
        %get3A_1412 = arith.index_cast %add3A_1409 : i32 to index
        %get3A_1413 = arith.constant 0 : index
        %get3A_1414 = tpu.vector_load %arg8[%get3A_1411, %get3A_1412, %get3A_1413] {strides = array<i32>} : memref<16x100x32xf32, #tpu.memory_space<vmem>>, vector<1x1x16xf32>,
        %get3A_1415 = vector.shape_cast %get3A_1414 : vector<1x1x16xf32> to vector<16xf32>
        %add3A_1416 = arith.addf %add3A_1398, %get3A_1415 : vector<16xf32>
        %get3A_1417 = arith.constant 10 : i32
        %get3A_1418 = arith.index_cast %get3A_1417 : i32 to index
        %get3A_1419 = arith.index_cast %add3A_1409 : i32 to index
        %get3A_1420 = arith.constant 16 : index
        %get3A_1421 = tpu.vector_load %arg8[%get3A_1418, %get3A_1419, %get3A_1420] {strides = array<i32>} : memref<16x100x32xf32, #tpu.memory_space<vmem>>, vector<1x1x16xf32>,
        %get3A_1422 = vector.shape_cast %get3A_1421 : vector<1x1x16xf32> to vector<16xf32>
        %add3A_1423 = arith.addf %add3A_1405, %get3A_1422 : vector<16xf32>
        %get3A_1424 = arith.constant 11 : i32
        %get3A_1425 = arith.index_cast %get3A_1424 : i32 to index
        %get3A_1426 = arith.index_cast %add3A_1409 : i32 to index
        %get3A_1427 = arith.constant 0 : index
        %get3A_1428 = tpu.vector_load %arg8[%get3A_1425, %get3A_1426, %get3A_1427] {strides = array<i32>} : memref<16x100x32xf32, #tpu.memory_space<vmem>>, vector<1x1x16xf32>,
        %get3A_1429 = vector.shape_cast %get3A_1428 : vector<1x1x16xf32> to vector<16xf32>
        %add3A_1430 = arith.addf %add3A_1416, %get3A_1429 : vector<16xf32>
        %get3A_1431 = arith.constant 11 : i32
        %get3A_1432 = arith.index_cast %get3A_1431 : i32 to index
        %get3A_1433 = arith.index_cast %add3A_1409 : i32 to index
        %get3A_1434 = arith.constant 16 : index
        %get3A_1435 = tpu.vector_load %arg8[%get3A_1432, %get3A_1433, %get3A_1434] {strides = array<i32>} : memref<16x100x32xf32, #tpu.memory_space<vmem>>, vector<1x1x16xf32>,
        %get3A_1436 = vector.shape_cast %get3A_1435 : vector<1x1x16xf32> to vector<16xf32>
        %add3A_1437 = arith.addf %add3A_1423, %get3A_1436 : vector<16xf32>
        scf.yield %add3A_1430, %add3A_1437 : vector<16xf32>, vector<16xf32>
      }
      %scan3A_1237 = arith.constant 25 : i32
      %mul3A_1238 = arith.constant 8 : i32
      %mul3A_1239 = arith.muli %add3A_1099, %mul3A_1238 : i32
      %add3A_1240 = arith.constant 5 : i32
      %add3A_1241 = arith.addi %mul3A_1239, %add3A_1240 : i32
      %swap3A_1242 = arith.index_cast %add3A_1241 : i32 to index
      %swap3A_1243 = arith.constant 0 : index
      %swap3A_1244 = tpu.vector_load %arg9[%swap3A_1242, %swap3A_1243] {strides = array<i32>} : memref<128x32xf32, #tpu.memory_space<vmem>>, vector<1x16xf32>,
      %swap3A_1245 = vector.shape_cast %swap3A_1244 : vector<1x16xf32> to vector<16xf32>
      %swap3A_1246 = vector.shape_cast %scan3A_1236#0 : vector<16xf32> to vector<1x16xf32>
      tpu.vector_store %arg9[%swap3A_1242, %swap3A_1243], %swap3A_1246 {strides = array<i32>} : memref<128x32xf32, #tpu.memory_space<vmem>>, vector<1x16xf32>,
      %mul3A_1247 = arith.constant 8 : i32
      %mul3A_1248 = arith.muli %add3A_1099, %mul3A_1247 : i32
      %add3A_1249 = arith.constant 5 : i32
      %add3A_1250 = arith.addi %mul3A_1248, %add3A_1249 : i32
      %swap3A_1251 = arith.index_cast %add3A_1250 : i32 to index
      %swap3A_1252 = arith.constant 16 : index
      %swap3A_1253 = tpu.vector_load %arg9[%swap3A_1251, %swap3A_1252] {strides = array<i32>} : memref<128x32xf32, #tpu.memory_space<vmem>>, vector<1x16xf32>,
      %swap3A_1254 = vector.shape_cast %swap3A_1253 : vector<1x16xf32> to vector<16xf32>
      %swap3A_1255 = vector.shape_cast %scan3A_1236#1 : vector<16xf32> to vector<1x16xf32>
      tpu.vector_store %arg9[%swap3A_1251, %swap3A_1252], %swap3A_1255 {strides = array<i32>} : memref<128x32xf32, #tpu.memory_space<vmem>>, vector<1x16xf32>,
      %broadcast_in_dim3A_1256 = arith.constant 0.000000e+00 : f32
      %broadcast_in_dim3A_1257 = vector.broadcast %broadcast_in_dim3A_1256 : f32 to vector<16xf32>
      %scan3A_1258 = arith.constant 0 : i32
      %scan3A_1259 = arith.constant 25 : i32
      %scan3A_1260 = arith.addi %scan3A_1258, %scan3A_1259 : i32
      %scan3A_1261 = arith.constant 1 : i32
      %scan3A_1262:2 = scf.for %scan3A_1308 = %scan3A_1258 to %scan3A_1260 step %scan3A_1261 iter_args(%scan3A_1309 = %broadcast_in_dim3A_1257, %scan3A_1310 = %broadcast_in_dim3A_1257) -> (vector<16xf32>, vector<16xf32>)  : i32 {
        %mul3A_1311 = arith.constant 4 : i32
        %mul3A_1312 = arith.muli %scan3A_1308, %mul3A_1311 : i32
        %add3A_1313 = arith.constant 0 : i32
        %add3A_1314 = arith.addi %mul3A_1312, %add3A_1313 : i32
        %get3A = arith.constant 12 : i32
        %get3A_1315 = arith.index_cast %get3A : i32 to index
        %get3A_1316 = arith.index_cast %add3A_1314 : i32 to index
        %get3A_1317 = arith.constant 0 : index
        %get3A_1318 = tpu.vector_load %arg8[%get3A_1315, %get3A_1316, %get3A_1317] {strides = array<i32>} : memref<16x100x32xf32, #tpu.memory_space<vmem>>, vector<1x1x16xf32>,
        %get3A_1319 = vector.shape_cast %get3A_1318 : vector<1x1x16xf32> to vector<16xf32>
        %add3A_1320 = arith.addf %scan3A_1309, %get3A_1319 : vector<16xf32>
        %get3A_1321 = arith.constant 12 : i32
        %get3A_1322 = arith.index_cast %get3A_1321 : i32 to index
        %get3A_1323 = arith.index_cast %add3A_1314 : i32 to index
        %get3A_1324 = arith.constant 16 : index
        %get3A_1325 = tpu.vector_load %arg8[%get3A_1322, %get3A_1323, %get3A_1324] {strides = array<i32>} : memref<16x100x32xf32, #tpu.memory_space<vmem>>, vector<1x1x16xf32>,
        %get3A_1326 = vector.shape_cast %get3A_1325 : vector<1x1x16xf32> to vector<16xf32>
        %add3A_1327 = arith.addf %scan3A_1310, %get3A_1326 : vector<16xf32>
        %get3A_1328 = arith.constant 13 : i32
        %get3A_1329 = arith.index_cast %get3A_1328 : i32 to index
        %get3A_1330 = arith.index_cast %add3A_1314 : i32 to index
        %get3A_1331 = arith.constant 0 : index
        %get3A_1332 = tpu.vector_load %arg8[%get3A_1329, %get3A_1330, %get3A_1331] {strides = array<i32>} : memref<16x100x32xf32, #tpu.memory_space<vmem>>, vector<1x1x16xf32>,
        %get3A_1333 = vector.shape_cast %get3A_1332 : vector<1x1x16xf32> to vector<16xf32>
        %add3A_1334 = arith.addf %add3A_1320, %get3A_1333 : vector<16xf32>
        %get3A_1335 = arith.constant 13 : i32
        %get3A_1336 = arith.index_cast %get3A_1335 : i32 to index
        %get3A_1337 = arith.index_cast %add3A_1314 : i32 to index
        %get3A_1338 = arith.constant 16 : index
        %get3A_1339 = tpu.vector_load %arg8[%get3A_1336, %get3A_1337, %get3A_1338] {strides = array<i32>} : memref<16x100x32xf32, #tpu.memory_space<vmem>>, vector<1x1x16xf32>,
        %get3A_1340 = vector.shape_cast %get3A_1339 : vector<1x1x16xf32> to vector<16xf32>
        %add3A_1341 = arith.addf %add3A_1327, %get3A_1340 : vector<16xf32>
        %mul3A_1342 = arith.constant 4 : i32
        %mul3A_1343 = arith.muli %scan3A_1308, %mul3A_1342 : i32
        %add3A_1344 = arith.constant 1 : i32
        %add3A_1345 = arith.addi %mul3A_1343, %add3A_1344 : i32
        %get3A_1346 = arith.constant 12 : i32
        %get3A_1347 = arith.index_cast %get3A_1346 : i32 to index
        %get3A_1348 = arith.index_cast %add3A_1345 : i32 to index
        %get3A_1349 = arith.constant 0 : index
        %get3A_1350 = tpu.vector_load %arg8[%get3A_1347, %get3A_1348, %get3A_1349] {strides = array<i32>} : memref<16x100x32xf32, #tpu.memory_space<vmem>>, vector<1x1x16xf32>,
        %get3A_1351 = vector.shape_cast %get3A_1350 : vector<1x1x16xf32> to vector<16xf32>
        %add3A_1352 = arith.addf %add3A_1334, %get3A_1351 : vector<16xf32>
        %get3A_1353 = arith.constant 12 : i32
        %get3A_1354 = arith.index_cast %get3A_1353 : i32 to index
        %get3A_1355 = arith.index_cast %add3A_1345 : i32 to index
        %get3A_1356 = arith.constant 16 : index
        %get3A_1357 = tpu.vector_load %arg8[%get3A_1354, %get3A_1355, %get3A_1356] {strides = array<i32>} : memref<16x100x32xf32, #tpu.memory_space<vmem>>, vector<1x1x16xf32>,
        %get3A_1358 = vector.shape_cast %get3A_1357 : vector<1x1x16xf32> to vector<16xf32>
        %add3A_1359 = arith.addf %add3A_1341, %get3A_1358 : vector<16xf32>
        %get3A_1360 = arith.constant 13 : i32
        %get3A_1361 = arith.index_cast %get3A_1360 : i32 to index
        %get3A_1362 = arith.index_cast %add3A_1345 : i32 to index
        %get3A_1363 = arith.constant 0 : index
        %get3A_1364 = tpu.vector_load %arg8[%get3A_1361, %get3A_1362, %get3A_1363] {strides = array<i32>} : memref<16x100x32xf32, #tpu.memory_space<vmem>>, vector<1x1x16xf32>,
        %get3A_1365 = vector.shape_cast %get3A_1364 : vector<1x1x16xf32> to vector<16xf32>
        %add3A_1366 = arith.addf %add3A_1352, %get3A_1365 : vector<16xf32>
        %get3A_1367 = arith.constant 13 : i32
        %get3A_1368 = arith.index_cast %get3A_1367 : i32 to index
        %get3A_1369 = arith.index_cast %add3A_1345 : i32 to index
        %get3A_1370 = arith.constant 16 : index
        %get3A_1371 = tpu.vector_load %arg8[%get3A_1368, %get3A_1369, %get3A_1370] {strides = array<i32>} : memref<16x100x32xf32, #tpu.memory_space<vmem>>, vector<1x1x16xf32>,
        %get3A_1372 = vector.shape_cast %get3A_1371 : vector<1x1x16xf32> to vector<16xf32>
        %add3A_1373 = arith.addf %add3A_1359, %get3A_1372 : vector<16xf32>
        %mul3A_1374 = arith.constant 4 : i32
        %mul3A_1375 = arith.muli %scan3A_1308, %mul3A_1374 : i32
        %add3A_1376 = arith.constant 2 : i32
        %add3A_1377 = arith.addi %mul3A_1375, %add3A_1376 : i32
        %get3A_1378 = arith.constant 12 : i32
        %get3A_1379 = arith.index_cast %get3A_1378 : i32 to index
        %get3A_1380 = arith.index_cast %add3A_1377 : i32 to index
        %get3A_1381 = arith.constant 0 : index
        %get3A_1382 = tpu.vector_load %arg8[%get3A_1379, %get3A_1380, %get3A_1381] {strides = array<i32>} : memref<16x100x32xf32, #tpu.memory_space<vmem>>, vector<1x1x16xf32>,
        %get3A_1383 = vector.shape_cast %get3A_1382 : vector<1x1x16xf32> to vector<16xf32>
        %add3A_1384 = arith.addf %add3A_1366, %get3A_1383 : vector<16xf32>
        %get3A_1385 = arith.constant 12 : i32
        %get3A_1386 = arith.index_cast %get3A_1385 : i32 to index
        %get3A_1387 = arith.index_cast %add3A_1377 : i32 to index
        %get3A_1388 = arith.constant 16 : index
        %get3A_1389 = tpu.vector_load %arg8[%get3A_1386, %get3A_1387, %get3A_1388] {strides = array<i32>} : memref<16x100x32xf32, #tpu.memory_space<vmem>>, vector<1x1x16xf32>,
        %get3A_1390 = vector.shape_cast %get3A_1389 : vector<1x1x16xf32> to vector<16xf32>
        %add3A_1391 = arith.addf %add3A_1373, %get3A_1390 : vector<16xf32>
        %get3A_1392 = arith.constant 13 : i32
        %get3A_1393 = arith.index_cast %get3A_1392 : i32 to index
        %get3A_1394 = arith.index_cast %add3A_1377 : i32 to index
        %get3A_1395 = arith.constant 0 : index
        %get3A_1396 = tpu.vector_load %arg8[%get3A_1393, %get3A_1394, %get3A_1395] {strides = array<i32>} : memref<16x100x32xf32, #tpu.memory_space<vmem>>, vector<1x1x16xf32>,
        %get3A_1397 = vector.shape_cast %get3A_1396 : vector<1x1x16xf32> to vector<16xf32>
        %add3A_1398 = arith.addf %add3A_1384, %get3A_1397 : vector<16xf32>
        %get3A_1399 = arith.constant 13 : i32
        %get3A_1400 = arith.index_cast %get3A_1399 : i32 to index
        %get3A_1401 = arith.index_cast %add3A_1377 : i32 to index
        %get3A_1402 = arith.constant 16 : index
        %get3A_1403 = tpu.vector_load %arg8[%get3A_1400, %get3A_1401, %get3A_1402] {strides = array<i32>} : memref<16x100x32xf32, #tpu.memory_space<vmem>>, vector<1x1x16xf32>,
        %get3A_1404 = vector.shape_cast %get3A_1403 : vector<1x1x16xf32> to vector<16xf32>
        %add3A_1405 = arith.addf %add3A_1391, %get3A_1404 : vector<16xf32>
        %mul3A_1406 = arith.constant 4 : i32
        %mul3A_1407 = arith.muli %scan3A_1308, %mul3A_1406 : i32
        %add3A_1408 = arith.constant 3 : i32
        %add3A_1409 = arith.addi %mul3A_1407, %add3A_1408 : i32
        %get3A_1410 = arith.constant 12 : i32
        %get3A_1411 = arith.index_cast %get3A_1410 : i32 to index
        %get3A_1412 = arith.index_cast %add3A_1409 : i32 to index
        %get3A_1413 = arith.constant 0 : index
        %get3A_1414 = tpu.vector_load %arg8[%get3A_1411, %get3A_1412, %get3A_1413] {strides = array<i32>} : memref<16x100x32xf32, #tpu.memory_space<vmem>>, vector<1x1x16xf32>,
        %get3A_1415 = vector.shape_cast %get3A_1414 : vector<1x1x16xf32> to vector<16xf32>
        %add3A_1416 = arith.addf %add3A_1398, %get3A_1415 : vector<16xf32>
        %get3A_1417 = arith.constant 12 : i32
        %get3A_1418 = arith.index_cast %get3A_1417 : i32 to index
        %get3A_1419 = arith.index_cast %add3A_1409 : i32 to index
        %get3A_1420 = arith.constant 16 : index
        %get3A_1421 = tpu.vector_load %arg8[%get3A_1418, %get3A_1419, %get3A_1420] {strides = array<i32>} : memref<16x100x32xf32, #tpu.memory_space<vmem>>, vector<1x1x16xf32>,
        %get3A_1422 = vector.shape_cast %get3A_1421 : vector<1x1x16xf32> to vector<16xf32>
        %add3A_1423 = arith.addf %add3A_1405, %get3A_1422 : vector<16xf32>
        %get3A_1424 = arith.constant 13 : i32
        %get3A_1425 = arith.index_cast %get3A_1424 : i32 to index
        %get3A_1426 = arith.index_cast %add3A_1409 : i32 to index
        %get3A_1427 = arith.constant 0 : index
        %get3A_1428 = tpu.vector_load %arg8[%get3A_1425, %get3A_1426, %get3A_1427] {strides = array<i32>} : memref<16x100x32xf32, #tpu.memory_space<vmem>>, vector<1x1x16xf32>,
        %get3A_1429 = vector.shape_cast %get3A_1428 : vector<1x1x16xf32> to vector<16xf32>
        %add3A_1430 = arith.addf %add3A_1416, %get3A_1429 : vector<16xf32>
        %get3A_1431 = arith.constant 13 : i32
        %get3A_1432 = arith.index_cast %get3A_1431 : i32 to index
        %get3A_1433 = arith.index_cast %add3A_1409 : i32 to index
        %get3A_1434 = arith.constant 16 : index
        %get3A_1435 = tpu.vector_load %arg8[%get3A_1432, %get3A_1433, %get3A_1434] {strides = array<i32>} : memref<16x100x32xf32, #tpu.memory_space<vmem>>, vector<1x1x16xf32>,
        %get3A_1436 = vector.shape_cast %get3A_1435 : vector<1x1x16xf32> to vector<16xf32>
        %add3A_1437 = arith.addf %add3A_1423, %get3A_1436 : vector<16xf32>
        scf.yield %add3A_1430, %add3A_1437 : vector<16xf32>, vector<16xf32>
      }
      %scan3A_1263 = arith.constant 25 : i32
      %mul3A_1264 = arith.constant 8 : i32
      %mul3A_1265 = arith.muli %add3A_1099, %mul3A_1264 : i32
      %add3A_1266 = arith.constant 6 : i32
      %add3A_1267 = arith.addi %mul3A_1265, %add3A_1266 : i32
      %swap3A_1268 = arith.index_cast %add3A_1267 : i32 to index
      %swap3A_1269 = arith.constant 0 : index
      %swap3A_1270 = tpu.vector_load %arg9[%swap3A_1268, %swap3A_1269] {strides = array<i32>} : memref<128x32xf32, #tpu.memory_space<vmem>>, vector<1x16xf32>,
      %swap3A_1271 = vector.shape_cast %swap3A_1270 : vector<1x16xf32> to vector<16xf32>
      %swap3A_1272 = vector.shape_cast %scan3A_1262#0 : vector<16xf32> to vector<1x16xf32>
      tpu.vector_store %arg9[%swap3A_1268, %swap3A_1269], %swap3A_1272 {strides = array<i32>} : memref<128x32xf32, #tpu.memory_space<vmem>>, vector<1x16xf32>,
      %mul3A_1273 = arith.constant 8 : i32
      %mul3A_1274 = arith.muli %add3A_1099, %mul3A_1273 : i32
      %add3A_1275 = arith.constant 6 : i32
      %add3A_1276 = arith.addi %mul3A_1274, %add3A_1275 : i32
      %swap3A_1277 = arith.index_cast %add3A_1276 : i32 to index
      %swap3A_1278 = arith.constant 16 : index
      %swap3A_1279 = tpu.vector_load %arg9[%swap3A_1277, %swap3A_1278] {strides = array<i32>} : memref<128x32xf32, #tpu.memory_space<vmem>>, vector<1x16xf32>,
      %swap3A_1280 = vector.shape_cast %swap3A_1279 : vector<1x16xf32> to vector<16xf32>
      %swap3A_1281 = vector.shape_cast %scan3A_1262#1 : vector<16xf32> to vector<1x16xf32>
      tpu.vector_store %arg9[%swap3A_1277, %swap3A_1278], %swap3A_1281 {strides = array<i32>} : memref<128x32xf32, #tpu.memory_space<vmem>>, vector<1x16xf32>,
      %broadcast_in_dim3A_1282 = arith.constant 0.000000e+00 : f32
      %broadcast_in_dim3A_1283 = vector.broadcast %broadcast_in_dim3A_1282 : f32 to vector<16xf32>
      %scan3A_1284 = arith.constant 0 : i32
      %scan3A_1285 = arith.constant 25 : i32
      %scan3A_1286 = arith.addi %scan3A_1284, %scan3A_1285 : i32
      %scan3A_1287 = arith.constant 1 : i32
      %scan3A_1288:2 = scf.for %scan3A_1308 = %scan3A_1284 to %scan3A_1286 step %scan3A_1287 iter_args(%scan3A_1309 = %broadcast_in_dim3A_1283, %scan3A_1310 = %broadcast_in_dim3A_1283) -> (vector<16xf32>, vector<16xf32>)  : i32 {
        %mul3A_1311 = arith.constant 4 : i32
        %mul3A_1312 = arith.muli %scan3A_1308, %mul3A_1311 : i32
        %add3A_1313 = arith.constant 0 : i32
        %add3A_1314 = arith.addi %mul3A_1312, %add3A_1313 : i32
        %get3A = arith.constant 14 : i32
        %get3A_1315 = arith.index_cast %get3A : i32 to index
        %get3A_1316 = arith.index_cast %add3A_1314 : i32 to index
        %get3A_1317 = arith.constant 0 : index
        %get3A_1318 = tpu.vector_load %arg8[%get3A_1315, %get3A_1316, %get3A_1317] {strides = array<i32>} : memref<16x100x32xf32, #tpu.memory_space<vmem>>, vector<1x1x16xf32>,
        %get3A_1319 = vector.shape_cast %get3A_1318 : vector<1x1x16xf32> to vector<16xf32>
        %add3A_1320 = arith.addf %scan3A_1309, %get3A_1319 : vector<16xf32>
        %get3A_1321 = arith.constant 14 : i32
        %get3A_1322 = arith.index_cast %get3A_1321 : i32 to index
        %get3A_1323 = arith.index_cast %add3A_1314 : i32 to index
        %get3A_1324 = arith.constant 16 : index
        %get3A_1325 = tpu.vector_load %arg8[%get3A_1322, %get3A_1323, %get3A_1324] {strides = array<i32>} : memref<16x100x32xf32, #tpu.memory_space<vmem>>, vector<1x1x16xf32>,
        %get3A_1326 = vector.shape_cast %get3A_1325 : vector<1x1x16xf32> to vector<16xf32>
        %add3A_1327 = arith.addf %scan3A_1310, %get3A_1326 : vector<16xf32>
        %get3A_1328 = arith.constant 15 : i32
        %get3A_1329 = arith.index_cast %get3A_1328 : i32 to index
        %get3A_1330 = arith.index_cast %add3A_1314 : i32 to index
        %get3A_1331 = arith.constant 0 : index
        %get3A_1332 = tpu.vector_load %arg8[%get3A_1329, %get3A_1330, %get3A_1331] {strides = array<i32>} : memref<16x100x32xf32, #tpu.memory_space<vmem>>, vector<1x1x16xf32>,
        %get3A_1333 = vector.shape_cast %get3A_1332 : vector<1x1x16xf32> to vector<16xf32>
        %add3A_1334 = arith.addf %add3A_1320, %get3A_1333 : vector<16xf32>
        %get3A_1335 = arith.constant 15 : i32
        %get3A_1336 = arith.index_cast %get3A_1335 : i32 to index
        %get3A_1337 = arith.index_cast %add3A_1314 : i32 to index
        %get3A_1338 = arith.constant 16 : index
        %get3A_1339 = tpu.vector_load %arg8[%get3A_1336, %get3A_1337, %get3A_1338] {strides = array<i32>} : memref<16x100x32xf32, #tpu.memory_space<vmem>>, vector<1x1x16xf32>,
        %get3A_1340 = vector.shape_cast %get3A_1339 : vector<1x1x16xf32> to vector<16xf32>
        %add3A_1341 = arith.addf %add3A_1327, %get3A_1340 : vector<16xf32>
        %mul3A_1342 = arith.constant 4 : i32
        %mul3A_1343 = arith.muli %scan3A_1308, %mul3A_1342 : i32
        %add3A_1344 = arith.constant 1 : i32
        %add3A_1345 = arith.addi %mul3A_1343, %add3A_1344 : i32
        %get3A_1346 = arith.constant 14 : i32
        %get3A_1347 = arith.index_cast %get3A_1346 : i32 to index
        %get3A_1348 = arith.index_cast %add3A_1345 : i32 to index
        %get3A_1349 = arith.constant 0 : index
        %get3A_1350 = tpu.vector_load %arg8[%get3A_1347, %get3A_1348, %get3A_1349] {strides = array<i32>} : memref<16x100x32xf32, #tpu.memory_space<vmem>>, vector<1x1x16xf32>,
        %get3A_1351 = vector.shape_cast %get3A_1350 : vector<1x1x16xf32> to vector<16xf32>
        %add3A_1352 = arith.addf %add3A_1334, %get3A_1351 : vector<16xf32>
        %get3A_1353 = arith.constant 14 : i32
        %get3A_1354 = arith.index_cast %get3A_1353 : i32 to index
        %get3A_1355 = arith.index_cast %add3A_1345 : i32 to index
        %get3A_1356 = arith.constant 16 : index
        %get3A_1357 = tpu.vector_load %arg8[%get3A_1354, %get3A_1355, %get3A_1356] {strides = array<i32>} : memref<16x100x32xf32, #tpu.memory_space<vmem>>, vector<1x1x16xf32>,
        %get3A_1358 = vector.shape_cast %get3A_1357 : vector<1x1x16xf32> to vector<16xf32>
        %add3A_1359 = arith.addf %add3A_1341, %get3A_1358 : vector<16xf32>
        %get3A_1360 = arith.constant 15 : i32
        %get3A_1361 = arith.index_cast %get3A_1360 : i32 to index
        %get3A_1362 = arith.index_cast %add3A_1345 : i32 to index
        %get3A_1363 = arith.constant 0 : index
        %get3A_1364 = tpu.vector_load %arg8[%get3A_1361, %get3A_1362, %get3A_1363] {strides = array<i32>} : memref<16x100x32xf32, #tpu.memory_space<vmem>>, vector<1x1x16xf32>,
        %get3A_1365 = vector.shape_cast %get3A_1364 : vector<1x1x16xf32> to vector<16xf32>
        %add3A_1366 = arith.addf %add3A_1352, %get3A_1365 : vector<16xf32>
        %get3A_1367 = arith.constant 15 : i32
        %get3A_1368 = arith.index_cast %get3A_1367 : i32 to index
        %get3A_1369 = arith.index_cast %add3A_1345 : i32 to index
        %get3A_1370 = arith.constant 16 : index
        %get3A_1371 = tpu.vector_load %arg8[%get3A_1368, %get3A_1369, %get3A_1370] {strides = array<i32>} : memref<16x100x32xf32, #tpu.memory_space<vmem>>, vector<1x1x16xf32>,
        %get3A_1372 = vector.shape_cast %get3A_1371 : vector<1x1x16xf32> to vector<16xf32>
        %add3A_1373 = arith.addf %add3A_1359, %get3A_1372 : vector<16xf32>
        %mul3A_1374 = arith.constant 4 : i32
        %mul3A_1375 = arith.muli %scan3A_1308, %mul3A_1374 : i32
        %add3A_1376 = arith.constant 2 : i32
        %add3A_1377 = arith.addi %mul3A_1375, %add3A_1376 : i32
        %get3A_1378 = arith.constant 14 : i32
        %get3A_1379 = arith.index_cast %get3A_1378 : i32 to index
        %get3A_1380 = arith.index_cast %add3A_1377 : i32 to index
        %get3A_1381 = arith.constant 0 : index
        %get3A_1382 = tpu.vector_load %arg8[%get3A_1379, %get3A_1380, %get3A_1381] {strides = array<i32>} : memref<16x100x32xf32, #tpu.memory_space<vmem>>, vector<1x1x16xf32>,
        %get3A_1383 = vector.shape_cast %get3A_1382 : vector<1x1x16xf32> to vector<16xf32>
        %add3A_1384 = arith.addf %add3A_1366, %get3A_1383 : vector<16xf32>
        %get3A_1385 = arith.constant 14 : i32
        %get3A_1386 = arith.index_cast %get3A_1385 : i32 to index
        %get3A_1387 = arith.index_cast %add3A_1377 : i32 to index
        %get3A_1388 = arith.constant 16 : index
        %get3A_1389 = tpu.vector_load %arg8[%get3A_1386, %get3A_1387, %get3A_1388] {strides = array<i32>} : memref<16x100x32xf32, #tpu.memory_space<vmem>>, vector<1x1x16xf32>,
        %get3A_1390 = vector.shape_cast %get3A_1389 : vector<1x1x16xf32> to vector<16xf32>
        %add3A_1391 = arith.addf %add3A_1373, %get3A_1390 : vector<16xf32>
        %get3A_1392 = arith.constant 15 : i32
        %get3A_1393 = arith.index_cast %get3A_1392 : i32 to index
        %get3A_1394 = arith.index_cast %add3A_1377 : i32 to index
        %get3A_1395 = arith.constant 0 : index
        %get3A_1396 = tpu.vector_load %arg8[%get3A_1393, %get3A_1394, %get3A_1395] {strides = array<i32>} : memref<16x100x32xf32, #tpu.memory_space<vmem>>, vector<1x1x16xf32>,
        %get3A_1397 = vector.shape_cast %get3A_1396 : vector<1x1x16xf32> to vector<16xf32>
        %add3A_1398 = arith.addf %add3A_1384, %get3A_1397 : vector<16xf32>
        %get3A_1399 = arith.constant 15 : i32
        %get3A_1400 = arith.index_cast %get3A_1399 : i32 to index
        %get3A_1401 = arith.index_cast %add3A_1377 : i32 to index
        %get3A_1402 = arith.constant 16 : index
        %get3A_1403 = tpu.vector_load %arg8[%get3A_1400, %get3A_1401, %get3A_1402] {strides = array<i32>} : memref<16x100x32xf32, #tpu.memory_space<vmem>>, vector<1x1x16xf32>,
        %get3A_1404 = vector.shape_cast %get3A_1403 : vector<1x1x16xf32> to vector<16xf32>
        %add3A_1405 = arith.addf %add3A_1391, %get3A_1404 : vector<16xf32>
        %mul3A_1406 = arith.constant 4 : i32
        %mul3A_1407 = arith.muli %scan3A_1308, %mul3A_1406 : i32
        %add3A_1408 = arith.constant 3 : i32
        %add3A_1409 = arith.addi %mul3A_1407, %add3A_1408 : i32
        %get3A_1410 = arith.constant 14 : i32
        %get3A_1411 = arith.index_cast %get3A_1410 : i32 to index
        %get3A_1412 = arith.index_cast %add3A_1409 : i32 to index
        %get3A_1413 = arith.constant 0 : index
        %get3A_1414 = tpu.vector_load %arg8[%get3A_1411, %get3A_1412, %get3A_1413] {strides = array<i32>} : memref<16x100x32xf32, #tpu.memory_space<vmem>>, vector<1x1x16xf32>,
        %get3A_1415 = vector.shape_cast %get3A_1414 : vector<1x1x16xf32> to vector<16xf32>
        %add3A_1416 = arith.addf %add3A_1398, %get3A_1415 : vector<16xf32>
        %get3A_1417 = arith.constant 14 : i32
        %get3A_1418 = arith.index_cast %get3A_1417 : i32 to index
        %get3A_1419 = arith.index_cast %add3A_1409 : i32 to index
        %get3A_1420 = arith.constant 16 : index
        %get3A_1421 = tpu.vector_load %arg8[%get3A_1418, %get3A_1419, %get3A_1420] {strides = array<i32>} : memref<16x100x32xf32, #tpu.memory_space<vmem>>, vector<1x1x16xf32>,
        %get3A_1422 = vector.shape_cast %get3A_1421 : vector<1x1x16xf32> to vector<16xf32>
        %add3A_1423 = arith.addf %add3A_1405, %get3A_1422 : vector<16xf32>
        %get3A_1424 = arith.constant 15 : i32
        %get3A_1425 = arith.index_cast %get3A_1424 : i32 to index
        %get3A_1426 = arith.index_cast %add3A_1409 : i32 to index
        %get3A_1427 = arith.constant 0 : index
        %get3A_1428 = tpu.vector_load %arg8[%get3A_1425, %get3A_1426, %get3A_1427] {strides = array<i32>} : memref<16x100x32xf32, #tpu.memory_space<vmem>>, vector<1x1x16xf32>,
        %get3A_1429 = vector.shape_cast %get3A_1428 : vector<1x1x16xf32> to vector<16xf32>
        %add3A_1430 = arith.addf %add3A_1416, %get3A_1429 : vector<16xf32>
        %get3A_1431 = arith.constant 15 : i32
        %get3A_1432 = arith.index_cast %get3A_1431 : i32 to index
        %get3A_1433 = arith.index_cast %add3A_1409 : i32 to index
        %get3A_1434 = arith.constant 16 : index
        %get3A_1435 = tpu.vector_load %arg8[%get3A_1432, %get3A_1433, %get3A_1434] {strides = array<i32>} : memref<16x100x32xf32, #tpu.memory_space<vmem>>, vector<1x1x16xf32>,
        %get3A_1436 = vector.shape_cast %get3A_1435 : vector<1x1x16xf32> to vector<16xf32>
        %add3A_1437 = arith.addf %add3A_1423, %get3A_1436 : vector<16xf32>
        scf.yield %add3A_1430, %add3A_1437 : vector<16xf32>, vector<16xf32>
      }
      %scan3A_1289 = arith.constant 25 : i32
      %mul3A_1290 = arith.constant 8 : i32
      %mul3A_1291 = arith.muli %add3A_1099, %mul3A_1290 : i32
      %add3A_1292 = arith.constant 7 : i32
      %add3A_1293 = arith.addi %mul3A_1291, %add3A_1292 : i32
      %swap3A_1294 = arith.index_cast %add3A_1293 : i32 to index
      %swap3A_1295 = arith.constant 0 : index
      %swap3A_1296 = tpu.vector_load %arg9[%swap3A_1294, %swap3A_1295] {strides = array<i32>} : memref<128x32xf32, #tpu.memory_space<vmem>>, vector<1x16xf32>,
      %swap3A_1297 = vector.shape_cast %swap3A_1296 : vector<1x16xf32> to vector<16xf32>
      %swap3A_1298 = vector.shape_cast %scan3A_1288#0 : vector<16xf32> to vector<1x16xf32>
      tpu.vector_store %arg9[%swap3A_1294, %swap3A_1295], %swap3A_1298 {strides = array<i32>} : memref<128x32xf32, #tpu.memory_space<vmem>>, vector<1x16xf32>,
      %mul3A_1299 = arith.constant 8 : i32
      %mul3A_1300 = arith.muli %add3A_1099, %mul3A_1299 : i32
      %add3A_1301 = arith.constant 7 : i32
      %add3A_1302 = arith.addi %mul3A_1300, %add3A_1301 : i32
      %swap3A_1303 = arith.index_cast %add3A_1302 : i32 to index
      %swap3A_1304 = arith.constant 16 : index
      %swap3A_1305 = tpu.vector_load %arg9[%swap3A_1303, %swap3A_1304] {strides = array<i32>} : memref<128x32xf32, #tpu.memory_space<vmem>>, vector<1x16xf32>,
      %swap3A_1306 = vector.shape_cast %swap3A_1305 : vector<1x16xf32> to vector<16xf32>
      %swap3A_1307 = vector.shape_cast %scan3A_1288#1 : vector<16xf32> to vector<1x16xf32>
      tpu.vector_store %arg9[%swap3A_1303, %swap3A_1304], %swap3A_1307 {strides = array<i32>} : memref<128x32xf32, #tpu.memory_space<vmem>>, vector<1x16xf32>,
    }
    %scan3A_202 = arith.constant 8 : i32
    "tpu.region"() ({
      %run_scoped3A = tpu.sem_alloc : memref<!tpu.dma_semaphore, #tpu.memory_space<semaphore_mem>>
      %dma_start3A_203 = arith.constant 0 : i32
      %dma_start3A_204 = tpu.memref_slice %arg4[%mul3A_2, %dma_start3A_203] : memref<4096x32xf32, #tpu.memory_space<hbm>> -> memref<128x32xf32, #tpu.memory_space<hbm>>
      %dma_start3A_205 = arith.constant 0 : i32
      %dma_start3A_206 = tpu.memref_slice %arg4[%mul3A_2, %dma_start3A_205] : memref<4096x32xf32, #tpu.memory_space<hbm>> -> memref<128x32xf32, #tpu.memory_space<hbm>>
      tpu.enqueue_dma source(%arg9 : memref<128x32xf32, #tpu.memory_space<vmem>>) target(%dma_start3A_206 : memref<128x32xf32, #tpu.memory_space<hbm>>) target_semaphore(%run_scoped3A : memref<!tpu.dma_semaphore, #tpu.memory_space<semaphore_mem>>)
      %dma_wait3A = arith.constant 0 : i32
      %dma_wait3A_207 = tpu.memref_slice %arg4[%mul3A_2, %dma_wait3A] : memref<4096x32xf32, #tpu.memory_space<hbm>> -> memref<128x32xf32, #tpu.memory_space<hbm>>
      %dma_wait3A_208 = arith.constant 0 : i32
      %dma_wait3A_209 = tpu.memref_slice %arg4[%mul3A_2, %dma_wait3A_208] : memref<4096x32xf32, #tpu.memory_space<hbm>> -> memref<128x32xf32, #tpu.memory_space<hbm>>
      tpu.wait_dma2 semaphore(%run_scoped3A : memref<!tpu.dma_semaphore, #tpu.memory_space<semaphore_mem>>) src(%arg9 : memref<128x32xf32, #tpu.memory_space<vmem>>) dst(%dma_wait3A_209 : memref<128x32xf32, #tpu.memory_space<hbm>>)
      tpu.yield
    }) : () -> ()
    return
  }
}

module attributes {stable_mosaic.version = 14 : i64} {
  func.func @_head_body(%arg0: memref<4096x32xf32, #tpu.memory_space<vmem>>, %arg1: memref<32x2xf32, #tpu.memory_space<vmem>>, %arg2: memref<1x2xf32, #tpu.memory_space<vmem>>, %arg3: memref<4096x2xf32, #tpu.memory_space<vmem>>) attributes {dimension_semantics = [], scalar_prefetch = 0 : i64, scratch_operands = 0 : i64, tpu.core_type = #tpu.core_type<tc>} {
    %get3A = arith.constant 0 : index
    %get3A_0 = arith.constant 0 : index
    %get3A_1 = vector.load %arg0[%get3A, %get3A_0] : memref<4096x32xf32, #tpu.memory_space<vmem>>, vector<4096x32xf32>
    %mul3A = arith.constant 5.000000e-03 : f32
    %mul3A_2 = vector.broadcast %mul3A : f32 to vector<4096x32xf32>
    %mul3A_3 = arith.mulf %get3A_1, %mul3A_2 : vector<4096x32xf32>
    %get3A_4 = arith.constant 0 : index
    %get3A_5 = arith.constant 0 : index
    %get3A_6 = vector.load %arg1[%get3A_4, %get3A_5] : memref<32x2xf32, #tpu.memory_space<vmem>>, vector<32x2xf32>
    %dot_general3A = arith.constant dense<0.000000e+00> : vector<4096x2xf32>
    %dot_general3A_7 = tpu.matmul %mul3A_3, %get3A_6, %dot_general3A {dimension_numbers = #tpu.dot_dimension_numbers<[1], [0], [0], [1], [0, 0, 1, 1], [], []>, precision = #tpu.contract_precision<fp32>, transpose_lhs_hint = false} : vector<4096x32xf32>, vector<32x2xf32>, vector<4096x2xf32> -> vector<4096x2xf32>
    %get3A_8 = arith.constant 0 : index
    %get3A_9 = arith.constant 0 : index
    %get3A_10 = vector.load %arg2[%get3A_8, %get3A_9] : memref<1x2xf32, #tpu.memory_space<vmem>>, vector<1x2xf32>
    %add3A = vector.broadcast %get3A_10 : vector<1x2xf32> to vector<4096x2xf32>
    %add3A_11 = arith.addf %dot_general3A_7, %add3A : vector<4096x2xf32>
    %swap3A = arith.constant 0 : index
    %swap3A_12 = arith.constant 0 : index
    %swap3A_13 = vector.load %arg3[%swap3A, %swap3A_12] : memref<4096x2xf32, #tpu.memory_space<vmem>>, vector<4096x2xf32>
    tpu.vector_store %arg3[%swap3A, %swap3A_12], %add3A_11 {strides = array<i32>} : memref<4096x2xf32, #tpu.memory_space<vmem>>, vector<4096x2xf32>,
    return
  }
}

</mosaic_0001>

<sc_bundles>
// kernel: kernel.4.cloned.1.call-start
scs
__scs_entry_jumppad:
0x0: {  	(pc) =	sbr.rel $0x88, $3  }
0x1: {  	(tag) =	ssettag $0x0;
	lr =	simm.s32 $0x1  }
0x2: {  	[smem:$0x3F9D] =	sst lr;
	_ =	strace $0xD0000000  }
0x3: {  	_ = 	snop  }
0x4: {  	_ = 	snop  }
0x5: {  	_ = 	snop  }
0x6: {  	_ = 	snop  }
0x7: {  	_ = 	snop  }
__scs_overlays_trampoline_lowered:
0x8: {  	[smem:$0x3FAC] =	sst s0  }
0x9: {  	[smem:$0x3FAD] =	sst s1  }
0xa: {  	[smem:$0x3FAE] =	sst s2  }
0xb: {  	[smem:$0x3FAF] =	sst s3  }
0xc: {  	[smem:$0x3FB0] =	sst s4  }
0xd: {  	[smem:$0x3FB1] =	sst s5  }
0xe: {  	[smem:$0x3FB2] =	sst s6  }
0xf: {  	[smem:$0x3FB3] =	sst s7  }
0x10: {  	[smem:$0x3FB4] =	sst s8  }
0x11: {  	[smem:$0x3FB5] =	sst s9;
	s0 =	simm.s32 @!p0 $0x0  }
0x12: {  	s1 =	sld [smem:$0x3F9B];
	s0 =	simm.s32 @p0 $0x1  }
0x13: {  	[smem:$0x3FB6] =	sst s0;
	s0 =	simm.s32 @!p1 $0x0  }
0x14: {  	s2 =	sld [smem:$0x3F9A];
	s0 =	simm.s32 @p1 $0x1  }
0x15: {  	[smem:$0x3FB7] =	sst s0;
	s0 =	simm.s32 @!p2 $0x0  }
0x16: {  	s3 =	sld [smem:$0x3FDB];
	s0 =	simm.s32 @p2 $0x1  }
0x17: {  	s4 =	simm.s32 $0x1BF5;
	[smem:$0x3FB9] =	sst s0  }
0x18: {  	s0 =	sld [smem:$0x3F9C];
	_ =	swait.ge [sflag:s4], $0x0  }
0x19: {  	s7 =	sld [smem:$0x3F9D]  }
0x1a: {  	s8 =	sadd.s32 $0xFFFFE003, lr  }
0x1b: {  	s9 =	sadd.s32 $0xFFFFFEF7, lr;
	s5 =	simm.s32 $0xFFFFFFFF;
	p2 =	slt.u32 s8, $0xFFFFF086  }
0x1c: {  	p1 =	slt.u32 s9, $0xF7A;
	s5 =	simm.s32 @!p2 $0x0  }
0x1d: {  	s5 =	simm.s32 @p1 $0x1;
	p0 =	seq.s32 s7, s2  }
0x1e: {  	s7 =	smul.u32 @!p0 $0xF7A, s2;
	p2 =	seq.s32 @!p0 s5, $0x0  }
0x1f: {  	s9 =	smul.u32 $0xF7A, s1;
	s8 =	simm.s32 @!p0 $0x1BF5;
	p2 =	por !p2, p0  }
0x20: {  	[sflag:s8] =	ssyncset.s32 @!p0 $0xFFFFF086;
	s6 =	sadd.s32 @!p0 s3, s7;
	s7 =	simm.s32 @!p0 $0x108  }
0x21: {  	s3 =	sadd.s32 s3, s9;
	s6 =	sadd.s32 @!p0 $0x88, s6;
	s7 =	simm.s32 @p2 $0x1082  }
0x22: {  	[simem:s7], [sflag:s8] =	dma.local @!p0 [hbm:s6], $0xF7A  }
0x23: {  	s9 =	sor.u32 $0xD0000000, s2;
	s6 =	simm.s32 $0x108;
	_ =	swait.ge @!p0 [sflag:s8], $0x0  }
0x24: {  	s3 =	sadd.s32 $0x88, s3;
	s6 =	simm.s32 @!p1 $0x1082;
	[sflag:s4] =	ssyncset.s32 $0xFFFFF086  }
0x25: {  	[simem:s6], [sflag:s4] =	dma.local [hbm:s3], $0xF7A  }
0x26: {  	[smem:$0x3F9D] =	sst s1;
	(tag) =	ssettag s2;
	_ =	strace s9  }
0x27: {  	s1 =	sld [smem:$0x3FAD]  }
0x28: {  	s2 =	sld [smem:$0x3FAE]  }
0x29: {  	s4 =	sld [smem:$0x3FB0]  }
0x2a: {  	p0 =	seq.s32 s5, $0x0;
	s5 =	sld [smem:$0x3FB1]  }
0x2b: {  	s6 =	sld [smem:$0x3FB2]  }
0x2c: {  	s7 =	sld [smem:$0x3FB3]  }
0x2d: {  	s3 =	simm.s32 $0x108;
	s8 =	sld [smem:$0x3FB4]  }
0x2e: {  	s3 =	simm.s32 @!p0 $0x1082;
	s9 =	sld [smem:$0x3FB5]  }
0x2f: {  	lr =	sadd.s32 s0, s3;
	s0 =	sld [smem:$0x3FAC]  }
0x30: {  	s3 =	sld [smem:$0x3FAF]  }
0x31: {  	[smem:$0x3FB8] =	sst s10  }
0x32: {  	s10 =	sld [smem:$0x3FB6];
	_ =	sdelay $0x3  }
0x33: {  	p0 =	seq.s32 s10, $0x1;
	s10 =	sld [smem:$0x3FB8];
	_ =	sdelay $0x3  }
0x34: {  	[smem:$0x3FB8] =	sst s10  }
0x35: {  	s10 =	sld [smem:$0x3FB7];
	_ =	sdelay $0x3  }
0x36: {  	p1 =	seq.s32 s10, $0x1;
	s10 =	sld [smem:$0x3FB8];
	_ =	sdelay $0x3  }
0x37: {  	[smem:$0x3FB8] =	sst s10  }
0x38: {  	s10 =	sld [smem:$0x3FB9]  }
0x39: {  	_ = 	snop;
	(pc) =	sbr.ind lr, $3  }
0x3a: {  	_ = 	snop  }
0x3b: {  	_ = 	snop  }
0x3c: {  	p2 =	seq.s32 s10, $0x1;
	s10 =	sld [smem:$0x3FB8]  }
0x3d: {  	_ =	shalt  }
0x3e: {  	_ =	shalt  }
0x3f: {  	_ =	shalt  }
0x40: {  	_ =	shalt  }
0x41: {  	_ =	shalt  }
0x42: {  	_ =	shalt  }
0x43: {  	_ =	shalt  }
0x44: {  	_ =	shalt  }
0x45: {  	_ =	shalt  }
0x46: {  	_ =	shalt  }
0x47: {  	_ =	shalt  }
0x48: {  	_ =	shalt  }
0x49: {  	_ =	shalt  }
0x4a: {  	_ =	shalt  }
0x4b: {  	_ =	shalt  }
0x4c: {  	_ =	shalt  }
0x4d: {  	_ =	shalt  }
0x4e: {  	_ =	shalt  }
0x4f: {  	_ =	shalt  }
0x50: {  	_ =	shalt  }
0x51: {  	_ =	shalt  }
0x52: {  	_ =	shalt  }
0x53: {  	_ =	shalt  }
0x54: {  	_ =	shalt  }
0x55: {  	_ =	shalt  }
0x56: {  	_ =	shalt  }
0x57: {  	_ =	shalt  }
0x58: {  	_ =	shalt  }
0x59: {  	_ =	shalt  }
0x5a: {  	_ =	shalt  }
0x5b: {  	_ =	shalt  }
0x5c: {  	_ =	shalt  }
0x5d: {  	_ =	shalt  }
0x5e: {  	_ =	shalt  }
0x5f: {  	_ =	shalt  }
0x60: {  	_ =	shalt  }
0x61: {  	_ =	shalt  }
0x62: {  	_ =	shalt  }
0x63: {  	_ =	shalt  }
0x64: {  	_ =	shalt  }
0x65: {  	_ =	shalt  }
0x66: {  	_ =	shalt  }
0x67: {  	_ =	shalt  }
0x68: {  	_ =	shalt  }
0x69: {  	_ =	shalt  }
0x6a: {  	_ =	shalt  }
0x6b: {  	_ =	shalt  }
0x6c: {  	_ =	shalt  }
0x6d: {  	_ =	shalt  }
0x6e: {  	_ =	shalt  }
0x6f: {  	_ =	shalt  }
0x70: {  	_ =	shalt  }
0x71: {  	_ =	shalt  }
0x72: {  	_ =	shalt  }
0x73: {  	_ =	shalt  }
0x74: {  	_ =	shalt  }
0x75: {  	_ =	shalt  }
0x76: {  	_ =	shalt  }
0x77: {  	_ =	shalt  }
0x78: {  	_ =	shalt  }
0x79: {  	_ =	shalt  }
0x7a: {  	_ =	shalt  }
0x7b: {  	_ =	shalt  }
0x7c: {  	_ =	shalt  }
0x7d: {  	_ =	shalt  }
0x7e: {  	_ =	shalt  }
0x7f: {  	_ =	shalt  }
0x80: {  	_ =	shalt  }
0x81: {  	_ =	shalt  }
0x82: {  	_ =	shalt  }
0x83: {  	_ =	shalt  }
0x84: {  	_ =	shalt  }
0x85: {  	_ =	shalt  }
0x86: {  	_ =	shalt  }
0x87: {  	_ =	shalt  }
.Lfunc_end0:
.L_simem_size_0:
called_computation_lowered:
.L_overlay_start_0:
0x88: {  	s2 =	sld [smem:$0x3FD9]  }
0x89: {  	s3 =	sld [smem:$0x3FFE];
	_ =	sdelay $0x1  }
0x8a: {  	s1 =	srdreg.scid  }
0x8b: {  	s0 =	sand.u32 $0x1, s1  }
0x8c: {  	s16 =	sshll.u32 s0, $0xA;
	s2 =	sadd.s32 s3, s2  }
0x8d: {  	s2 =	sadd.s32 s2, s16  }
0x8e: {  	[smem:$0x3FC4] =	sst s2  }
0x8f: {  	_ = 	snop  }
0x90: {  	(tm) =	ssettm $0x1  }
0x91: {  	s17 =	sld [smem:$0x3FFB];
	_ =	sdelay $0x3  }
0x92: {  	_ =	strace s17  }
0x93: {  	s2 =	sld [smem:$0x3FFC];
	_ =	sdelay $0x3  }
0x94: {  	_ =	strace s2  }
0x95: {  	s2 =	sld [smem:$0x3FFD];
	_ =	sdelay $0x3  }
0x96: {  	_ =	strace s2  }
0x97: {  	_ =	strace $0x8FFFFFFF  }
0x98: {  	s18 =	sld [smem:$0x3FDB];
	_ =	sdelay $0x1  }
0x99: {  	s19 =	simm.s32 $_scs_section_size  }
0x9a: {  	s4 =	simm.s32 $_size__tile_overlayer_lowered;
	s5 =	simm.s32 $_tile_overlayer_lowered  }
0x9b: {  	s22 =	simm.s32 $0x1BFF;
	s21 =	sshll.u32 s5, $0x1;
	s2 =	sadd.s32 s19, s18  }
0x9c: {  	s6 =	simm.s32 $0x0;
	s20 =	sshll.u32 s4, $0x1;
	s4 =	sadd.s32 s21, s2  }
0x9d: {  	[timem:s6], [sflag:s22] =	dma.local [hbm:s4], s20  }
0x9e: {  	_ =	swait.ge [sflag:s22], s20  }
0x9f: {  	s3 =	ssub.s32 $0x0, s20;
	[sflag:s22] =	ssyncset.done $0x0  }
0xa0: {  	[sflag:s22] =	ssyncadd.s32 s3;
	_ =	sdelay $0x1  }
0xa1: {  	s23 =	simm.s32 $0x1B8B  }
0xa2: {  	_ =	swait.ge [sflag:s23], $0x1  }
0xa3: {  	[sflag:s23] =	ssyncset.done $0x0  }
0xa4: {  	s25 =	simm.s32 $0x1B8E;
	s24 =	sld [smem:$0x3FFE];
	[sflag:s23] =	ssyncadd.s32 $0xFFFFFFFF  }
0xa5: {  	s26 =	simm.s32 $execute0_lowered;
	[smem:$0x3FD2] =	sst s25  }
0xa6: {  	s4 =	sshll.u32 s26, $0x1;
	_ =	strace $0x80000046;
	[dreg:$0x1] =	wrdreg $0xFFFFFFFF  }
0xa7: {  	s28 =	simm.s32 $_size_execute0_lowered;
	s2 =	sadd.s32 s2, s4;
	[dreg:$0x0] =	wrdreg $0x0  }
0xa8: {  	s4 =	sshll.u32 s28, $0x1;
	[dreg:$0x2] =	wrdreg s2  }
0xa9: {  	[dreg:$0x3] =	wrdreg s4  }
0xaa: {  	[dreg:$0x4] =	wrdreg $0xC0  }
0xab: {  	_ =	task [dreg:s6], $0x5FFFF  }
0xac: {  	[dreg:$0x1] =	wrdreg $0xFFFFFFFF  }
0xad: {  	[dreg:$0x0] =	wrdreg $0x60  }
0xae: {  	[dreg:$0x2] =	wrdreg s24  }
0xaf: {  	[dreg:$0x3] =	wrdreg $0x9  }
0xb0: {  	_ =	task.clear_ibuf [dreg:s6], $0x4FFFF;
	_ =	strace $0x90000046  }
0xb1: {  	s29 =	simm.s32 $0x9;
	_ =	strace $0x80000048  }
0xb2: {  	_ =	swait.ge [sflag:s29], $0x1  }
0xb3: {  	[sflag:s29] =	ssyncadd.s32 $0xFFFFFFFF  }
0xb4: {  	_ =	strace $0x90000048  }
0xb5: {  	_ =	sfence  }
0xb6: {  	s30 =	sld [smem:$0x0];
	_ =	sdelay $0x2  }
0xb7: {  	s31 =	sshll.u32 s1, $0xD;
	s1 =	sshrl.u32 s1, $0x2  }
0xb8: {  	s3 =	sand.u32 $0x4000, s31;
	s1 =	sadd.s32 s1, s30  }
0xb9: {  	s0 =	sor.u32 s3, s0;
	s1 =	sshll.u32 s1, $0x11  }
0xba: {  	s0 =	sor.u32 s1, s0  }
0xbb: {  	s0 =	sadd.s32 $0x8F2B, s0  }
0xbc: {  	[sflag:s0] =	ssyncadd.remote.s32 $0x1  }
0xbd: {  	_ =	sfence.sel $0xFFFF  }
0xbe: {  	[dreg:$0x0] =	wrdreg $0xFFFFFFFF;
	(pc) =	sbr.abs _section_cstart, $3  }
0xbf: {  	[dreg:$0x1] =	wrdreg $0xFFFFFFFF  }
0xc0: {  	_ =	task.clear_ibuf [dreg:s6], $0x2FFFF;
	_ =	strace $0x9FFFFFFF  }
0xc1: {  	(tm) =	ssettm $0x7FFFFFFF  }
tec
execute0_lowered:
.L_overlay_start_1:
0x0: {  	(tag) =	ssettag $0x1  }
0x1: {  	s0 =	rddreg [dreg:$0x0]  }
0x2: {  	s2 =	simm.s32 $0x0;
	s1 =	srdreg.scid;
	s3 =	stileid.u32  }
0x3: {  	s10 =	simm.s32 $0x3;
	s11 =	simm.s32 $0x64;
	s22 =	simm.s32 $0x680  }
0x4: {  	s18 =	simm.s32 $0x13900;
	s19 =	simm.s32 $0xA28;
	s20 =	simm.s32 $0x14580  }
0x5: {  	s21 =	simm.s32 $0xA90;
	s8 =	simm.s32 $0xAF8;
	s9 =	simm.s32 $0x15E80  }
0x6: {  	s23 =	simm.s32 $0xB60;
	s28 =	simm.s32 $0xC30;
	s29 =	simm.s32 $0x18400  }
0x7: {  	s30 =	simm.s32 $0xC98;
	s31 =	simm.s32 $0x19080;
	s13 =	simm.s32 $0x0  }
0x8: {  	[smem:$0x7FF] =	sst s2;
	s1 =	sand.u32 $0x1, s1;
	s4 =	sshll.u32 s3, $0x1  }
0x9: {  	s3 =	sadd.s32 $0xA00, s0;
	_ =	strace $0x80000047;
	s5 =	sor.u32 s1, s4  }
0xa: {  	s1 =	ssub.s32 $0x2, s1;
	s4 =	sadd.s32 $0xF42E00, s0;
	s7 =	smul.u32 $0xD00, s5  }
0xb: {  	s6 =	sshll.u32 s5, $0x9;
	s24 =	sshrl.u32 s1, $0x1;
	s5 =	sshll.u32 s5, $0x7  }
0xc: {  	s0 =	sadd.s32 s6, s0;
	s1 =	ssub.s32 s1, s24;
	s25 =	sadd.s32 s3, s7  }
0xd: {  	s6 =	simm.s32 $0x15200;
	s0 =	sadd.s32 $0x1AA00, s0;
	[dreg:$0x2] =	wrdreg s25  }
0xe: {  	s24 =	simm.s32 $0x16B00;
	s26 =	smax.u32 s1, $0x1;
	[dreg:$0x3] =	wrdreg s0  }
0xf: {  	s7 =	sor.u32 $0x10, s5;
	s1 =	simm.s32 $0x2;
	[dreg:$0x4] =	wrdreg s26  }
0x10: {  	s25 =	simm.s32 $0xBC8;
	s26 =	simm.s32 $0x17780;
	s0 =	simm.s32 $0x1  }
.LBB2_1:
0x11: {  	[dreg:$0x5] =	wrdreg s13  }
0x12: {  	s12 =	rddreg [dreg:$0x2]  }
0x13: {  	[tilespmem:s2], [sflag:$0x3] =	stream.linear.gather [hbm4b:s12+s2], $0x680, $0x38;
	[tilespmem:$0x1AD00] =	vst v63  }
0x14: {  	_ =	swait.ge [sflag:s10], $0x680  }
0x15: {  	[sflag:s10] =	ssyncset.done $0x0  }
0x16: {  	s15 =	simm.s32 $0xD00;
	[sflag:s10] =	ssyncadd.s32 $0xFFFFF980  }
0x17: {  	[tilespmem:s15], [sflag:$0x1] =	stream.indirect.gather [hbm4b:s4+s11], $0x20, s2, s11, $0xb8;
	[tilespmem:$0x1AD00] =	vst v63  }
0x18: {  	s16 =	simm.s32 $0x68;
	s17 =	simm.s32 $0x1980  }
0x19: {  	[tilespmem:s17], [sflag:$0x1] =	stream.indirect.gather [hbm4b:s4+s11], $0x20, s16, s11, $0xb8;
	[tilespmem:$0x1AD00] =	vst v63  }
0x1a: {  	s14 =	simm.s32 $0xD0;
	s15 =	simm.s32 $0x2600  }
0x1b: {  	[tilespmem:s15], [sflag:$0x1] =	stream.indirect.gather [hbm4b:s4+s11], $0x20, s14, s11, $0xb8;
	[tilespmem:$0x1AD00] =	vst v63  }
0x1c: {  	s16 =	simm.s32 $0x138;
	s17 =	simm.s32 $0x3280  }
0x1d: {  	[tilespmem:s17], [sflag:$0x1] =	stream.indirect.gather [hbm4b:s4+s11], $0x20, s16, s11, $0xb8;
	[tilespmem:$0x1AD00] =	vst v63  }
0x1e: {  	s14 =	simm.s32 $0x1A0;
	s15 =	simm.s32 $0x3F00  }
0x1f: {  	[tilespmem:s15], [sflag:$0x1] =	stream.indirect.gather [hbm4b:s4+s11], $0x20, s14, s11, $0xb8;
	[tilespmem:$0x1AD00] =	vst v63  }
0x20: {  	s16 =	simm.s32 $0x208;
	s17 =	simm.s32 $0x4B80  }
0x21: {  	[tilespmem:s17], [sflag:$0x1] =	stream.indirect.gather [hbm4b:s4+s11], $0x20, s16, s11, $0xb8;
	[tilespmem:$0x1AD00] =	vst v63  }
0x22: {  	s14 =	simm.s32 $0x270;
	s15 =	simm.s32 $0x5800  }
0x23: {  	[tilespmem:s15], [sflag:$0x1] =	stream.indirect.gather [hbm4b:s4+s11], $0x20, s14, s11, $0xb8;
	[tilespmem:$0x1AD00] =	vst v63  }
0x24: {  	s16 =	simm.s32 $0x2D8;
	s17 =	simm.s32 $0x6480  }
0x25: {  	[tilespmem:s17], [sflag:$0x1] =	stream.indirect.gather [hbm4b:s4+s11], $0x20, s16, s11, $0xb8;
	[tilespmem:$0x1AD00] =	vst v63  }
0x26: {  	s14 =	simm.s32 $0x340;
	s15 =	simm.s32 $0x7100  }
0x27: {  	[tilespmem:s15], [sflag:$0x1] =	stream.indirect.gather [hbm4b:s4+s11], $0x20, s14, s11, $0xb8;
	[tilespmem:$0x1AD00] =	vst v63  }
0x28: {  	s16 =	simm.s32 $0x3A8;
	s17 =	simm.s32 $0x7D80  }
0x29: {  	[tilespmem:s17], [sflag:$0x1] =	stream.indirect.gather [hbm4b:s4+s11], $0x20, s16, s11, $0xb8;
	[tilespmem:$0x1AD00] =	vst v63  }
0x2a: {  	s14 =	simm.s32 $0x410;
	s15 =	simm.s32 $0x8A00  }
0x2b: {  	[tilespmem:s15], [sflag:$0x1] =	stream.indirect.gather [hbm4b:s4+s11], $0x20, s14, s11, $0xb8;
	[tilespmem:$0x1AD00] =	vst v63  }
0x2c: {  	s16 =	simm.s32 $0x478;
	s17 =	simm.s32 $0x9680  }
0x2d: {  	[tilespmem:s17], [sflag:$0x1] =	stream.indirect.gather [hbm4b:s4+s11], $0x20, s16, s11, $0xb8;
	[tilespmem:$0x1AD00] =	vst v63  }
0x2e: {  	s14 =	simm.s32 $0x4E0;
	s15 =	simm.s32 $0xA300  }
0x2f: {  	[tilespmem:s15], [sflag:$0x1] =	stream.indirect.gather [hbm4b:s4+s11], $0x20, s14, s11, $0xb8;
	[tilespmem:$0x1AD00] =	vst v63  }
0x30: {  	s16 =	simm.s32 $0x548;
	s17 =	simm.s32 $0xAF80  }
0x31: {  	[tilespmem:s17], [sflag:$0x1] =	stream.indirect.gather [hbm4b:s4+s11], $0x20, s16, s11, $0xb8;
	[tilespmem:$0x1AD00] =	vst v63  }
0x32: {  	s14 =	simm.s32 $0x5B0;
	s15 =	simm.s32 $0xBC00  }
0x33: {  	[tilespmem:s15], [sflag:$0x1] =	stream.indirect.gather [hbm4b:s4+s11], $0x20, s14, s11, $0xb8;
	[tilespmem:$0x1AD00] =	vst v63  }
0x34: {  	s16 =	simm.s32 $0x618;
	s17 =	simm.s32 $0xC880;
	s14 =	simm.s32 $0x0  }
0x35: {  	[tilespmem:s17], [sflag:$0x1] =	stream.indirect.gather [hbm4b:s4+s11], $0x20, s16, s11, $0xb8;
	[tilespmem:$0x1AD00] =	vst v63  }
.LBB2_2:
0x36: {  	s15 =	sshll.u32 s14, $0x4  }
0x37: {  	s13 =	sor.u32 $0x8, s15  }
0x38: {  	s12 =	sadd.s32 s5, s13  }
0x39: {  	s12 =	smul.u32 $0x1A, s12;
	_ =	sdelay $0x1  }
0x3a: {  	s12 =	sadd.s32 s3, s12  }
0x3b: {  	[tilespmem:s22], [sflag:$0x3] =	stream.linear.gather [hbm4b:s12+s2], $0x680, $0x38;
	[tilespmem:$0x1AD00] =	vst v63  }
0x3c: {  	_ =	swait.ge [sflag:s10], $0x680  }
0x3d: {  	[sflag:s10] =	ssyncset.done $0x0  }
0x3e: {  	s16 =	simm.s32 $0xD500;
	[sflag:s10] =	ssyncadd.s32 $0xFFFFF980  }
0x3f: {  	[tilespmem:s16], [sflag:$0x2] =	stream.indirect.gather [hbm4b:s4+s11], $0x20, s22, s11, $0xb8;
	[tilespmem:$0x1AD00] =	vst v63  }
0x40: {  	s17 =	simm.s32 $0x6E8;
	s16 =	simm.s32 $0xE180  }
0x41: {  	[tilespmem:s16], [sflag:$0x2] =	stream.indirect.gather [hbm4b:s4+s11], $0x20, s17, s11, $0xb8;
	[tilespmem:$0x1AD00] =	vst v63  }
0x42: {  	s16 =	simm.s32 $0x750;
	s17 =	simm.s32 $0xEE00  }
0x43: {  	[tilespmem:s17], [sflag:$0x2] =	stream.indirect.gather [hbm4b:s4+s11], $0x20, s16, s11, $0xb8;
	[tilespmem:$0x1AD00] =	vst v63  }
0x44: {  	s16 =	simm.s32 $0x7B8;
	s17 =	simm.s32 $0xFA80  }
0x45: {  	[tilespmem:s17], [sflag:$0x2] =	stream.indirect.gather [hbm4b:s4+s11], $0x20, s16, s11, $0xb8;
	[tilespmem:$0x1AD00] =	vst v63  }
0x46: {  	s16 =	simm.s32 $0x820;
	s17 =	simm.s32 $0x10700  }
0x47: {  	[tilespmem:s17], [sflag:$0x2] =	stream.indirect.gather [hbm4b:s4+s11], $0x20, s16, s11, $0xb8;
	[tilespmem:$0x1AD00] =	vst v63  }
0x48: {  	s16 =	simm.s32 $0x888;
	s17 =	simm.s32 $0x11380  }
0x49: {  	[tilespmem:s17], [sflag:$0x2] =	stream.indirect.gather [hbm4b:s4+s11], $0x20, s16, s11, $0xb8;
	[tilespmem:$0x1AD00] =	vst v63  }
0x4a: {  	s16 =	simm.s32 $0x8F0;
	s17 =	simm.s32 $0x12000  }
0x4b: {  	[tilespmem:s17], [sflag:$0x2] =	stream.indirect.gather [hbm4b:s4+s11], $0x20, s16, s11, $0xb8;
	[tilespmem:$0x1AD00] =	vst v63  }
0x4c: {  	s16 =	simm.s32 $0x958;
	s17 =	simm.s32 $0x12C80  }
0x4d: {  	[tilespmem:s17], [sflag:$0x2] =	stream.indirect.gather [hbm4b:s4+s11], $0x20, s16, s11, $0xb8;
	[tilespmem:$0x1AD00] =	vst v63  }
0x4e: {  	s16 =	simm.s32 $0x9C0  }
0x4f: {  	[tilespmem:s18], [sflag:$0x2] =	stream.indirect.gather [hbm4b:s4+s11], $0x20, s16, s11, $0xb8;
	[tilespmem:$0x1AD00] =	vst v63  }
0x50: {  	_ = 	snop  }
0x51: {  	[tilespmem:s20], [sflag:$0x2] =	stream.indirect.gather [hbm4b:s4+s11], $0x20, s19, s11, $0xb8;
	[tilespmem:$0x1AD00] =	vst v63  }
0x52: {  	_ = 	snop  }
0x53: {  	[tilespmem:s6], [sflag:$0x2] =	stream.indirect.gather [hbm4b:s4+s11], $0x20, s21, s11, $0xb8;
	[tilespmem:$0x1AD00] =	vst v63  }
0x54: {  	_ = 	snop  }
0x55: {  	[tilespmem:s9], [sflag:$0x2] =	stream.indirect.gather [hbm4b:s4+s11], $0x20, s8, s11, $0xb8;
	[tilespmem:$0x1AD00] =	vst v63  }
0x56: {  	_ = 	snop  }
0x57: {  	[tilespmem:s24], [sflag:$0x2] =	stream.indirect.gather [hbm4b:s4+s11], $0x20, s23, s11, $0xb8;
	[tilespmem:$0x1AD00] =	vst v63  }
0x58: {  	_ = 	snop  }
0x59: {  	[tilespmem:s26], [sflag:$0x2] =	stream.indirect.gather [hbm4b:s4+s11], $0x20, s25, s11, $0xb8;
	[tilespmem:$0x1AD00] =	vst v63  }
0x5a: {  	_ = 	snop  }
0x5b: {  	[tilespmem:s29], [sflag:$0x2] =	stream.indirect.gather [hbm4b:s4+s11], $0x20, s28, s11, $0xb8;
	[tilespmem:$0x1AD00] =	vst v63  }
0x5c: {  	_ = 	snop  }
0x5d: {  	[tilespmem:s31], [sflag:$0x2] =	stream.indirect.gather [hbm4b:s4+s11], $0x20, s30, s11, $0xb8;
	[tilespmem:$0x1AD00] =	vst v63  }
0x5e: {  	_ =	swait.ge [sflag:s0], $0xC80  }
0x5f: {  	[sflag:s0] =	ssyncset.done $0x0  }
0x60: {  	[sflag:s0] =	ssyncadd.s32 $0xFFFFF380  }
0x61: {  	_ =	swait.ge [sflag:s0], $0xC80  }
0x62: {  	[sflag:s0] =	ssyncset.done $0x0  }
0x63: {  	[sflag:s0] =	ssyncadd.s32 $0xFFFFF380  }
0x64: {  	_ =	swait.ge [sflag:s0], $0xC80  }
0x65: {  	[sflag:s0] =	ssyncset.done $0x0  }
0x66: {  	[sflag:s0] =	ssyncadd.s32 $0xFFFFF380  }
0x67: {  	_ =	swait.ge [sflag:s0], $0xC80  }
0x68: {  	[sflag:s0] =	ssyncset.done $0x0  }
0x69: {  	[sflag:s0] =	ssyncadd.s32 $0xFFFFF380  }
0x6a: {  	_ =	swait.ge [sflag:s0], $0xC80  }
0x6b: {  	[sflag:s0] =	ssyncset.done $0x0  }
0x6c: {  	[sflag:s0] =	ssyncadd.s32 $0xFFFFF380  }
0x6d: {  	_ =	swait.ge [sflag:s0], $0xC80  }
0x6e: {  	[sflag:s0] =	ssyncset.done $0x0  }
0x6f: {  	[sflag:s0] =	ssyncadd.s32 $0xFFFFF380  }
0x70: {  	_ =	swait.ge [sflag:s0], $0xC80  }
0x71: {  	[sflag:s0] =	ssyncset.done $0x0  }
0x72: {  	[sflag:s0] =	ssyncadd.s32 $0xFFFFF380  }
0x73: {  	_ =	swait.ge [sflag:s0], $0xC80  }
0x74: {  	[sflag:s0] =	ssyncset.done $0x0  }
0x75: {  	[sflag:s0] =	ssyncadd.s32 $0xFFFFF380  }
0x76: {  	_ =	swait.ge [sflag:s0], $0xC80  }
0x77: {  	[sflag:s0] =	ssyncset.done $0x0  }
0x78: {  	[sflag:s0] =	ssyncadd.s32 $0xFFFFF380  }
0x79: {  	_ =	swait.ge [sflag:s0], $0xC80  }
0x7a: {  	[sflag:s0] =	ssyncset.done $0x0  }
0x7b: {  	[sflag:s0] =	ssyncadd.s32 $0xFFFFF380  }
0x7c: {  	_ =	swait.ge [sflag:s0], $0xC80  }
0x7d: {  	[sflag:s0] =	ssyncset.done $0x0  }
0x7e: {  	[sflag:s0] =	ssyncadd.s32 $0xFFFFF380  }
0x7f: {  	_ =	swait.ge [sflag:s0], $0xC80  }
0x80: {  	[sflag:s0] =	ssyncset.done $0x0  }
0x81: {  	[sflag:s0] =	ssyncadd.s32 $0xFFFFF380  }
0x82: {  	_ =	swait.ge [sflag:s0], $0xC80  }
0x83: {  	[sflag:s0] =	ssyncset.done $0x0  }
0x84: {  	[sflag:s0] =	ssyncadd.s32 $0xFFFFF380  }
0x85: {  	_ =	swait.ge [sflag:s0], $0xC80  }
0x86: {  	[sflag:s0] =	ssyncset.done $0x0  }
0x87: {  	[sflag:s0] =	ssyncadd.s32 $0xFFFFF380  }
0x88: {  	_ =	swait.ge [sflag:s0], $0xC80  }
0x89: {  	[sflag:s0] =	ssyncset.done $0x0  }
0x8a: {  	[sflag:s0] =	ssyncadd.s32 $0xFFFFF380  }
0x8b: {  	_ =	swait.ge [sflag:s0], $0xC80  }
0x8c: {  	[sflag:s0] =	ssyncset.done $0x0  }
0x8d: {  	s17 =	simm.s32 $0x40;
	[sflag:s0] =	ssyncadd.s32 $0xFFFFF380  }
0x8e: {  	v0 =	vld [tilespmem:s17+$0xCC0]  }
0x8f: {  	v1 =	vld [tilespmem:s17+$0xCD0]  }
0x90: {  	v2 =	vld [tilespmem:s17+$0x1940]  }
0x91: {  	v3 =	vld [tilespmem:s17+$0x1950]  }
0x92: {  	v4 =	vld [tilespmem:s17+$0xCE0]  }
0x93: {  	v5 =	vimm.f32 $0.0e+00;
	v6 =	vld [tilespmem:s17+$0xCF0]  }
0x94: {  	v7 =	vld [tilespmem:s17+$0x1970];
	v0 =	vadd.f32 v0, v5;
	v1 =	vadd.f32 v1, v5  }
0x95: {  	v5 =	vld [tilespmem:s17+$0x1960]  }
0x96: {  	v8 =	vld [tilespmem:s17+$0xD10];
	v0 =	vadd.f32 v2, v0;
	v1 =	vadd.f32 v3, v1  }
0x97: {  	v3 =	vld [tilespmem:s17+$0xD00]  }
0x98: {  	v9 =	vld [tilespmem:s17+$0x1990];
	v0 =	vadd.f32 v4, v0;
	v1 =	vadd.f32 v6, v1  }
0x99: {  	v6 =	vld [tilespmem:s17+$0x1980]  }
0x9a: {  	v2 =	vld [tilespmem:s17+$0xD30];
	v0 =	vadd.f32 v5, v0;
	v4 =	vadd.f32 v7, v1  }
0x9b: {  	v1 =	vld [tilespmem:s17+$0xD20]  }
0x9c: {  	v5 =	vadd.f32 v3, v0;
	v7 =	vadd.f32 v8, v4;
	v3 =	vld [tilespmem:s17+$0x19A0]  }
0x9d: {  	s12 =	simm.s32 $0xC0;
	v4 =	vld [tilespmem:s17+$0x19B0]  }
0x9e: {  	s16 =	simm.s32 $0x500;
	v0 =	vld [tilespmem:s12+$0xCC0];
	v6 =	vadd.f32 v6, v5;
	v5 =	vadd.f32 v9, v7  }
.LBB2_3:
0x9f: {  	p0 =	sne.s32 s16, $0x3100;
	v7 =	vld [tilespmem:s12+$0xCD0]  }
0xa0: {  	v8 =	vld [tilespmem:s12+$0x1940];
	v1 =	vadd.f32 v1, v6;
	v2 =	vadd.f32 v2, v5  }
0xa1: {  	v5 =	vld [tilespmem:s12+$0x1950]  }
0xa2: {  	v6 =	vld [tilespmem:s12+$0xCE0];
	v1 =	vadd.f32 v3, v1;
	v2 =	vadd.f32 v4, v2  }
0xa3: {  	v3 =	vld [tilespmem:s12+$0xCF0]  }
0xa4: {  	v0 =	vadd.f32 v0, v1;
	v1 =	vadd.f32 v7, v2;
	v2 =	vld [tilespmem:s12+$0x1960]  }
0xa5: {  	v4 =	vld [tilespmem:s12+$0x1970]  }
0xa6: {  	v0 =	vadd.f32 v8, v0;
	v1 =	vadd.f32 v5, v1;
	v5 =	vld [tilespmem:s12+$0xD00]  }
0xa7: {  	v7 =	vld [tilespmem:s12+$0xD10]  }
0xa8: {  	v0 =	vadd.f32 v6, v0;
	v1 =	vadd.f32 v3, v1;
	v6 =	vld [tilespmem:s12+$0x1980]  }
0xa9: {  	v8 =	vld [tilespmem:s12+$0x1990]  }
.Ltmp0:
0xaa: {  	v0 =	vadd.f32 v2, v0;
	v3 =	vadd.f32 v4, v1;
	v1 =	vld [tilespmem:s12+$0xD20];
	(pc) =	sbr.rel @p0 .LBB2_3-.Ltmp0, $4  }
0xab: {  	v2 =	vld [tilespmem:s12+$0xD30]  }
0xac: {  	v5 =	vadd.f32 v5, v0;
	v7 =	vadd.f32 v7, v3;
	v3 =	vld [tilespmem:s12+$0x19A0]  }
0xad: {  	v4 =	vld [tilespmem:s12+$0x19B0];
	s12 =	sshra.s32 s16, $0x2  }
0xae: {  	s16 =	sadd.s32 $0x200, s16;
	v0 =	vld [tilespmem:s12+$0xCC0];
	v6 =	vadd.f32 v6, v5;
	v5 =	vadd.f32 v8, v7  }
0xaf: {  	_ = 	snop  }
0xb0: {  	v7 =	vld [tilespmem:s12+$0xCD0];
	v1 =	vadd.f32 v1, v6  }
0xb1: {  	v6 =	vld [tilespmem:s12+$0x1940];
	v2 =	vadd.f32 v2, v5  }
0xb2: {  	v5 =	vld [tilespmem:s12+$0x1950];
	v1 =	vadd.f32 v3, v1  }
0xb3: {  	v3 =	vld [tilespmem:s12+$0xCE0];
	v2 =	vadd.f32 v4, v2  }
0xb4: {  	v4 =	vld [tilespmem:s12+$0xCF0];
	v0 =	vadd.f32 v0, v1  }
0xb5: {  	v1 =	vadd.f32 v7, v2;
	v2 =	vld [tilespmem:s12+$0x1960]  }
0xb6: {  	v7 =	vld [tilespmem:s12+$0x1970];
	v0 =	vadd.f32 v6, v0  }
0xb7: {  	v1 =	vadd.f32 v5, v1;
	v5 =	vld [tilespmem:s12+$0xD00]  }
0xb8: {  	v6 =	vld [tilespmem:s12+$0xD10];
	v0 =	vadd.f32 v3, v0  }
0xb9: {  	v1 =	vadd.f32 v4, v1;
	v3 =	vld [tilespmem:s12+$0x1980]  }
0xba: {  	v4 =	vld [tilespmem:s12+$0x1990];
	v0 =	vadd.f32 v2, v0  }
0xbb: {  	v1 =	vadd.f32 v7, v1;
	v2 =	vld [tilespmem:s12+$0xD20]  }
0xbc: {  	v7 =	vld [tilespmem:s12+$0xD30];
	v0 =	vadd.f32 v5, v0  }
0xbd: {  	v1 =	vadd.f32 v6, v1;
	v5 =	vld [tilespmem:s12+$0x19A0]  }
0xbe: {  	v6 =	vld [tilespmem:s12+$0x19B0];
	v0 =	vadd.f32 v3, v0  }
0xbf: {  	v1 =	vadd.f32 v4, v1  }
0xc0: {  	v0 =	vadd.f32 v2, v0  }
0xc1: {  	v1 =	vadd.f32 v7, v1  }
0xc2: {  	s17 =	sshll.u32 s14, $0x9;
	v0 =	vadd.f32 v5, v0  }
0xc3: {  	s12 =	sand.u32 $0x3FFFFE00, s17;
	v1 =	vadd.f32 v6, v1  }
0xc4: {  	[tilespmem:s12+$0x19D00] =	vst v0  }
0xc5: {  	s17 =	simm.s32 $0xFFFFF380;
	[tilespmem:s12+$0x19D10] =	vst v1  }
0xc6: {  	v0 =	vld [tilespmem:s17+$0x3280]  }
0xc7: {  	v1 =	vld [tilespmem:s17+$0x3290]  }
0xc8: {  	v2 =	vld [tilespmem:s17+$0x3F00]  }
0xc9: {  	v3 =	vld [tilespmem:s17+$0x3F10]  }
0xca: {  	v4 =	vld [tilespmem:s17+$0x32A0]  }
0xcb: {  	v5 =	vimm.f32 $0.0e+00;
	v6 =	vld [tilespmem:s17+$0x32B0]  }
0xcc: {  	v7 =	vld [tilespmem:s17+$0x3F30];
	v0 =	vadd.f32 v0, v5;
	v1 =	vadd.f32 v1, v5  }
0xcd: {  	v5 =	vld [tilespmem:s17+$0x3F20]  }
0xce: {  	v8 =	vld [tilespmem:s17+$0x32D0];
	v0 =	vadd.f32 v2, v0;
	v1 =	vadd.f32 v3, v1  }
0xcf: {  	v3 =	vld [tilespmem:s17+$0x32C0]  }
0xd0: {  	v9 =	vld [tilespmem:s17+$0x3F50];
	v0 =	vadd.f32 v4, v0;
	v1 =	vadd.f32 v6, v1  }
0xd1: {  	v6 =	vld [tilespmem:s17+$0x3F40]  }
0xd2: {  	v2 =	vld [tilespmem:s17+$0x32F0];
	v0 =	vadd.f32 v5, v0;
	v4 =	vadd.f32 v7, v1  }
0xd3: {  	v1 =	vld [tilespmem:s17+$0x32E0]  }
0xd4: {  	v5 =	vadd.f32 v3, v0;
	v7 =	vadd.f32 v8, v4;
	v3 =	vld [tilespmem:s17+$0x3F60]  }
0xd5: {  	s16 =	simm.s32 $0xFFFFF400;
	v4 =	vld [tilespmem:s17+$0x3F70]  }
0xd6: {  	v0 =	vld [tilespmem:s16+$0x3280];
	s17 =	simm.s32 $0xFFFFD200;
	v6 =	vadd.f32 v6, v5;
	v5 =	vadd.f32 v9, v7  }
.LBB2_5:
0xd7: {  	p0 =	sne.s32 s17, $0xFFFFFE00;
	v7 =	vld [tilespmem:s16+$0x3290]  }
0xd8: {  	v8 =	vld [tilespmem:s16+$0x3F00];
	v1 =	vadd.f32 v1, v6;
	v2 =	vadd.f32 v2, v5  }
0xd9: {  	v5 =	vld [tilespmem:s16+$0x3F10]  }
0xda: {  	v6 =	vld [tilespmem:s16+$0x32A0];
	v1 =	vadd.f32 v3, v1;
	v2 =	vadd.f32 v4, v2  }
0xdb: {  	v3 =	vld [tilespmem:s16+$0x32B0]  }
0xdc: {  	v0 =	vadd.f32 v0, v1;
	v1 =	vadd.f32 v7, v2;
	v2 =	vld [tilespmem:s16+$0x3F20]  }
0xdd: {  	v4 =	vld [tilespmem:s16+$0x3F30]  }
0xde: {  	v0 =	vadd.f32 v8, v0;
	v1 =	vadd.f32 v5, v1;
	v5 =	vld [tilespmem:s16+$0x32C0]  }
0xdf: {  	v7 =	vld [tilespmem:s16+$0x32D0]  }
0xe0: {  	v0 =	vadd.f32 v6, v0;
	v1 =	vadd.f32 v3, v1;
	v6 =	vld [tilespmem:s16+$0x3F40]  }
0xe1: {  	v8 =	vld [tilespmem:s16+$0x3F50]  }
.Ltmp1:
0xe2: {  	v0 =	vadd.f32 v2, v0;
	v3 =	vadd.f32 v4, v1;
	v1 =	vld [tilespmem:s16+$0x32E0];
	(pc) =	sbr.rel @p0 .LBB2_5-.Ltmp1, $4  }
0xe3: {  	v2 =	vld [tilespmem:s16+$0x32F0]  }
0xe4: {  	v5 =	vadd.f32 v5, v0;
	v7 =	vadd.f32 v7, v3;
	v3 =	vld [tilespmem:s16+$0x3F60]  }
0xe5: {  	v4 =	vld [tilespmem:s16+$0x3F70];
	s16 =	sshra.s32 s17, $0x2  }
0xe6: {  	s17 =	sadd.s32 $0x200, s17;
	v0 =	vld [tilespmem:s16+$0x3280];
	v6 =	vadd.f32 v6, v5;
	v5 =	vadd.f32 v8, v7  }
0xe7: {  	_ = 	snop  }
0xe8: {  	v7 =	vld [tilespmem:s16+$0x3290];
	v1 =	vadd.f32 v1, v6  }
0xe9: {  	v6 =	vld [tilespmem:s16+$0x3F00];
	v2 =	vadd.f32 v2, v5  }
0xea: {  	v5 =	vld [tilespmem:s16+$0x3F10];
	v1 =	vadd.f32 v3, v1  }
0xeb: {  	v3 =	vld [tilespmem:s16+$0x32A0];
	v2 =	vadd.f32 v4, v2  }
0xec: {  	v4 =	vld [tilespmem:s16+$0x32B0];
	v0 =	vadd.f32 v0, v1  }
0xed: {  	v1 =	vadd.f32 v7, v2;
	v2 =	vld [tilespmem:s16+$0x3F20]  }
0xee: {  	v7 =	vld [tilespmem:s16+$0x3F30];
	v0 =	vadd.f32 v6, v0  }
0xef: {  	v1 =	vadd.f32 v5, v1;
	v5 =	vld [tilespmem:s16+$0x32C0]  }
0xf0: {  	v6 =	vld [tilespmem:s16+$0x32D0];
	v0 =	vadd.f32 v3, v0  }
0xf1: {  	v1 =	vadd.f32 v4, v1;
	v3 =	vld [tilespmem:s16+$0x3F40]  }
0xf2: {  	v4 =	vld [tilespmem:s16+$0x3F50];
	v0 =	vadd.f32 v2, v0  }
0xf3: {  	v1 =	vadd.f32 v7, v1;
	v2 =	vld [tilespmem:s16+$0x32E0]  }
0xf4: {  	v7 =	vld [tilespmem:s16+$0x32F0];
	v0 =	vadd.f32 v5, v0  }
0xf5: {  	v1 =	vadd.f32 v6, v1;
	v5 =	vld [tilespmem:s16+$0x3F60]  }
0xf6: {  	v6 =	vld [tilespmem:s16+$0x3F70];
	v0 =	vadd.f32 v3, v0  }
0xf7: {  	v1 =	vadd.f32 v4, v1  }
0xf8: {  	v0 =	vadd.f32 v2, v0  }
0xf9: {  	v1 =	vadd.f32 v7, v1  }
0xfa: {  	v0 =	vadd.f32 v5, v0  }
0xfb: {  	v1 =	vadd.f32 v6, v1  }
0xfc: {  	[tilespmem:s12+$0x19D20] =	vst v0  }
0xfd: {  	s17 =	simm.s32 $0xFFFFF380;
	[tilespmem:s12+$0x19D30] =	vst v1  }
0xfe: {  	v0 =	vld [tilespmem:s17+$0x4B80]  }
0xff: {  	v1 =	vld [tilespmem:s17+$0x4B90]  }
0x100: {  	v2 =	vld [tilespmem:s17+$0x5800]  }
0x101: {  	v3 =	vld [tilespmem:s17+$0x5810]  }
0x102: {  	v4 =	vld [tilespmem:s17+$0x4BA0]  }
0x103: {  	v5 =	vimm.f32 $0.0e+00;
	v6 =	vld [tilespmem:s17+$0x4BB0]  }
0x104: {  	v7 =	vld [tilespmem:s17+$0x5830];
	v0 =	vadd.f32 v0, v5;
	v1 =	vadd.f32 v1, v5  }
0x105: {  	v5 =	vld [tilespmem:s17+$0x5820]  }
0x106: {  	v8 =	vld [tilespmem:s17+$0x4BD0];
	v0 =	vadd.f32 v2, v0;
	v1 =	vadd.f32 v3, v1  }
0x107: {  	v3 =	vld [tilespmem:s17+$0x4BC0]  }
0x108: {  	v9 =	vld [tilespmem:s17+$0x5850];
	v0 =	vadd.f32 v4, v0;
	v1 =	vadd.f32 v6, v1  }
0x109: {  	v6 =	vld [tilespmem:s17+$0x5840]  }
0x10a: {  	v2 =	vld [tilespmem:s17+$0x4BF0];
	v0 =	vadd.f32 v5, v0;
	v4 =	vadd.f32 v7, v1  }
0x10b: {  	v1 =	vld [tilespmem:s17+$0x4BE0]  }
0x10c: {  	v5 =	vadd.f32 v3, v0;
	v7 =	vadd.f32 v8, v4;
	v3 =	vld [tilespmem:s17+$0x5860]  }
0x10d: {  	s16 =	simm.s32 $0xFFFFF400;
	v4 =	vld [tilespmem:s17+$0x5870]  }
0x10e: {  	v0 =	vld [tilespmem:s16+$0x4B80];
	s17 =	simm.s32 $0xFFFFD200;
	v6 =	vadd.f32 v6, v5;
	v5 =	vadd.f32 v9, v7  }
.LBB2_7:
0x10f: {  	p0 =	sne.s32 s17, $0xFFFFFE00;
	v7 =	vld [tilespmem:s16+$0x4B90]  }
0x110: {  	v8 =	vld [tilespmem:s16+$0x5800];
	v1 =	vadd.f32 v1, v6;
	v2 =	vadd.f32 v2, v5  }
0x111: {  	v5 =	vld [tilespmem:s16+$0x5810]  }
0x112: {  	v6 =	vld [tilespmem:s16+$0x4BA0];
	v1 =	vadd.f32 v3, v1;
	v2 =	vadd.f32 v4, v2  }
0x113: {  	v3 =	vld [tilespmem:s16+$0x4BB0]  }
0x114: {  	v0 =	vadd.f32 v0, v1;
	v1 =	vadd.f32 v7, v2;
	v2 =	vld [tilespmem:s16+$0x5820]  }
0x115: {  	v4 =	vld [tilespmem:s16+$0x5830]  }
0x116: {  	v0 =	vadd.f32 v8, v0;
	v1 =	vadd.f32 v5, v1;
	v5 =	vld [tilespmem:s16+$0x4BC0]  }
0x117: {  	v7 =	vld [tilespmem:s16+$0x4BD0]  }
0x118: {  	v0 =	vadd.f32 v6, v0;
	v1 =	vadd.f32 v3, v1;
	v6 =	vld [tilespmem:s16+$0x5840]  }
0x119: {  	v8 =	vld [tilespmem:s16+$0x5850]  }
.Ltmp2:
0x11a: {  	v0 =	vadd.f32 v2, v0;
	v3 =	vadd.f32 v4, v1;
	v1 =	vld [tilespmem:s16+$0x4BE0];
	(pc) =	sbr.rel @p0 .LBB2_7-.Ltmp2, $4  }
0x11b: {  	v2 =	vld [tilespmem:s16+$0x4BF0]  }
0x11c: {  	v5 =	vadd.f32 v5, v0;
	v7 =	vadd.f32 v7, v3;
	v3 =	vld [tilespmem:s16+$0x5860]  }
0x11d: {  	v4 =	vld [tilespmem:s16+$0x5870];
	s16 =	sshra.s32 s17, $0x2  }
0x11e: {  	s17 =	sadd.s32 $0x200, s17;
	v0 =	vld [tilespmem:s16+$0x4B80];
	v6 =	vadd.f32 v6, v5;
	v5 =	vadd.f32 v8, v7  }
0x11f: {  	_ = 	snop  }
0x120: {  	v7 =	vld [tilespmem:s16+$0x4B90];
	v1 =	vadd.f32 v1, v6  }
0x121: {  	v6 =	vld [tilespmem:s16+$0x5800];
	v2 =	vadd.f32 v2, v5  }
0x122: {  	v5 =	vld [tilespmem:s16+$0x5810];
	v1 =	vadd.f32 v3, v1  }
0x123: {  	v3 =	vld [tilespmem:s16+$0x4BA0];
	v2 =	vadd.f32 v4, v2  }
0x124: {  	v4 =	vld [tilespmem:s16+$0x4BB0];
	v0 =	vadd.f32 v0, v1  }
0x125: {  	v1 =	vadd.f32 v7, v2;
	v2 =	vld [tilespmem:s16+$0x5820]  }
0x126: {  	v7 =	vld [tilespmem:s16+$0x5830];
	v0 =	vadd.f32 v6, v0  }
0x127: {  	v1 =	vadd.f32 v5, v1;
	v5 =	vld [tilespmem:s16+$0x4BC0]  }
0x128: {  	v6 =	vld [tilespmem:s16+$0x4BD0];
	v0 =	vadd.f32 v3, v0  }
0x129: {  	v1 =	vadd.f32 v4, v1;
	v3 =	vld [tilespmem:s16+$0x5840]  }
0x12a: {  	v4 =	vld [tilespmem:s16+$0x5850];
	v0 =	vadd.f32 v2, v0  }
0x12b: {  	v1 =	vadd.f32 v7, v1;
	v2 =	vld [tilespmem:s16+$0x4BE0]  }
0x12c: {  	v7 =	vld [tilespmem:s16+$0x4BF0];
	v0 =	vadd.f32 v5, v0  }
0x12d: {  	v1 =	vadd.f32 v6, v1;
	v5 =	vld [tilespmem:s16+$0x5860]  }
0x12e: {  	v6 =	vld [tilespmem:s16+$0x5870];
	v0 =	vadd.f32 v3, v0  }
0x12f: {  	v1 =	vadd.f32 v4, v1  }
0x130: {  	v0 =	vadd.f32 v2, v0  }
0x131: {  	v1 =	vadd.f32 v7, v1  }
0x132: {  	v0 =	vadd.f32 v5, v0  }
0x133: {  	v1 =	vadd.f32 v6, v1  }
0x134: {  	[tilespmem:s12+$0x19D40] =	vst v0  }
0x135: {  	s17 =	simm.s32 $0x0;
	[tilespmem:s12+$0x19D50] =	vst v1  }
0x136: {  	v0 =	vld [tilespmem:s17+$0x5800]  }
0x137: {  	v1 =	vld [tilespmem:s17+$0x5810]  }
0x138: {  	v2 =	vld [tilespmem:s17+$0x6480]  }
0x139: {  	v3 =	vld [tilespmem:s17+$0x6490]  }
0x13a: {  	v4 =	vld [tilespmem:s17+$0x5820]  }
0x13b: {  	v5 =	vimm.f32 $0.0e+00;
	v6 =	vld [tilespmem:s17+$0x5830]  }
0x13c: {  	v7 =	vld [tilespmem:s17+$0x64B0];
	v0 =	vadd.f32 v0, v5;
	v1 =	vadd.f32 v1, v5  }
0x13d: {  	v5 =	vld [tilespmem:s17+$0x64A0]  }
0x13e: {  	v8 =	vld [tilespmem:s17+$0x5850];
	v0 =	vadd.f32 v2, v0;
	v1 =	vadd.f32 v3, v1  }
0x13f: {  	v3 =	vld [tilespmem:s17+$0x5840]  }
0x140: {  	v9 =	vld [tilespmem:s17+$0x64D0];
	v0 =	vadd.f32 v4, v0;
	v1 =	vadd.f32 v6, v1  }
0x141: {  	v6 =	vld [tilespmem:s17+$0x64C0]  }
0x142: {  	v2 =	vld [tilespmem:s17+$0x5870];
	v0 =	vadd.f32 v5, v0;
	v4 =	vadd.f32 v7, v1  }
0x143: {  	v1 =	vld [tilespmem:s17+$0x5860]  }
0x144: {  	v5 =	vadd.f32 v3, v0;
	v7 =	vadd.f32 v8, v4;
	v3 =	vld [tilespmem:s17+$0x64E0]  }
0x145: {  	s16 =	simm.s32 $0x80;
	v4 =	vld [tilespmem:s17+$0x64F0]  }
0x146: {  	v0 =	vld [tilespmem:s16+$0x5800];
	s17 =	simm.s32 $0x400;
	v6 =	vadd.f32 v6, v5;
	v5 =	vadd.f32 v9, v7  }
.LBB2_9:
0x147: {  	p0 =	sne.s32 s17, $0x3000;
	v7 =	vld [tilespmem:s16+$0x5810]  }
0x148: {  	v8 =	vld [tilespmem:s16+$0x6480];
	v1 =	vadd.f32 v1, v6;
	v2 =	vadd.f32 v2, v5  }
0x149: {  	v5 =	vld [tilespmem:s16+$0x6490]  }
0x14a: {  	v6 =	vld [tilespmem:s16+$0x5820];
	v1 =	vadd.f32 v3, v1;
	v2 =	vadd.f32 v4, v2  }
0x14b: {  	v3 =	vld [tilespmem:s16+$0x5830]  }
0x14c: {  	v0 =	vadd.f32 v0, v1;
	v1 =	vadd.f32 v7, v2;
	v2 =	vld [tilespmem:s16+$0x64A0]  }
0x14d: {  	v4 =	vld [tilespmem:s16+$0x64B0]  }
0x14e: {  	v0 =	vadd.f32 v8, v0;
	v1 =	vadd.f32 v5, v1;
	v5 =	vld [tilespmem:s16+$0x5840]  }
0x14f: {  	v7 =	vld [tilespmem:s16+$0x5850]  }
0x150: {  	v0 =	vadd.f32 v6, v0;
	v1 =	vadd.f32 v3, v1;
	v6 =	vld [tilespmem:s16+$0x64C0]  }
0x151: {  	v8 =	vld [tilespmem:s16+$0x64D0]  }
.Ltmp3:
0x152: {  	v0 =	vadd.f32 v2, v0;
	v3 =	vadd.f32 v4, v1;
	v1 =	vld [tilespmem:s16+$0x5860];
	(pc) =	sbr.rel @p0 .LBB2_9-.Ltmp3, $4  }
0x153: {  	v2 =	vld [tilespmem:s16+$0x5870]  }
0x154: {  	v5 =	vadd.f32 v5, v0;
	v7 =	vadd.f32 v7, v3;
	v3 =	vld [tilespmem:s16+$0x64E0]  }
0x155: {  	v4 =	vld [tilespmem:s16+$0x64F0];
	s16 =	sshra.s32 s17, $0x2  }
0x156: {  	s17 =	sadd.s32 $0x200, s17;
	v0 =	vld [tilespmem:s16+$0x5800];
	v6 =	vadd.f32 v6, v5;
	v5 =	vadd.f32 v8, v7  }
0x157: {  	_ = 	snop  }
0x158: {  	v7 =	vld [tilespmem:s16+$0x5810];
	v1 =	vadd.f32 v1, v6  }
0x159: {  	v6 =	vld [tilespmem:s16+$0x6480];
	v2 =	vadd.f32 v2, v5  }
0x15a: {  	v5 =	vld [tilespmem:s16+$0x6490];
	v1 =	vadd.f32 v3, v1  }
0x15b: {  	v3 =	vld [tilespmem:s16+$0x5820];
	v2 =	vadd.f32 v4, v2  }
0x15c: {  	v4 =	vld [tilespmem:s16+$0x5830];
	v0 =	vadd.f32 v0, v1  }
0x15d: {  	v1 =	vadd.f32 v7, v2;
	v2 =	vld [tilespmem:s16+$0x64A0]  }
0x15e: {  	v7 =	vld [tilespmem:s16+$0x64B0];
	v0 =	vadd.f32 v6, v0  }
0x15f: {  	v1 =	vadd.f32 v5, v1;
	v5 =	vld [tilespmem:s16+$0x5840]  }
0x160: {  	v6 =	vld [tilespmem:s16+$0x5850];
	v0 =	vadd.f32 v3, v0  }
0x161: {  	v1 =	vadd.f32 v4, v1;
	v3 =	vld [tilespmem:s16+$0x64C0]  }
0x162: {  	v4 =	vld [tilespmem:s16+$0x64D0];
	v0 =	vadd.f32 v2, v0  }
0x163: {  	v1 =	vadd.f32 v7, v1;
	v2 =	vld [tilespmem:s16+$0x5860]  }
0x164: {  	v7 =	vld [tilespmem:s16+$0x5870];
	v0 =	vadd.f32 v5, v0  }
0x165: {  	v1 =	vadd.f32 v6, v1;
	v5 =	vld [tilespmem:s16+$0x64E0]  }
0x166: {  	v6 =	vld [tilespmem:s16+$0x64F0];
	v0 =	vadd.f32 v3, v0  }
0x167: {  	v1 =	vadd.f32 v4, v1  }
0x168: {  	v0 =	vadd.f32 v2, v0  }
0x169: {  	v1 =	vadd.f32 v7, v1  }
0x16a: {  	v0 =	vadd.f32 v5, v0  }
0x16b: {  	v1 =	vadd.f32 v6, v1  }
0x16c: {  	[tilespmem:s12+$0x19D60] =	vst v0  }
0x16d: {  	s17 =	simm.s32 $0x0;
	[tilespmem:s12+$0x19D70] =	vst v1  }
0x16e: {  	v0 =	vld [tilespmem:s17+$0x7100]  }
0x16f: {  	v1 =	vld [tilespmem:s17+$0x7110]  }
0x170: {  	v2 =	vld [tilespmem:s17+$0x7D80]  }
0x171: {  	v3 =	vld [tilespmem:s17+$0x7D90]  }
0x172: {  	v4 =	vld [tilespmem:s17+$0x7120]  }
0x173: {  	v5 =	vimm.f32 $0.0e+00;
	v6 =	vld [tilespmem:s17+$0x7130]  }
0x174: {  	v7 =	vld [tilespmem:s17+$0x7DB0];
	v0 =	vadd.f32 v0, v5;
	v1 =	vadd.f32 v1, v5  }
0x175: {  	v5 =	vld [tilespmem:s17+$0x7DA0]  }
0x176: {  	v8 =	vld [tilespmem:s17+$0x7150];
	v0 =	vadd.f32 v2, v0;
	v1 =	vadd.f32 v3, v1  }
0x177: {  	v3 =	vld [tilespmem:s17+$0x7140]  }
0x178: {  	v9 =	vld [tilespmem:s17+$0x7DD0];
	v0 =	vadd.f32 v4, v0;
	v1 =	vadd.f32 v6, v1  }
0x179: {  	v6 =	vld [tilespmem:s17+$0x7DC0]  }
0x17a: {  	v2 =	vld [tilespmem:s17+$0x7170];
	v0 =	vadd.f32 v5, v0;
	v4 =	vadd.f32 v7, v1  }
0x17b: {  	v1 =	vld [tilespmem:s17+$0x7160]  }
0x17c: {  	v5 =	vadd.f32 v3, v0;
	v7 =	vadd.f32 v8, v4;
	v3 =	vld [tilespmem:s17+$0x7DE0]  }
0x17d: {  	s16 =	simm.s32 $0x80;
	v4 =	vld [tilespmem:s17+$0x7DF0]  }
0x17e: {  	v0 =	vld [tilespmem:s16+$0x7100];
	s17 =	simm.s32 $0x400;
	v6 =	vadd.f32 v6, v5;
	v5 =	vadd.f32 v9, v7  }
.LBB2_11:
0x17f: {  	p0 =	sne.s32 s17, $0x3000;
	v7 =	vld [tilespmem:s16+$0x7110]  }
0x180: {  	v8 =	vld [tilespmem:s16+$0x7D80];
	v1 =	vadd.f32 v1, v6;
	v2 =	vadd.f32 v2, v5  }
0x181: {  	v5 =	vld [tilespmem:s16+$0x7D90]  }
0x182: {  	v6 =	vld [tilespmem:s16+$0x7120];
	v1 =	vadd.f32 v3, v1;
	v2 =	vadd.f32 v4, v2  }
0x183: {  	v3 =	vld [tilespmem:s16+$0x7130]  }
0x184: {  	v0 =	vadd.f32 v0, v1;
	v1 =	vadd.f32 v7, v2;
	v2 =	vld [tilespmem:s16+$0x7DA0]  }
0x185: {  	v4 =	vld [tilespmem:s16+$0x7DB0]  }
0x186: {  	v0 =	vadd.f32 v8, v0;
	v1 =	vadd.f32 v5, v1;
	v5 =	vld [tilespmem:s16+$0x7140]  }
0x187: {  	v7 =	vld [tilespmem:s16+$0x7150]  }
0x188: {  	v0 =	vadd.f32 v6, v0;
	v1 =	vadd.f32 v3, v1;
	v6 =	vld [tilespmem:s16+$0x7DC0]  }
0x189: {  	v8 =	vld [tilespmem:s16+$0x7DD0]  }
.Ltmp4:
0x18a: {  	v0 =	vadd.f32 v2, v0;
	v3 =	vadd.f32 v4, v1;
	v1 =	vld [tilespmem:s16+$0x7160];
	(pc) =	sbr.rel @p0 .LBB2_11-.Ltmp4, $4  }
0x18b: {  	v2 =	vld [tilespmem:s16+$0x7170]  }
0x18c: {  	v5 =	vadd.f32 v5, v0;
	v7 =	vadd.f32 v7, v3;
	v3 =	vld [tilespmem:s16+$0x7DE0]  }
0x18d: {  	v4 =	vld [tilespmem:s16+$0x7DF0];
	s16 =	sshra.s32 s17, $0x2  }
0x18e: {  	s17 =	sadd.s32 $0x200, s17;
	v0 =	vld [tilespmem:s16+$0x7100];
	v6 =	vadd.f32 v6, v5;
	v5 =	vadd.f32 v8, v7  }
0x18f: {  	_ = 	snop  }
0x190: {  	v7 =	vld [tilespmem:s16+$0x7110];
	v1 =	vadd.f32 v1, v6  }
0x191: {  	v6 =	vld [tilespmem:s16+$0x7D80];
	v2 =	vadd.f32 v2, v5  }
0x192: {  	v5 =	vld [tilespmem:s16+$0x7D90];
	v1 =	vadd.f32 v3, v1  }
0x193: {  	v3 =	vld [tilespmem:s16+$0x7120];
	v2 =	vadd.f32 v4, v2  }
0x194: {  	v4 =	vld [tilespmem:s16+$0x7130];
	v0 =	vadd.f32 v0, v1  }
0x195: {  	v1 =	vadd.f32 v7, v2;
	v2 =	vld [tilespmem:s16+$0x7DA0]  }
0x196: {  	v7 =	vld [tilespmem:s16+$0x7DB0];
	v0 =	vadd.f32 v6, v0  }
0x197: {  	v1 =	vadd.f32 v5, v1;
	v5 =	vld [tilespmem:s16+$0x7140]  }
0x198: {  	v6 =	vld [tilespmem:s16+$0x7150];
	v0 =	vadd.f32 v3, v0  }
0x199: {  	v1 =	vadd.f32 v4, v1;
	v3 =	vld [tilespmem:s16+$0x7DC0]  }
0x19a: {  	v4 =	vld [tilespmem:s16+$0x7DD0];
	v0 =	vadd.f32 v2, v0  }
0x19b: {  	v1 =	vadd.f32 v7, v1;
	v2 =	vld [tilespmem:s16+$0x7160]  }
0x19c: {  	v7 =	vld [tilespmem:s16+$0x7170];
	v0 =	vadd.f32 v5, v0  }
0x19d: {  	v1 =	vadd.f32 v6, v1;
	v5 =	vld [tilespmem:s16+$0x7DE0]  }
0x19e: {  	v6 =	vld [tilespmem:s16+$0x7DF0];
	v0 =	vadd.f32 v3, v0  }
0x19f: {  	v1 =	vadd.f32 v4, v1  }
0x1a0: {  	v0 =	vadd.f32 v2, v0  }
0x1a1: {  	v1 =	vadd.f32 v7, v1  }
0x1a2: {  	v0 =	vadd.f32 v5, v0  }
0x1a3: {  	v1 =	vadd.f32 v6, v1  }
0x1a4: {  	[tilespmem:s12+$0x19D80] =	vst v0  }
0x1a5: {  	s17 =	simm.s32 $0x0;
	[tilespmem:s12+$0x19D90] =	vst v1  }
0x1a6: {  	v0 =	vld [tilespmem:s17+$0x8A00]  }
0x1a7: {  	v1 =	vld [tilespmem:s17+$0x8A10]  }
0x1a8: {  	v2 =	vld [tilespmem:s17+$0x9680]  }
0x1a9: {  	v3 =	vld [tilespmem:s17+$0x9690]  }
0x1aa: {  	v4 =	vld [tilespmem:s17+$0x8A20]  }
0x1ab: {  	v5 =	vimm.f32 $0.0e+00;
	v6 =	vld [tilespmem:s17+$0x8A30]  }
0x1ac: {  	v7 =	vld [tilespmem:s17+$0x96B0];
	v0 =	vadd.f32 v0, v5;
	v1 =	vadd.f32 v1, v5  }
0x1ad: {  	v5 =	vld [tilespmem:s17+$0x96A0]  }
0x1ae: {  	v8 =	vld [tilespmem:s17+$0x8A50];
	v0 =	vadd.f32 v2, v0;
	v1 =	vadd.f32 v3, v1  }
0x1af: {  	v3 =	vld [tilespmem:s17+$0x8A40]  }
0x1b0: {  	v9 =	vld [tilespmem:s17+$0x96D0];
	v0 =	vadd.f32 v4, v0;
	v1 =	vadd.f32 v6, v1  }
0x1b1: {  	v6 =	vld [tilespmem:s17+$0x96C0]  }
0x1b2: {  	v2 =	vld [tilespmem:s17+$0x8A70];
	v0 =	vadd.f32 v5, v0;
	v4 =	vadd.f32 v7, v1  }
0x1b3: {  	v1 =	vld [tilespmem:s17+$0x8A60]  }
0x1b4: {  	v5 =	vadd.f32 v3, v0;
	v7 =	vadd.f32 v8, v4;
	v3 =	vld [tilespmem:s17+$0x96E0]  }
0x1b5: {  	s16 =	simm.s32 $0x80;
	v4 =	vld [tilespmem:s17+$0x96F0]  }
0x1b6: {  	v0 =	vld [tilespmem:s16+$0x8A00];
	s17 =	simm.s32 $0x400;
	v6 =	vadd.f32 v6, v5;
	v5 =	vadd.f32 v9, v7  }
.LBB2_13:
0x1b7: {  	p0 =	sne.s32 s17, $0x3000;
	v7 =	vld [tilespmem:s16+$0x8A10]  }
0x1b8: {  	v8 =	vld [tilespmem:s16+$0x9680];
	v1 =	vadd.f32 v1, v6;
	v2 =	vadd.f32 v2, v5  }
0x1b9: {  	v5 =	vld [tilespmem:s16+$0x9690]  }
0x1ba: {  	v6 =	vld [tilespmem:s16+$0x8A20];
	v1 =	vadd.f32 v3, v1;
	v2 =	vadd.f32 v4, v2  }
0x1bb: {  	v3 =	vld [tilespmem:s16+$0x8A30]  }
0x1bc: {  	v0 =	vadd.f32 v0, v1;
	v1 =	vadd.f32 v7, v2;
	v2 =	vld [tilespmem:s16+$0x96A0]  }
0x1bd: {  	v4 =	vld [tilespmem:s16+$0x96B0]  }
0x1be: {  	v0 =	vadd.f32 v8, v0;
	v1 =	vadd.f32 v5, v1;
	v5 =	vld [tilespmem:s16+$0x8A40]  }
0x1bf: {  	v7 =	vld [tilespmem:s16+$0x8A50]  }
0x1c0: {  	v0 =	vadd.f32 v6, v0;
	v1 =	vadd.f32 v3, v1;
	v6 =	vld [tilespmem:s16+$0x96C0]  }
0x1c1: {  	v8 =	vld [tilespmem:s16+$0x96D0]  }
.Ltmp5:
0x1c2: {  	v0 =	vadd.f32 v2, v0;
	v3 =	vadd.f32 v4, v1;
	v1 =	vld [tilespmem:s16+$0x8A60];
	(pc) =	sbr.rel @p0 .LBB2_13-.Ltmp5, $4  }
0x1c3: {  	v2 =	vld [tilespmem:s16+$0x8A70]  }
0x1c4: {  	v5 =	vadd.f32 v5, v0;
	v7 =	vadd.f32 v7, v3;
	v3 =	vld [tilespmem:s16+$0x96E0]  }
0x1c5: {  	v4 =	vld [tilespmem:s16+$0x96F0];
	s16 =	sshra.s32 s17, $0x2  }
0x1c6: {  	s17 =	sadd.s32 $0x200, s17;
	v0 =	vld [tilespmem:s16+$0x8A00];
	v6 =	vadd.f32 v6, v5;
	v5 =	vadd.f32 v8, v7  }
0x1c7: {  	_ = 	snop  }
0x1c8: {  	v7 =	vld [tilespmem:s16+$0x8A10];
	v1 =	vadd.f32 v1, v6  }
0x1c9: {  	v6 =	vld [tilespmem:s16+$0x9680];
	v2 =	vadd.f32 v2, v5  }
0x1ca: {  	v5 =	vld [tilespmem:s16+$0x9690];
	v1 =	vadd.f32 v3, v1  }
0x1cb: {  	v3 =	vld [tilespmem:s16+$0x8A20];
	v2 =	vadd.f32 v4, v2  }
0x1cc: {  	v4 =	vld [tilespmem:s16+$0x8A30];
	v0 =	vadd.f32 v0, v1  }
0x1cd: {  	v1 =	vadd.f32 v7, v2;
	v2 =	vld [tilespmem:s16+$0x96A0]  }
0x1ce: {  	v7 =	vld [tilespmem:s16+$0x96B0];
	v0 =	vadd.f32 v6, v0  }
0x1cf: {  	v1 =	vadd.f32 v5, v1;
	v5 =	vld [tilespmem:s16+$0x8A40]  }
0x1d0: {  	v6 =	vld [tilespmem:s16+$0x8A50];
	v0 =	vadd.f32 v3, v0  }
0x1d1: {  	v1 =	vadd.f32 v4, v1;
	v3 =	vld [tilespmem:s16+$0x96C0]  }
0x1d2: {  	v4 =	vld [tilespmem:s16+$0x96D0];
	v0 =	vadd.f32 v2, v0  }
0x1d3: {  	v1 =	vadd.f32 v7, v1;
	v2 =	vld [tilespmem:s16+$0x8A60]  }
0x1d4: {  	v7 =	vld [tilespmem:s16+$0x8A70];
	v0 =	vadd.f32 v5, v0  }
0x1d5: {  	v1 =	vadd.f32 v6, v1;
	v5 =	vld [tilespmem:s16+$0x96E0]  }
0x1d6: {  	v6 =	vld [tilespmem:s16+$0x96F0];
	v0 =	vadd.f32 v3, v0  }
0x1d7: {  	v1 =	vadd.f32 v4, v1  }
0x1d8: {  	v0 =	vadd.f32 v2, v0  }
0x1d9: {  	v1 =	vadd.f32 v7, v1  }
0x1da: {  	v0 =	vadd.f32 v5, v0  }
0x1db: {  	v1 =	vadd.f32 v6, v1  }
0x1dc: {  	[tilespmem:s12+$0x19DA0] =	vst v0  }
0x1dd: {  	s17 =	simm.s32 $0x0;
	[tilespmem:s12+$0x19DB0] =	vst v1  }
0x1de: {  	v0 =	vld [tilespmem:s17+$0xA300]  }
0x1df: {  	v1 =	vld [tilespmem:s17+$0xA310]  }
0x1e0: {  	v2 =	vld [tilespmem:s17+$0xAF80]  }
0x1e1: {  	v3 =	vld [tilespmem:s17+$0xAF90]  }
0x1e2: {  	v4 =	vld [tilespmem:s17+$0xA320]  }
0x1e3: {  	v5 =	vimm.f32 $0.0e+00;
	v6 =	vld [tilespmem:s17+$0xA330]  }
0x1e4: {  	v7 =	vld [tilespmem:s17+$0xAFB0];
	v0 =	vadd.f32 v0, v5;
	v1 =	vadd.f32 v1, v5  }
0x1e5: {  	v5 =	vld [tilespmem:s17+$0xAFA0]  }
0x1e6: {  	v8 =	vld [tilespmem:s17+$0xA350];
	v0 =	vadd.f32 v2, v0;
	v1 =	vadd.f32 v3, v1  }
0x1e7: {  	v3 =	vld [tilespmem:s17+$0xA340]  }
0x1e8: {  	v9 =	vld [tilespmem:s17+$0xAFD0];
	v0 =	vadd.f32 v4, v0;
	v1 =	vadd.f32 v6, v1  }
0x1e9: {  	v6 =	vld [tilespmem:s17+$0xAFC0]  }
0x1ea: {  	v2 =	vld [tilespmem:s17+$0xA370];
	v0 =	vadd.f32 v5, v0;
	v4 =	vadd.f32 v7, v1  }
0x1eb: {  	v1 =	vld [tilespmem:s17+$0xA360]  }
0x1ec: {  	v5 =	vadd.f32 v3, v0;
	v7 =	vadd.f32 v8, v4;
	v3 =	vld [tilespmem:s17+$0xAFE0]  }
0x1ed: {  	s16 =	simm.s32 $0x80;
	v4 =	vld [tilespmem:s17+$0xAFF0]  }
0x1ee: {  	v0 =	vld [tilespmem:s16+$0xA300];
	s17 =	simm.s32 $0x400;
	v6 =	vadd.f32 v6, v5;
	v5 =	vadd.f32 v9, v7  }
.LBB2_15:
0x1ef: {  	p0 =	sne.s32 s17, $0x3000;
	v7 =	vld [tilespmem:s16+$0xA310]  }
0x1f0: {  	v8 =	vld [tilespmem:s16+$0xAF80];
	v1 =	vadd.f32 v1, v6;
	v2 =	vadd.f32 v2, v5  }
0x1f1: {  	v5 =	vld [tilespmem:s16+$0xAF90]  }
0x1f2: {  	v6 =	vld [tilespmem:s16+$0xA320];
	v1 =	vadd.f32 v3, v1;
	v2 =	vadd.f32 v4, v2  }
0x1f3: {  	v3 =	vld [tilespmem:s16+$0xA330]  }
0x1f4: {  	v0 =	vadd.f32 v0, v1;
	v1 =	vadd.f32 v7, v2;
	v2 =	vld [tilespmem:s16+$0xAFA0]  }
0x1f5: {  	v4 =	vld [tilespmem:s16+$0xAFB0]  }
0x1f6: {  	v0 =	vadd.f32 v8, v0;
	v1 =	vadd.f32 v5, v1;
	v5 =	vld [tilespmem:s16+$0xA340]  }
0x1f7: {  	v7 =	vld [tilespmem:s16+$0xA350]  }
0x1f8: {  	v0 =	vadd.f32 v6, v0;
	v1 =	vadd.f32 v3, v1;
	v6 =	vld [tilespmem:s16+$0xAFC0]  }
0x1f9: {  	v8 =	vld [tilespmem:s16+$0xAFD0]  }
.Ltmp6:
0x1fa: {  	v0 =	vadd.f32 v2, v0;
	v3 =	vadd.f32 v4, v1;
	v1 =	vld [tilespmem:s16+$0xA360];
	(pc) =	sbr.rel @p0 .LBB2_15-.Ltmp6, $4  }
0x1fb: {  	v2 =	vld [tilespmem:s16+$0xA370]  }
0x1fc: {  	v5 =	vadd.f32 v5, v0;
	v7 =	vadd.f32 v7, v3;
	v3 =	vld [tilespmem:s16+$0xAFE0]  }
0x1fd: {  	v4 =	vld [tilespmem:s16+$0xAFF0];
	s16 =	sshra.s32 s17, $0x2  }
0x1fe: {  	s17 =	sadd.s32 $0x200, s17;
	v0 =	vld [tilespmem:s16+$0xA300];
	v6 =	vadd.f32 v6, v5;
	v5 =	vadd.f32 v8, v7  }
0x1ff: {  	_ = 	snop  }
0x200: {  	v7 =	vld [tilespmem:s16+$0xA310];
	v1 =	vadd.f32 v1, v6  }
0x201: {  	v6 =	vld [tilespmem:s16+$0xAF80];
	v2 =	vadd.f32 v2, v5  }
0x202: {  	v5 =	vld [tilespmem:s16+$0xAF90];
	v1 =	vadd.f32 v3, v1  }
0x203: {  	v3 =	vld [tilespmem:s16+$0xA320];
	v2 =	vadd.f32 v4, v2  }
0x204: {  	v4 =	vld [tilespmem:s16+$0xA330];
	v0 =	vadd.f32 v0, v1  }
0x205: {  	v1 =	vadd.f32 v7, v2;
	v2 =	vld [tilespmem:s16+$0xAFA0]  }
0x206: {  	v7 =	vld [tilespmem:s16+$0xAFB0];
	v0 =	vadd.f32 v6, v0  }
0x207: {  	v1 =	vadd.f32 v5, v1;
	v5 =	vld [tilespmem:s16+$0xA340]  }
0x208: {  	v6 =	vld [tilespmem:s16+$0xA350];
	v0 =	vadd.f32 v3, v0  }
0x209: {  	v1 =	vadd.f32 v4, v1;
	v3 =	vld [tilespmem:s16+$0xAFC0]  }
0x20a: {  	v4 =	vld [tilespmem:s16+$0xAFD0];
	v0 =	vadd.f32 v2, v0  }
0x20b: {  	v1 =	vadd.f32 v7, v1;
	v2 =	vld [tilespmem:s16+$0xA360]  }
0x20c: {  	v7 =	vld [tilespmem:s16+$0xA370];
	v0 =	vadd.f32 v5, v0  }
0x20d: {  	v1 =	vadd.f32 v6, v1;
	v5 =	vld [tilespmem:s16+$0xAFE0]  }
0x20e: {  	v6 =	vld [tilespmem:s16+$0xAFF0];
	v0 =	vadd.f32 v3, v0  }
0x20f: {  	v1 =	vadd.f32 v4, v1  }
0x210: {  	v0 =	vadd.f32 v2, v0  }
0x211: {  	v1 =	vadd.f32 v7, v1  }
0x212: {  	v0 =	vadd.f32 v5, v0  }
0x213: {  	v1 =	vadd.f32 v6, v1  }
0x214: {  	[tilespmem:s12+$0x19DC0] =	vst v0  }
0x215: {  	s17 =	simm.s32 $0x0;
	[tilespmem:s12+$0x19DD0] =	vst v1  }
0x216: {  	v0 =	vld [tilespmem:s17+$0xBC00]  }
0x217: {  	v1 =	vld [tilespmem:s17+$0xBC10]  }
0x218: {  	v2 =	vld [tilespmem:s17+$0xC880]  }
0x219: {  	v3 =	vld [tilespmem:s17+$0xC890]  }
0x21a: {  	v4 =	vld [tilespmem:s17+$0xBC20]  }
0x21b: {  	v5 =	vimm.f32 $0.0e+00;
	v6 =	vld [tilespmem:s17+$0xBC30]  }
0x21c: {  	v7 =	vld [tilespmem:s17+$0xC8B0];
	v0 =	vadd.f32 v0, v5;
	v1 =	vadd.f32 v1, v5  }
0x21d: {  	v5 =	vld [tilespmem:s17+$0xC8A0]  }
0x21e: {  	v8 =	vld [tilespmem:s17+$0xBC50];
	v0 =	vadd.f32 v2, v0;
	v1 =	vadd.f32 v3, v1  }
0x21f: {  	v3 =	vld [tilespmem:s17+$0xBC40]  }
0x220: {  	v9 =	vld [tilespmem:s17+$0xC8D0];
	v0 =	vadd.f32 v4, v0;
	v1 =	vadd.f32 v6, v1  }
0x221: {  	v6 =	vld [tilespmem:s17+$0xC8C0]  }
0x222: {  	v2 =	vld [tilespmem:s17+$0xBC70];
	v0 =	vadd.f32 v5, v0;
	v4 =	vadd.f32 v7, v1  }
0x223: {  	v1 =	vld [tilespmem:s17+$0xBC60]  }
0x224: {  	v5 =	vadd.f32 v3, v0;
	v7 =	vadd.f32 v8, v4;
	v3 =	vld [tilespmem:s17+$0xC8E0]  }
0x225: {  	s16 =	simm.s32 $0x80;
	v4 =	vld [tilespmem:s17+$0xC8F0]  }
0x226: {  	v0 =	vld [tilespmem:s16+$0xBC00];
	s17 =	simm.s32 $0x400;
	v6 =	vadd.f32 v6, v5;
	v5 =	vadd.f32 v9, v7  }
.LBB2_17:
0x227: {  	p0 =	sne.s32 s17, $0x3000;
	v7 =	vld [tilespmem:s16+$0xBC10]  }
0x228: {  	v8 =	vld [tilespmem:s16+$0xC880];
	v1 =	vadd.f32 v1, v6;
	v2 =	vadd.f32 v2, v5  }
0x229: {  	v5 =	vld [tilespmem:s16+$0xC890]  }
0x22a: {  	v6 =	vld [tilespmem:s16+$0xBC20];
	v1 =	vadd.f32 v3, v1;
	v2 =	vadd.f32 v4, v2  }
0x22b: {  	v3 =	vld [tilespmem:s16+$0xBC30]  }
0x22c: {  	v0 =	vadd.f32 v0, v1;
	v1 =	vadd.f32 v7, v2;
	v2 =	vld [tilespmem:s16+$0xC8A0]  }
0x22d: {  	v4 =	vld [tilespmem:s16+$0xC8B0]  }
0x22e: {  	v0 =	vadd.f32 v8, v0;
	v1 =	vadd.f32 v5, v1;
	v5 =	vld [tilespmem:s16+$0xBC40]  }
0x22f: {  	v7 =	vld [tilespmem:s16+$0xBC50]  }
0x230: {  	v0 =	vadd.f32 v6, v0;
	v1 =	vadd.f32 v3, v1;
	v6 =	vld [tilespmem:s16+$0xC8C0]  }
0x231: {  	v8 =	vld [tilespmem:s16+$0xC8D0]  }
.Ltmp7:
0x232: {  	v0 =	vadd.f32 v2, v0;
	v3 =	vadd.f32 v4, v1;
	v1 =	vld [tilespmem:s16+$0xBC60];
	(pc) =	sbr.rel @p0 .LBB2_17-.Ltmp7, $4  }
0x233: {  	v2 =	vld [tilespmem:s16+$0xBC70]  }
0x234: {  	v5 =	vadd.f32 v5, v0;
	v7 =	vadd.f32 v7, v3;
	v3 =	vld [tilespmem:s16+$0xC8E0]  }
0x235: {  	v4 =	vld [tilespmem:s16+$0xC8F0];
	s16 =	sshra.s32 s17, $0x2  }
0x236: {  	s17 =	sadd.s32 $0x200, s17;
	v0 =	vld [tilespmem:s16+$0xBC00];
	v6 =	vadd.f32 v6, v5;
	v5 =	vadd.f32 v8, v7  }
0x237: {  	_ = 	snop  }
0x238: {  	v7 =	vld [tilespmem:s16+$0xBC10];
	v1 =	vadd.f32 v1, v6  }
0x239: {  	v6 =	vld [tilespmem:s16+$0xC880];
	v2 =	vadd.f32 v2, v5  }
0x23a: {  	v5 =	vld [tilespmem:s16+$0xC890];
	v1 =	vadd.f32 v3, v1  }
0x23b: {  	v3 =	vld [tilespmem:s16+$0xBC20];
	v2 =	vadd.f32 v4, v2  }
0x23c: {  	v4 =	vld [tilespmem:s16+$0xBC30];
	v0 =	vadd.f32 v0, v1  }
0x23d: {  	v1 =	vadd.f32 v7, v2;
	v2 =	vld [tilespmem:s16+$0xC8A0]  }
0x23e: {  	v7 =	vld [tilespmem:s16+$0xC8B0];
	v0 =	vadd.f32 v6, v0  }
0x23f: {  	v1 =	vadd.f32 v5, v1;
	v5 =	vld [tilespmem:s16+$0xBC40]  }
0x240: {  	v6 =	vld [tilespmem:s16+$0xBC50];
	v0 =	vadd.f32 v3, v0  }
0x241: {  	v1 =	vadd.f32 v4, v1;
	v3 =	vld [tilespmem:s16+$0xC8C0]  }
0x242: {  	v4 =	vld [tilespmem:s16+$0xC8D0];
	v0 =	vadd.f32 v2, v0  }
0x243: {  	v1 =	vadd.f32 v7, v1;
	v2 =	vld [tilespmem:s16+$0xBC60]  }
0x244: {  	v7 =	vld [tilespmem:s16+$0xBC70];
	v0 =	vadd.f32 v5, v0  }
0x245: {  	v1 =	vadd.f32 v6, v1;
	v5 =	vld [tilespmem:s16+$0xC8E0]  }
0x246: {  	v6 =	vld [tilespmem:s16+$0xC8F0];
	v0 =	vadd.f32 v3, v0  }
0x247: {  	v1 =	vadd.f32 v4, v1  }
0x248: {  	v0 =	vadd.f32 v2, v0  }
0x249: {  	p0 =	seq.s32 s14, $0x7;
	v1 =	vadd.f32 v7, v1  }
0x24a: {  	s15 =	sadd.s32 @!p0 s15, s7;
	v0 =	vadd.f32 v5, v0  }
0x24b: {  	s15 =	smul.u32 @!p0 $0x1A, s15;
	v1 =	vadd.f32 v6, v1  }
0x24c: {  	[tilespmem:s12+$0x19DE0] =	vst v0  }
0x24d: {  	s15 =	sadd.s32 @!p0 s3, s15;
	s16 =	simm.s32 @!p0 $0x0;
	[tilespmem:s12+$0x19DF0] =	vst v1  }
0x24e: {  	[tilespmem:s16], [sflag:$0x3] =	stream.linear.gather @!p0 [hbm4b:s15+s16], $0x680, $0x38;
	[tilespmem:$0x1AD00] =	vst v63  }
0x24f: {  	s15 =	simm.s32 @!p0 $0x3  }
0x250: {  	_ =	swait.ge @!p0 [sflag:s15], $0x680  }
0x251: {  	[sflag:s15] =	ssyncset.done @!p0 $0x0  }
0x252: {  	s17 =	simm.s32 @!p0 $0xD00;
	[sflag:s15] =	ssyncadd.s32 @!p0 $0xFFFFF980;
	s15 =	simm.s32 @!p0 $0x64  }
0x253: {  	[tilespmem:s17], [sflag:$0x1] =	stream.indirect.gather @!p0 [hbm4b:s4+s15], $0x20, s16, s15, $0xb8;
	[tilespmem:$0x1AD00] =	vst v63  }
0x254: {  	s16 =	simm.s32 @!p0 $0x68;
	s17 =	simm.s32 @!p0 $0x1980  }
0x255: {  	[tilespmem:s17], [sflag:$0x1] =	stream.indirect.gather @!p0 [hbm4b:s4+s15], $0x20, s16, s15, $0xb8;
	[tilespmem:$0x1AD00] =	vst v63  }
0x256: {  	s16 =	simm.s32 @!p0 $0xD0;
	s17 =	simm.s32 @!p0 $0x2600  }
0x257: {  	[tilespmem:s17], [sflag:$0x1] =	stream.indirect.gather @!p0 [hbm4b:s4+s15], $0x20, s16, s15, $0xb8;
	[tilespmem:$0x1AD00] =	vst v63  }
0x258: {  	s16 =	simm.s32 @!p0 $0x138;
	s17 =	simm.s32 @!p0 $0x3280  }
0x259: {  	[tilespmem:s17], [sflag:$0x1] =	stream.indirect.gather @!p0 [hbm4b:s4+s15], $0x20, s16, s15, $0xb8;
	[tilespmem:$0x1AD00] =	vst v63  }
0x25a: {  	s16 =	simm.s32 @!p0 $0x1A0;
	s17 =	simm.s32 @!p0 $0x3F00  }
0x25b: {  	[tilespmem:s17], [sflag:$0x1] =	stream.indirect.gather @!p0 [hbm4b:s4+s15], $0x20, s16, s15, $0xb8;
	[tilespmem:$0x1AD00] =	vst v63  }
0x25c: {  	s16 =	simm.s32 @!p0 $0x208;
	s17 =	simm.s32 @!p0 $0x4B80  }
0x25d: {  	[tilespmem:s17], [sflag:$0x1] =	stream.indirect.gather @!p0 [hbm4b:s4+s15], $0x20, s16, s15, $0xb8;
	[tilespmem:$0x1AD00] =	vst v63  }
0x25e: {  	s16 =	simm.s32 @!p0 $0x270;
	s17 =	simm.s32 @!p0 $0x5800  }
0x25f: {  	[tilespmem:s17], [sflag:$0x1] =	stream.indirect.gather @!p0 [hbm4b:s4+s15], $0x20, s16, s15, $0xb8;
	[tilespmem:$0x1AD00] =	vst v63  }
0x260: {  	s16 =	simm.s32 @!p0 $0x2D8;
	s17 =	simm.s32 @!p0 $0x6480  }
0x261: {  	[tilespmem:s17], [sflag:$0x1] =	stream.indirect.gather @!p0 [hbm4b:s4+s15], $0x20, s16, s15, $0xb8;
	[tilespmem:$0x1AD00] =	vst v63  }
0x262: {  	s16 =	simm.s32 @!p0 $0x340;
	s17 =	simm.s32 @!p0 $0x7100  }
0x263: {  	[tilespmem:s17], [sflag:$0x1] =	stream.indirect.gather @!p0 [hbm4b:s4+s15], $0x20, s16, s15, $0xb8;
	[tilespmem:$0x1AD00] =	vst v63  }
0x264: {  	s16 =	simm.s32 @!p0 $0x3A8;
	s17 =	simm.s32 @!p0 $0x7D80  }
0x265: {  	[tilespmem:s17], [sflag:$0x1] =	stream.indirect.gather @!p0 [hbm4b:s4+s15], $0x20, s16, s15, $0xb8;
	[tilespmem:$0x1AD00] =	vst v63  }
0x266: {  	s16 =	simm.s32 @!p0 $0x410;
	s17 =	simm.s32 @!p0 $0x8A00  }
0x267: {  	[tilespmem:s17], [sflag:$0x1] =	stream.indirect.gather @!p0 [hbm4b:s4+s15], $0x20, s16, s15, $0xb8;
	[tilespmem:$0x1AD00] =	vst v63  }
0x268: {  	s16 =	simm.s32 @!p0 $0x478;
	s17 =	simm.s32 @!p0 $0x9680  }
0x269: {  	[tilespmem:s17], [sflag:$0x1] =	stream.indirect.gather @!p0 [hbm4b:s4+s15], $0x20, s16, s15, $0xb8;
	[tilespmem:$0x1AD00] =	vst v63  }
0x26a: {  	s16 =	simm.s32 @!p0 $0x4E0;
	s17 =	simm.s32 @!p0 $0xA300  }
0x26b: {  	[tilespmem:s17], [sflag:$0x1] =	stream.indirect.gather @!p0 [hbm4b:s4+s15], $0x20, s16, s15, $0xb8;
	[tilespmem:$0x1AD00] =	vst v63  }
0x26c: {  	s16 =	simm.s32 @!p0 $0x548;
	s17 =	simm.s32 @!p0 $0xAF80  }
0x26d: {  	[tilespmem:s17], [sflag:$0x1] =	stream.indirect.gather @!p0 [hbm4b:s4+s15], $0x20, s16, s15, $0xb8;
	[tilespmem:$0x1AD00] =	vst v63  }
0x26e: {  	s16 =	simm.s32 @!p0 $0x5B0;
	s17 =	simm.s32 @!p0 $0xBC00  }
0x26f: {  	[tilespmem:s17], [sflag:$0x1] =	stream.indirect.gather @!p0 [hbm4b:s4+s15], $0x20, s16, s15, $0xb8;
	[tilespmem:$0x1AD00] =	vst v63  }
0x270: {  	s16 =	simm.s32 @!p0 $0x618;
	s17 =	simm.s32 @!p0 $0xC880  }
0x271: {  	[tilespmem:s17], [sflag:$0x1] =	stream.indirect.gather @!p0 [hbm4b:s4+s15], $0x20, s16, s15, $0xb8;
	[tilespmem:$0x1AD00] =	vst v63  }
0x272: {  	_ =	swait.ge [sflag:s1], $0xC80  }
0x273: {  	[sflag:s1] =	ssyncset.done $0x0  }
0x274: {  	[sflag:s1] =	ssyncadd.s32 $0xFFFFF380  }
0x275: {  	_ =	swait.ge [sflag:s1], $0xC80  }
0x276: {  	[sflag:s1] =	ssyncset.done $0x0  }
0x277: {  	[sflag:s1] =	ssyncadd.s32 $0xFFFFF380  }
0x278: {  	_ =	swait.ge [sflag:s1], $0xC80  }
0x279: {  	[sflag:s1] =	ssyncset.done $0x0  }
0x27a: {  	[sflag:s1] =	ssyncadd.s32 $0xFFFFF380  }
0x27b: {  	_ =	swait.ge [sflag:s1], $0xC80  }
0x27c: {  	[sflag:s1] =	ssyncset.done $0x0  }
0x27d: {  	[sflag:s1] =	ssyncadd.s32 $0xFFFFF380  }
0x27e: {  	_ =	swait.ge [sflag:s1], $0xC80  }
0x27f: {  	[sflag:s1] =	ssyncset.done $0x0  }
0x280: {  	[sflag:s1] =	ssyncadd.s32 $0xFFFFF380  }
0x281: {  	_ =	swait.ge [sflag:s1], $0xC80  }
0x282: {  	[sflag:s1] =	ssyncset.done $0x0  }
0x283: {  	[sflag:s1] =	ssyncadd.s32 $0xFFFFF380  }
0x284: {  	_ =	swait.ge [sflag:s1], $0xC80  }
0x285: {  	[sflag:s1] =	ssyncset.done $0x0  }
0x286: {  	[sflag:s1] =	ssyncadd.s32 $0xFFFFF380  }
0x287: {  	_ =	swait.ge [sflag:s1], $0xC80  }
0x288: {  	[sflag:s1] =	ssyncset.done $0x0  }
0x289: {  	[sflag:s1] =	ssyncadd.s32 $0xFFFFF380  }
0x28a: {  	_ =	swait.ge [sflag:s1], $0xC80  }
0x28b: {  	[sflag:s1] =	ssyncset.done $0x0  }
0x28c: {  	[sflag:s1] =	ssyncadd.s32 $0xFFFFF380  }
0x28d: {  	_ =	swait.ge [sflag:s1], $0xC80  }
0x28e: {  	[sflag:s1] =	ssyncset.done $0x0  }
0x28f: {  	[sflag:s1] =	ssyncadd.s32 $0xFFFFF380  }
0x290: {  	_ =	swait.ge [sflag:s1], $0xC80  }
0x291: {  	[sflag:s1] =	ssyncset.done $0x0  }
0x292: {  	[sflag:s1] =	ssyncadd.s32 $0xFFFFF380  }
0x293: {  	_ =	swait.ge [sflag:s1], $0xC80  }
0x294: {  	[sflag:s1] =	ssyncset.done $0x0  }
0x295: {  	[sflag:s1] =	ssyncadd.s32 $0xFFFFF380  }
0x296: {  	_ =	swait.ge [sflag:s1], $0xC80  }
0x297: {  	[sflag:s1] =	ssyncset.done $0x0  }
0x298: {  	[sflag:s1] =	ssyncadd.s32 $0xFFFFF380  }
0x299: {  	_ =	swait.ge [sflag:s1], $0xC80  }
0x29a: {  	[sflag:s1] =	ssyncset.done $0x0  }
0x29b: {  	[sflag:s1] =	ssyncadd.s32 $0xFFFFF380  }
0x29c: {  	_ =	swait.ge [sflag:s1], $0xC80  }
0x29d: {  	[sflag:s1] =	ssyncset.done $0x0  }
0x29e: {  	[sflag:s1] =	ssyncadd.s32 $0xFFFFF380  }
0x29f: {  	_ =	swait.ge [sflag:s1], $0xC80  }
0x2a0: {  	[sflag:s1] =	ssyncset.done $0x0  }
0x2a1: {  	s17 =	simm.s32 $0x40;
	[sflag:s1] =	ssyncadd.s32 $0xFFFFF380  }
0x2a2: {  	v0 =	vld [tilespmem:s17+$0xD4C0]  }
0x2a3: {  	v1 =	vld [tilespmem:s17+$0xD4D0]  }
0x2a4: {  	v2 =	vld [tilespmem:s17+$0xE140]  }
0x2a5: {  	v3 =	vld [tilespmem:s17+$0xE150]  }
0x2a6: {  	v4 =	vld [tilespmem:s17+$0xD4E0]  }
0x2a7: {  	v5 =	vimm.f32 $0.0e+00;
	v6 =	vld [tilespmem:s17+$0xD4F0]  }
0x2a8: {  	v7 =	vld [tilespmem:s17+$0xE170];
	v0 =	vadd.f32 v0, v5;
	v1 =	vadd.f32 v1, v5  }
0x2a9: {  	v5 =	vld [tilespmem:s17+$0xE160]  }
0x2aa: {  	v0 =	vadd.f32 v2, v0;
	v1 =	vadd.f32 v3, v1;
	v2 =	vld [tilespmem:s17+$0xD500]  }
0x2ab: {  	v3 =	vld [tilespmem:s17+$0xD510]  }
0x2ac: {  	v8 =	vld [tilespmem:s17+$0xE190];
	v0 =	vadd.f32 v4, v0;
	v1 =	vadd.f32 v6, v1  }
0x2ad: {  	v6 =	vld [tilespmem:s17+$0xE180]  }
0x2ae: {  	v4 =	vadd.f32 v5, v0;
	v5 =	vadd.f32 v7, v1;
	v0 =	vld [tilespmem:s17+$0xD520]  }
0x2af: {  	v1 =	vld [tilespmem:s17+$0xD530]  }
0x2b0: {  	v7 =	vadd.f32 v2, v4;
	v5 =	vadd.f32 v3, v5;
	v2 =	vld [tilespmem:s17+$0xE1A0]  }
0x2b1: {  	s15 =	simm.s32 $0xC0;
	v4 =	vld [tilespmem:s17+$0xE1B0]  }
0x2b2: {  	s14 =	sadd.s32 $0x1, s14;
	s16 =	simm.s32 $0x500;
	v3 =	vld [tilespmem:s15+$0xD4C0];
	v6 =	vadd.f32 v6, v7;
	v5 =	vadd.f32 v8, v5  }
.LBB2_19:
0x2b3: {  	p0 =	sne.s32 s16, $0x3100;
	v7 =	vld [tilespmem:s15+$0xD4D0]  }
0x2b4: {  	v8 =	vld [tilespmem:s15+$0xE140];
	v0 =	vadd.f32 v0, v6;
	v1 =	vadd.f32 v1, v5  }
0x2b5: {  	v5 =	vld [tilespmem:s15+$0xE150]  }
0x2b6: {  	v6 =	vld [tilespmem:s15+$0xD4E0];
	v0 =	vadd.f32 v2, v0;
	v1 =	vadd.f32 v4, v1  }
0x2b7: {  	v2 =	vld [tilespmem:s15+$0xD4F0]  }
0x2b8: {  	v0 =	vadd.f32 v3, v0;
	v1 =	vadd.f32 v7, v1;
	v3 =	vld [tilespmem:s15+$0xE160]  }
0x2b9: {  	v4 =	vld [tilespmem:s15+$0xE170]  }
0x2ba: {  	v0 =	vadd.f32 v8, v0;
	v1 =	vadd.f32 v5, v1;
	v5 =	vld [tilespmem:s15+$0xD500]  }
0x2bb: {  	v7 =	vld [tilespmem:s15+$0xD510]  }
0x2bc: {  	v0 =	vadd.f32 v6, v0;
	v1 =	vadd.f32 v2, v1;
	v6 =	vld [tilespmem:s15+$0xE180]  }
0x2bd: {  	v8 =	vld [tilespmem:s15+$0xE190]  }
.Ltmp8:
0x2be: {  	v2 =	vadd.f32 v3, v0;
	v3 =	vadd.f32 v4, v1;
	v0 =	vld [tilespmem:s15+$0xD520];
	(pc) =	sbr.rel @p0 .LBB2_19-.Ltmp8, $4  }
0x2bf: {  	v1 =	vld [tilespmem:s15+$0xD530]  }
0x2c0: {  	v5 =	vadd.f32 v5, v2;
	v7 =	vadd.f32 v7, v3;
	v2 =	vld [tilespmem:s15+$0xE1A0]  }
0x2c1: {  	v4 =	vld [tilespmem:s15+$0xE1B0];
	s15 =	sshra.s32 s16, $0x2  }
0x2c2: {  	s16 =	sadd.s32 $0x200, s16;
	v3 =	vld [tilespmem:s15+$0xD4C0];
	v6 =	vadd.f32 v6, v5;
	v5 =	vadd.f32 v8, v7  }
0x2c3: {  	_ = 	snop  }
0x2c4: {  	v7 =	vld [tilespmem:s15+$0xD4D0];
	v0 =	vadd.f32 v0, v6  }
0x2c5: {  	v6 =	vld [tilespmem:s15+$0xE140];
	v1 =	vadd.f32 v1, v5  }
0x2c6: {  	v5 =	vld [tilespmem:s15+$0xE150];
	v0 =	vadd.f32 v2, v0  }
0x2c7: {  	v2 =	vld [tilespmem:s15+$0xD4E0];
	v1 =	vadd.f32 v4, v1  }
0x2c8: {  	v4 =	vld [tilespmem:s15+$0xD4F0];
	v0 =	vadd.f32 v3, v0  }
0x2c9: {  	v1 =	vadd.f32 v7, v1;
	v3 =	vld [tilespmem:s15+$0xE160]  }
0x2ca: {  	v7 =	vld [tilespmem:s15+$0xE170];
	v0 =	vadd.f32 v6, v0  }
0x2cb: {  	v1 =	vadd.f32 v5, v1;
	v5 =	vld [tilespmem:s15+$0xD500]  }
0x2cc: {  	v6 =	vld [tilespmem:s15+$0xD510];
	v0 =	vadd.f32 v2, v0  }
0x2cd: {  	v1 =	vadd.f32 v4, v1;
	v2 =	vld [tilespmem:s15+$0xE180]  }
0x2ce: {  	v4 =	vld [tilespmem:s15+$0xE190];
	v0 =	vadd.f32 v3, v0  }
0x2cf: {  	v1 =	vadd.f32 v7, v1;
	v3 =	vld [tilespmem:s15+$0xD520]  }
0x2d0: {  	v7 =	vld [tilespmem:s15+$0xD530];
	v0 =	vadd.f32 v5, v0  }
0x2d1: {  	v1 =	vadd.f32 v6, v1;
	v5 =	vld [tilespmem:s15+$0xE1A0]  }
0x2d2: {  	v6 =	vld [tilespmem:s15+$0xE1B0];
	v0 =	vadd.f32 v2, v0  }
0x2d3: {  	v1 =	vadd.f32 v4, v1  }
0x2d4: {  	v0 =	vadd.f32 v3, v0  }
0x2d5: {  	v1 =	vadd.f32 v7, v1  }
0x2d6: {  	s13 =	sshll.u32 s13, $0x5;
	v0 =	vadd.f32 v5, v0  }
0x2d7: {  	s13 =	sand.u32 $0x3FFFFFE0, s13;
	v1 =	vadd.f32 v6, v1  }
0x2d8: {  	[tilespmem:s13+$0x19D00] =	vst v0  }
0x2d9: {  	s17 =	simm.s32 $0xFFFFF380;
	[tilespmem:s13+$0x19D10] =	vst v1  }
0x2da: {  	v0 =	vld [tilespmem:s17+$0xFA80]  }
0x2db: {  	v1 =	vld [tilespmem:s17+$0xFA90]  }
0x2dc: {  	v2 =	vld [tilespmem:s17+$0x10700]  }
0x2dd: {  	v3 =	vld [tilespmem:s17+$0x10710]  }
0x2de: {  	v4 =	vld [tilespmem:s17+$0xFAA0]  }
0x2df: {  	v5 =	vimm.f32 $0.0e+00;
	v6 =	vld [tilespmem:s17+$0xFAB0]  }
0x2e0: {  	v7 =	vld [tilespmem:s17+$0x10730];
	v0 =	vadd.f32 v0, v5;
	v1 =	vadd.f32 v1, v5  }
0x2e1: {  	v5 =	vld [tilespmem:s17+$0x10720]  }
0x2e2: {  	v8 =	vld [tilespmem:s17+$0xFAD0];
	v0 =	vadd.f32 v2, v0;
	v1 =	vadd.f32 v3, v1  }
0x2e3: {  	v3 =	vld [tilespmem:s17+$0xFAC0]  }
0x2e4: {  	v9 =	vld [tilespmem:s17+$0x10750];
	v0 =	vadd.f32 v4, v0;
	v1 =	vadd.f32 v6, v1  }
0x2e5: {  	v6 =	vld [tilespmem:s17+$0x10740]  }
0x2e6: {  	v2 =	vld [tilespmem:s17+$0xFAF0];
	v0 =	vadd.f32 v5, v0;
	v4 =	vadd.f32 v7, v1  }
0x2e7: {  	v1 =	vld [tilespmem:s17+$0xFAE0]  }
0x2e8: {  	v5 =	vadd.f32 v3, v0;
	v7 =	vadd.f32 v8, v4;
	v3 =	vld [tilespmem:s17+$0x10760]  }
0x2e9: {  	s13 =	simm.s32 $0xFFFFF400;
	v4 =	vld [tilespmem:s17+$0x10770]  }
0x2ea: {  	s15 =	simm.s32 $0xFFFFD200;
	v0 =	vld [tilespmem:s13+$0xFA80];
	v6 =	vadd.f32 v6, v5;
	v5 =	vadd.f32 v9, v7  }
.LBB2_21:
0x2eb: {  	p0 =	sne.s32 s15, $0xFFFFFE00;
	v7 =	vld [tilespmem:s13+$0xFA90]  }
0x2ec: {  	v8 =	vld [tilespmem:s13+$0x10700];
	v1 =	vadd.f32 v1, v6;
	v2 =	vadd.f32 v2, v5  }
0x2ed: {  	v5 =	vld [tilespmem:s13+$0x10710]  }
0x2ee: {  	v6 =	vld [tilespmem:s13+$0xFAA0];
	v1 =	vadd.f32 v3, v1;
	v2 =	vadd.f32 v4, v2  }
0x2ef: {  	v3 =	vld [tilespmem:s13+$0xFAB0]  }
0x2f0: {  	v0 =	vadd.f32 v0, v1;
	v1 =	vadd.f32 v7, v2;
	v2 =	vld [tilespmem:s13+$0x10720]  }
0x2f1: {  	v4 =	vld [tilespmem:s13+$0x10730]  }
0x2f2: {  	v0 =	vadd.f32 v8, v0;
	v1 =	vadd.f32 v5, v1;
	v5 =	vld [tilespmem:s13+$0xFAC0]  }
0x2f3: {  	v7 =	vld [tilespmem:s13+$0xFAD0]  }
0x2f4: {  	v0 =	vadd.f32 v6, v0;
	v1 =	vadd.f32 v3, v1;
	v6 =	vld [tilespmem:s13+$0x10740]  }
0x2f5: {  	v8 =	vld [tilespmem:s13+$0x10750]  }
.Ltmp9:
0x2f6: {  	v0 =	vadd.f32 v2, v0;
	v3 =	vadd.f32 v4, v1;
	v1 =	vld [tilespmem:s13+$0xFAE0];
	(pc) =	sbr.rel @p0 .LBB2_21-.Ltmp9, $4  }
0x2f7: {  	v2 =	vld [tilespmem:s13+$0xFAF0]  }
0x2f8: {  	v5 =	vadd.f32 v5, v0;
	v7 =	vadd.f32 v7, v3;
	v3 =	vld [tilespmem:s13+$0x10760]  }
0x2f9: {  	v4 =	vld [tilespmem:s13+$0x10770];
	s13 =	sshra.s32 s15, $0x2  }
0x2fa: {  	s15 =	sadd.s32 $0x200, s15;
	v0 =	vld [tilespmem:s13+$0xFA80];
	v6 =	vadd.f32 v6, v5;
	v5 =	vadd.f32 v8, v7  }
0x2fb: {  	_ = 	snop  }
0x2fc: {  	v7 =	vld [tilespmem:s13+$0xFA90];
	v1 =	vadd.f32 v1, v6  }
0x2fd: {  	v6 =	vld [tilespmem:s13+$0x10700];
	v2 =	vadd.f32 v2, v5  }
0x2fe: {  	v5 =	vld [tilespmem:s13+$0x10710];
	v1 =	vadd.f32 v3, v1  }
0x2ff: {  	v3 =	vld [tilespmem:s13+$0xFAA0];
	v2 =	vadd.f32 v4, v2  }
0x300: {  	v4 =	vld [tilespmem:s13+$0xFAB0];
	v0 =	vadd.f32 v0, v1  }
0x301: {  	v1 =	vadd.f32 v7, v2;
	v2 =	vld [tilespmem:s13+$0x10720]  }
0x302: {  	v7 =	vld [tilespmem:s13+$0x10730];
	v0 =	vadd.f32 v6, v0  }
0x303: {  	v1 =	vadd.f32 v5, v1;
	v5 =	vld [tilespmem:s13+$0xFAC0]  }
0x304: {  	v6 =	vld [tilespmem:s13+$0xFAD0];
	v0 =	vadd.f32 v3, v0  }
0x305: {  	v1 =	vadd.f32 v4, v1;
	v3 =	vld [tilespmem:s13+$0x10740]  }
0x306: {  	v4 =	vld [tilespmem:s13+$0x10750];
	v0 =	vadd.f32 v2, v0  }
0x307: {  	v1 =	vadd.f32 v7, v1;
	v2 =	vld [tilespmem:s13+$0xFAE0]  }
0x308: {  	v7 =	vld [tilespmem:s13+$0xFAF0];
	v0 =	vadd.f32 v5, v0  }
0x309: {  	v1 =	vadd.f32 v6, v1;
	v5 =	vld [tilespmem:s13+$0x10760]  }
0x30a: {  	v6 =	vld [tilespmem:s13+$0x10770];
	v0 =	vadd.f32 v3, v0  }
0x30b: {  	v1 =	vadd.f32 v4, v1  }
0x30c: {  	v0 =	vadd.f32 v2, v0  }
0x30d: {  	v1 =	vadd.f32 v7, v1  }
0x30e: {  	v0 =	vadd.f32 v5, v0  }
0x30f: {  	v1 =	vadd.f32 v6, v1  }
0x310: {  	[tilespmem:s12+$0x19E20] =	vst v0  }
0x311: {  	s15 =	simm.s32 $0xFFFFF380;
	[tilespmem:s12+$0x19E30] =	vst v1  }
0x312: {  	v0 =	vld [tilespmem:s15+$0x11380]  }
0x313: {  	v1 =	vld [tilespmem:s15+$0x11390]  }
0x314: {  	v2 =	vld [tilespmem:s15+$0x12000]  }
0x315: {  	v3 =	vld [tilespmem:s15+$0x12010]  }
0x316: {  	v4 =	vld [tilespmem:s15+$0x113A0]  }
0x317: {  	v5 =	vimm.f32 $0.0e+00;
	v6 =	vld [tilespmem:s15+$0x113B0]  }
0x318: {  	v7 =	vld [tilespmem:s15+$0x12030];
	v0 =	vadd.f32 v0, v5;
	v1 =	vadd.f32 v1, v5  }
0x319: {  	v5 =	vld [tilespmem:s15+$0x12020]  }
0x31a: {  	v8 =	vld [tilespmem:s15+$0x113D0];
	v0 =	vadd.f32 v2, v0;
	v1 =	vadd.f32 v3, v1  }
0x31b: {  	v3 =	vld [tilespmem:s15+$0x113C0]  }
0x31c: {  	v9 =	vld [tilespmem:s15+$0x12050];
	v0 =	vadd.f32 v4, v0;
	v1 =	vadd.f32 v6, v1  }
0x31d: {  	v6 =	vld [tilespmem:s15+$0x12040]  }
0x31e: {  	v2 =	vld [tilespmem:s15+$0x113F0];
	v0 =	vadd.f32 v5, v0;
	v4 =	vadd.f32 v7, v1  }
0x31f: {  	v1 =	vld [tilespmem:s15+$0x113E0]  }
0x320: {  	v5 =	vadd.f32 v3, v0;
	v7 =	vadd.f32 v8, v4;
	v3 =	vld [tilespmem:s15+$0x12060]  }
0x321: {  	s13 =	simm.s32 $0xFFFFF400;
	v4 =	vld [tilespmem:s15+$0x12070]  }
0x322: {  	v0 =	vld [tilespmem:s13+$0x11380];
	s15 =	simm.s32 $0xFFFFD200;
	v6 =	vadd.f32 v6, v5;
	v5 =	vadd.f32 v9, v7  }
.LBB2_23:
0x323: {  	p0 =	sne.s32 s15, $0xFFFFFE00;
	v7 =	vld [tilespmem:s13+$0x11390]  }
0x324: {  	v8 =	vld [tilespmem:s13+$0x12000];
	v1 =	vadd.f32 v1, v6;
	v2 =	vadd.f32 v2, v5  }
0x325: {  	v5 =	vld [tilespmem:s13+$0x12010]  }
0x326: {  	v6 =	vld [tilespmem:s13+$0x113A0];
	v1 =	vadd.f32 v3, v1;
	v2 =	vadd.f32 v4, v2  }
0x327: {  	v3 =	vld [tilespmem:s13+$0x113B0]  }
0x328: {  	v0 =	vadd.f32 v0, v1;
	v1 =	vadd.f32 v7, v2;
	v2 =	vld [tilespmem:s13+$0x12020]  }
0x329: {  	v4 =	vld [tilespmem:s13+$0x12030]  }
0x32a: {  	v0 =	vadd.f32 v8, v0;
	v1 =	vadd.f32 v5, v1;
	v5 =	vld [tilespmem:s13+$0x113C0]  }
0x32b: {  	v7 =	vld [tilespmem:s13+$0x113D0]  }
0x32c: {  	v0 =	vadd.f32 v6, v0;
	v1 =	vadd.f32 v3, v1;
	v6 =	vld [tilespmem:s13+$0x12040]  }
0x32d: {  	v8 =	vld [tilespmem:s13+$0x12050]  }
.Ltmp10:
0x32e: {  	v0 =	vadd.f32 v2, v0;
	v3 =	vadd.f32 v4, v1;
	v1 =	vld [tilespmem:s13+$0x113E0];
	(pc) =	sbr.rel @p0 .LBB2_23-.Ltmp10, $4  }
0x32f: {  	v2 =	vld [tilespmem:s13+$0x113F0]  }
0x330: {  	v5 =	vadd.f32 v5, v0;
	v7 =	vadd.f32 v7, v3;
	v3 =	vld [tilespmem:s13+$0x12060]  }
0x331: {  	v4 =	vld [tilespmem:s13+$0x12070];
	s13 =	sshra.s32 s15, $0x2  }
0x332: {  	s15 =	sadd.s32 $0x200, s15;
	v0 =	vld [tilespmem:s13+$0x11380];
	v6 =	vadd.f32 v6, v5;
	v5 =	vadd.f32 v8, v7  }
0x333: {  	_ = 	snop  }
0x334: {  	v7 =	vld [tilespmem:s13+$0x11390];
	v1 =	vadd.f32 v1, v6  }
0x335: {  	v6 =	vld [tilespmem:s13+$0x12000];
	v2 =	vadd.f32 v2, v5  }
0x336: {  	v5 =	vld [tilespmem:s13+$0x12010];
	v1 =	vadd.f32 v3, v1  }
0x337: {  	v3 =	vld [tilespmem:s13+$0x113A0];
	v2 =	vadd.f32 v4, v2  }
0x338: {  	v4 =	vld [tilespmem:s13+$0x113B0];
	v0 =	vadd.f32 v0, v1  }
0x339: {  	v1 =	vadd.f32 v7, v2;
	v2 =	vld [tilespmem:s13+$0x12020]  }
0x33a: {  	v7 =	vld [tilespmem:s13+$0x12030];
	v0 =	vadd.f32 v6, v0  }
0x33b: {  	v1 =	vadd.f32 v5, v1;
	v5 =	vld [tilespmem:s13+$0x113C0]  }
0x33c: {  	v6 =	vld [tilespmem:s13+$0x113D0];
	v0 =	vadd.f32 v3, v0  }
0x33d: {  	v1 =	vadd.f32 v4, v1;
	v3 =	vld [tilespmem:s13+$0x12040]  }
0x33e: {  	v4 =	vld [tilespmem:s13+$0x12050];
	v0 =	vadd.f32 v2, v0  }
0x33f: {  	v1 =	vadd.f32 v7, v1;
	v2 =	vld [tilespmem:s13+$0x113E0]  }
0x340: {  	v7 =	vld [tilespmem:s13+$0x113F0];
	v0 =	vadd.f32 v5, v0  }
0x341: {  	v1 =	vadd.f32 v6, v1;
	v5 =	vld [tilespmem:s13+$0x12060]  }
0x342: {  	v6 =	vld [tilespmem:s13+$0x12070];
	v0 =	vadd.f32 v3, v0  }
0x343: {  	v1 =	vadd.f32 v4, v1  }
0x344: {  	v0 =	vadd.f32 v2, v0  }
0x345: {  	v1 =	vadd.f32 v7, v1  }
0x346: {  	v0 =	vadd.f32 v5, v0  }
0x347: {  	v1 =	vadd.f32 v6, v1  }
0x348: {  	[tilespmem:s12+$0x19E40] =	vst v0  }
0x349: {  	s15 =	simm.s32 $0x0;
	[tilespmem:s12+$0x19E50] =	vst v1  }
0x34a: {  	v0 =	vld [tilespmem:s15+$0x12000]  }
0x34b: {  	v1 =	vld [tilespmem:s15+$0x12010]  }
0x34c: {  	v2 =	vld [tilespmem:s15+$0x12C80]  }
0x34d: {  	v3 =	vld [tilespmem:s15+$0x12C90]  }
0x34e: {  	v4 =	vld [tilespmem:s15+$0x12020]  }
0x34f: {  	v5 =	vimm.f32 $0.0e+00;
	v6 =	vld [tilespmem:s15+$0x12030]  }
0x350: {  	v7 =	vld [tilespmem:s15+$0x12CB0];
	v0 =	vadd.f32 v0, v5;
	v1 =	vadd.f32 v1, v5  }
0x351: {  	v5 =	vld [tilespmem:s15+$0x12CA0]  }
0x352: {  	v8 =	vld [tilespmem:s15+$0x12050];
	v0 =	vadd.f32 v2, v0;
	v1 =	vadd.f32 v3, v1  }
0x353: {  	v3 =	vld [tilespmem:s15+$0x12040]  }
0x354: {  	v9 =	vld [tilespmem:s15+$0x12CD0];
	v0 =	vadd.f32 v4, v0;
	v1 =	vadd.f32 v6, v1  }
0x355: {  	v6 =	vld [tilespmem:s15+$0x12CC0]  }
0x356: {  	v2 =	vld [tilespmem:s15+$0x12070];
	v0 =	vadd.f32 v5, v0;
	v4 =	vadd.f32 v7, v1  }
0x357: {  	v1 =	vld [tilespmem:s15+$0x12060]  }
0x358: {  	v5 =	vadd.f32 v3, v0;
	v7 =	vadd.f32 v8, v4;
	v3 =	vld [tilespmem:s15+$0x12CE0]  }
0x359: {  	s13 =	simm.s32 $0x80;
	v4 =	vld [tilespmem:s15+$0x12CF0]  }
0x35a: {  	v0 =	vld [tilespmem:s13+$0x12000];
	s15 =	simm.s32 $0x400;
	v6 =	vadd.f32 v6, v5;
	v5 =	vadd.f32 v9, v7  }
.LBB2_25:
0x35b: {  	p0 =	sne.s32 s15, $0x3000;
	v7 =	vld [tilespmem:s13+$0x12010]  }
0x35c: {  	v8 =	vld [tilespmem:s13+$0x12C80];
	v1 =	vadd.f32 v1, v6;
	v2 =	vadd.f32 v2, v5  }
0x35d: {  	v5 =	vld [tilespmem:s13+$0x12C90]  }
0x35e: {  	v6 =	vld [tilespmem:s13+$0x12020];
	v1 =	vadd.f32 v3, v1;
	v2 =	vadd.f32 v4, v2  }
0x35f: {  	v3 =	vld [tilespmem:s13+$0x12030]  }
0x360: {  	v0 =	vadd.f32 v0, v1;
	v1 =	vadd.f32 v7, v2;
	v2 =	vld [tilespmem:s13+$0x12CA0]  }
0x361: {  	v4 =	vld [tilespmem:s13+$0x12CB0]  }
0x362: {  	v0 =	vadd.f32 v8, v0;
	v1 =	vadd.f32 v5, v1;
	v5 =	vld [tilespmem:s13+$0x12040]  }
0x363: {  	v7 =	vld [tilespmem:s13+$0x12050]  }
0x364: {  	v0 =	vadd.f32 v6, v0;
	v1 =	vadd.f32 v3, v1;
	v6 =	vld [tilespmem:s13+$0x12CC0]  }
0x365: {  	v8 =	vld [tilespmem:s13+$0x12CD0]  }
.Ltmp11:
0x366: {  	v0 =	vadd.f32 v2, v0;
	v3 =	vadd.f32 v4, v1;
	v1 =	vld [tilespmem:s13+$0x12060];
	(pc) =	sbr.rel @p0 .LBB2_25-.Ltmp11, $4  }
0x367: {  	v2 =	vld [tilespmem:s13+$0x12070]  }
0x368: {  	v5 =	vadd.f32 v5, v0;
	v7 =	vadd.f32 v7, v3;
	v3 =	vld [tilespmem:s13+$0x12CE0]  }
0x369: {  	v4 =	vld [tilespmem:s13+$0x12CF0];
	s13 =	sshra.s32 s15, $0x2  }
0x36a: {  	s15 =	sadd.s32 $0x200, s15;
	v0 =	vld [tilespmem:s13+$0x12000];
	v6 =	vadd.f32 v6, v5;
	v5 =	vadd.f32 v8, v7  }
0x36b: {  	_ = 	snop  }
0x36c: {  	v7 =	vld [tilespmem:s13+$0x12010];
	v1 =	vadd.f32 v1, v6  }
0x36d: {  	v6 =	vld [tilespmem:s13+$0x12C80];
	v2 =	vadd.f32 v2, v5  }
0x36e: {  	v5 =	vld [tilespmem:s13+$0x12C90];
	v1 =	vadd.f32 v3, v1  }
0x36f: {  	v3 =	vld [tilespmem:s13+$0x12020];
	v2 =	vadd.f32 v4, v2  }
0x370: {  	v4 =	vld [tilespmem:s13+$0x12030];
	v0 =	vadd.f32 v0, v1  }
0x371: {  	v1 =	vadd.f32 v7, v2;
	v2 =	vld [tilespmem:s13+$0x12CA0]  }
0x372: {  	v7 =	vld [tilespmem:s13+$0x12CB0];
	v0 =	vadd.f32 v6, v0  }
0x373: {  	v1 =	vadd.f32 v5, v1;
	v5 =	vld [tilespmem:s13+$0x12040]  }
0x374: {  	v6 =	vld [tilespmem:s13+$0x12050];
	v0 =	vadd.f32 v3, v0  }
0x375: {  	v1 =	vadd.f32 v4, v1;
	v3 =	vld [tilespmem:s13+$0x12CC0]  }
0x376: {  	v4 =	vld [tilespmem:s13+$0x12CD0];
	v0 =	vadd.f32 v2, v0  }
0x377: {  	v1 =	vadd.f32 v7, v1;
	v2 =	vld [tilespmem:s13+$0x12060]  }
0x378: {  	v7 =	vld [tilespmem:s13+$0x12070];
	v0 =	vadd.f32 v5, v0  }
0x379: {  	v1 =	vadd.f32 v6, v1;
	v5 =	vld [tilespmem:s13+$0x12CE0]  }
0x37a: {  	v6 =	vld [tilespmem:s13+$0x12CF0];
	v0 =	vadd.f32 v3, v0  }
0x37b: {  	v1 =	vadd.f32 v4, v1  }
0x37c: {  	v0 =	vadd.f32 v2, v0  }
0x37d: {  	v1 =	vadd.f32 v7, v1  }
0x37e: {  	v0 =	vadd.f32 v5, v0  }
0x37f: {  	v1 =	vadd.f32 v6, v1  }
0x380: {  	[tilespmem:s12+$0x19E60] =	vst v0  }
0x381: {  	s15 =	simm.s32 $0x0;
	[tilespmem:s12+$0x19E70] =	vst v1  }
0x382: {  	v0 =	vld [tilespmem:s15+$0x13900]  }
0x383: {  	v1 =	vld [tilespmem:s15+$0x13910]  }
0x384: {  	v2 =	vld [tilespmem:s15+$0x14580]  }
0x385: {  	v3 =	vld [tilespmem:s15+$0x14590]  }
0x386: {  	v4 =	vld [tilespmem:s15+$0x13920]  }
0x387: {  	v5 =	vimm.f32 $0.0e+00;
	v6 =	vld [tilespmem:s15+$0x13930]  }
0x388: {  	v7 =	vld [tilespmem:s15+$0x145B0];
	v0 =	vadd.f32 v0, v5;
	v1 =	vadd.f32 v1, v5  }
0x389: {  	v5 =	vld [tilespmem:s15+$0x145A0]  }
0x38a: {  	v8 =	vld [tilespmem:s15+$0x13950];
	v0 =	vadd.f32 v2, v0;
	v1 =	vadd.f32 v3, v1  }
0x38b: {  	v3 =	vld [tilespmem:s15+$0x13940]  }
0x38c: {  	v9 =	vld [tilespmem:s15+$0x145D0];
	v0 =	vadd.f32 v4, v0;
	v1 =	vadd.f32 v6, v1  }
0x38d: {  	v6 =	vld [tilespmem:s15+$0x145C0]  }
0x38e: {  	v2 =	vld [tilespmem:s15+$0x13970];
	v0 =	vadd.f32 v5, v0;
	v4 =	vadd.f32 v7, v1  }
0x38f: {  	v1 =	vld [tilespmem:s15+$0x13960]  }
0x390: {  	v5 =	vadd.f32 v3, v0;
	v7 =	vadd.f32 v8, v4;
	v3 =	vld [tilespmem:s15+$0x145E0]  }
0x391: {  	s13 =	simm.s32 $0x80;
	v4 =	vld [tilespmem:s15+$0x145F0]  }
0x392: {  	v0 =	vld [tilespmem:s13+$0x13900];
	s15 =	simm.s32 $0x400;
	v6 =	vadd.f32 v6, v5;
	v5 =	vadd.f32 v9, v7  }
.LBB2_27:
0x393: {  	p0 =	sne.s32 s15, $0x3000;
	v7 =	vld [tilespmem:s13+$0x13910]  }
0x394: {  	v8 =	vld [tilespmem:s13+$0x14580];
	v1 =	vadd.f32 v1, v6;
	v2 =	vadd.f32 v2, v5  }
0x395: {  	v5 =	vld [tilespmem:s13+$0x14590]  }
0x396: {  	v6 =	vld [tilespmem:s13+$0x13920];
	v1 =	vadd.f32 v3, v1;
	v2 =	vadd.f32 v4, v2  }
0x397: {  	v3 =	vld [tilespmem:s13+$0x13930]  }
0x398: {  	v0 =	vadd.f32 v0, v1;
	v1 =	vadd.f32 v7, v2;
	v2 =	vld [tilespmem:s13+$0x145A0]  }
0x399: {  	v4 =	vld [tilespmem:s13+$0x145B0]  }
0x39a: {  	v0 =	vadd.f32 v8, v0;
	v1 =	vadd.f32 v5, v1;
	v5 =	vld [tilespmem:s13+$0x13940]  }
0x39b: {  	v7 =	vld [tilespmem:s13+$0x13950]  }
0x39c: {  	v0 =	vadd.f32 v6, v0;
	v1 =	vadd.f32 v3, v1;
	v6 =	vld [tilespmem:s13+$0x145C0]  }
0x39d: {  	v8 =	vld [tilespmem:s13+$0x145D0]  }
.Ltmp12:
0x39e: {  	v0 =	vadd.f32 v2, v0;
	v3 =	vadd.f32 v4, v1;
	v1 =	vld [tilespmem:s13+$0x13960];
	(pc) =	sbr.rel @p0 .LBB2_27-.Ltmp12, $4  }
0x39f: {  	v2 =	vld [tilespmem:s13+$0x13970]  }
0x3a0: {  	v5 =	vadd.f32 v5, v0;
	v7 =	vadd.f32 v7, v3;
	v3 =	vld [tilespmem:s13+$0x145E0]  }
0x3a1: {  	v4 =	vld [tilespmem:s13+$0x145F0];
	s13 =	sshra.s32 s15, $0x2  }
0x3a2: {  	s15 =	sadd.s32 $0x200, s15;
	v0 =	vld [tilespmem:s13+$0x13900];
	v6 =	vadd.f32 v6, v5;
	v5 =	vadd.f32 v8, v7  }
0x3a3: {  	_ = 	snop  }
0x3a4: {  	v7 =	vld [tilespmem:s13+$0x13910];
	v1 =	vadd.f32 v1, v6  }
0x3a5: {  	v6 =	vld [tilespmem:s13+$0x14580];
	v2 =	vadd.f32 v2, v5  }
0x3a6: {  	v5 =	vld [tilespmem:s13+$0x14590];
	v1 =	vadd.f32 v3, v1  }
0x3a7: {  	v3 =	vld [tilespmem:s13+$0x13920];
	v2 =	vadd.f32 v4, v2  }
0x3a8: {  	v4 =	vld [tilespmem:s13+$0x13930];
	v0 =	vadd.f32 v0, v1  }
0x3a9: {  	v1 =	vadd.f32 v7, v2;
	v2 =	vld [tilespmem:s13+$0x145A0]  }
0x3aa: {  	v7 =	vld [tilespmem:s13+$0x145B0];
	v0 =	vadd.f32 v6, v0  }
0x3ab: {  	v1 =	vadd.f32 v5, v1;
	v5 =	vld [tilespmem:s13+$0x13940]  }
0x3ac: {  	v6 =	vld [tilespmem:s13+$0x13950];
	v0 =	vadd.f32 v3, v0  }
0x3ad: {  	v1 =	vadd.f32 v4, v1;
	v3 =	vld [tilespmem:s13+$0x145C0]  }
0x3ae: {  	v4 =	vld [tilespmem:s13+$0x145D0];
	v0 =	vadd.f32 v2, v0  }
0x3af: {  	v1 =	vadd.f32 v7, v1;
	v2 =	vld [tilespmem:s13+$0x13960]  }
0x3b0: {  	v7 =	vld [tilespmem:s13+$0x13970];
	v0 =	vadd.f32 v5, v0  }
0x3b1: {  	v1 =	vadd.f32 v6, v1;
	v5 =	vld [tilespmem:s13+$0x145E0]  }
0x3b2: {  	v6 =	vld [tilespmem:s13+$0x145F0];
	v0 =	vadd.f32 v3, v0  }
0x3b3: {  	v1 =	vadd.f32 v4, v1  }
0x3b4: {  	v0 =	vadd.f32 v2, v0  }
0x3b5: {  	v1 =	vadd.f32 v7, v1  }
0x3b6: {  	v0 =	vadd.f32 v5, v0  }
0x3b7: {  	v1 =	vadd.f32 v6, v1  }
0x3b8: {  	[tilespmem:s12+$0x19E80] =	vst v0  }
0x3b9: {  	s15 =	simm.s32 $0x0;
	[tilespmem:s12+$0x19E90] =	vst v1  }
0x3ba: {  	v0 =	vld [tilespmem:s15+$0x15200]  }
0x3bb: {  	v1 =	vld [tilespmem:s15+$0x15210]  }
0x3bc: {  	v2 =	vld [tilespmem:s15+$0x15E80]  }
0x3bd: {  	v3 =	vld [tilespmem:s15+$0x15E90]  }
0x3be: {  	v4 =	vld [tilespmem:s15+$0x15220]  }
0x3bf: {  	v5 =	vimm.f32 $0.0e+00;
	v6 =	vld [tilespmem:s15+$0x15230]  }
0x3c0: {  	v7 =	vld [tilespmem:s15+$0x15EB0];
	v0 =	vadd.f32 v0, v5;
	v1 =	vadd.f32 v1, v5  }
0x3c1: {  	v5 =	vld [tilespmem:s15+$0x15EA0]  }
0x3c2: {  	v8 =	vld [tilespmem:s15+$0x15250];
	v0 =	vadd.f32 v2, v0;
	v1 =	vadd.f32 v3, v1  }
0x3c3: {  	v3 =	vld [tilespmem:s15+$0x15240]  }
0x3c4: {  	v9 =	vld [tilespmem:s15+$0x15ED0];
	v0 =	vadd.f32 v4, v0;
	v1 =	vadd.f32 v6, v1  }
0x3c5: {  	v6 =	vld [tilespmem:s15+$0x15EC0]  }
0x3c6: {  	v2 =	vld [tilespmem:s15+$0x15270];
	v0 =	vadd.f32 v5, v0;
	v4 =	vadd.f32 v7, v1  }
0x3c7: {  	v1 =	vld [tilespmem:s15+$0x15260]  }
0x3c8: {  	v5 =	vadd.f32 v3, v0;
	v7 =	vadd.f32 v8, v4;
	v3 =	vld [tilespmem:s15+$0x15EE0]  }
0x3c9: {  	s13 =	simm.s32 $0x80;
	v4 =	vld [tilespmem:s15+$0x15EF0]  }
0x3ca: {  	v0 =	vld [tilespmem:s13+$0x15200];
	s15 =	simm.s32 $0x400;
	v6 =	vadd.f32 v6, v5;
	v5 =	vadd.f32 v9, v7  }
.LBB2_29:
0x3cb: {  	p0 =	sne.s32 s15, $0x3000;
	v7 =	vld [tilespmem:s13+$0x15210]  }
0x3cc: {  	v8 =	vld [tilespmem:s13+$0x15E80];
	v1 =	vadd.f32 v1, v6;
	v2 =	vadd.f32 v2, v5  }
0x3cd: {  	v5 =	vld [tilespmem:s13+$0x15E90]  }
0x3ce: {  	v6 =	vld [tilespmem:s13+$0x15220];
	v1 =	vadd.f32 v3, v1;
	v2 =	vadd.f32 v4, v2  }
0x3cf: {  	v3 =	vld [tilespmem:s13+$0x15230]  }
0x3d0: {  	v0 =	vadd.f32 v0, v1;
	v1 =	vadd.f32 v7, v2;
	v2 =	vld [tilespmem:s13+$0x15EA0]  }
0x3d1: {  	v4 =	vld [tilespmem:s13+$0x15EB0]  }
0x3d2: {  	v0 =	vadd.f32 v8, v0;
	v1 =	vadd.f32 v5, v1;
	v5 =	vld [tilespmem:s13+$0x15240]  }
0x3d3: {  	v7 =	vld [tilespmem:s13+$0x15250]  }
0x3d4: {  	v0 =	vadd.f32 v6, v0;
	v1 =	vadd.f32 v3, v1;
	v6 =	vld [tilespmem:s13+$0x15EC0]  }
0x3d5: {  	v8 =	vld [tilespmem:s13+$0x15ED0]  }
.Ltmp13:
0x3d6: {  	v0 =	vadd.f32 v2, v0;
	v3 =	vadd.f32 v4, v1;
	v1 =	vld [tilespmem:s13+$0x15260];
	(pc) =	sbr.rel @p0 .LBB2_29-.Ltmp13, $4  }
0x3d7: {  	v2 =	vld [tilespmem:s13+$0x15270]  }
0x3d8: {  	v5 =	vadd.f32 v5, v0;
	v7 =	vadd.f32 v7, v3;
	v3 =	vld [tilespmem:s13+$0x15EE0]  }
0x3d9: {  	v4 =	vld [tilespmem:s13+$0x15EF0];
	s13 =	sshra.s32 s15, $0x2  }
0x3da: {  	s15 =	sadd.s32 $0x200, s15;
	v0 =	vld [tilespmem:s13+$0x15200];
	v6 =	vadd.f32 v6, v5;
	v5 =	vadd.f32 v8, v7  }
0x3db: {  	_ = 	snop  }
0x3dc: {  	v7 =	vld [tilespmem:s13+$0x15210];
	v1 =	vadd.f32 v1, v6  }
0x3dd: {  	v6 =	vld [tilespmem:s13+$0x15E80];
	v2 =	vadd.f32 v2, v5  }
0x3de: {  	v5 =	vld [tilespmem:s13+$0x15E90];
	v1 =	vadd.f32 v3, v1  }
0x3df: {  	v3 =	vld [tilespmem:s13+$0x15220];
	v2 =	vadd.f32 v4, v2  }
0x3e0: {  	v4 =	vld [tilespmem:s13+$0x15230];
	v0 =	vadd.f32 v0, v1  }
0x3e1: {  	v1 =	vadd.f32 v7, v2;
	v2 =	vld [tilespmem:s13+$0x15EA0]  }
0x3e2: {  	v7 =	vld [tilespmem:s13+$0x15EB0];
	v0 =	vadd.f32 v6, v0  }
0x3e3: {  	v1 =	vadd.f32 v5, v1;
	v5 =	vld [tilespmem:s13+$0x15240]  }
0x3e4: {  	v6 =	vld [tilespmem:s13+$0x15250];
	v0 =	vadd.f32 v3, v0  }
0x3e5: {  	v1 =	vadd.f32 v4, v1;
	v3 =	vld [tilespmem:s13+$0x15EC0]  }
0x3e6: {  	v4 =	vld [tilespmem:s13+$0x15ED0];
	v0 =	vadd.f32 v2, v0  }
0x3e7: {  	v1 =	vadd.f32 v7, v1;
	v2 =	vld [tilespmem:s13+$0x15260]  }
0x3e8: {  	v7 =	vld [tilespmem:s13+$0x15270];
	v0 =	vadd.f32 v5, v0  }
0x3e9: {  	v1 =	vadd.f32 v6, v1;
	v5 =	vld [tilespmem:s13+$0x15EE0]  }
0x3ea: {  	v6 =	vld [tilespmem:s13+$0x15EF0];
	v0 =	vadd.f32 v3, v0  }
0x3eb: {  	v1 =	vadd.f32 v4, v1  }
0x3ec: {  	v0 =	vadd.f32 v2, v0  }
0x3ed: {  	v1 =	vadd.f32 v7, v1  }
0x3ee: {  	v0 =	vadd.f32 v5, v0  }
0x3ef: {  	v1 =	vadd.f32 v6, v1  }
0x3f0: {  	[tilespmem:s12+$0x19EA0] =	vst v0  }
0x3f1: {  	s15 =	simm.s32 $0x0;
	[tilespmem:s12+$0x19EB0] =	vst v1  }
0x3f2: {  	v0 =	vld [tilespmem:s15+$0x16B00]  }
0x3f3: {  	v1 =	vld [tilespmem:s15+$0x16B10]  }
0x3f4: {  	v2 =	vld [tilespmem:s15+$0x17780]  }
0x3f5: {  	v3 =	vld [tilespmem:s15+$0x17790]  }
0x3f6: {  	v4 =	vld [tilespmem:s15+$0x16B20]  }
0x3f7: {  	v5 =	vimm.f32 $0.0e+00;
	v6 =	vld [tilespmem:s15+$0x16B30]  }
0x3f8: {  	v7 =	vld [tilespmem:s15+$0x177B0];
	v0 =	vadd.f32 v0, v5;
	v1 =	vadd.f32 v1, v5  }
0x3f9: {  	v5 =	vld [tilespmem:s15+$0x177A0]  }
0x3fa: {  	v8 =	vld [tilespmem:s15+$0x16B50];
	v0 =	vadd.f32 v2, v0;
	v1 =	vadd.f32 v3, v1  }
0x3fb: {  	v3 =	vld [tilespmem:s15+$0x16B40]  }
0x3fc: {  	v9 =	vld [tilespmem:s15+$0x177D0];
	v0 =	vadd.f32 v4, v0;
	v1 =	vadd.f32 v6, v1  }
0x3fd: {  	v6 =	vld [tilespmem:s15+$0x177C0]  }
0x3fe: {  	v2 =	vld [tilespmem:s15+$0x16B70];
	v0 =	vadd.f32 v5, v0;
	v4 =	vadd.f32 v7, v1  }
0x3ff: {  	v1 =	vld [tilespmem:s15+$0x16B60]  }
0x400: {  	v5 =	vadd.f32 v3, v0;
	v7 =	vadd.f32 v8, v4;
	v3 =	vld [tilespmem:s15+$0x177E0]  }
0x401: {  	s13 =	simm.s32 $0x80;
	v4 =	vld [tilespmem:s15+$0x177F0]  }
0x402: {  	v0 =	vld [tilespmem:s13+$0x16B00];
	s15 =	simm.s32 $0x400;
	v6 =	vadd.f32 v6, v5;
	v5 =	vadd.f32 v9, v7  }
.LBB2_31:
0x403: {  	p0 =	sne.s32 s15, $0x3000;
	v7 =	vld [tilespmem:s13+$0x16B10]  }
0x404: {  	v8 =	vld [tilespmem:s13+$0x17780];
	v1 =	vadd.f32 v1, v6;
	v2 =	vadd.f32 v2, v5  }
0x405: {  	v5 =	vld [tilespmem:s13+$0x17790]  }
0x406: {  	v6 =	vld [tilespmem:s13+$0x16B20];
	v1 =	vadd.f32 v3, v1;
	v2 =	vadd.f32 v4, v2  }
0x407: {  	v3 =	vld [tilespmem:s13+$0x16B30]  }
0x408: {  	v0 =	vadd.f32 v0, v1;
	v1 =	vadd.f32 v7, v2;
	v2 =	vld [tilespmem:s13+$0x177A0]  }
0x409: {  	v4 =	vld [tilespmem:s13+$0x177B0]  }
0x40a: {  	v0 =	vadd.f32 v8, v0;
	v1 =	vadd.f32 v5, v1;
	v5 =	vld [tilespmem:s13+$0x16B40]  }
0x40b: {  	v7 =	vld [tilespmem:s13+$0x16B50]  }
0x40c: {  	v0 =	vadd.f32 v6, v0;
	v1 =	vadd.f32 v3, v1;
	v6 =	vld [tilespmem:s13+$0x177C0]  }
0x40d: {  	v8 =	vld [tilespmem:s13+$0x177D0]  }
.Ltmp14:
0x40e: {  	v0 =	vadd.f32 v2, v0;
	v3 =	vadd.f32 v4, v1;
	v1 =	vld [tilespmem:s13+$0x16B60];
	(pc) =	sbr.rel @p0 .LBB2_31-.Ltmp14, $4  }
0x40f: {  	v2 =	vld [tilespmem:s13+$0x16B70]  }
0x410: {  	v5 =	vadd.f32 v5, v0;
	v7 =	vadd.f32 v7, v3;
	v3 =	vld [tilespmem:s13+$0x177E0]  }
0x411: {  	v4 =	vld [tilespmem:s13+$0x177F0];
	s13 =	sshra.s32 s15, $0x2  }
0x412: {  	s15 =	sadd.s32 $0x200, s15;
	v0 =	vld [tilespmem:s13+$0x16B00];
	v6 =	vadd.f32 v6, v5;
	v5 =	vadd.f32 v8, v7  }
0x413: {  	_ = 	snop  }
0x414: {  	v7 =	vld [tilespmem:s13+$0x16B10];
	v1 =	vadd.f32 v1, v6  }
0x415: {  	v6 =	vld [tilespmem:s13+$0x17780];
	v2 =	vadd.f32 v2, v5  }
0x416: {  	v5 =	vld [tilespmem:s13+$0x17790];
	v1 =	vadd.f32 v3, v1  }
0x417: {  	v3 =	vld [tilespmem:s13+$0x16B20];
	v2 =	vadd.f32 v4, v2  }
0x418: {  	v4 =	vld [tilespmem:s13+$0x16B30];
	v0 =	vadd.f32 v0, v1  }
0x419: {  	v1 =	vadd.f32 v7, v2;
	v2 =	vld [tilespmem:s13+$0x177A0]  }
0x41a: {  	v7 =	vld [tilespmem:s13+$0x177B0];
	v0 =	vadd.f32 v6, v0  }
0x41b: {  	v1 =	vadd.f32 v5, v1;
	v5 =	vld [tilespmem:s13+$0x16B40]  }
0x41c: {  	v6 =	vld [tilespmem:s13+$0x16B50];
	v0 =	vadd.f32 v3, v0  }
0x41d: {  	v1 =	vadd.f32 v4, v1;
	v3 =	vld [tilespmem:s13+$0x177C0]  }
0x41e: {  	v4 =	vld [tilespmem:s13+$0x177D0];
	v0 =	vadd.f32 v2, v0  }
0x41f: {  	v1 =	vadd.f32 v7, v1;
	v2 =	vld [tilespmem:s13+$0x16B60]  }
0x420: {  	v7 =	vld [tilespmem:s13+$0x16B70];
	v0 =	vadd.f32 v5, v0  }
0x421: {  	v1 =	vadd.f32 v6, v1;
	v5 =	vld [tilespmem:s13+$0x177E0]  }
0x422: {  	v6 =	vld [tilespmem:s13+$0x177F0];
	v0 =	vadd.f32 v3, v0  }
0x423: {  	v1 =	vadd.f32 v4, v1  }
0x424: {  	v0 =	vadd.f32 v2, v0  }
0x425: {  	v1 =	vadd.f32 v7, v1  }
0x426: {  	v0 =	vadd.f32 v5, v0  }
0x427: {  	v1 =	vadd.f32 v6, v1  }
0x428: {  	[tilespmem:s12+$0x19EC0] =	vst v0  }
0x429: {  	s15 =	simm.s32 $0x0;
	[tilespmem:s12+$0x19ED0] =	vst v1  }
0x42a: {  	v0 =	vld [tilespmem:s15+$0x18400]  }
0x42b: {  	v1 =	vld [tilespmem:s15+$0x18410]  }
0x42c: {  	v2 =	vld [tilespmem:s15+$0x19080]  }
0x42d: {  	v3 =	vld [tilespmem:s15+$0x19090]  }
0x42e: {  	v4 =	vld [tilespmem:s15+$0x18420]  }
0x42f: {  	v5 =	vimm.f32 $0.0e+00;
	v6 =	vld [tilespmem:s15+$0x18430]  }
0x430: {  	v7 =	vld [tilespmem:s15+$0x190B0];
	v0 =	vadd.f32 v0, v5;
	v1 =	vadd.f32 v1, v5  }
0x431: {  	v5 =	vld [tilespmem:s15+$0x190A0]  }
0x432: {  	v8 =	vld [tilespmem:s15+$0x18450];
	v0 =	vadd.f32 v2, v0;
	v1 =	vadd.f32 v3, v1  }
0x433: {  	v3 =	vld [tilespmem:s15+$0x18440]  }
0x434: {  	v9 =	vld [tilespmem:s15+$0x190D0];
	v0 =	vadd.f32 v4, v0;
	v1 =	vadd.f32 v6, v1  }
0x435: {  	v6 =	vld [tilespmem:s15+$0x190C0]  }
0x436: {  	v2 =	vld [tilespmem:s15+$0x18470];
	v0 =	vadd.f32 v5, v0;
	v4 =	vadd.f32 v7, v1  }
0x437: {  	v1 =	vld [tilespmem:s15+$0x18460]  }
0x438: {  	v5 =	vadd.f32 v3, v0;
	v7 =	vadd.f32 v8, v4;
	v3 =	vld [tilespmem:s15+$0x190E0]  }
0x439: {  	s13 =	simm.s32 $0x80;
	v4 =	vld [tilespmem:s15+$0x190F0]  }
0x43a: {  	v0 =	vld [tilespmem:s13+$0x18400];
	s15 =	simm.s32 $0x400;
	v6 =	vadd.f32 v6, v5;
	v5 =	vadd.f32 v9, v7  }
.LBB2_33:
0x43b: {  	p0 =	sne.s32 s15, $0x3000;
	v7 =	vld [tilespmem:s13+$0x18410]  }
0x43c: {  	v8 =	vld [tilespmem:s13+$0x19080];
	v1 =	vadd.f32 v1, v6;
	v2 =	vadd.f32 v2, v5  }
0x43d: {  	v5 =	vld [tilespmem:s13+$0x19090]  }
0x43e: {  	v6 =	vld [tilespmem:s13+$0x18420];
	v1 =	vadd.f32 v3, v1;
	v2 =	vadd.f32 v4, v2  }
0x43f: {  	v3 =	vld [tilespmem:s13+$0x18430]  }
0x440: {  	v0 =	vadd.f32 v0, v1;
	v1 =	vadd.f32 v7, v2;
	v2 =	vld [tilespmem:s13+$0x190A0]  }
0x441: {  	v4 =	vld [tilespmem:s13+$0x190B0]  }
0x442: {  	v0 =	vadd.f32 v8, v0;
	v1 =	vadd.f32 v5, v1;
	v5 =	vld [tilespmem:s13+$0x18440]  }
0x443: {  	v7 =	vld [tilespmem:s13+$0x18450]  }
0x444: {  	v0 =	vadd.f32 v6, v0;
	v1 =	vadd.f32 v3, v1;
	v6 =	vld [tilespmem:s13+$0x190C0]  }
0x445: {  	v8 =	vld [tilespmem:s13+$0x190D0]  }
.Ltmp15:
0x446: {  	v0 =	vadd.f32 v2, v0;
	v3 =	vadd.f32 v4, v1;
	v1 =	vld [tilespmem:s13+$0x18460];
	(pc) =	sbr.rel @p0 .LBB2_33-.Ltmp15, $4  }
0x447: {  	v2 =	vld [tilespmem:s13+$0x18470]  }
0x448: {  	v5 =	vadd.f32 v5, v0;
	v7 =	vadd.f32 v7, v3;
	v3 =	vld [tilespmem:s13+$0x190E0]  }
0x449: {  	v4 =	vld [tilespmem:s13+$0x190F0];
	s13 =	sshra.s32 s15, $0x2  }
0x44a: {  	s15 =	sadd.s32 $0x200, s15;
	v0 =	vld [tilespmem:s13+$0x18400];
	v6 =	vadd.f32 v6, v5;
	v5 =	vadd.f32 v8, v7  }
0x44b: {  	_ = 	snop  }
0x44c: {  	v7 =	vld [tilespmem:s13+$0x18410];
	v1 =	vadd.f32 v1, v6  }
0x44d: {  	v49 =	vld [tilespmem:s13+$0x19080];
	v2 =	vadd.f32 v2, v5  }
0x44e: {  	v50 =	vld [tilespmem:s13+$0x19090];
	v1 =	vadd.f32 v3, v1  }
0x44f: {  	v51 =	vld [tilespmem:s13+$0x18420];
	v2 =	vadd.f32 v4, v2  }
0x450: {  	v52 =	vld [tilespmem:s13+$0x18430];
	v0 =	vadd.f32 v0, v1  }
0x451: {  	v54 =	vld [tilespmem:s13+$0x190A0];
	v53 =	vadd.f32 v7, v2  }
0x452: {  	v55 =	vld [tilespmem:s13+$0x190B0];
	v0 =	vadd.f32 v49, v0  }
0x453: {  	v56 =	vld [tilespmem:s13+$0x18440];
	v1 =	vadd.f32 v50, v53  }
0x454: {  	v57 =	vld [tilespmem:s13+$0x18450];
	v0 =	vadd.f32 v51, v0  }
0x455: {  	v58 =	vld [tilespmem:s13+$0x190C0];
	v1 =	vadd.f32 v52, v1  }
0x456: {  	v59 =	vld [tilespmem:s13+$0x190D0];
	v0 =	vadd.f32 v54, v0  }
0x457: {  	v60 =	vld [tilespmem:s13+$0x18460];
	v1 =	vadd.f32 v55, v1  }
0x458: {  	v61 =	vld [tilespmem:s13+$0x18470];
	v0 =	vadd.f32 v56, v0  }
0x459: {  	v62 =	vld [tilespmem:s13+$0x190E0];
	v1 =	vadd.f32 v57, v1  }
0x45a: {  	v63 =	vld [tilespmem:s13+$0x190F0];
	v0 =	vadd.f32 v58, v0  }
0x45b: {  	v1 =	vadd.f32 v59, v1  }
0x45c: {  	p0 =	sne.s32 s14, $0x8;
	v0 =	vadd.f32 v60, v0  }
.Ltmp16:
0x45d: {  	v1 =	vadd.f32 v61, v1;
	(pc) =	sbr.rel @p0 .LBB2_2-.Ltmp16, $4  }
0x45e: {  	v0 =	vadd.f32 v62, v0  }
0x45f: {  	v1 =	vadd.f32 v63, v1  }
0x460: {  	[tilespmem:s12+$0x19EE0] =	vst v0  }
0x461: {  	[tilespmem:s12+$0x19EF0] =	vst v1  }
0x462: {  	s12 =	rddreg [dreg:$0x3];
	s13 =	simm.s32 $0x19D00  }
0x463: {  	[hbm4b:s12+s2] =	stream.linear.scatter [tilespmem:s13], [sflag:$0x3], $0x1000, $0x38;
	[tilespmem:$0x1AD00] =	vst v63  }
0x464: {  	_ =	swait.ge [sflag:s10], $0x1000  }
0x465: {  	s16 =	rddreg [dreg:$0x5]  }
0x466: {  	s17 =	rddreg [dreg:$0x4];
	s13 =	sadd.s32 $0x1, s16  }
0x467: {  	p0 =	sne.s32 s13, s17  }
.Ltmp17:
0x468: {  	_ = 	snop;
	(pc) =	sbr.rel @p0 .LBB2_1-.Ltmp17, $3  }
0x469: {  	_ =	sdelay $0x1  }
0x46a: {  	[sflag:s10] =	ssyncset.done $0x0  }
0x46b: {  	[sflag:s10] =	ssyncadd.s32 $0xFFFFF000  }
0x46c: {  	_ =	sfence.sel $0x180000  }
0x46d: {  	[bflag:$0x0] =	sbarrier.arrive $0xFFFF  }
0x46e: {  	_ =	strace $0x90000047  }
0x46f: {  	s0 =	stileid.u32;
	[bflag:$0x2] =	sbarrier.arrive $0xFFFF  }
0x470: {  	p0 =	sne.s32 s0, $0x0;
	s0 =	rddreg [dreg:$0x1]  }
0x471: {  	s0 =	sadd.s32 @!p0 $0x100000, s0  }
0x472: {  	[sflag:s0] =	ssyncadd.tile.s32 @!p0 $0x1;
	_ =	shalt  }
.Lfunc_end2:
_tile_overlayer_lowered:
.L_overlay_start_2:
0x473: {  	(tag) =	ssettag $0x2  }
0x474: {  	s0 =	rddreg [dreg:$0x0];
	s2 =	stileid.u32  }
0x475: {  	s1 =	rddreg [dreg:$0x1];
	p0 =	sne.s32 s2, $0x0  }
0x476: {  	s3 =	rddreg [dreg:$0x2];
	[bflag:$0x3] =	sbarrier.arrive $0xFFFF;
	s2 =	simm.s32 @!p0 $0x1C03  }
0x477: {  	[timem:s3], [sflag:s2] =	dma.local @!p0 [hbm:s0], s1  }
0x478: {  	s0 =	simm.s32 @!p0 $0x3  }
0x479: {  	_ =	swait.ge @!p0 [sflag:s0], s1  }
0x47a: {  	s1 =	ssub.s32 @!p0 $0x0, s1;
	[sflag:s0] =	ssyncset.done @!p0 $0x0  }
0x47b: {  	[sflag:s0] =	ssyncadd.s32 @!p0 s1  }
0x47c: {  	[bflag:$0x3] =	sbarrier.arrive $0xFFFF  }
0x47d: {  	_ =	shalt  }

</sc_bundles>
